<compile_context>
chip_gen: v7x
topology: tpu7x:2x2x1
jax: 0.10.2.dev20260603
libtpu: 0.0.44.dev20260713+nightly
codegen_flags: <defaults>
</compile_context>

<pallas_src>
import jax
import jax.numpy as jnp
from jax import lax
from jax.experimental import pallas as pl
from jax.experimental.pallas import tpu as pltpu
from jax.experimental.pallas import tpu_sc as plsc

N = 10000
E = 320000
D = 128
NC = 2
NS = 16
NW = NC * NS
EPW = E // NW
CH = 80
NCH = EPW // CH
IC = 80
NIC = N // IC
ICL = -(-NIC // NS)

_MESH = plsc.VectorSubcoreMesh(
    core_axis_name="c", subcore_axis_name="s", num_cores=NC, num_subcores=NS)



NP = 10240
RPSD = NP // NS
EPC = E // NS
NCHD = EPC // CH
NRM = NP // NC // NS


def _rsqrt16(d):
    i = lax.bitcast_convert_type(d, jnp.int32)
    seed = jnp.full((16,), 0x5F3759DF, dtype=jnp.int32) - lax.shift_right_logical(
        i, jnp.full((16,), 1, dtype=jnp.int32))
    x = lax.bitcast_convert_type(seed, jnp.float32)
    for _ in range(4):
        x = x * (1.5 - 0.5 * d * x * x)
    return x


DEGQ = 4


def _deg_body(src_hbm, dst_hbm, ns_hbm, nd_hbm,
              sall, dall, ones_v, zb_v, nb_v,
              acc_o, acc_i, semA, semB, semS, semD):
    c = lax.axis_index("c")
    s = lax.axis_index("s")

    pltpu.async_copy(src_hbm.at[pl.ds(s * EPC, EPC)], sall, semA)
    pltpu.async_copy(dst_hbm.at[pl.ds(s * EPC, EPC)], dall, semB)

    zeros16 = jnp.zeros((16,), jnp.float32)
    ones16 = jnp.ones((16,), jnp.float32)
    for k in range(CH // 16):
        ones_v[pl.ds(k * 16, 16)] = ones16
    for k in range(RPSD // 16):
        zb_v[pl.ds(k * 16, 16)] = zeros16

    pltpu.sync_copy(zb_v, acc_o.at[pl.ds(s * RPSD, RPSD)])
    pltpu.sync_copy(zb_v, acc_i.at[pl.ds(s * RPSD, RPSD)])
    pltpu.make_async_copy(src_hbm.at[pl.ds(s * EPC, EPC)], sall, semA).wait()
    pltpu.make_async_copy(dst_hbm.at[pl.ds(s * EPC, EPC)], dall, semB).wait()
    plsc.subcore_barrier()

    def _fire(j):
        pltpu.async_copy(ones_v, acc_o.at[sall.at[pl.ds(j * CH, CH)]], semS,
                         add=True)
        pltpu.async_copy(ones_v, acc_i.at[dall.at[pl.ds(j * CH, CH)]], semD,
                         add=True)

    def _drain(j):
        pltpu.make_async_copy(ones_v, acc_o.at[sall.at[pl.ds(j * CH, CH)]],
                              semS).wait()
        pltpu.make_async_copy(ones_v, acc_i.at[dall.at[pl.ds(j * CH, CH)]],
                              semD).wait()

    for j in range(DEGQ):
        _fire(j)

    def _step(j, carry):
        _drain(j)
        _fire(j + DEGQ)
        return carry
    lax.fori_loop(0, NCHD - DEGQ, _step, 0)
    for j in range(DEGQ):
        _drain(NCHD - DEGQ + j)

    plsc.subcore_barrier()

    base = c * (NP // NC) + s * NRM
    for sel in range(2):
        acc = acc_o if sel == 0 else acc_i
        out = ns_hbm if sel == 0 else nd_hbm
        pltpu.sync_copy(acc.at[pl.ds(base, NRM)], nb_v)
        for j in range(NRM // 16):
            d = jnp.maximum(nb_v[pl.ds(j * 16, 16)], 1.0)
            nb_v[pl.ds(j * 16, 16)] = _rsqrt16(d)
        pltpu.sync_copy(nb_v, out.at[pl.ds(base, NRM)])


_deg_kernel = pl.kernel(
    _deg_body,
    out_type=(jax.ShapeDtypeStruct((NP,), jnp.float32),
              jax.ShapeDtypeStruct((NP,), jnp.float32)),
    mesh=_MESH,
    scratch_types=[
        pltpu.VMEM((EPC,), jnp.int32),
        pltpu.VMEM((EPC,), jnp.int32),
        pltpu.VMEM((CH,), jnp.float32),
        pltpu.VMEM((RPSD,), jnp.float32),
        pltpu.VMEM((NRM,), jnp.float32),
        pltpu.VMEM_SHARED((NP,), jnp.float32),
        pltpu.VMEM_SHARED((NP,), jnp.float32),
        pltpu.SemaphoreType.DMA,
        pltpu.SemaphoreType.DMA,
        pltpu.SemaphoreType.DMA,
        pltpu.SemaphoreType.DMA,
    ],
)


def _edge_body(hs_hbm, src_hbm, dst_hbm, out_hbm,
               sall, dall, rows0, rows1, rows2, acc,
               g0, g1, g2, w0, w1, w2, semA, semB):
    c = lax.axis_index("c")
    s = lax.axis_index("s")
    wid = c * NS + s
    ebase = wid * EPW
    rows = (rows0, rows1, rows2)
    gs = (g0, g1, g2)
    ws = (w0, w1, w2)

    pltpu.async_copy(src_hbm.at[pl.ds(ebase, EPW)], sall, semA)
    pltpu.async_copy(dst_hbm.at[pl.ds(ebase, EPW)], dall, semB)

    zeros16 = jnp.zeros((16,), jnp.float32)

    def _zero_row(r, carry):
        for k in range(D // 16):
            rows0[r, pl.ds(k * 16, 16)] = zeros16
        return carry
    lax.fori_loop(0, IC, _zero_row, 0)

    def _init(j, carry):
        idx = j * NS + s

        @pl.when(idx < NIC)
        def _():
            pltpu.sync_copy(rows0, acc.at[pl.ds(idx * IC, IC)])
        return carry
    lax.fori_loop(0, ICL, _init, 0)
    pltpu.make_async_copy(src_hbm.at[pl.ds(ebase, EPW)], sall, semA).wait()
    pltpu.make_async_copy(dst_hbm.at[pl.ds(ebase, EPW)], dall, semB).wait()
    plsc.subcore_barrier()

    def _sidx(j):
        return sall.at[pl.ds(j * CH, CH)]

    def _didx(j):
        return dall.at[pl.ds(j * CH, CH)]

    def _fire_g(j, b):
        pltpu.async_copy(hs_hbm.at[_sidx(j)], rows[b], gs[b])

    def _wait_g(j, b):
        pltpu.make_async_copy(hs_hbm.at[_sidx(j)], rows[b], gs[b]).wait()

    def _fire_w(j, b):
        pltpu.async_copy(rows[b], acc.at[_didx(j)], ws[b], add=True)

    def _wait_w(j, b):
        pltpu.make_async_copy(rows[b], acc.at[_didx(j)], ws[b]).wait()

    def _visit(j, b, first, last):
        if not first:

            @pl.when(j >= 2)
            def _():
                _wait_w(j - 2, (b + 1) % 3)
        if not last:

            @pl.when(j + 1 < NCH)
            def _():
                _fire_g(j + 1, (b + 1) % 3)
        _wait_g(j, b)
        _fire_w(j, b)

    _fire_g(0, 0)

    def _group(t, carry):
        for b in range(3):
            _visit(3 * t + b, b, first=False, last=False)
        return carry
    NT = (NCH - 2) // 3
    lax.fori_loop(0, NT, _group, 0)
    _visit(NCH - 2, (NCH - 2) % 3, first=False, last=False)
    _visit(NCH - 1, (NCH - 1) % 3, first=False, last=True)
    _wait_w(NCH - 2, (NCH - 2) % 3)
    _wait_w(NCH - 1, (NCH - 1) % 3)

    plsc.subcore_barrier()

    def _writeout(j, carry):
        idx = j * NS + s

        @pl.when(idx < NIC)
        def _():
            pltpu.sync_copy(acc.at[pl.ds(idx * IC, IC)],
                            out_hbm.at[c].at[pl.ds(idx * IC, IC)])
        return carry
    lax.fori_loop(0, ICL, _writeout, 0)


_edge_kernel = pl.kernel(
    _edge_body,
    out_type=jax.ShapeDtypeStruct((NC, N, D), jnp.float32),
    mesh=_MESH,
    scratch_types=[
        pltpu.VMEM((EPW,), jnp.int32),
        pltpu.VMEM((EPW,), jnp.int32),
        pltpu.VMEM((CH, D), jnp.float32),
        pltpu.VMEM((CH, D), jnp.float32),
        pltpu.VMEM((CH, D), jnp.float32),
        pltpu.VMEM_SHARED((N, D), jnp.float32),
        pltpu.SemaphoreType.DMA,
        pltpu.SemaphoreType.DMA,
        pltpu.SemaphoreType.DMA,
        pltpu.SemaphoreType.DMA,
        pltpu.SemaphoreType.DMA,
        pltpu.SemaphoreType.DMA,
        pltpu.SemaphoreType.DMA,
        pltpu.SemaphoreType.DMA,
    ],
)



BR = 1000


def _scale_mm_body(f_ref, w_ref, ns_ref, o_ref):
    h = jnp.dot(f_ref[...], w_ref[...], preferred_element_type=jnp.float32)
    o_ref[...] = h * ns_ref[...]


_scale_mm = pl.pallas_call(
    _scale_mm_body,
    grid=(N // BR,),
    in_specs=[
        pl.BlockSpec((BR, D), lambda i: (i, 0)),
        pl.BlockSpec((D, D), lambda i: (0, 0)),
        pl.BlockSpec((BR, 1), lambda i: (i, 0)),
    ],
    out_specs=pl.BlockSpec((BR, D), lambda i: (i, 0)),
    out_shape=jax.ShapeDtypeStruct((N, D), jnp.float32),
)


def _mid_body(aggp_ref, nd_ref, ns_ref, b_ref, w_ref, o_ref):
    agg = aggp_ref[0] + aggp_ref[1]
    x1 = jnp.maximum(agg * nd_ref[...] + b_ref[...], 0.0)
    h2 = jnp.dot(x1, w_ref[...], preferred_element_type=jnp.float32)
    o_ref[...] = h2 * ns_ref[...]


_mid = pl.pallas_call(
    _mid_body,
    grid=(N // BR,),
    in_specs=[
        pl.BlockSpec((NC, BR, D), lambda i: (0, i, 0)),
        pl.BlockSpec((BR, 1), lambda i: (i, 0)),
        pl.BlockSpec((BR, 1), lambda i: (i, 0)),
        pl.BlockSpec((1, D), lambda i: (0, 0)),
        pl.BlockSpec((D, D), lambda i: (0, 0)),
    ],
    out_specs=pl.BlockSpec((BR, D), lambda i: (i, 0)),
    out_shape=jax.ShapeDtypeStruct((N, D), jnp.float32),
)


def _final_body(aggp_ref, nd_ref, b_ref, o_ref):
    agg = aggp_ref[0] + aggp_ref[1]
    o_ref[...] = agg * nd_ref[...] + b_ref[...]


_final = pl.pallas_call(
    _final_body,
    grid=(N // BR,),
    in_specs=[
        pl.BlockSpec((NC, BR, D), lambda i: (0, i, 0)),
        pl.BlockSpec((BR, 1), lambda i: (i, 0)),
        pl.BlockSpec((1, D), lambda i: (0, 0)),
    ],
    out_specs=pl.BlockSpec((BR, D), lambda i: (i, 0)),
    out_shape=jax.ShapeDtypeStruct((N, D), jnp.float32),
)



def kernel(features, edge_index, W1, b1, W2, b2):
    ei = edge_index.astype(jnp.int32)
    src = ei[0]
    dst = ei[1]
    b1r = b1.reshape(1, D)
    b2r = b2.reshape(1, D)

    ns_f, nd_f = _deg_kernel(src, dst)
    ns = ns_f[:N].reshape(N, 1)
    nd = nd_f[:N].reshape(N, 1)
    hs1 = _scale_mm(features, W1, ns)
    agg1p = _edge_kernel(hs1, src, dst)
    hs2 = _mid(agg1p, nd, ns, b1r, W2)
    agg2p = _edge_kernel(hs2, src, dst)
    return _final(agg2p, nd, b2r)

# --- scband reference (transcript-rebuilt; emitter-appended) ---
"""Pipeline reference for scband-net-52432960750122 (READ-ONLY COPY).

The authoritative reference and input builder live on the scoring server;
editing this copy changes nothing except your own understanding.
"""

import jax, jax.numpy as jnp
import numpy as np

N_NODES = 10000
N_EDGES = 320000
D_IN = 128
D_HID = 128
D_OUT = 128

def setup_inputs(seed: int = 0) -> dict:
    key = jax.random.key(seed)
    k1, k2, k3, k4 = jax.random.split(key, 4)
    features = jax.random.normal(k1, (N_NODES, D_IN), dtype=jnp.float32)
    edge_index = jax.random.randint(k2, (2, N_EDGES), 0, N_NODES, dtype=jnp.int64)
    W1 = jax.random.normal(k3, (D_IN, D_HID), dtype=jnp.float32) * 0.05
    b1 = jnp.zeros((D_HID,), dtype=jnp.float32)
    W2 = jax.random.normal(k4, (D_HID, D_OUT), dtype=jnp.float32) * 0.05
    b2 = jnp.zeros((D_OUT,), dtype=jnp.float32)
    return {"features": features, "edge_index": edge_index, "W1": W1, "b1": b1, "W2": W2, "b2": b2}

def _graph_conv(x, src, dst, norm_src, norm_dst, W, b, num_nodes):
    # DGL GraphConv with norm='both': y = D_in^{-1/2} A D_out^{-1/2} X W + b
    h = x @ W
    m = h[src] * norm_src[src][:, None]
    agg = jax.ops.segment_sum(m, dst, num_segments=num_nodes)
    return agg * norm_dst[:, None] + b

def reference(features, edge_index, W1, b1, W2, b2):
    src = edge_index[0]
    dst = edge_index[1]
    n = features.shape[0]
    deg_out = jnp.clip(jnp.bincount(src, length=n), 1).astype(jnp.float32)
    deg_in = jnp.clip(jnp.bincount(dst, length=n), 1).astype(jnp.float32)
    norm_src = deg_out ** -0.5
    norm_dst = deg_in ** -0.5
    x = jax.nn.relu(_graph_conv(features, src, dst, norm_src, norm_dst, W1, b1, n))
    x = _graph_conv(x, src, dst, norm_src, norm_dst, W2, b2, n)
    return x

if __name__ == "__main__":
    import jax
    _d = setup_inputs()
    print(jax.jit(kernel)(*tuple(_d.values())))

</pallas_src>

<mosaic_0001>
#map = affine_map<(d0, d1) -> (0, 0)>
#map1 = affine_map<(d0, d1) -> (0)>
#map2 = affine_map<(d0, d1) -> (0, 0, 0)>
module attributes {stable_mosaic.version = 14 : i64} {
  func.func @_edge_body(%arg0: i32, %arg1: i32, %arg2: memref<10000x128xf32, #tpu.memory_space<hbm>>, %arg3: memref<320000xi32, #tpu.memory_space<hbm>>, %arg4: memref<320000xi32, #tpu.memory_space<hbm>>, %arg5: memref<2x10000x128xf32, #tpu.memory_space<hbm>>, %arg6: memref<10000xi32, #tpu.memory_space<vmem>>, %arg7: memref<10000xi32, #tpu.memory_space<vmem>>, %arg8: memref<80x128xf32, #tpu.memory_space<vmem>>, %arg9: memref<80x128xf32, #tpu.memory_space<vmem>>, %arg10: memref<80x128xf32, #tpu.memory_space<vmem>>, %arg11: memref<10000x128xf32, #tpu.memory_space<vmem_shared>>, %arg12: memref<!tpu.dma_semaphore, #tpu.memory_space<semaphore_mem>>, %arg13: memref<!tpu.dma_semaphore, #tpu.memory_space<semaphore_mem>>, %arg14: memref<!tpu.dma_semaphore, #tpu.memory_space<semaphore_mem>>, %arg15: memref<!tpu.dma_semaphore, #tpu.memory_space<semaphore_mem>>, %arg16: memref<!tpu.dma_semaphore, #tpu.memory_space<semaphore_mem>>, %arg17: memref<!tpu.dma_semaphore, #tpu.memory_space<semaphore_mem>>, %arg18: memref<!tpu.dma_semaphore, #tpu.memory_space<semaphore_mem>>, %arg19: memref<!tpu.dma_semaphore, #tpu.memory_space<semaphore_mem>>) attributes {dimension_semantics = [#tpu.dimension_semantics<core_parallel>, #tpu.dimension_semantics<subcore_parallel>], iteration_bounds = array<i64: 2, 16>, scalar_prefetch = 0 : i64, scratch_operands = 14 : i64, tpu.core_type = #tpu.core_type<sc_vector_subcore>, window_params = [{transform_indices = #map}, {transform_indices = #map1}, {transform_indices = #map1}, {transform_indices = #map2}]} {
    %mul3A = arith.constant 16 : i32
    %mul3A_0 = arith.muli %arg0, %mul3A : i32
    %add3A = arith.addi %mul3A_0, %arg1 : i32
    %mul3A_1 = arith.constant 10000 : i32
    %mul3A_2 = arith.muli %add3A, %mul3A_1 : i32
    %dma_start3A = tpu.memref_slice %arg3[%mul3A_2] : memref<320000xi32, #tpu.memory_space<hbm>> -> memref<10000xi32, #tpu.memory_space<hbm>>
    %dma_start3A_3 = tpu.memref_slice %arg3[%mul3A_2] : memref<320000xi32, #tpu.memory_space<hbm>> -> memref<10000xi32, #tpu.memory_space<hbm>>
    tpu.enqueue_dma source(%dma_start3A_3 : memref<10000xi32, #tpu.memory_space<hbm>>) target(%arg6 : memref<10000xi32, #tpu.memory_space<vmem>>) target_semaphore(%arg18 : memref<!tpu.dma_semaphore, #tpu.memory_space<semaphore_mem>>)
    %dma_start3A_4 = tpu.memref_slice %arg4[%mul3A_2] : memref<320000xi32, #tpu.memory_space<hbm>> -> memref<10000xi32, #tpu.memory_space<hbm>>
    %dma_start3A_5 = tpu.memref_slice %arg4[%mul3A_2] : memref<320000xi32, #tpu.memory_space<hbm>> -> memref<10000xi32, #tpu.memory_space<hbm>>
    tpu.enqueue_dma source(%dma_start3A_5 : memref<10000xi32, #tpu.memory_space<hbm>>) target(%arg7 : memref<10000xi32, #tpu.memory_space<vmem>>) target_semaphore(%arg19 : memref<!tpu.dma_semaphore, #tpu.memory_space<semaphore_mem>>)
    %broadcast_in_dim3A = arith.constant 0.000000e+00 : f32
    %broadcast_in_dim3A_6 = vector.broadcast %broadcast_in_dim3A : f32 to vector<16xf32>
    %scan3A = arith.constant 0 : i32
    %scan3A_7 = arith.constant 0 : i32
    %scan3A_8 = arith.constant 80 : i32
    %scan3A_9 = arith.addi %scan3A_7, %scan3A_8 : i32
    %scan3A_10 = arith.constant 1 : i32
    scf.for %scan3A_84 = %scan3A_7 to %scan3A_9 step %scan3A_10  : i32 {
      %swap3A = arith.index_cast %scan3A_84 : i32 to index
      %swap3A_85 = arith.constant 0 : index
      %swap3A_86 = tpu.vector_load %arg8[%swap3A, %swap3A_85] {strides = array<i32>} : memref<80x128xf32, #tpu.memory_space<vmem>>, vector<1x16xf32>,
      %swap3A_87 = vector.shape_cast %swap3A_86 : vector<1x16xf32> to vector<16xf32>
      %swap3A_88 = vector.shape_cast %broadcast_in_dim3A_6 : vector<16xf32> to vector<1x16xf32>
      tpu.vector_store %arg8[%swap3A, %swap3A_85], %swap3A_88 {strides = array<i32>} : memref<80x128xf32, #tpu.memory_space<vmem>>, vector<1x16xf32>,
      %swap3A_89 = arith.index_cast %scan3A_84 : i32 to index
      %swap3A_90 = arith.constant 16 : index
      %swap3A_91 = tpu.vector_load %arg8[%swap3A_89, %swap3A_90] {strides = array<i32>} : memref<80x128xf32, #tpu.memory_space<vmem>>, vector<1x16xf32>,
      %swap3A_92 = vector.shape_cast %swap3A_91 : vector<1x16xf32> to vector<16xf32>
      %swap3A_93 = vector.shape_cast %broadcast_in_dim3A_6 : vector<16xf32> to vector<1x16xf32>
      tpu.vector_store %arg8[%swap3A_89, %swap3A_90], %swap3A_93 {strides = array<i32>} : memref<80x128xf32, #tpu.memory_space<vmem>>, vector<1x16xf32>,
      %swap3A_94 = arith.index_cast %scan3A_84 : i32 to index
      %swap3A_95 = arith.constant 32 : index
      %swap3A_96 = tpu.vector_load %arg8[%swap3A_94, %swap3A_95] {strides = array<i32>} : memref<80x128xf32, #tpu.memory_space<vmem>>, vector<1x16xf32>,
      %swap3A_97 = vector.shape_cast %swap3A_96 : vector<1x16xf32> to vector<16xf32>
      %swap3A_98 = vector.shape_cast %broadcast_in_dim3A_6 : vector<16xf32> to vector<1x16xf32>
      tpu.vector_store %arg8[%swap3A_94, %swap3A_95], %swap3A_98 {strides = array<i32>} : memref<80x128xf32, #tpu.memory_space<vmem>>, vector<1x16xf32>,
      %swap3A_99 = arith.index_cast %scan3A_84 : i32 to index
      %swap3A_100 = arith.constant 48 : index
      %swap3A_101 = tpu.vector_load %arg8[%swap3A_99, %swap3A_100] {strides = array<i32>} : memref<80x128xf32, #tpu.memory_space<vmem>>, vector<1x16xf32>,
      %swap3A_102 = vector.shape_cast %swap3A_101 : vector<1x16xf32> to vector<16xf32>
      %swap3A_103 = vector.shape_cast %broadcast_in_dim3A_6 : vector<16xf32> to vector<1x16xf32>
      tpu.vector_store %arg8[%swap3A_99, %swap3A_100], %swap3A_103 {strides = array<i32>} : memref<80x128xf32, #tpu.memory_space<vmem>>, vector<1x16xf32>,
      %swap3A_104 = arith.index_cast %scan3A_84 : i32 to index
      %swap3A_105 = arith.constant 64 : index
      %swap3A_106 = tpu.vector_load %arg8[%swap3A_104, %swap3A_105] {strides = array<i32>} : memref<80x128xf32, #tpu.memory_space<vmem>>, vector<1x16xf32>,
      %swap3A_107 = vector.shape_cast %swap3A_106 : vector<1x16xf32> to vector<16xf32>
      %swap3A_108 = vector.shape_cast %broadcast_in_dim3A_6 : vector<16xf32> to vector<1x16xf32>
      tpu.vector_store %arg8[%swap3A_104, %swap3A_105], %swap3A_108 {strides = array<i32>} : memref<80x128xf32, #tpu.memory_space<vmem>>, vector<1x16xf32>,
      %swap3A_109 = arith.index_cast %scan3A_84 : i32 to index
      %swap3A_110 = arith.constant 80 : index
      %swap3A_111 = tpu.vector_load %arg8[%swap3A_109, %swap3A_110] {strides = array<i32>} : memref<80x128xf32, #tpu.memory_space<vmem>>, vector<1x16xf32>,
      %swap3A_112 = vector.shape_cast %swap3A_111 : vector<1x16xf32> to vector<16xf32>
      %swap3A_113 = vector.shape_cast %broadcast_in_dim3A_6 : vector<16xf32> to vector<1x16xf32>
      tpu.vector_store %arg8[%swap3A_109, %swap3A_110], %swap3A_113 {strides = array<i32>} : memref<80x128xf32, #tpu.memory_space<vmem>>, vector<1x16xf32>,
      %swap3A_114 = arith.index_cast %scan3A_84 : i32 to index
      %swap3A_115 = arith.constant 96 : index
      %swap3A_116 = tpu.vector_load %arg8[%swap3A_114, %swap3A_115] {strides = array<i32>} : memref<80x128xf32, #tpu.memory_space<vmem>>, vector<1x16xf32>,
      %swap3A_117 = vector.shape_cast %swap3A_116 : vector<1x16xf32> to vector<16xf32>
      %swap3A_118 = vector.shape_cast %broadcast_in_dim3A_6 : vector<16xf32> to vector<1x16xf32>
      tpu.vector_store %arg8[%swap3A_114, %swap3A_115], %swap3A_118 {strides = array<i32>} : memref<80x128xf32, #tpu.memory_space<vmem>>, vector<1x16xf32>,
      %swap3A_119 = arith.index_cast %scan3A_84 : i32 to index
      %swap3A_120 = arith.constant 112 : index
      %swap3A_121 = tpu.vector_load %arg8[%swap3A_119, %swap3A_120] {strides = array<i32>} : memref<80x128xf32, #tpu.memory_space<vmem>>, vector<1x16xf32>,
      %swap3A_122 = vector.shape_cast %swap3A_121 : vector<1x16xf32> to vector<16xf32>
      %swap3A_123 = vector.shape_cast %broadcast_in_dim3A_6 : vector<16xf32> to vector<1x16xf32>
      tpu.vector_store %arg8[%swap3A_119, %swap3A_120], %swap3A_123 {strides = array<i32>} : memref<80x128xf32, #tpu.memory_space<vmem>>, vector<1x16xf32>,
    }
    %scan3A_11 = arith.constant 80 : i32
    %scan3A_12 = arith.constant 0 : i32
    %scan3A_13 = arith.constant 0 : i32
    %scan3A_14 = arith.constant 8 : i32
    %scan3A_15 = arith.addi %scan3A_13, %scan3A_14 : i32
    %scan3A_16 = arith.constant 1 : i32
    scf.for %scan3A_84 = %scan3A_13 to %scan3A_15 step %scan3A_16  : i32 {
      %mul3A_85 = arith.constant 16 : i32
      %mul3A_86 = arith.muli %scan3A_84, %mul3A_85 : i32
      %add3A_87 = arith.addi %mul3A_86, %arg1 : i32
      %lt3A = arith.constant 125 : i32
      %lt3A_88 = arith.cmpi slt, %add3A_87, %lt3A : i32
      %convert_element_type3A = arith.extui %lt3A_88 : i1 to i32
      %cond3A = arith.constant 0 : i32
      %cond3A_89 = arith.cmpi ne, %convert_element_type3A, %cond3A : i32
      scf.if %cond3A_89 {
        %mul3A_90 = arith.constant 80 : i32
        %mul3A_91 = arith.muli %add3A_87, %mul3A_90 : i32
        "tpu.region"() ({
          %run_scoped3A = tpu.sem_alloc : memref<!tpu.dma_semaphore, #tpu.memory_space<semaphore_mem>>
          %dma_start3A_92 = arith.constant 0 : i32
          %dma_start3A_93 = tpu.memref_slice %arg11[%mul3A_91, %dma_start3A_92] : memref<10000x128xf32, #tpu.memory_space<vmem_shared>> -> memref<80x128xf32, #tpu.memory_space<vmem_shared>>
          %dma_start3A_94 = arith.constant 0 : i32
          %dma_start3A_95 = tpu.memref_slice %arg11[%mul3A_91, %dma_start3A_94] : memref<10000x128xf32, #tpu.memory_space<vmem_shared>> -> memref<80x128xf32, #tpu.memory_space<vmem_shared>>
          tpu.enqueue_dma source(%arg8 : memref<80x128xf32, #tpu.memory_space<vmem>>) target(%dma_start3A_95 : memref<80x128xf32, #tpu.memory_space<vmem_shared>>) target_semaphore(%run_scoped3A : memref<!tpu.dma_semaphore, #tpu.memory_space<semaphore_mem>>)
          %dma_wait3A_96 = arith.constant 0 : i32
          %dma_wait3A_97 = tpu.memref_slice %arg11[%mul3A_91, %dma_wait3A_96] : memref<10000x128xf32, #tpu.memory_space<vmem_shared>> -> memref<80x128xf32, #tpu.memory_space<vmem_shared>>
          %dma_wait3A_98 = arith.constant 0 : i32
          %dma_wait3A_99 = tpu.memref_slice %arg11[%mul3A_91, %dma_wait3A_98] : memref<10000x128xf32, #tpu.memory_space<vmem_shared>> -> memref<80x128xf32, #tpu.memory_space<vmem_shared>>
          tpu.wait_dma2 semaphore(%run_scoped3A : memref<!tpu.dma_semaphore, #tpu.memory_space<semaphore_mem>>) src(%arg8 : memref<80x128xf32, #tpu.memory_space<vmem>>) dst(%dma_wait3A_99 : memref<80x128xf32, #tpu.memory_space<vmem_shared>>)
          tpu.yield
        }) : () -> ()
      } else {
      }
    }
    %scan3A_17 = arith.constant 8 : i32
    %dma_wait3A = tpu.memref_slice %arg3[%mul3A_2] : memref<320000xi32, #tpu.memory_space<hbm>> -> memref<10000xi32, #tpu.memory_space<hbm>>
    %dma_wait3A_18 = tpu.memref_slice %arg3[%mul3A_2] : memref<320000xi32, #tpu.memory_space<hbm>> -> memref<10000xi32, #tpu.memory_space<hbm>>
    tpu.wait_dma2 semaphore(%arg18 : memref<!tpu.dma_semaphore, #tpu.memory_space<semaphore_mem>>) src(%dma_wait3A_18 : memref<10000xi32, #tpu.memory_space<hbm>>) dst(%arg6 : memref<10000xi32, #tpu.memory_space<vmem>>)
    %dma_wait3A_19 = tpu.memref_slice %arg4[%mul3A_2] : memref<320000xi32, #tpu.memory_space<hbm>> -> memref<10000xi32, #tpu.memory_space<hbm>>
    %dma_wait3A_20 = tpu.memref_slice %arg4[%mul3A_2] : memref<320000xi32, #tpu.memory_space<hbm>> -> memref<10000xi32, #tpu.memory_space<hbm>>
    tpu.wait_dma2 semaphore(%arg19 : memref<!tpu.dma_semaphore, #tpu.memory_space<semaphore_mem>>) src(%dma_wait3A_20 : memref<10000xi32, #tpu.memory_space<hbm>>) dst(%arg7 : memref<10000xi32, #tpu.memory_space<vmem>>)
    %barrier3A = arith.constant 0 : index
    tpu.barrier barrier_id(%barrier3A)
    %dma_start3A_21 = arith.constant 0 : i32
    %dma_start3A_22 = tpu.memref_slice %arg6[%dma_start3A_21] : memref<10000xi32, #tpu.memory_space<vmem>> -> memref<80xi32, #tpu.memory_space<vmem>>
    %dma_start3A_23 = arith.constant 0 : i32
    %dma_start3A_24 = arith.constant 0 : i32
    %dma_start3A_25 = tpu.memref_slice %arg2[%dma_start3A_23, %dma_start3A_24] : memref<10000x128xf32, #tpu.memory_space<hbm>> -> memref<10000x128xf32, #tpu.memory_space<hbm>>
    tpu.enqueue_indirect_dma source(%dma_start3A_25 : memref<10000x128xf32, #tpu.memory_space<hbm>>) target(%arg8 : memref<80x128xf32, #tpu.memory_space<vmem>>) offsets(%dma_start3A_22 : memref<80xi32, #tpu.memory_space<vmem>>) semaphore(%arg12 : memref<!tpu.dma_semaphore, #tpu.memory_space<semaphore_mem>>)
    %scan3A_26 = arith.constant 0 : i32
    %scan3A_27 = arith.constant 0 : i32
    %scan3A_28 = arith.constant 41 : i32
    %scan3A_29 = arith.addi %scan3A_27, %scan3A_28 : i32
    %scan3A_30 = arith.constant 1 : i32
    scf.for %scan3A_84 = %scan3A_27 to %scan3A_29 step %scan3A_30  : i32 {
      %mul3A_85 = arith.constant 3 : i32
      %mul3A_86 = arith.muli %mul3A_85, %scan3A_84 : i32
      %add3A_87 = arith.constant 0 : i32
      %add3A_88 = arith.addi %mul3A_86, %add3A_87 : i32
      %ge3A = arith.constant 2 : i32
      %ge3A_89 = arith.cmpi sge, %add3A_88, %ge3A : i32
      %convert_element_type3A = arith.extui %ge3A_89 : i1 to i32
      %cond3A = arith.constant 0 : i32
      %cond3A_90 = arith.cmpi ne, %convert_element_type3A, %cond3A : i32
      scf.if %cond3A_90 {
        %sub3A = arith.constant 2 : i32
        %sub3A_165 = arith.subi %add3A_88, %sub3A : i32
        %mul3A_166 = arith.constant 80 : i32
        %mul3A_167 = arith.muli %sub3A_165, %mul3A_166 : i32
        %dma_wait3A_168 = tpu.memref_slice %arg7[%mul3A_167] : memref<10000xi32, #tpu.memory_space<vmem>> -> memref<80xi32, #tpu.memory_space<vmem>>
        %dma_wait3A_169 = arith.constant 0 : i32
        %dma_wait3A_170 = arith.constant 0 : i32
        %dma_wait3A_171 = tpu.memref_slice %arg11[%dma_wait3A_169, %dma_wait3A_170] : memref<10000x128xf32, #tpu.memory_space<vmem_shared>> -> memref<10000x128xf32, #tpu.memory_space<vmem_shared>>
        tpu.wait_indirect_dma semaphore(%arg16 : memref<!tpu.dma_semaphore, #tpu.memory_space<semaphore_mem>>) src(%arg9 : memref<80x128xf32, #tpu.memory_space<vmem>>) dst(%dma_wait3A_171 : memref<10000x128xf32, #tpu.memory_space<vmem_shared>>)
      } else {
      }
      %add3A_91 = arith.constant 1 : i32
      %add3A_92 = arith.addi %add3A_88, %add3A_91 : i32
      %lt3A = arith.constant 125 : i32
      %lt3A_93 = arith.cmpi slt, %add3A_92, %lt3A : i32
      %convert_element_type3A_94 = arith.extui %lt3A_93 : i1 to i32
      %cond3A_95 = arith.constant 0 : i32
      %cond3A_96 = arith.cmpi ne, %convert_element_type3A_94, %cond3A_95 : i32
      scf.if %cond3A_96 {
        %add3A_165 = arith.constant 1 : i32
        %add3A_166 = arith.addi %add3A_88, %add3A_165 : i32
        %mul3A_167 = arith.constant 80 : i32
        %mul3A_168 = arith.muli %add3A_166, %mul3A_167 : i32
        %dma_start3A_169 = tpu.memref_slice %arg6[%mul3A_168] : memref<10000xi32, #tpu.memory_space<vmem>> -> memref<80xi32, #tpu.memory_space<vmem>>
        %dma_start3A_170 = arith.constant 0 : i32
        %dma_start3A_171 = arith.constant 0 : i32
        %dma_start3A_172 = tpu.memref_slice %arg2[%dma_start3A_170, %dma_start3A_171] : memref<10000x128xf32, #tpu.memory_space<hbm>> -> memref<10000x128xf32, #tpu.memory_space<hbm>>
        tpu.enqueue_indirect_dma source(%dma_start3A_172 : memref<10000x128xf32, #tpu.memory_space<hbm>>) target(%arg9 : memref<80x128xf32, #tpu.memory_space<vmem>>) offsets(%dma_start3A_169 : memref<80xi32, #tpu.memory_space<vmem>>) semaphore(%arg13 : memref<!tpu.dma_semaphore, #tpu.memory_space<semaphore_mem>>)
      } else {
      }
      %mul3A_97 = arith.constant 80 : i32
      %mul3A_98 = arith.muli %add3A_88, %mul3A_97 : i32
      %dma_wait3A_99 = tpu.memref_slice %arg6[%mul3A_98] : memref<10000xi32, #tpu.memory_space<vmem>> -> memref<80xi32, #tpu.memory_space<vmem>>
      %dma_wait3A_100 = arith.constant 0 : i32
      %dma_wait3A_101 = arith.constant 0 : i32
      %dma_wait3A_102 = tpu.memref_slice %arg2[%dma_wait3A_100, %dma_wait3A_101] : memref<10000x128xf32, #tpu.memory_space<hbm>> -> memref<10000x128xf32, #tpu.memory_space<hbm>>
      tpu.wait_indirect_dma semaphore(%arg12 : memref<!tpu.dma_semaphore, #tpu.memory_space<semaphore_mem>>) src(%dma_wait3A_102 : memref<10000x128xf32, #tpu.memory_space<hbm>>) dst(%arg8 : memref<80x128xf32, #tpu.memory_space<vmem>>)
      %mul3A_103 = arith.constant 80 : i32
      %mul3A_104 = arith.muli %add3A_88, %mul3A_103 : i32
      %dma_start3A_105 = tpu.memref_slice %arg7[%mul3A_104] : memref<10000xi32, #tpu.memory_space<vmem>> -> memref<80xi32, #tpu.memory_space<vmem>>
      %dma_start3A_106 = arith.constant 0 : i32
      %dma_start3A_107 = arith.constant 0 : i32
      %dma_start3A_108 = tpu.memref_slice %arg11[%dma_start3A_106, %dma_start3A_107] : memref<10000x128xf32, #tpu.memory_space<vmem_shared>> -> memref<10000x128xf32, #tpu.memory_space<vmem_shared>>
      tpu.enqueue_indirect_dma source(%arg8 : memref<80x128xf32, #tpu.memory_space<vmem>>) target(%dma_start3A_108 : memref<10000x128xf32, #tpu.memory_space<vmem_shared>>) offsets(%dma_start3A_105 : memref<80xi32, #tpu.memory_space<vmem>>) semaphore(%arg15 : memref<!tpu.dma_semaphore, #tpu.memory_space<semaphore_mem>>) {add = true}
      %mul3A_109 = arith.constant 3 : i32
      %mul3A_110 = arith.muli %mul3A_109, %scan3A_84 : i32
      %add3A_111 = arith.constant 1 : i32
      %add3A_112 = arith.addi %mul3A_110, %add3A_111 : i32
      %ge3A_113 = arith.constant 2 : i32
      %ge3A_114 = arith.cmpi sge, %add3A_112, %ge3A_113 : i32
      %convert_element_type3A_115 = arith.extui %ge3A_114 : i1 to i32
      %cond3A_116 = arith.constant 0 : i32
      %cond3A_117 = arith.cmpi ne, %convert_element_type3A_115, %cond3A_116 : i32
      scf.if %cond3A_117 {
        %sub3A = arith.constant 2 : i32
        %sub3A_165 = arith.subi %add3A_112, %sub3A : i32
        %mul3A_166 = arith.constant 80 : i32
        %mul3A_167 = arith.muli %sub3A_165, %mul3A_166 : i32
        %dma_wait3A_168 = tpu.memref_slice %arg7[%mul3A_167] : memref<10000xi32, #tpu.memory_space<vmem>> -> memref<80xi32, #tpu.memory_space<vmem>>
        %dma_wait3A_169 = arith.constant 0 : i32
        %dma_wait3A_170 = arith.constant 0 : i32
        %dma_wait3A_171 = tpu.memref_slice %arg11[%dma_wait3A_169, %dma_wait3A_170] : memref<10000x128xf32, #tpu.memory_space<vmem_shared>> -> memref<10000x128xf32, #tpu.memory_space<vmem_shared>>
        tpu.wait_indirect_dma semaphore(%arg17 : memref<!tpu.dma_semaphore, #tpu.memory_space<semaphore_mem>>) src(%arg10 : memref<80x128xf32, #tpu.memory_space<vmem>>) dst(%dma_wait3A_171 : memref<10000x128xf32, #tpu.memory_space<vmem_shared>>)
      } else {
      }
      %add3A_118 = arith.constant 1 : i32
      %add3A_119 = arith.addi %add3A_112, %add3A_118 : i32
      %lt3A_120 = arith.constant 125 : i32
      %lt3A_121 = arith.cmpi slt, %add3A_119, %lt3A_120 : i32
      %convert_element_type3A_122 = arith.extui %lt3A_121 : i1 to i32
      %cond3A_123 = arith.constant 0 : i32
      %cond3A_124 = arith.cmpi ne, %convert_element_type3A_122, %cond3A_123 : i32
      scf.if %cond3A_124 {
        %add3A_165 = arith.constant 1 : i32
        %add3A_166 = arith.addi %add3A_112, %add3A_165 : i32
        %mul3A_167 = arith.constant 80 : i32
        %mul3A_168 = arith.muli %add3A_166, %mul3A_167 : i32
        %dma_start3A_169 = tpu.memref_slice %arg6[%mul3A_168] : memref<10000xi32, #tpu.memory_space<vmem>> -> memref<80xi32, #tpu.memory_space<vmem>>
        %dma_start3A_170 = arith.constant 0 : i32
        %dma_start3A_171 = arith.constant 0 : i32
        %dma_start3A_172 = tpu.memref_slice %arg2[%dma_start3A_170, %dma_start3A_171] : memref<10000x128xf32, #tpu.memory_space<hbm>> -> memref<10000x128xf32, #tpu.memory_space<hbm>>
        tpu.enqueue_indirect_dma source(%dma_start3A_172 : memref<10000x128xf32, #tpu.memory_space<hbm>>) target(%arg10 : memref<80x128xf32, #tpu.memory_space<vmem>>) offsets(%dma_start3A_169 : memref<80xi32, #tpu.memory_space<vmem>>) semaphore(%arg14 : memref<!tpu.dma_semaphore, #tpu.memory_space<semaphore_mem>>)
      } else {
      }
      %mul3A_125 = arith.constant 80 : i32
      %mul3A_126 = arith.muli %add3A_112, %mul3A_125 : i32
      %dma_wait3A_127 = tpu.memref_slice %arg6[%mul3A_126] : memref<10000xi32, #tpu.memory_space<vmem>> -> memref<80xi32, #tpu.memory_space<vmem>>
      %dma_wait3A_128 = arith.constant 0 : i32
      %dma_wait3A_129 = arith.constant 0 : i32
      %dma_wait3A_130 = tpu.memref_slice %arg2[%dma_wait3A_128, %dma_wait3A_129] : memref<10000x128xf32, #tpu.memory_space<hbm>> -> memref<10000x128xf32, #tpu.memory_space<hbm>>
      tpu.wait_indirect_dma semaphore(%arg13 : memref<!tpu.dma_semaphore, #tpu.memory_space<semaphore_mem>>) src(%dma_wait3A_130 : memref<10000x128xf32, #tpu.memory_space<hbm>>) dst(%arg9 : memref<80x128xf32, #tpu.memory_space<vmem>>)
      %mul3A_131 = arith.constant 80 : i32
      %mul3A_132 = arith.muli %add3A_112, %mul3A_131 : i32
      %dma_start3A_133 = tpu.memref_slice %arg7[%mul3A_132] : memref<10000xi32, #tpu.memory_space<vmem>> -> memref<80xi32, #tpu.memory_space<vmem>>
      %dma_start3A_134 = arith.constant 0 : i32
      %dma_start3A_135 = arith.constant 0 : i32
      %dma_start3A_136 = tpu.memref_slice %arg11[%dma_start3A_134, %dma_start3A_135] : memref<10000x128xf32, #tpu.memory_space<vmem_shared>> -> memref<10000x128xf32, #tpu.memory_space<vmem_shared>>
      tpu.enqueue_indirect_dma source(%arg9 : memref<80x128xf32, #tpu.memory_space<vmem>>) target(%dma_start3A_136 : memref<10000x128xf32, #tpu.memory_space<vmem_shared>>) offsets(%dma_start3A_133 : memref<80xi32, #tpu.memory_space<vmem>>) semaphore(%arg16 : memref<!tpu.dma_semaphore, #tpu.memory_space<semaphore_mem>>) {add = true}
      %mul3A_137 = arith.constant 3 : i32
      %mul3A_138 = arith.muli %mul3A_137, %scan3A_84 : i32
      %add3A_139 = arith.constant 2 : i32
      %add3A_140 = arith.addi %mul3A_138, %add3A_139 : i32
      %ge3A_141 = arith.constant 2 : i32
      %ge3A_142 = arith.cmpi sge, %add3A_140, %ge3A_141 : i32
      %convert_element_type3A_143 = arith.extui %ge3A_142 : i1 to i32
      %cond3A_144 = arith.constant 0 : i32
      %cond3A_145 = arith.cmpi ne, %convert_element_type3A_143, %cond3A_144 : i32
      scf.if %cond3A_145 {
        %sub3A = arith.constant 2 : i32
        %sub3A_165 = arith.subi %add3A_140, %sub3A : i32
        %mul3A_166 = arith.constant 80 : i32
        %mul3A_167 = arith.muli %sub3A_165, %mul3A_166 : i32
        %dma_wait3A_168 = tpu.memref_slice %arg7[%mul3A_167] : memref<10000xi32, #tpu.memory_space<vmem>> -> memref<80xi32, #tpu.memory_space<vmem>>
        %dma_wait3A_169 = arith.constant 0 : i32
        %dma_wait3A_170 = arith.constant 0 : i32
        %dma_wait3A_171 = tpu.memref_slice %arg11[%dma_wait3A_169, %dma_wait3A_170] : memref<10000x128xf32, #tpu.memory_space<vmem_shared>> -> memref<10000x128xf32, #tpu.memory_space<vmem_shared>>
        tpu.wait_indirect_dma semaphore(%arg15 : memref<!tpu.dma_semaphore, #tpu.memory_space<semaphore_mem>>) src(%arg8 : memref<80x128xf32, #tpu.memory_space<vmem>>) dst(%dma_wait3A_171 : memref<10000x128xf32, #tpu.memory_space<vmem_shared>>)
      } else {
      }
      %add3A_146 = arith.constant 1 : i32
      %add3A_147 = arith.addi %add3A_140, %add3A_146 : i32
      %lt3A_148 = arith.constant 125 : i32
      %lt3A_149 = arith.cmpi slt, %add3A_147, %lt3A_148 : i32
      %convert_element_type3A_150 = arith.extui %lt3A_149 : i1 to i32
      %cond3A_151 = arith.constant 0 : i32
      %cond3A_152 = arith.cmpi ne, %convert_element_type3A_150, %cond3A_151 : i32
      scf.if %cond3A_152 {
        %add3A_165 = arith.constant 1 : i32
        %add3A_166 = arith.addi %add3A_140, %add3A_165 : i32
        %mul3A_167 = arith.constant 80 : i32
        %mul3A_168 = arith.muli %add3A_166, %mul3A_167 : i32
        %dma_start3A_169 = tpu.memref_slice %arg6[%mul3A_168] : memref<10000xi32, #tpu.memory_space<vmem>> -> memref<80xi32, #tpu.memory_space<vmem>>
        %dma_start3A_170 = arith.constant 0 : i32
        %dma_start3A_171 = arith.constant 0 : i32
        %dma_start3A_172 = tpu.memref_slice %arg2[%dma_start3A_170, %dma_start3A_171] : memref<10000x128xf32, #tpu.memory_space<hbm>> -> memref<10000x128xf32, #tpu.memory_space<hbm>>
        tpu.enqueue_indirect_dma source(%dma_start3A_172 : memref<10000x128xf32, #tpu.memory_space<hbm>>) target(%arg8 : memref<80x128xf32, #tpu.memory_space<vmem>>) offsets(%dma_start3A_169 : memref<80xi32, #tpu.memory_space<vmem>>) semaphore(%arg12 : memref<!tpu.dma_semaphore, #tpu.memory_space<semaphore_mem>>)
      } else {
      }
      %mul3A_153 = arith.constant 80 : i32
      %mul3A_154 = arith.muli %add3A_140, %mul3A_153 : i32
      %dma_wait3A_155 = tpu.memref_slice %arg6[%mul3A_154] : memref<10000xi32, #tpu.memory_space<vmem>> -> memref<80xi32, #tpu.memory_space<vmem>>
      %dma_wait3A_156 = arith.constant 0 : i32
      %dma_wait3A_157 = arith.constant 0 : i32
      %dma_wait3A_158 = tpu.memref_slice %arg2[%dma_wait3A_156, %dma_wait3A_157] : memref<10000x128xf32, #tpu.memory_space<hbm>> -> memref<10000x128xf32, #tpu.memory_space<hbm>>
      tpu.wait_indirect_dma semaphore(%arg14 : memref<!tpu.dma_semaphore, #tpu.memory_space<semaphore_mem>>) src(%dma_wait3A_158 : memref<10000x128xf32, #tpu.memory_space<hbm>>) dst(%arg10 : memref<80x128xf32, #tpu.memory_space<vmem>>)
      %mul3A_159 = arith.constant 80 : i32
      %mul3A_160 = arith.muli %add3A_140, %mul3A_159 : i32
      %dma_start3A_161 = tpu.memref_slice %arg7[%mul3A_160] : memref<10000xi32, #tpu.memory_space<vmem>> -> memref<80xi32, #tpu.memory_space<vmem>>
      %dma_start3A_162 = arith.constant 0 : i32
      %dma_start3A_163 = arith.constant 0 : i32
      %dma_start3A_164 = tpu.memref_slice %arg11[%dma_start3A_162, %dma_start3A_163] : memref<10000x128xf32, #tpu.memory_space<vmem_shared>> -> memref<10000x128xf32, #tpu.memory_space<vmem_shared>>
      tpu.enqueue_indirect_dma source(%arg10 : memref<80x128xf32, #tpu.memory_space<vmem>>) target(%dma_start3A_164 : memref<10000x128xf32, #tpu.memory_space<vmem_shared>>) offsets(%dma_start3A_161 : memref<80xi32, #tpu.memory_space<vmem>>) semaphore(%arg17 : memref<!tpu.dma_semaphore, #tpu.memory_space<semaphore_mem>>) {add = true}
    }
    %scan3A_31 = arith.constant 41 : i32
    %dma_wait3A_32 = arith.constant 9680 : i32
    %dma_wait3A_33 = tpu.memref_slice %arg7[%dma_wait3A_32] : memref<10000xi32, #tpu.memory_space<vmem>> -> memref<80xi32, #tpu.memory_space<vmem>>
    %dma_wait3A_34 = arith.constant 0 : i32
    %dma_wait3A_35 = arith.constant 0 : i32
    %dma_wait3A_36 = tpu.memref_slice %arg11[%dma_wait3A_34, %dma_wait3A_35] : memref<10000x128xf32, #tpu.memory_space<vmem_shared>> -> memref<10000x128xf32, #tpu.memory_space<vmem_shared>>
    tpu.wait_indirect_dma semaphore(%arg16 : memref<!tpu.dma_semaphore, #tpu.memory_space<semaphore_mem>>) src(%arg9 : memref<80x128xf32, #tpu.memory_space<vmem>>) dst(%dma_wait3A_36 : memref<10000x128xf32, #tpu.memory_space<vmem_shared>>)
    %dma_start3A_37 = arith.constant 9920 : i32
    %dma_start3A_38 = tpu.memref_slice %arg6[%dma_start3A_37] : memref<10000xi32, #tpu.memory_space<vmem>> -> memref<80xi32, #tpu.memory_space<vmem>>
    %dma_start3A_39 = arith.constant 0 : i32
    %dma_start3A_40 = arith.constant 0 : i32
    %dma_start3A_41 = tpu.memref_slice %arg2[%dma_start3A_39, %dma_start3A_40] : memref<10000x128xf32, #tpu.memory_space<hbm>> -> memref<10000x128xf32, #tpu.memory_space<hbm>>
    tpu.enqueue_indirect_dma source(%dma_start3A_41 : memref<10000x128xf32, #tpu.memory_space<hbm>>) target(%arg9 : memref<80x128xf32, #tpu.memory_space<vmem>>) offsets(%dma_start3A_38 : memref<80xi32, #tpu.memory_space<vmem>>) semaphore(%arg13 : memref<!tpu.dma_semaphore, #tpu.memory_space<semaphore_mem>>)
    %dma_wait3A_42 = arith.constant 9840 : i32
    %dma_wait3A_43 = tpu.memref_slice %arg6[%dma_wait3A_42] : memref<10000xi32, #tpu.memory_space<vmem>> -> memref<80xi32, #tpu.memory_space<vmem>>
    %dma_wait3A_44 = arith.constant 0 : i32
    %dma_wait3A_45 = arith.constant 0 : i32
    %dma_wait3A_46 = tpu.memref_slice %arg2[%dma_wait3A_44, %dma_wait3A_45] : memref<10000x128xf32, #tpu.memory_space<hbm>> -> memref<10000x128xf32, #tpu.memory_space<hbm>>
    tpu.wait_indirect_dma semaphore(%arg12 : memref<!tpu.dma_semaphore, #tpu.memory_space<semaphore_mem>>) src(%dma_wait3A_46 : memref<10000x128xf32, #tpu.memory_space<hbm>>) dst(%arg8 : memref<80x128xf32, #tpu.memory_space<vmem>>)
    %dma_start3A_47 = arith.constant 9840 : i32
    %dma_start3A_48 = tpu.memref_slice %arg7[%dma_start3A_47] : memref<10000xi32, #tpu.memory_space<vmem>> -> memref<80xi32, #tpu.memory_space<vmem>>
    %dma_start3A_49 = arith.constant 0 : i32
    %dma_start3A_50 = arith.constant 0 : i32
    %dma_start3A_51 = tpu.memref_slice %arg11[%dma_start3A_49, %dma_start3A_50] : memref<10000x128xf32, #tpu.memory_space<vmem_shared>> -> memref<10000x128xf32, #tpu.memory_space<vmem_shared>>
    tpu.enqueue_indirect_dma source(%arg8 : memref<80x128xf32, #tpu.memory_space<vmem>>) target(%dma_start3A_51 : memref<10000x128xf32, #tpu.memory_space<vmem_shared>>) offsets(%dma_start3A_48 : memref<80xi32, #tpu.memory_space<vmem>>) semaphore(%arg15 : memref<!tpu.dma_semaphore, #tpu.memory_space<semaphore_mem>>) {add = true}
    %dma_wait3A_52 = arith.constant 9760 : i32
    %dma_wait3A_53 = tpu.memref_slice %arg7[%dma_wait3A_52] : memref<10000xi32, #tpu.memory_space<vmem>> -> memref<80xi32, #tpu.memory_space<vmem>>
    %dma_wait3A_54 = arith.constant 0 : i32
    %dma_wait3A_55 = arith.constant 0 : i32
    %dma_wait3A_56 = tpu.memref_slice %arg11[%dma_wait3A_54, %dma_wait3A_55] : memref<10000x128xf32, #tpu.memory_space<vmem_shared>> -> memref<10000x128xf32, #tpu.memory_space<vmem_shared>>
    tpu.wait_indirect_dma semaphore(%arg17 : memref<!tpu.dma_semaphore, #tpu.memory_space<semaphore_mem>>) src(%arg10 : memref<80x128xf32, #tpu.memory_space<vmem>>) dst(%dma_wait3A_56 : memref<10000x128xf32, #tpu.memory_space<vmem_shared>>)
    %dma_wait3A_57 = arith.constant 9920 : i32
    %dma_wait3A_58 = tpu.memref_slice %arg6[%dma_wait3A_57] : memref<10000xi32, #tpu.memory_space<vmem>> -> memref<80xi32, #tpu.memory_space<vmem>>
    %dma_wait3A_59 = arith.constant 0 : i32
    %dma_wait3A_60 = arith.constant 0 : i32
    %dma_wait3A_61 = tpu.memref_slice %arg2[%dma_wait3A_59, %dma_wait3A_60] : memref<10000x128xf32, #tpu.memory_space<hbm>> -> memref<10000x128xf32, #tpu.memory_space<hbm>>
    tpu.wait_indirect_dma semaphore(%arg13 : memref<!tpu.dma_semaphore, #tpu.memory_space<semaphore_mem>>) src(%dma_wait3A_61 : memref<10000x128xf32, #tpu.memory_space<hbm>>) dst(%arg9 : memref<80x128xf32, #tpu.memory_space<vmem>>)
    %dma_start3A_62 = arith.constant 9920 : i32
    %dma_start3A_63 = tpu.memref_slice %arg7[%dma_start3A_62] : memref<10000xi32, #tpu.memory_space<vmem>> -> memref<80xi32, #tpu.memory_space<vmem>>
    %dma_start3A_64 = arith.constant 0 : i32
    %dma_start3A_65 = arith.constant 0 : i32
    %dma_start3A_66 = tpu.memref_slice %arg11[%dma_start3A_64, %dma_start3A_65] : memref<10000x128xf32, #tpu.memory_space<vmem_shared>> -> memref<10000x128xf32, #tpu.memory_space<vmem_shared>>
    tpu.enqueue_indirect_dma source(%arg9 : memref<80x128xf32, #tpu.memory_space<vmem>>) target(%dma_start3A_66 : memref<10000x128xf32, #tpu.memory_space<vmem_shared>>) offsets(%dma_start3A_63 : memref<80xi32, #tpu.memory_space<vmem>>) semaphore(%arg16 : memref<!tpu.dma_semaphore, #tpu.memory_space<semaphore_mem>>) {add = true}
    %dma_wait3A_67 = arith.constant 9840 : i32
    %dma_wait3A_68 = tpu.memref_slice %arg7[%dma_wait3A_67] : memref<10000xi32, #tpu.memory_space<vmem>> -> memref<80xi32, #tpu.memory_space<vmem>>
    %dma_wait3A_69 = arith.constant 0 : i32
    %dma_wait3A_70 = arith.constant 0 : i32
    %dma_wait3A_71 = tpu.memref_slice %arg11[%dma_wait3A_69, %dma_wait3A_70] : memref<10000x128xf32, #tpu.memory_space<vmem_shared>> -> memref<10000x128xf32, #tpu.memory_space<vmem_shared>>
    tpu.wait_indirect_dma semaphore(%arg15 : memref<!tpu.dma_semaphore, #tpu.memory_space<semaphore_mem>>) src(%arg8 : memref<80x128xf32, #tpu.memory_space<vmem>>) dst(%dma_wait3A_71 : memref<10000x128xf32, #tpu.memory_space<vmem_shared>>)
    %dma_wait3A_72 = arith.constant 9920 : i32
    %dma_wait3A_73 = tpu.memref_slice %arg7[%dma_wait3A_72] : memref<10000xi32, #tpu.memory_space<vmem>> -> memref<80xi32, #tpu.memory_space<vmem>>
    %dma_wait3A_74 = arith.constant 0 : i32
    %dma_wait3A_75 = arith.constant 0 : i32
    %dma_wait3A_76 = tpu.memref_slice %arg11[%dma_wait3A_74, %dma_wait3A_75] : memref<10000x128xf32, #tpu.memory_space<vmem_shared>> -> memref<10000x128xf32, #tpu.memory_space<vmem_shared>>
    tpu.wait_indirect_dma semaphore(%arg16 : memref<!tpu.dma_semaphore, #tpu.memory_space<semaphore_mem>>) src(%arg9 : memref<80x128xf32, #tpu.memory_space<vmem>>) dst(%dma_wait3A_76 : memref<10000x128xf32, #tpu.memory_space<vmem_shared>>)
    %barrier3A_77 = arith.constant 0 : index
    tpu.barrier barrier_id(%barrier3A_77)
    %scan3A_78 = arith.constant 0 : i32
    %scan3A_79 = arith.constant 0 : i32
    %scan3A_80 = arith.constant 8 : i32
    %scan3A_81 = arith.addi %scan3A_79, %scan3A_80 : i32
    %scan3A_82 = arith.constant 1 : i32
    scf.for %scan3A_84 = %scan3A_79 to %scan3A_81 step %scan3A_82  : i32 {
      %mul3A_85 = arith.constant 16 : i32
      %mul3A_86 = arith.muli %scan3A_84, %mul3A_85 : i32
      %add3A_87 = arith.addi %mul3A_86, %arg1 : i32
      %lt3A = arith.constant 125 : i32
      %lt3A_88 = arith.cmpi slt, %add3A_87, %lt3A : i32
      %convert_element_type3A = arith.extui %lt3A_88 : i1 to i32
      %cond3A = arith.constant 0 : i32
      %cond3A_89 = arith.cmpi ne, %convert_element_type3A, %cond3A : i32
      scf.if %cond3A_89 {
        %mul3A_90 = arith.constant 80 : i32
        %mul3A_91 = arith.muli %add3A_87, %mul3A_90 : i32
        %mul3A_92 = arith.constant 80 : i32
        %mul3A_93 = arith.muli %add3A_87, %mul3A_92 : i32
        "tpu.region"() ({
          %run_scoped3A = tpu.sem_alloc : memref<!tpu.dma_semaphore, #tpu.memory_space<semaphore_mem>>
          %dma_start3A_94 = arith.constant 0 : i32
          %dma_start3A_95 = arith.constant 0 : i32
          %dma_start3A_96 = tpu.memref_slice %arg5[%arg0, %dma_start3A_94, %dma_start3A_95] : memref<2x10000x128xf32, #tpu.memory_space<hbm>> -> memref<1x10000x128xf32, #tpu.memory_space<hbm>>
          %dma_start3A_97 = tpu.memref_squeeze %dma_start3A_96 : memref<1x10000x128xf32, #tpu.memory_space<hbm>> -> memref<10000x128xf32, #tpu.memory_space<hbm>>
          %dma_start3A_98 = arith.constant 0 : i32
          %dma_start3A_99 = tpu.memref_slice %dma_start3A_97[%mul3A_93, %dma_start3A_98] : memref<10000x128xf32, #tpu.memory_space<hbm>> -> memref<80x128xf32, #tpu.memory_space<hbm>>
          %dma_start3A_100 = arith.constant 0 : i32
          %dma_start3A_101 = tpu.memref_slice %arg11[%mul3A_91, %dma_start3A_100] : memref<10000x128xf32, #tpu.memory_space<vmem_shared>> -> memref<80x128xf32, #tpu.memory_space<vmem_shared>>
          tpu.enqueue_dma source(%dma_start3A_101 : memref<80x128xf32, #tpu.memory_space<vmem_shared>>) target(%dma_start3A_99 : memref<80x128xf32, #tpu.memory_space<hbm>>) target_semaphore(%run_scoped3A : memref<!tpu.dma_semaphore, #tpu.memory_space<semaphore_mem>>)
          %dma_wait3A_102 = arith.constant 0 : i32
          %dma_wait3A_103 = arith.constant 0 : i32
          %dma_wait3A_104 = tpu.memref_slice %arg5[%arg0, %dma_wait3A_102, %dma_wait3A_103] : memref<2x10000x128xf32, #tpu.memory_space<hbm>> -> memref<1x10000x128xf32, #tpu.memory_space<hbm>>
          %dma_wait3A_105 = tpu.memref_squeeze %dma_wait3A_104 : memref<1x10000x128xf32, #tpu.memory_space<hbm>> -> memref<10000x128xf32, #tpu.memory_space<hbm>>
          %dma_wait3A_106 = arith.constant 0 : i32
          %dma_wait3A_107 = tpu.memref_slice %dma_wait3A_105[%mul3A_93, %dma_wait3A_106] : memref<10000x128xf32, #tpu.memory_space<hbm>> -> memref<80x128xf32, #tpu.memory_space<hbm>>
          %dma_wait3A_108 = arith.constant 0 : i32
          %dma_wait3A_109 = tpu.memref_slice %arg11[%mul3A_91, %dma_wait3A_108] : memref<10000x128xf32, #tpu.memory_space<vmem_shared>> -> memref<80x128xf32, #tpu.memory_space<vmem_shared>>
          tpu.wait_dma2 semaphore(%run_scoped3A : memref<!tpu.dma_semaphore, #tpu.memory_space<semaphore_mem>>) src(%dma_wait3A_109 : memref<80x128xf32, #tpu.memory_space<vmem_shared>>) dst(%dma_wait3A_107 : memref<80x128xf32, #tpu.memory_space<hbm>>)
          tpu.yield
        }) : () -> ()
      } else {
      }
    }
    %scan3A_83 = arith.constant 8 : i32
    return
  }
}

#map = affine_map<(d0, d1) -> (0, 0)>
#map1 = affine_map<(d0, d1) -> (0)>
#map2 = affine_map<(d0, d1) -> (0, 0, 0)>
module attributes {stable_mosaic.version = 14 : i64} {
  func.func @_edge_body(%arg0: i32, %arg1: i32, %arg2: memref<10000x128xf32, #tpu.memory_space<hbm>>, %arg3: memref<320000xi32, #tpu.memory_space<hbm>>, %arg4: memref<320000xi32, #tpu.memory_space<hbm>>, %arg5: memref<2x10000x128xf32, #tpu.memory_space<hbm>>, %arg6: memref<10000xi32, #tpu.memory_space<vmem>>, %arg7: memref<10000xi32, #tpu.memory_space<vmem>>, %arg8: memref<80x128xf32, #tpu.memory_space<vmem>>, %arg9: memref<80x128xf32, #tpu.memory_space<vmem>>, %arg10: memref<80x128xf32, #tpu.memory_space<vmem>>, %arg11: memref<10000x128xf32, #tpu.memory_space<vmem_shared>>, %arg12: memref<!tpu.dma_semaphore, #tpu.memory_space<semaphore_mem>>, %arg13: memref<!tpu.dma_semaphore, #tpu.memory_space<semaphore_mem>>, %arg14: memref<!tpu.dma_semaphore, #tpu.memory_space<semaphore_mem>>, %arg15: memref<!tpu.dma_semaphore, #tpu.memory_space<semaphore_mem>>, %arg16: memref<!tpu.dma_semaphore, #tpu.memory_space<semaphore_mem>>, %arg17: memref<!tpu.dma_semaphore, #tpu.memory_space<semaphore_mem>>, %arg18: memref<!tpu.dma_semaphore, #tpu.memory_space<semaphore_mem>>, %arg19: memref<!tpu.dma_semaphore, #tpu.memory_space<semaphore_mem>>) attributes {dimension_semantics = [#tpu.dimension_semantics<core_parallel>, #tpu.dimension_semantics<subcore_parallel>], iteration_bounds = array<i64: 2, 16>, scalar_prefetch = 0 : i64, scratch_operands = 14 : i64, tpu.core_type = #tpu.core_type<sc_vector_subcore>, window_params = [{transform_indices = #map}, {transform_indices = #map1}, {transform_indices = #map1}, {transform_indices = #map2}]} {
    %mul3A = arith.constant 16 : i32
    %mul3A_0 = arith.muli %arg0, %mul3A : i32
    %add3A = arith.addi %mul3A_0, %arg1 : i32
    %mul3A_1 = arith.constant 10000 : i32
    %mul3A_2 = arith.muli %add3A, %mul3A_1 : i32
    %dma_start3A = tpu.memref_slice %arg3[%mul3A_2] : memref<320000xi32, #tpu.memory_space<hbm>> -> memref<10000xi32, #tpu.memory_space<hbm>>
    %dma_start3A_3 = tpu.memref_slice %arg3[%mul3A_2] : memref<320000xi32, #tpu.memory_space<hbm>> -> memref<10000xi32, #tpu.memory_space<hbm>>
    tpu.enqueue_dma source(%dma_start3A_3 : memref<10000xi32, #tpu.memory_space<hbm>>) target(%arg6 : memref<10000xi32, #tpu.memory_space<vmem>>) target_semaphore(%arg18 : memref<!tpu.dma_semaphore, #tpu.memory_space<semaphore_mem>>)
    %dma_start3A_4 = tpu.memref_slice %arg4[%mul3A_2] : memref<320000xi32, #tpu.memory_space<hbm>> -> memref<10000xi32, #tpu.memory_space<hbm>>
    %dma_start3A_5 = tpu.memref_slice %arg4[%mul3A_2] : memref<320000xi32, #tpu.memory_space<hbm>> -> memref<10000xi32, #tpu.memory_space<hbm>>
    tpu.enqueue_dma source(%dma_start3A_5 : memref<10000xi32, #tpu.memory_space<hbm>>) target(%arg7 : memref<10000xi32, #tpu.memory_space<vmem>>) target_semaphore(%arg19 : memref<!tpu.dma_semaphore, #tpu.memory_space<semaphore_mem>>)
    %broadcast_in_dim3A = arith.constant 0.000000e+00 : f32
    %broadcast_in_dim3A_6 = vector.broadcast %broadcast_in_dim3A : f32 to vector<16xf32>
    %scan3A = arith.constant 0 : i32
    %scan3A_7 = arith.constant 0 : i32
    %scan3A_8 = arith.constant 80 : i32
    %scan3A_9 = arith.addi %scan3A_7, %scan3A_8 : i32
    %scan3A_10 = arith.constant 1 : i32
    scf.for %scan3A_84 = %scan3A_7 to %scan3A_9 step %scan3A_10  : i32 {
      %swap3A = arith.index_cast %scan3A_84 : i32 to index
      %swap3A_85 = arith.constant 0 : index
      %swap3A_86 = tpu.vector_load %arg8[%swap3A, %swap3A_85] {strides = array<i32>} : memref<80x128xf32, #tpu.memory_space<vmem>>, vector<1x16xf32>,
      %swap3A_87 = vector.shape_cast %swap3A_86 : vector<1x16xf32> to vector<16xf32>
      %swap3A_88 = vector.shape_cast %broadcast_in_dim3A_6 : vector<16xf32> to vector<1x16xf32>
      tpu.vector_store %arg8[%swap3A, %swap3A_85], %swap3A_88 {strides = array<i32>} : memref<80x128xf32, #tpu.memory_space<vmem>>, vector<1x16xf32>,
      %swap3A_89 = arith.index_cast %scan3A_84 : i32 to index
      %swap3A_90 = arith.constant 16 : index
      %swap3A_91 = tpu.vector_load %arg8[%swap3A_89, %swap3A_90] {strides = array<i32>} : memref<80x128xf32, #tpu.memory_space<vmem>>, vector<1x16xf32>,
      %swap3A_92 = vector.shape_cast %swap3A_91 : vector<1x16xf32> to vector<16xf32>
      %swap3A_93 = vector.shape_cast %broadcast_in_dim3A_6 : vector<16xf32> to vector<1x16xf32>
      tpu.vector_store %arg8[%swap3A_89, %swap3A_90], %swap3A_93 {strides = array<i32>} : memref<80x128xf32, #tpu.memory_space<vmem>>, vector<1x16xf32>,
      %swap3A_94 = arith.index_cast %scan3A_84 : i32 to index
      %swap3A_95 = arith.constant 32 : index
      %swap3A_96 = tpu.vector_load %arg8[%swap3A_94, %swap3A_95] {strides = array<i32>} : memref<80x128xf32, #tpu.memory_space<vmem>>, vector<1x16xf32>,
      %swap3A_97 = vector.shape_cast %swap3A_96 : vector<1x16xf32> to vector<16xf32>
      %swap3A_98 = vector.shape_cast %broadcast_in_dim3A_6 : vector<16xf32> to vector<1x16xf32>
      tpu.vector_store %arg8[%swap3A_94, %swap3A_95], %swap3A_98 {strides = array<i32>} : memref<80x128xf32, #tpu.memory_space<vmem>>, vector<1x16xf32>,
      %swap3A_99 = arith.index_cast %scan3A_84 : i32 to index
      %swap3A_100 = arith.constant 48 : index
      %swap3A_101 = tpu.vector_load %arg8[%swap3A_99, %swap3A_100] {strides = array<i32>} : memref<80x128xf32, #tpu.memory_space<vmem>>, vector<1x16xf32>,
      %swap3A_102 = vector.shape_cast %swap3A_101 : vector<1x16xf32> to vector<16xf32>
      %swap3A_103 = vector.shape_cast %broadcast_in_dim3A_6 : vector<16xf32> to vector<1x16xf32>
      tpu.vector_store %arg8[%swap3A_99, %swap3A_100], %swap3A_103 {strides = array<i32>} : memref<80x128xf32, #tpu.memory_space<vmem>>, vector<1x16xf32>,
      %swap3A_104 = arith.index_cast %scan3A_84 : i32 to index
      %swap3A_105 = arith.constant 64 : index
      %swap3A_106 = tpu.vector_load %arg8[%swap3A_104, %swap3A_105] {strides = array<i32>} : memref<80x128xf32, #tpu.memory_space<vmem>>, vector<1x16xf32>,
      %swap3A_107 = vector.shape_cast %swap3A_106 : vector<1x16xf32> to vector<16xf32>
      %swap3A_108 = vector.shape_cast %broadcast_in_dim3A_6 : vector<16xf32> to vector<1x16xf32>
      tpu.vector_store %arg8[%swap3A_104, %swap3A_105], %swap3A_108 {strides = array<i32>} : memref<80x128xf32, #tpu.memory_space<vmem>>, vector<1x16xf32>,
      %swap3A_109 = arith.index_cast %scan3A_84 : i32 to index
      %swap3A_110 = arith.constant 80 : index
      %swap3A_111 = tpu.vector_load %arg8[%swap3A_109, %swap3A_110] {strides = array<i32>} : memref<80x128xf32, #tpu.memory_space<vmem>>, vector<1x16xf32>,
      %swap3A_112 = vector.shape_cast %swap3A_111 : vector<1x16xf32> to vector<16xf32>
      %swap3A_113 = vector.shape_cast %broadcast_in_dim3A_6 : vector<16xf32> to vector<1x16xf32>
      tpu.vector_store %arg8[%swap3A_109, %swap3A_110], %swap3A_113 {strides = array<i32>} : memref<80x128xf32, #tpu.memory_space<vmem>>, vector<1x16xf32>,
      %swap3A_114 = arith.index_cast %scan3A_84 : i32 to index
      %swap3A_115 = arith.constant 96 : index
      %swap3A_116 = tpu.vector_load %arg8[%swap3A_114, %swap3A_115] {strides = array<i32>} : memref<80x128xf32, #tpu.memory_space<vmem>>, vector<1x16xf32>,
      %swap3A_117 = vector.shape_cast %swap3A_116 : vector<1x16xf32> to vector<16xf32>
      %swap3A_118 = vector.shape_cast %broadcast_in_dim3A_6 : vector<16xf32> to vector<1x16xf32>
      tpu.vector_store %arg8[%swap3A_114, %swap3A_115], %swap3A_118 {strides = array<i32>} : memref<80x128xf32, #tpu.memory_space<vmem>>, vector<1x16xf32>,
      %swap3A_119 = arith.index_cast %scan3A_84 : i32 to index
      %swap3A_120 = arith.constant 112 : index
      %swap3A_121 = tpu.vector_load %arg8[%swap3A_119, %swap3A_120] {strides = array<i32>} : memref<80x128xf32, #tpu.memory_space<vmem>>, vector<1x16xf32>,
      %swap3A_122 = vector.shape_cast %swap3A_121 : vector<1x16xf32> to vector<16xf32>
      %swap3A_123 = vector.shape_cast %broadcast_in_dim3A_6 : vector<16xf32> to vector<1x16xf32>
      tpu.vector_store %arg8[%swap3A_119, %swap3A_120], %swap3A_123 {strides = array<i32>} : memref<80x128xf32, #tpu.memory_space<vmem>>, vector<1x16xf32>,
    }
    %scan3A_11 = arith.constant 80 : i32
    %scan3A_12 = arith.constant 0 : i32
    %scan3A_13 = arith.constant 0 : i32
    %scan3A_14 = arith.constant 8 : i32
    %scan3A_15 = arith.addi %scan3A_13, %scan3A_14 : i32
    %scan3A_16 = arith.constant 1 : i32
    scf.for %scan3A_84 = %scan3A_13 to %scan3A_15 step %scan3A_16  : i32 {
      %mul3A_85 = arith.constant 16 : i32
      %mul3A_86 = arith.muli %scan3A_84, %mul3A_85 : i32
      %add3A_87 = arith.addi %mul3A_86, %arg1 : i32
      %lt3A = arith.constant 125 : i32
      %lt3A_88 = arith.cmpi slt, %add3A_87, %lt3A : i32
      %convert_element_type3A = arith.extui %lt3A_88 : i1 to i32
      %cond3A = arith.constant 0 : i32
      %cond3A_89 = arith.cmpi ne, %convert_element_type3A, %cond3A : i32
      scf.if %cond3A_89 {
        %mul3A_90 = arith.constant 80 : i32
        %mul3A_91 = arith.muli %add3A_87, %mul3A_90 : i32
        "tpu.region"() ({
          %run_scoped3A = tpu.sem_alloc : memref<!tpu.dma_semaphore, #tpu.memory_space<semaphore_mem>>
          %dma_start3A_92 = arith.constant 0 : i32
          %dma_start3A_93 = tpu.memref_slice %arg11[%mul3A_91, %dma_start3A_92] : memref<10000x128xf32, #tpu.memory_space<vmem_shared>> -> memref<80x128xf32, #tpu.memory_space<vmem_shared>>
          %dma_start3A_94 = arith.constant 0 : i32
          %dma_start3A_95 = tpu.memref_slice %arg11[%mul3A_91, %dma_start3A_94] : memref<10000x128xf32, #tpu.memory_space<vmem_shared>> -> memref<80x128xf32, #tpu.memory_space<vmem_shared>>
          tpu.enqueue_dma source(%arg8 : memref<80x128xf32, #tpu.memory_space<vmem>>) target(%dma_start3A_95 : memref<80x128xf32, #tpu.memory_space<vmem_shared>>) target_semaphore(%run_scoped3A : memref<!tpu.dma_semaphore, #tpu.memory_space<semaphore_mem>>)
          %dma_wait3A_96 = arith.constant 0 : i32
          %dma_wait3A_97 = tpu.memref_slice %arg11[%mul3A_91, %dma_wait3A_96] : memref<10000x128xf32, #tpu.memory_space<vmem_shared>> -> memref<80x128xf32, #tpu.memory_space<vmem_shared>>
          %dma_wait3A_98 = arith.constant 0 : i32
          %dma_wait3A_99 = tpu.memref_slice %arg11[%mul3A_91, %dma_wait3A_98] : memref<10000x128xf32, #tpu.memory_space<vmem_shared>> -> memref<80x128xf32, #tpu.memory_space<vmem_shared>>
          tpu.wait_dma2 semaphore(%run_scoped3A : memref<!tpu.dma_semaphore, #tpu.memory_space<semaphore_mem>>) src(%arg8 : memref<80x128xf32, #tpu.memory_space<vmem>>) dst(%dma_wait3A_99 : memref<80x128xf32, #tpu.memory_space<vmem_shared>>)
          tpu.yield
        }) : () -> ()
      } else {
      }
    }
    %scan3A_17 = arith.constant 8 : i32
    %dma_wait3A = tpu.memref_slice %arg3[%mul3A_2] : memref<320000xi32, #tpu.memory_space<hbm>> -> memref<10000xi32, #tpu.memory_space<hbm>>
    %dma_wait3A_18 = tpu.memref_slice %arg3[%mul3A_2] : memref<320000xi32, #tpu.memory_space<hbm>> -> memref<10000xi32, #tpu.memory_space<hbm>>
    tpu.wait_dma2 semaphore(%arg18 : memref<!tpu.dma_semaphore, #tpu.memory_space<semaphore_mem>>) src(%dma_wait3A_18 : memref<10000xi32, #tpu.memory_space<hbm>>) dst(%arg6 : memref<10000xi32, #tpu.memory_space<vmem>>)
    %dma_wait3A_19 = tpu.memref_slice %arg4[%mul3A_2] : memref<320000xi32, #tpu.memory_space<hbm>> -> memref<10000xi32, #tpu.memory_space<hbm>>
    %dma_wait3A_20 = tpu.memref_slice %arg4[%mul3A_2] : memref<320000xi32, #tpu.memory_space<hbm>> -> memref<10000xi32, #tpu.memory_space<hbm>>
    tpu.wait_dma2 semaphore(%arg19 : memref<!tpu.dma_semaphore, #tpu.memory_space<semaphore_mem>>) src(%dma_wait3A_20 : memref<10000xi32, #tpu.memory_space<hbm>>) dst(%arg7 : memref<10000xi32, #tpu.memory_space<vmem>>)
    %barrier3A = arith.constant 0 : index
    tpu.barrier barrier_id(%barrier3A)
    %dma_start3A_21 = arith.constant 0 : i32
    %dma_start3A_22 = tpu.memref_slice %arg6[%dma_start3A_21] : memref<10000xi32, #tpu.memory_space<vmem>> -> memref<80xi32, #tpu.memory_space<vmem>>
    %dma_start3A_23 = arith.constant 0 : i32
    %dma_start3A_24 = arith.constant 0 : i32
    %dma_start3A_25 = tpu.memref_slice %arg2[%dma_start3A_23, %dma_start3A_24] : memref<10000x128xf32, #tpu.memory_space<hbm>> -> memref<10000x128xf32, #tpu.memory_space<hbm>>
    tpu.enqueue_indirect_dma source(%dma_start3A_25 : memref<10000x128xf32, #tpu.memory_space<hbm>>) target(%arg8 : memref<80x128xf32, #tpu.memory_space<vmem>>) offsets(%dma_start3A_22 : memref<80xi32, #tpu.memory_space<vmem>>) semaphore(%arg12 : memref<!tpu.dma_semaphore, #tpu.memory_space<semaphore_mem>>)
    %scan3A_26 = arith.constant 0 : i32
    %scan3A_27 = arith.constant 0 : i32
    %scan3A_28 = arith.constant 41 : i32
    %scan3A_29 = arith.addi %scan3A_27, %scan3A_28 : i32
    %scan3A_30 = arith.constant 1 : i32
    scf.for %scan3A_84 = %scan3A_27 to %scan3A_29 step %scan3A_30  : i32 {
      %mul3A_85 = arith.constant 3 : i32
      %mul3A_86 = arith.muli %mul3A_85, %scan3A_84 : i32
      %add3A_87 = arith.constant 0 : i32
      %add3A_88 = arith.addi %mul3A_86, %add3A_87 : i32
      %ge3A = arith.constant 2 : i32
      %ge3A_89 = arith.cmpi sge, %add3A_88, %ge3A : i32
      %convert_element_type3A = arith.extui %ge3A_89 : i1 to i32
      %cond3A = arith.constant 0 : i32
      %cond3A_90 = arith.cmpi ne, %convert_element_type3A, %cond3A : i32
      scf.if %cond3A_90 {
        %sub3A = arith.constant 2 : i32
        %sub3A_165 = arith.subi %add3A_88, %sub3A : i32
        %mul3A_166 = arith.constant 80 : i32
        %mul3A_167 = arith.muli %sub3A_165, %mul3A_166 : i32
        %dma_wait3A_168 = tpu.memref_slice %arg7[%mul3A_167] : memref<10000xi32, #tpu.memory_space<vmem>> -> memref<80xi32, #tpu.memory_space<vmem>>
        %dma_wait3A_169 = arith.constant 0 : i32
        %dma_wait3A_170 = arith.constant 0 : i32
        %dma_wait3A_171 = tpu.memref_slice %arg11[%dma_wait3A_169, %dma_wait3A_170] : memref<10000x128xf32, #tpu.memory_space<vmem_shared>> -> memref<10000x128xf32, #tpu.memory_space<vmem_shared>>
        tpu.wait_indirect_dma semaphore(%arg16 : memref<!tpu.dma_semaphore, #tpu.memory_space<semaphore_mem>>) src(%arg9 : memref<80x128xf32, #tpu.memory_space<vmem>>) dst(%dma_wait3A_171 : memref<10000x128xf32, #tpu.memory_space<vmem_shared>>)
      } else {
      }
      %add3A_91 = arith.constant 1 : i32
      %add3A_92 = arith.addi %add3A_88, %add3A_91 : i32
      %lt3A = arith.constant 125 : i32
      %lt3A_93 = arith.cmpi slt, %add3A_92, %lt3A : i32
      %convert_element_type3A_94 = arith.extui %lt3A_93 : i1 to i32
      %cond3A_95 = arith.constant 0 : i32
      %cond3A_96 = arith.cmpi ne, %convert_element_type3A_94, %cond3A_95 : i32
      scf.if %cond3A_96 {
        %add3A_165 = arith.constant 1 : i32
        %add3A_166 = arith.addi %add3A_88, %add3A_165 : i32
        %mul3A_167 = arith.constant 80 : i32
        %mul3A_168 = arith.muli %add3A_166, %mul3A_167 : i32
        %dma_start3A_169 = tpu.memref_slice %arg6[%mul3A_168] : memref<10000xi32, #tpu.memory_space<vmem>> -> memref<80xi32, #tpu.memory_space<vmem>>
        %dma_start3A_170 = arith.constant 0 : i32
        %dma_start3A_171 = arith.constant 0 : i32
        %dma_start3A_172 = tpu.memref_slice %arg2[%dma_start3A_170, %dma_start3A_171] : memref<10000x128xf32, #tpu.memory_space<hbm>> -> memref<10000x128xf32, #tpu.memory_space<hbm>>
        tpu.enqueue_indirect_dma source(%dma_start3A_172 : memref<10000x128xf32, #tpu.memory_space<hbm>>) target(%arg9 : memref<80x128xf32, #tpu.memory_space<vmem>>) offsets(%dma_start3A_169 : memref<80xi32, #tpu.memory_space<vmem>>) semaphore(%arg13 : memref<!tpu.dma_semaphore, #tpu.memory_space<semaphore_mem>>)
      } else {
      }
      %mul3A_97 = arith.constant 80 : i32
      %mul3A_98 = arith.muli %add3A_88, %mul3A_97 : i32
      %dma_wait3A_99 = tpu.memref_slice %arg6[%mul3A_98] : memref<10000xi32, #tpu.memory_space<vmem>> -> memref<80xi32, #tpu.memory_space<vmem>>
      %dma_wait3A_100 = arith.constant 0 : i32
      %dma_wait3A_101 = arith.constant 0 : i32
      %dma_wait3A_102 = tpu.memref_slice %arg2[%dma_wait3A_100, %dma_wait3A_101] : memref<10000x128xf32, #tpu.memory_space<hbm>> -> memref<10000x128xf32, #tpu.memory_space<hbm>>
      tpu.wait_indirect_dma semaphore(%arg12 : memref<!tpu.dma_semaphore, #tpu.memory_space<semaphore_mem>>) src(%dma_wait3A_102 : memref<10000x128xf32, #tpu.memory_space<hbm>>) dst(%arg8 : memref<80x128xf32, #tpu.memory_space<vmem>>)
      %mul3A_103 = arith.constant 80 : i32
      %mul3A_104 = arith.muli %add3A_88, %mul3A_103 : i32
      %dma_start3A_105 = tpu.memref_slice %arg7[%mul3A_104] : memref<10000xi32, #tpu.memory_space<vmem>> -> memref<80xi32, #tpu.memory_space<vmem>>
      %dma_start3A_106 = arith.constant 0 : i32
      %dma_start3A_107 = arith.constant 0 : i32
      %dma_start3A_108 = tpu.memref_slice %arg11[%dma_start3A_106, %dma_start3A_107] : memref<10000x128xf32, #tpu.memory_space<vmem_shared>> -> memref<10000x128xf32, #tpu.memory_space<vmem_shared>>
      tpu.enqueue_indirect_dma source(%arg8 : memref<80x128xf32, #tpu.memory_space<vmem>>) target(%dma_start3A_108 : memref<10000x128xf32, #tpu.memory_space<vmem_shared>>) offsets(%dma_start3A_105 : memref<80xi32, #tpu.memory_space<vmem>>) semaphore(%arg15 : memref<!tpu.dma_semaphore, #tpu.memory_space<semaphore_mem>>) {add = true}
      %mul3A_109 = arith.constant 3 : i32
      %mul3A_110 = arith.muli %mul3A_109, %scan3A_84 : i32
      %add3A_111 = arith.constant 1 : i32
      %add3A_112 = arith.addi %mul3A_110, %add3A_111 : i32
      %ge3A_113 = arith.constant 2 : i32
      %ge3A_114 = arith.cmpi sge, %add3A_112, %ge3A_113 : i32
      %convert_element_type3A_115 = arith.extui %ge3A_114 : i1 to i32
      %cond3A_116 = arith.constant 0 : i32
      %cond3A_117 = arith.cmpi ne, %convert_element_type3A_115, %cond3A_116 : i32
      scf.if %cond3A_117 {
        %sub3A = arith.constant 2 : i32
        %sub3A_165 = arith.subi %add3A_112, %sub3A : i32
        %mul3A_166 = arith.constant 80 : i32
        %mul3A_167 = arith.muli %sub3A_165, %mul3A_166 : i32
        %dma_wait3A_168 = tpu.memref_slice %arg7[%mul3A_167] : memref<10000xi32, #tpu.memory_space<vmem>> -> memref<80xi32, #tpu.memory_space<vmem>>
        %dma_wait3A_169 = arith.constant 0 : i32
        %dma_wait3A_170 = arith.constant 0 : i32
        %dma_wait3A_171 = tpu.memref_slice %arg11[%dma_wait3A_169, %dma_wait3A_170] : memref<10000x128xf32, #tpu.memory_space<vmem_shared>> -> memref<10000x128xf32, #tpu.memory_space<vmem_shared>>
        tpu.wait_indirect_dma semaphore(%arg17 : memref<!tpu.dma_semaphore, #tpu.memory_space<semaphore_mem>>) src(%arg10 : memref<80x128xf32, #tpu.memory_space<vmem>>) dst(%dma_wait3A_171 : memref<10000x128xf32, #tpu.memory_space<vmem_shared>>)
      } else {
      }
      %add3A_118 = arith.constant 1 : i32
      %add3A_119 = arith.addi %add3A_112, %add3A_118 : i32
      %lt3A_120 = arith.constant 125 : i32
      %lt3A_121 = arith.cmpi slt, %add3A_119, %lt3A_120 : i32
      %convert_element_type3A_122 = arith.extui %lt3A_121 : i1 to i32
      %cond3A_123 = arith.constant 0 : i32
      %cond3A_124 = arith.cmpi ne, %convert_element_type3A_122, %cond3A_123 : i32
      scf.if %cond3A_124 {
        %add3A_165 = arith.constant 1 : i32
        %add3A_166 = arith.addi %add3A_112, %add3A_165 : i32
        %mul3A_167 = arith.constant 80 : i32
        %mul3A_168 = arith.muli %add3A_166, %mul3A_167 : i32
        %dma_start3A_169 = tpu.memref_slice %arg6[%mul3A_168] : memref<10000xi32, #tpu.memory_space<vmem>> -> memref<80xi32, #tpu.memory_space<vmem>>
        %dma_start3A_170 = arith.constant 0 : i32
        %dma_start3A_171 = arith.constant 0 : i32
        %dma_start3A_172 = tpu.memref_slice %arg2[%dma_start3A_170, %dma_start3A_171] : memref<10000x128xf32, #tpu.memory_space<hbm>> -> memref<10000x128xf32, #tpu.memory_space<hbm>>
        tpu.enqueue_indirect_dma source(%dma_start3A_172 : memref<10000x128xf32, #tpu.memory_space<hbm>>) target(%arg10 : memref<80x128xf32, #tpu.memory_space<vmem>>) offsets(%dma_start3A_169 : memref<80xi32, #tpu.memory_space<vmem>>) semaphore(%arg14 : memref<!tpu.dma_semaphore, #tpu.memory_space<semaphore_mem>>)
      } else {
      }
      %mul3A_125 = arith.constant 80 : i32
      %mul3A_126 = arith.muli %add3A_112, %mul3A_125 : i32
      %dma_wait3A_127 = tpu.memref_slice %arg6[%mul3A_126] : memref<10000xi32, #tpu.memory_space<vmem>> -> memref<80xi32, #tpu.memory_space<vmem>>
      %dma_wait3A_128 = arith.constant 0 : i32
      %dma_wait3A_129 = arith.constant 0 : i32
      %dma_wait3A_130 = tpu.memref_slice %arg2[%dma_wait3A_128, %dma_wait3A_129] : memref<10000x128xf32, #tpu.memory_space<hbm>> -> memref<10000x128xf32, #tpu.memory_space<hbm>>
      tpu.wait_indirect_dma semaphore(%arg13 : memref<!tpu.dma_semaphore, #tpu.memory_space<semaphore_mem>>) src(%dma_wait3A_130 : memref<10000x128xf32, #tpu.memory_space<hbm>>) dst(%arg9 : memref<80x128xf32, #tpu.memory_space<vmem>>)
      %mul3A_131 = arith.constant 80 : i32
      %mul3A_132 = arith.muli %add3A_112, %mul3A_131 : i32
      %dma_start3A_133 = tpu.memref_slice %arg7[%mul3A_132] : memref<10000xi32, #tpu.memory_space<vmem>> -> memref<80xi32, #tpu.memory_space<vmem>>
      %dma_start3A_134 = arith.constant 0 : i32
      %dma_start3A_135 = arith.constant 0 : i32
      %dma_start3A_136 = tpu.memref_slice %arg11[%dma_start3A_134, %dma_start3A_135] : memref<10000x128xf32, #tpu.memory_space<vmem_shared>> -> memref<10000x128xf32, #tpu.memory_space<vmem_shared>>
      tpu.enqueue_indirect_dma source(%arg9 : memref<80x128xf32, #tpu.memory_space<vmem>>) target(%dma_start3A_136 : memref<10000x128xf32, #tpu.memory_space<vmem_shared>>) offsets(%dma_start3A_133 : memref<80xi32, #tpu.memory_space<vmem>>) semaphore(%arg16 : memref<!tpu.dma_semaphore, #tpu.memory_space<semaphore_mem>>) {add = true}
      %mul3A_137 = arith.constant 3 : i32
      %mul3A_138 = arith.muli %mul3A_137, %scan3A_84 : i32
      %add3A_139 = arith.constant 2 : i32
      %add3A_140 = arith.addi %mul3A_138, %add3A_139 : i32
      %ge3A_141 = arith.constant 2 : i32
      %ge3A_142 = arith.cmpi sge, %add3A_140, %ge3A_141 : i32
      %convert_element_type3A_143 = arith.extui %ge3A_142 : i1 to i32
      %cond3A_144 = arith.constant 0 : i32
      %cond3A_145 = arith.cmpi ne, %convert_element_type3A_143, %cond3A_144 : i32
      scf.if %cond3A_145 {
        %sub3A = arith.constant 2 : i32
        %sub3A_165 = arith.subi %add3A_140, %sub3A : i32
        %mul3A_166 = arith.constant 80 : i32
        %mul3A_167 = arith.muli %sub3A_165, %mul3A_166 : i32
        %dma_wait3A_168 = tpu.memref_slice %arg7[%mul3A_167] : memref<10000xi32, #tpu.memory_space<vmem>> -> memref<80xi32, #tpu.memory_space<vmem>>
        %dma_wait3A_169 = arith.constant 0 : i32
        %dma_wait3A_170 = arith.constant 0 : i32
        %dma_wait3A_171 = tpu.memref_slice %arg11[%dma_wait3A_169, %dma_wait3A_170] : memref<10000x128xf32, #tpu.memory_space<vmem_shared>> -> memref<10000x128xf32, #tpu.memory_space<vmem_shared>>
        tpu.wait_indirect_dma semaphore(%arg15 : memref<!tpu.dma_semaphore, #tpu.memory_space<semaphore_mem>>) src(%arg8 : memref<80x128xf32, #tpu.memory_space<vmem>>) dst(%dma_wait3A_171 : memref<10000x128xf32, #tpu.memory_space<vmem_shared>>)
      } else {
      }
      %add3A_146 = arith.constant 1 : i32
      %add3A_147 = arith.addi %add3A_140, %add3A_146 : i32
      %lt3A_148 = arith.constant 125 : i32
      %lt3A_149 = arith.cmpi slt, %add3A_147, %lt3A_148 : i32
      %convert_element_type3A_150 = arith.extui %lt3A_149 : i1 to i32
      %cond3A_151 = arith.constant 0 : i32
      %cond3A_152 = arith.cmpi ne, %convert_element_type3A_150, %cond3A_151 : i32
      scf.if %cond3A_152 {
        %add3A_165 = arith.constant 1 : i32
        %add3A_166 = arith.addi %add3A_140, %add3A_165 : i32
        %mul3A_167 = arith.constant 80 : i32
        %mul3A_168 = arith.muli %add3A_166, %mul3A_167 : i32
        %dma_start3A_169 = tpu.memref_slice %arg6[%mul3A_168] : memref<10000xi32, #tpu.memory_space<vmem>> -> memref<80xi32, #tpu.memory_space<vmem>>
        %dma_start3A_170 = arith.constant 0 : i32
        %dma_start3A_171 = arith.constant 0 : i32
        %dma_start3A_172 = tpu.memref_slice %arg2[%dma_start3A_170, %dma_start3A_171] : memref<10000x128xf32, #tpu.memory_space<hbm>> -> memref<10000x128xf32, #tpu.memory_space<hbm>>
        tpu.enqueue_indirect_dma source(%dma_start3A_172 : memref<10000x128xf32, #tpu.memory_space<hbm>>) target(%arg8 : memref<80x128xf32, #tpu.memory_space<vmem>>) offsets(%dma_start3A_169 : memref<80xi32, #tpu.memory_space<vmem>>) semaphore(%arg12 : memref<!tpu.dma_semaphore, #tpu.memory_space<semaphore_mem>>)
      } else {
      }
      %mul3A_153 = arith.constant 80 : i32
      %mul3A_154 = arith.muli %add3A_140, %mul3A_153 : i32
      %dma_wait3A_155 = tpu.memref_slice %arg6[%mul3A_154] : memref<10000xi32, #tpu.memory_space<vmem>> -> memref<80xi32, #tpu.memory_space<vmem>>
      %dma_wait3A_156 = arith.constant 0 : i32
      %dma_wait3A_157 = arith.constant 0 : i32
      %dma_wait3A_158 = tpu.memref_slice %arg2[%dma_wait3A_156, %dma_wait3A_157] : memref<10000x128xf32, #tpu.memory_space<hbm>> -> memref<10000x128xf32, #tpu.memory_space<hbm>>
      tpu.wait_indirect_dma semaphore(%arg14 : memref<!tpu.dma_semaphore, #tpu.memory_space<semaphore_mem>>) src(%dma_wait3A_158 : memref<10000x128xf32, #tpu.memory_space<hbm>>) dst(%arg10 : memref<80x128xf32, #tpu.memory_space<vmem>>)
      %mul3A_159 = arith.constant 80 : i32
      %mul3A_160 = arith.muli %add3A_140, %mul3A_159 : i32
      %dma_start3A_161 = tpu.memref_slice %arg7[%mul3A_160] : memref<10000xi32, #tpu.memory_space<vmem>> -> memref<80xi32, #tpu.memory_space<vmem>>
      %dma_start3A_162 = arith.constant 0 : i32
      %dma_start3A_163 = arith.constant 0 : i32
      %dma_start3A_164 = tpu.memref_slice %arg11[%dma_start3A_162, %dma_start3A_163] : memref<10000x128xf32, #tpu.memory_space<vmem_shared>> -> memref<10000x128xf32, #tpu.memory_space<vmem_shared>>
      tpu.enqueue_indirect_dma source(%arg10 : memref<80x128xf32, #tpu.memory_space<vmem>>) target(%dma_start3A_164 : memref<10000x128xf32, #tpu.memory_space<vmem_shared>>) offsets(%dma_start3A_161 : memref<80xi32, #tpu.memory_space<vmem>>) semaphore(%arg17 : memref<!tpu.dma_semaphore, #tpu.memory_space<semaphore_mem>>) {add = true}
    }
    %scan3A_31 = arith.constant 41 : i32
    %dma_wait3A_32 = arith.constant 9680 : i32
    %dma_wait3A_33 = tpu.memref_slice %arg7[%dma_wait3A_32] : memref<10000xi32, #tpu.memory_space<vmem>> -> memref<80xi32, #tpu.memory_space<vmem>>
    %dma_wait3A_34 = arith.constant 0 : i32
    %dma_wait3A_35 = arith.constant 0 : i32
    %dma_wait3A_36 = tpu.memref_slice %arg11[%dma_wait3A_34, %dma_wait3A_35] : memref<10000x128xf32, #tpu.memory_space<vmem_shared>> -> memref<10000x128xf32, #tpu.memory_space<vmem_shared>>
    tpu.wait_indirect_dma semaphore(%arg16 : memref<!tpu.dma_semaphore, #tpu.memory_space<semaphore_mem>>) src(%arg9 : memref<80x128xf32, #tpu.memory_space<vmem>>) dst(%dma_wait3A_36 : memref<10000x128xf32, #tpu.memory_space<vmem_shared>>)
    %dma_start3A_37 = arith.constant 9920 : i32
    %dma_start3A_38 = tpu.memref_slice %arg6[%dma_start3A_37] : memref<10000xi32, #tpu.memory_space<vmem>> -> memref<80xi32, #tpu.memory_space<vmem>>
    %dma_start3A_39 = arith.constant 0 : i32
    %dma_start3A_40 = arith.constant 0 : i32
    %dma_start3A_41 = tpu.memref_slice %arg2[%dma_start3A_39, %dma_start3A_40] : memref<10000x128xf32, #tpu.memory_space<hbm>> -> memref<10000x128xf32, #tpu.memory_space<hbm>>
    tpu.enqueue_indirect_dma source(%dma_start3A_41 : memref<10000x128xf32, #tpu.memory_space<hbm>>) target(%arg9 : memref<80x128xf32, #tpu.memory_space<vmem>>) offsets(%dma_start3A_38 : memref<80xi32, #tpu.memory_space<vmem>>) semaphore(%arg13 : memref<!tpu.dma_semaphore, #tpu.memory_space<semaphore_mem>>)
    %dma_wait3A_42 = arith.constant 9840 : i32
    %dma_wait3A_43 = tpu.memref_slice %arg6[%dma_wait3A_42] : memref<10000xi32, #tpu.memory_space<vmem>> -> memref<80xi32, #tpu.memory_space<vmem>>
    %dma_wait3A_44 = arith.constant 0 : i32
    %dma_wait3A_45 = arith.constant 0 : i32
    %dma_wait3A_46 = tpu.memref_slice %arg2[%dma_wait3A_44, %dma_wait3A_45] : memref<10000x128xf32, #tpu.memory_space<hbm>> -> memref<10000x128xf32, #tpu.memory_space<hbm>>
    tpu.wait_indirect_dma semaphore(%arg12 : memref<!tpu.dma_semaphore, #tpu.memory_space<semaphore_mem>>) src(%dma_wait3A_46 : memref<10000x128xf32, #tpu.memory_space<hbm>>) dst(%arg8 : memref<80x128xf32, #tpu.memory_space<vmem>>)
    %dma_start3A_47 = arith.constant 9840 : i32
    %dma_start3A_48 = tpu.memref_slice %arg7[%dma_start3A_47] : memref<10000xi32, #tpu.memory_space<vmem>> -> memref<80xi32, #tpu.memory_space<vmem>>
    %dma_start3A_49 = arith.constant 0 : i32
    %dma_start3A_50 = arith.constant 0 : i32
    %dma_start3A_51 = tpu.memref_slice %arg11[%dma_start3A_49, %dma_start3A_50] : memref<10000x128xf32, #tpu.memory_space<vmem_shared>> -> memref<10000x128xf32, #tpu.memory_space<vmem_shared>>
    tpu.enqueue_indirect_dma source(%arg8 : memref<80x128xf32, #tpu.memory_space<vmem>>) target(%dma_start3A_51 : memref<10000x128xf32, #tpu.memory_space<vmem_shared>>) offsets(%dma_start3A_48 : memref<80xi32, #tpu.memory_space<vmem>>) semaphore(%arg15 : memref<!tpu.dma_semaphore, #tpu.memory_space<semaphore_mem>>) {add = true}
    %dma_wait3A_52 = arith.constant 9760 : i32
    %dma_wait3A_53 = tpu.memref_slice %arg7[%dma_wait3A_52] : memref<10000xi32, #tpu.memory_space<vmem>> -> memref<80xi32, #tpu.memory_space<vmem>>
    %dma_wait3A_54 = arith.constant 0 : i32
    %dma_wait3A_55 = arith.constant 0 : i32
    %dma_wait3A_56 = tpu.memref_slice %arg11[%dma_wait3A_54, %dma_wait3A_55] : memref<10000x128xf32, #tpu.memory_space<vmem_shared>> -> memref<10000x128xf32, #tpu.memory_space<vmem_shared>>
    tpu.wait_indirect_dma semaphore(%arg17 : memref<!tpu.dma_semaphore, #tpu.memory_space<semaphore_mem>>) src(%arg10 : memref<80x128xf32, #tpu.memory_space<vmem>>) dst(%dma_wait3A_56 : memref<10000x128xf32, #tpu.memory_space<vmem_shared>>)
    %dma_wait3A_57 = arith.constant 9920 : i32
    %dma_wait3A_58 = tpu.memref_slice %arg6[%dma_wait3A_57] : memref<10000xi32, #tpu.memory_space<vmem>> -> memref<80xi32, #tpu.memory_space<vmem>>
    %dma_wait3A_59 = arith.constant 0 : i32
    %dma_wait3A_60 = arith.constant 0 : i32
    %dma_wait3A_61 = tpu.memref_slice %arg2[%dma_wait3A_59, %dma_wait3A_60] : memref<10000x128xf32, #tpu.memory_space<hbm>> -> memref<10000x128xf32, #tpu.memory_space<hbm>>
    tpu.wait_indirect_dma semaphore(%arg13 : memref<!tpu.dma_semaphore, #tpu.memory_space<semaphore_mem>>) src(%dma_wait3A_61 : memref<10000x128xf32, #tpu.memory_space<hbm>>) dst(%arg9 : memref<80x128xf32, #tpu.memory_space<vmem>>)
    %dma_start3A_62 = arith.constant 9920 : i32
    %dma_start3A_63 = tpu.memref_slice %arg7[%dma_start3A_62] : memref<10000xi32, #tpu.memory_space<vmem>> -> memref<80xi32, #tpu.memory_space<vmem>>
    %dma_start3A_64 = arith.constant 0 : i32
    %dma_start3A_65 = arith.constant 0 : i32
    %dma_start3A_66 = tpu.memref_slice %arg11[%dma_start3A_64, %dma_start3A_65] : memref<10000x128xf32, #tpu.memory_space<vmem_shared>> -> memref<10000x128xf32, #tpu.memory_space<vmem_shared>>
    tpu.enqueue_indirect_dma source(%arg9 : memref<80x128xf32, #tpu.memory_space<vmem>>) target(%dma_start3A_66 : memref<10000x128xf32, #tpu.memory_space<vmem_shared>>) offsets(%dma_start3A_63 : memref<80xi32, #tpu.memory_space<vmem>>) semaphore(%arg16 : memref<!tpu.dma_semaphore, #tpu.memory_space<semaphore_mem>>) {add = true}
    %dma_wait3A_67 = arith.constant 9840 : i32
    %dma_wait3A_68 = tpu.memref_slice %arg7[%dma_wait3A_67] : memref<10000xi32, #tpu.memory_space<vmem>> -> memref<80xi32, #tpu.memory_space<vmem>>
    %dma_wait3A_69 = arith.constant 0 : i32
    %dma_wait3A_70 = arith.constant 0 : i32
    %dma_wait3A_71 = tpu.memref_slice %arg11[%dma_wait3A_69, %dma_wait3A_70] : memref<10000x128xf32, #tpu.memory_space<vmem_shared>> -> memref<10000x128xf32, #tpu.memory_space<vmem_shared>>
    tpu.wait_indirect_dma semaphore(%arg15 : memref<!tpu.dma_semaphore, #tpu.memory_space<semaphore_mem>>) src(%arg8 : memref<80x128xf32, #tpu.memory_space<vmem>>) dst(%dma_wait3A_71 : memref<10000x128xf32, #tpu.memory_space<vmem_shared>>)
    %dma_wait3A_72 = arith.constant 9920 : i32
    %dma_wait3A_73 = tpu.memref_slice %arg7[%dma_wait3A_72] : memref<10000xi32, #tpu.memory_space<vmem>> -> memref<80xi32, #tpu.memory_space<vmem>>
    %dma_wait3A_74 = arith.constant 0 : i32
    %dma_wait3A_75 = arith.constant 0 : i32
    %dma_wait3A_76 = tpu.memref_slice %arg11[%dma_wait3A_74, %dma_wait3A_75] : memref<10000x128xf32, #tpu.memory_space<vmem_shared>> -> memref<10000x128xf32, #tpu.memory_space<vmem_shared>>
    tpu.wait_indirect_dma semaphore(%arg16 : memref<!tpu.dma_semaphore, #tpu.memory_space<semaphore_mem>>) src(%arg9 : memref<80x128xf32, #tpu.memory_space<vmem>>) dst(%dma_wait3A_76 : memref<10000x128xf32, #tpu.memory_space<vmem_shared>>)
    %barrier3A_77 = arith.constant 0 : index
    tpu.barrier barrier_id(%barrier3A_77)
    %scan3A_78 = arith.constant 0 : i32
    %scan3A_79 = arith.constant 0 : i32
    %scan3A_80 = arith.constant 8 : i32
    %scan3A_81 = arith.addi %scan3A_79, %scan3A_80 : i32
    %scan3A_82 = arith.constant 1 : i32
    scf.for %scan3A_84 = %scan3A_79 to %scan3A_81 step %scan3A_82  : i32 {
      %mul3A_85 = arith.constant 16 : i32
      %mul3A_86 = arith.muli %scan3A_84, %mul3A_85 : i32
      %add3A_87 = arith.addi %mul3A_86, %arg1 : i32
      %lt3A = arith.constant 125 : i32
      %lt3A_88 = arith.cmpi slt, %add3A_87, %lt3A : i32
      %convert_element_type3A = arith.extui %lt3A_88 : i1 to i32
      %cond3A = arith.constant 0 : i32
      %cond3A_89 = arith.cmpi ne, %convert_element_type3A, %cond3A : i32
      scf.if %cond3A_89 {
        %mul3A_90 = arith.constant 80 : i32
        %mul3A_91 = arith.muli %add3A_87, %mul3A_90 : i32
        %mul3A_92 = arith.constant 80 : i32
        %mul3A_93 = arith.muli %add3A_87, %mul3A_92 : i32
        "tpu.region"() ({
          %run_scoped3A = tpu.sem_alloc : memref<!tpu.dma_semaphore, #tpu.memory_space<semaphore_mem>>
          %dma_start3A_94 = arith.constant 0 : i32
          %dma_start3A_95 = arith.constant 0 : i32
          %dma_start3A_96 = tpu.memref_slice %arg5[%arg0, %dma_start3A_94, %dma_start3A_95] : memref<2x10000x128xf32, #tpu.memory_space<hbm>> -> memref<1x10000x128xf32, #tpu.memory_space<hbm>>
          %dma_start3A_97 = tpu.memref_squeeze %dma_start3A_96 : memref<1x10000x128xf32, #tpu.memory_space<hbm>> -> memref<10000x128xf32, #tpu.memory_space<hbm>>
          %dma_start3A_98 = arith.constant 0 : i32
          %dma_start3A_99 = tpu.memref_slice %dma_start3A_97[%mul3A_93, %dma_start3A_98] : memref<10000x128xf32, #tpu.memory_space<hbm>> -> memref<80x128xf32, #tpu.memory_space<hbm>>
          %dma_start3A_100 = arith.constant 0 : i32
          %dma_start3A_101 = tpu.memref_slice %arg11[%mul3A_91, %dma_start3A_100] : memref<10000x128xf32, #tpu.memory_space<vmem_shared>> -> memref<80x128xf32, #tpu.memory_space<vmem_shared>>
          tpu.enqueue_dma source(%dma_start3A_101 : memref<80x128xf32, #tpu.memory_space<vmem_shared>>) target(%dma_start3A_99 : memref<80x128xf32, #tpu.memory_space<hbm>>) target_semaphore(%run_scoped3A : memref<!tpu.dma_semaphore, #tpu.memory_space<semaphore_mem>>)
          %dma_wait3A_102 = arith.constant 0 : i32
          %dma_wait3A_103 = arith.constant 0 : i32
          %dma_wait3A_104 = tpu.memref_slice %arg5[%arg0, %dma_wait3A_102, %dma_wait3A_103] : memref<2x10000x128xf32, #tpu.memory_space<hbm>> -> memref<1x10000x128xf32, #tpu.memory_space<hbm>>
          %dma_wait3A_105 = tpu.memref_squeeze %dma_wait3A_104 : memref<1x10000x128xf32, #tpu.memory_space<hbm>> -> memref<10000x128xf32, #tpu.memory_space<hbm>>
          %dma_wait3A_106 = arith.constant 0 : i32
          %dma_wait3A_107 = tpu.memref_slice %dma_wait3A_105[%mul3A_93, %dma_wait3A_106] : memref<10000x128xf32, #tpu.memory_space<hbm>> -> memref<80x128xf32, #tpu.memory_space<hbm>>
          %dma_wait3A_108 = arith.constant 0 : i32
          %dma_wait3A_109 = tpu.memref_slice %arg11[%mul3A_91, %dma_wait3A_108] : memref<10000x128xf32, #tpu.memory_space<vmem_shared>> -> memref<80x128xf32, #tpu.memory_space<vmem_shared>>
          tpu.wait_dma2 semaphore(%run_scoped3A : memref<!tpu.dma_semaphore, #tpu.memory_space<semaphore_mem>>) src(%dma_wait3A_109 : memref<80x128xf32, #tpu.memory_space<vmem_shared>>) dst(%dma_wait3A_107 : memref<80x128xf32, #tpu.memory_space<hbm>>)
          tpu.yield
        }) : () -> ()
      } else {
      }
    }
    %scan3A_83 = arith.constant 8 : i32
    return
  }
}

#map = affine_map<(d0, d1) -> (0)>
module attributes {stable_mosaic.version = 14 : i64} {
  func.func @_deg_body(%arg0: i32, %arg1: i32, %arg2: memref<320000xi32, #tpu.memory_space<hbm>>, %arg3: memref<320000xi32, #tpu.memory_space<hbm>>, %arg4: memref<10240xf32, #tpu.memory_space<hbm>>, %arg5: memref<10240xf32, #tpu.memory_space<hbm>>, %arg6: memref<20000xi32, #tpu.memory_space<vmem>>, %arg7: memref<20000xi32, #tpu.memory_space<vmem>>, %arg8: memref<80xf32, #tpu.memory_space<vmem>>, %arg9: memref<640xf32, #tpu.memory_space<vmem>>, %arg10: memref<320xf32, #tpu.memory_space<vmem>>, %arg11: memref<10240xf32, #tpu.memory_space<vmem_shared>>, %arg12: memref<10240xf32, #tpu.memory_space<vmem_shared>>, %arg13: memref<!tpu.dma_semaphore, #tpu.memory_space<semaphore_mem>>, %arg14: memref<!tpu.dma_semaphore, #tpu.memory_space<semaphore_mem>>, %arg15: memref<!tpu.dma_semaphore, #tpu.memory_space<semaphore_mem>>, %arg16: memref<!tpu.dma_semaphore, #tpu.memory_space<semaphore_mem>>) attributes {dimension_semantics = [#tpu.dimension_semantics<core_parallel>, #tpu.dimension_semantics<subcore_parallel>], iteration_bounds = array<i64: 2, 16>, scalar_prefetch = 0 : i64, scratch_operands = 11 : i64, tpu.core_type = #tpu.core_type<sc_vector_subcore>, window_params = [{transform_indices = #map}, {transform_indices = #map}, {transform_indices = #map}, {transform_indices = #map}]} {
    %mul3A = arith.constant 20000 : i32
    %mul3A_0 = arith.muli %arg1, %mul3A : i32
    %dma_start3A = tpu.memref_slice %arg2[%mul3A_0] : memref<320000xi32, #tpu.memory_space<hbm>> -> memref<20000xi32, #tpu.memory_space<hbm>>
    %dma_start3A_1 = tpu.memref_slice %arg2[%mul3A_0] : memref<320000xi32, #tpu.memory_space<hbm>> -> memref<20000xi32, #tpu.memory_space<hbm>>
    tpu.enqueue_dma source(%dma_start3A_1 : memref<20000xi32, #tpu.memory_space<hbm>>) target(%arg6 : memref<20000xi32, #tpu.memory_space<vmem>>) target_semaphore(%arg13 : memref<!tpu.dma_semaphore, #tpu.memory_space<semaphore_mem>>)
    %mul3A_2 = arith.constant 20000 : i32
    %mul3A_3 = arith.muli %arg1, %mul3A_2 : i32
    %dma_start3A_4 = tpu.memref_slice %arg3[%mul3A_3] : memref<320000xi32, #tpu.memory_space<hbm>> -> memref<20000xi32, #tpu.memory_space<hbm>>
    %dma_start3A_5 = tpu.memref_slice %arg3[%mul3A_3] : memref<320000xi32, #tpu.memory_space<hbm>> -> memref<20000xi32, #tpu.memory_space<hbm>>
    tpu.enqueue_dma source(%dma_start3A_5 : memref<20000xi32, #tpu.memory_space<hbm>>) target(%arg7 : memref<20000xi32, #tpu.memory_space<vmem>>) target_semaphore(%arg14 : memref<!tpu.dma_semaphore, #tpu.memory_space<semaphore_mem>>)
    %broadcast_in_dim3A = arith.constant 0.000000e+00 : f32
    %broadcast_in_dim3A_6 = vector.broadcast %broadcast_in_dim3A : f32 to vector<16xf32>
    %broadcast_in_dim3A_7 = arith.constant 1.000000e+00 : f32
    %broadcast_in_dim3A_8 = vector.broadcast %broadcast_in_dim3A_7 : f32 to vector<16xf32>
    %swap3A = arith.constant 0 : index
    %swap3A_9 = tpu.vector_load %arg8[%swap3A] {strides = array<i32>} : memref<80xf32, #tpu.memory_space<vmem>>, vector<16xf32>,
    %swap3A_10 = vector.shape_cast %swap3A_9 : vector<16xf32> to vector<16xf32>
    %swap3A_11 = vector.shape_cast %broadcast_in_dim3A_8 : vector<16xf32> to vector<16xf32>
    tpu.vector_store %arg8[%swap3A], %swap3A_11 {strides = array<i32>} : memref<80xf32, #tpu.memory_space<vmem>>, vector<16xf32>,
    %swap3A_12 = arith.constant 16 : index
    %swap3A_13 = tpu.vector_load %arg8[%swap3A_12] {strides = array<i32>} : memref<80xf32, #tpu.memory_space<vmem>>, vector<16xf32>,
    %swap3A_14 = vector.shape_cast %swap3A_13 : vector<16xf32> to vector<16xf32>
    %swap3A_15 = vector.shape_cast %broadcast_in_dim3A_8 : vector<16xf32> to vector<16xf32>
    tpu.vector_store %arg8[%swap3A_12], %swap3A_15 {strides = array<i32>} : memref<80xf32, #tpu.memory_space<vmem>>, vector<16xf32>,
    %swap3A_16 = arith.constant 32 : index
    %swap3A_17 = tpu.vector_load %arg8[%swap3A_16] {strides = array<i32>} : memref<80xf32, #tpu.memory_space<vmem>>, vector<16xf32>,
    %swap3A_18 = vector.shape_cast %swap3A_17 : vector<16xf32> to vector<16xf32>
    %swap3A_19 = vector.shape_cast %broadcast_in_dim3A_8 : vector<16xf32> to vector<16xf32>
    tpu.vector_store %arg8[%swap3A_16], %swap3A_19 {strides = array<i32>} : memref<80xf32, #tpu.memory_space<vmem>>, vector<16xf32>,
    %swap3A_20 = arith.constant 48 : index
    %swap3A_21 = tpu.vector_load %arg8[%swap3A_20] {strides = array<i32>} : memref<80xf32, #tpu.memory_space<vmem>>, vector<16xf32>,
    %swap3A_22 = vector.shape_cast %swap3A_21 : vector<16xf32> to vector<16xf32>
    %swap3A_23 = vector.shape_cast %broadcast_in_dim3A_8 : vector<16xf32> to vector<16xf32>
    tpu.vector_store %arg8[%swap3A_20], %swap3A_23 {strides = array<i32>} : memref<80xf32, #tpu.memory_space<vmem>>, vector<16xf32>,
    %swap3A_24 = arith.constant 64 : index
    %swap3A_25 = tpu.vector_load %arg8[%swap3A_24] {strides = array<i32>} : memref<80xf32, #tpu.memory_space<vmem>>, vector<16xf32>,
    %swap3A_26 = vector.shape_cast %swap3A_25 : vector<16xf32> to vector<16xf32>
    %swap3A_27 = vector.shape_cast %broadcast_in_dim3A_8 : vector<16xf32> to vector<16xf32>
    tpu.vector_store %arg8[%swap3A_24], %swap3A_27 {strides = array<i32>} : memref<80xf32, #tpu.memory_space<vmem>>, vector<16xf32>,
    %swap3A_28 = arith.constant 0 : index
    %swap3A_29 = tpu.vector_load %arg9[%swap3A_28] {strides = array<i32>} : memref<640xf32, #tpu.memory_space<vmem>>, vector<16xf32>,
    %swap3A_30 = vector.shape_cast %swap3A_29 : vector<16xf32> to vector<16xf32>
    %swap3A_31 = vector.shape_cast %broadcast_in_dim3A_6 : vector<16xf32> to vector<16xf32>
    tpu.vector_store %arg9[%swap3A_28], %swap3A_31 {strides = array<i32>} : memref<640xf32, #tpu.memory_space<vmem>>, vector<16xf32>,
    %swap3A_32 = arith.constant 16 : index
    %swap3A_33 = tpu.vector_load %arg9[%swap3A_32] {strides = array<i32>} : memref<640xf32, #tpu.memory_space<vmem>>, vector<16xf32>,
    %swap3A_34 = vector.shape_cast %swap3A_33 : vector<16xf32> to vector<16xf32>
    %swap3A_35 = vector.shape_cast %broadcast_in_dim3A_6 : vector<16xf32> to vector<16xf32>
    tpu.vector_store %arg9[%swap3A_32], %swap3A_35 {strides = array<i32>} : memref<640xf32, #tpu.memory_space<vmem>>, vector<16xf32>,
    %swap3A_36 = arith.constant 32 : index
    %swap3A_37 = tpu.vector_load %arg9[%swap3A_36] {strides = array<i32>} : memref<640xf32, #tpu.memory_space<vmem>>, vector<16xf32>,
    %swap3A_38 = vector.shape_cast %swap3A_37 : vector<16xf32> to vector<16xf32>
    %swap3A_39 = vector.shape_cast %broadcast_in_dim3A_6 : vector<16xf32> to vector<16xf32>
    tpu.vector_store %arg9[%swap3A_36], %swap3A_39 {strides = array<i32>} : memref<640xf32, #tpu.memory_space<vmem>>, vector<16xf32>,
    %swap3A_40 = arith.constant 48 : index
    %swap3A_41 = tpu.vector_load %arg9[%swap3A_40] {strides = array<i32>} : memref<640xf32, #tpu.memory_space<vmem>>, vector<16xf32>,
    %swap3A_42 = vector.shape_cast %swap3A_41 : vector<16xf32> to vector<16xf32>
    %swap3A_43 = vector.shape_cast %broadcast_in_dim3A_6 : vector<16xf32> to vector<16xf32>
    tpu.vector_store %arg9[%swap3A_40], %swap3A_43 {strides = array<i32>} : memref<640xf32, #tpu.memory_space<vmem>>, vector<16xf32>,
    %swap3A_44 = arith.constant 64 : index
    %swap3A_45 = tpu.vector_load %arg9[%swap3A_44] {strides = array<i32>} : memref<640xf32, #tpu.memory_space<vmem>>, vector<16xf32>,
    %swap3A_46 = vector.shape_cast %swap3A_45 : vector<16xf32> to vector<16xf32>
    %swap3A_47 = vector.shape_cast %broadcast_in_dim3A_6 : vector<16xf32> to vector<16xf32>
    tpu.vector_store %arg9[%swap3A_44], %swap3A_47 {strides = array<i32>} : memref<640xf32, #tpu.memory_space<vmem>>, vector<16xf32>,
    %swap3A_48 = arith.constant 80 : index
    %swap3A_49 = tpu.vector_load %arg9[%swap3A_48] {strides = array<i32>} : memref<640xf32, #tpu.memory_space<vmem>>, vector<16xf32>,
    %swap3A_50 = vector.shape_cast %swap3A_49 : vector<16xf32> to vector<16xf32>
    %swap3A_51 = vector.shape_cast %broadcast_in_dim3A_6 : vector<16xf32> to vector<16xf32>
    tpu.vector_store %arg9[%swap3A_48], %swap3A_51 {strides = array<i32>} : memref<640xf32, #tpu.memory_space<vmem>>, vector<16xf32>,
    %swap3A_52 = arith.constant 96 : index
    %swap3A_53 = tpu.vector_load %arg9[%swap3A_52] {strides = array<i32>} : memref<640xf32, #tpu.memory_space<vmem>>, vector<16xf32>,
    %swap3A_54 = vector.shape_cast %swap3A_53 : vector<16xf32> to vector<16xf32>
    %swap3A_55 = vector.shape_cast %broadcast_in_dim3A_6 : vector<16xf32> to vector<16xf32>
    tpu.vector_store %arg9[%swap3A_52], %swap3A_55 {strides = array<i32>} : memref<640xf32, #tpu.memory_space<vmem>>, vector<16xf32>,
    %swap3A_56 = arith.constant 112 : index
    %swap3A_57 = tpu.vector_load %arg9[%swap3A_56] {strides = array<i32>} : memref<640xf32, #tpu.memory_space<vmem>>, vector<16xf32>,
    %swap3A_58 = vector.shape_cast %swap3A_57 : vector<16xf32> to vector<16xf32>
    %swap3A_59 = vector.shape_cast %broadcast_in_dim3A_6 : vector<16xf32> to vector<16xf32>
    tpu.vector_store %arg9[%swap3A_56], %swap3A_59 {strides = array<i32>} : memref<640xf32, #tpu.memory_space<vmem>>, vector<16xf32>,
    %swap3A_60 = arith.constant 128 : index
    %swap3A_61 = tpu.vector_load %arg9[%swap3A_60] {strides = array<i32>} : memref<640xf32, #tpu.memory_space<vmem>>, vector<16xf32>,
    %swap3A_62 = vector.shape_cast %swap3A_61 : vector<16xf32> to vector<16xf32>
    %swap3A_63 = vector.shape_cast %broadcast_in_dim3A_6 : vector<16xf32> to vector<16xf32>
    tpu.vector_store %arg9[%swap3A_60], %swap3A_63 {strides = array<i32>} : memref<640xf32, #tpu.memory_space<vmem>>, vector<16xf32>,
    %swap3A_64 = arith.constant 144 : index
    %swap3A_65 = tpu.vector_load %arg9[%swap3A_64] {strides = array<i32>} : memref<640xf32, #tpu.memory_space<vmem>>, vector<16xf32>,
    %swap3A_66 = vector.shape_cast %swap3A_65 : vector<16xf32> to vector<16xf32>
    %swap3A_67 = vector.shape_cast %broadcast_in_dim3A_6 : vector<16xf32> to vector<16xf32>
    tpu.vector_store %arg9[%swap3A_64], %swap3A_67 {strides = array<i32>} : memref<640xf32, #tpu.memory_space<vmem>>, vector<16xf32>,
    %swap3A_68 = arith.constant 160 : index
    %swap3A_69 = tpu.vector_load %arg9[%swap3A_68] {strides = array<i32>} : memref<640xf32, #tpu.memory_space<vmem>>, vector<16xf32>,
    %swap3A_70 = vector.shape_cast %swap3A_69 : vector<16xf32> to vector<16xf32>
    %swap3A_71 = vector.shape_cast %broadcast_in_dim3A_6 : vector<16xf32> to vector<16xf32>
    tpu.vector_store %arg9[%swap3A_68], %swap3A_71 {strides = array<i32>} : memref<640xf32, #tpu.memory_space<vmem>>, vector<16xf32>,
    %swap3A_72 = arith.constant 176 : index
    %swap3A_73 = tpu.vector_load %arg9[%swap3A_72] {strides = array<i32>} : memref<640xf32, #tpu.memory_space<vmem>>, vector<16xf32>,
    %swap3A_74 = vector.shape_cast %swap3A_73 : vector<16xf32> to vector<16xf32>
    %swap3A_75 = vector.shape_cast %broadcast_in_dim3A_6 : vector<16xf32> to vector<16xf32>
    tpu.vector_store %arg9[%swap3A_72], %swap3A_75 {strides = array<i32>} : memref<640xf32, #tpu.memory_space<vmem>>, vector<16xf32>,
    %swap3A_76 = arith.constant 192 : index
    %swap3A_77 = tpu.vector_load %arg9[%swap3A_76] {strides = array<i32>} : memref<640xf32, #tpu.memory_space<vmem>>, vector<16xf32>,
    %swap3A_78 = vector.shape_cast %swap3A_77 : vector<16xf32> to vector<16xf32>
    %swap3A_79 = vector.shape_cast %broadcast_in_dim3A_6 : vector<16xf32> to vector<16xf32>
    tpu.vector_store %arg9[%swap3A_76], %swap3A_79 {strides = array<i32>} : memref<640xf32, #tpu.memory_space<vmem>>, vector<16xf32>,
    %swap3A_80 = arith.constant 208 : index
    %swap3A_81 = tpu.vector_load %arg9[%swap3A_80] {strides = array<i32>} : memref<640xf32, #tpu.memory_space<vmem>>, vector<16xf32>,
    %swap3A_82 = vector.shape_cast %swap3A_81 : vector<16xf32> to vector<16xf32>
    %swap3A_83 = vector.shape_cast %broadcast_in_dim3A_6 : vector<16xf32> to vector<16xf32>
    tpu.vector_store %arg9[%swap3A_80], %swap3A_83 {strides = array<i32>} : memref<640xf32, #tpu.memory_space<vmem>>, vector<16xf32>,
    %swap3A_84 = arith.constant 224 : index
    %swap3A_85 = tpu.vector_load %arg9[%swap3A_84] {strides = array<i32>} : memref<640xf32, #tpu.memory_space<vmem>>, vector<16xf32>,
    %swap3A_86 = vector.shape_cast %swap3A_85 : vector<16xf32> to vector<16xf32>
    %swap3A_87 = vector.shape_cast %broadcast_in_dim3A_6 : vector<16xf32> to vector<16xf32>
    tpu.vector_store %arg9[%swap3A_84], %swap3A_87 {strides = array<i32>} : memref<640xf32, #tpu.memory_space<vmem>>, vector<16xf32>,
    %swap3A_88 = arith.constant 240 : index
    %swap3A_89 = tpu.vector_load %arg9[%swap3A_88] {strides = array<i32>} : memref<640xf32, #tpu.memory_space<vmem>>, vector<16xf32>,
    %swap3A_90 = vector.shape_cast %swap3A_89 : vector<16xf32> to vector<16xf32>
    %swap3A_91 = vector.shape_cast %broadcast_in_dim3A_6 : vector<16xf32> to vector<16xf32>
    tpu.vector_store %arg9[%swap3A_88], %swap3A_91 {strides = array<i32>} : memref<640xf32, #tpu.memory_space<vmem>>, vector<16xf32>,
    %swap3A_92 = arith.constant 256 : index
    %swap3A_93 = tpu.vector_load %arg9[%swap3A_92] {strides = array<i32>} : memref<640xf32, #tpu.memory_space<vmem>>, vector<16xf32>,
    %swap3A_94 = vector.shape_cast %swap3A_93 : vector<16xf32> to vector<16xf32>
    %swap3A_95 = vector.shape_cast %broadcast_in_dim3A_6 : vector<16xf32> to vector<16xf32>
    tpu.vector_store %arg9[%swap3A_92], %swap3A_95 {strides = array<i32>} : memref<640xf32, #tpu.memory_space<vmem>>, vector<16xf32>,
    %swap3A_96 = arith.constant 272 : index
    %swap3A_97 = tpu.vector_load %arg9[%swap3A_96] {strides = array<i32>} : memref<640xf32, #tpu.memory_space<vmem>>, vector<16xf32>,
    %swap3A_98 = vector.shape_cast %swap3A_97 : vector<16xf32> to vector<16xf32>
    %swap3A_99 = vector.shape_cast %broadcast_in_dim3A_6 : vector<16xf32> to vector<16xf32>
    tpu.vector_store %arg9[%swap3A_96], %swap3A_99 {strides = array<i32>} : memref<640xf32, #tpu.memory_space<vmem>>, vector<16xf32>,
    %swap3A_100 = arith.constant 288 : index
    %swap3A_101 = tpu.vector_load %arg9[%swap3A_100] {strides = array<i32>} : memref<640xf32, #tpu.memory_space<vmem>>, vector<16xf32>,
    %swap3A_102 = vector.shape_cast %swap3A_101 : vector<16xf32> to vector<16xf32>
    %swap3A_103 = vector.shape_cast %broadcast_in_dim3A_6 : vector<16xf32> to vector<16xf32>
    tpu.vector_store %arg9[%swap3A_100], %swap3A_103 {strides = array<i32>} : memref<640xf32, #tpu.memory_space<vmem>>, vector<16xf32>,
    %swap3A_104 = arith.constant 304 : index
    %swap3A_105 = tpu.vector_load %arg9[%swap3A_104] {strides = array<i32>} : memref<640xf32, #tpu.memory_space<vmem>>, vector<16xf32>,
    %swap3A_106 = vector.shape_cast %swap3A_105 : vector<16xf32> to vector<16xf32>
    %swap3A_107 = vector.shape_cast %broadcast_in_dim3A_6 : vector<16xf32> to vector<16xf32>
    tpu.vector_store %arg9[%swap3A_104], %swap3A_107 {strides = array<i32>} : memref<640xf32, #tpu.memory_space<vmem>>, vector<16xf32>,
    %swap3A_108 = arith.constant 320 : index
    %swap3A_109 = tpu.vector_load %arg9[%swap3A_108] {strides = array<i32>} : memref<640xf32, #tpu.memory_space<vmem>>, vector<16xf32>,
    %swap3A_110 = vector.shape_cast %swap3A_109 : vector<16xf32> to vector<16xf32>
    %swap3A_111 = vector.shape_cast %broadcast_in_dim3A_6 : vector<16xf32> to vector<16xf32>
    tpu.vector_store %arg9[%swap3A_108], %swap3A_111 {strides = array<i32>} : memref<640xf32, #tpu.memory_space<vmem>>, vector<16xf32>,
    %swap3A_112 = arith.constant 336 : index
    %swap3A_113 = tpu.vector_load %arg9[%swap3A_112] {strides = array<i32>} : memref<640xf32, #tpu.memory_space<vmem>>, vector<16xf32>,
    %swap3A_114 = vector.shape_cast %swap3A_113 : vector<16xf32> to vector<16xf32>
    %swap3A_115 = vector.shape_cast %broadcast_in_dim3A_6 : vector<16xf32> to vector<16xf32>
    tpu.vector_store %arg9[%swap3A_112], %swap3A_115 {strides = array<i32>} : memref<640xf32, #tpu.memory_space<vmem>>, vector<16xf32>,
    %swap3A_116 = arith.constant 352 : index
    %swap3A_117 = tpu.vector_load %arg9[%swap3A_116] {strides = array<i32>} : memref<640xf32, #tpu.memory_space<vmem>>, vector<16xf32>,
    %swap3A_118 = vector.shape_cast %swap3A_117 : vector<16xf32> to vector<16xf32>
    %swap3A_119 = vector.shape_cast %broadcast_in_dim3A_6 : vector<16xf32> to vector<16xf32>
    tpu.vector_store %arg9[%swap3A_116], %swap3A_119 {strides = array<i32>} : memref<640xf32, #tpu.memory_space<vmem>>, vector<16xf32>,
    %swap3A_120 = arith.constant 368 : index
    %swap3A_121 = tpu.vector_load %arg9[%swap3A_120] {strides = array<i32>} : memref<640xf32, #tpu.memory_space<vmem>>, vector<16xf32>,
    %swap3A_122 = vector.shape_cast %swap3A_121 : vector<16xf32> to vector<16xf32>
    %swap3A_123 = vector.shape_cast %broadcast_in_dim3A_6 : vector<16xf32> to vector<16xf32>
    tpu.vector_store %arg9[%swap3A_120], %swap3A_123 {strides = array<i32>} : memref<640xf32, #tpu.memory_space<vmem>>, vector<16xf32>,
    %swap3A_124 = arith.constant 384 : index
    %swap3A_125 = tpu.vector_load %arg9[%swap3A_124] {strides = array<i32>} : memref<640xf32, #tpu.memory_space<vmem>>, vector<16xf32>,
    %swap3A_126 = vector.shape_cast %swap3A_125 : vector<16xf32> to vector<16xf32>
    %swap3A_127 = vector.shape_cast %broadcast_in_dim3A_6 : vector<16xf32> to vector<16xf32>
    tpu.vector_store %arg9[%swap3A_124], %swap3A_127 {strides = array<i32>} : memref<640xf32, #tpu.memory_space<vmem>>, vector<16xf32>,
    %swap3A_128 = arith.constant 400 : index
    %swap3A_129 = tpu.vector_load %arg9[%swap3A_128] {strides = array<i32>} : memref<640xf32, #tpu.memory_space<vmem>>, vector<16xf32>,
    %swap3A_130 = vector.shape_cast %swap3A_129 : vector<16xf32> to vector<16xf32>
    %swap3A_131 = vector.shape_cast %broadcast_in_dim3A_6 : vector<16xf32> to vector<16xf32>
    tpu.vector_store %arg9[%swap3A_128], %swap3A_131 {strides = array<i32>} : memref<640xf32, #tpu.memory_space<vmem>>, vector<16xf32>,
    %swap3A_132 = arith.constant 416 : index
    %swap3A_133 = tpu.vector_load %arg9[%swap3A_132] {strides = array<i32>} : memref<640xf32, #tpu.memory_space<vmem>>, vector<16xf32>,
    %swap3A_134 = vector.shape_cast %swap3A_133 : vector<16xf32> to vector<16xf32>
    %swap3A_135 = vector.shape_cast %broadcast_in_dim3A_6 : vector<16xf32> to vector<16xf32>
    tpu.vector_store %arg9[%swap3A_132], %swap3A_135 {strides = array<i32>} : memref<640xf32, #tpu.memory_space<vmem>>, vector<16xf32>,
    %swap3A_136 = arith.constant 432 : index
    %swap3A_137 = tpu.vector_load %arg9[%swap3A_136] {strides = array<i32>} : memref<640xf32, #tpu.memory_space<vmem>>, vector<16xf32>,
    %swap3A_138 = vector.shape_cast %swap3A_137 : vector<16xf32> to vector<16xf32>
    %swap3A_139 = vector.shape_cast %broadcast_in_dim3A_6 : vector<16xf32> to vector<16xf32>
    tpu.vector_store %arg9[%swap3A_136], %swap3A_139 {strides = array<i32>} : memref<640xf32, #tpu.memory_space<vmem>>, vector<16xf32>,
    %swap3A_140 = arith.constant 448 : index
    %swap3A_141 = tpu.vector_load %arg9[%swap3A_140] {strides = array<i32>} : memref<640xf32, #tpu.memory_space<vmem>>, vector<16xf32>,
    %swap3A_142 = vector.shape_cast %swap3A_141 : vector<16xf32> to vector<16xf32>
    %swap3A_143 = vector.shape_cast %broadcast_in_dim3A_6 : vector<16xf32> to vector<16xf32>
    tpu.vector_store %arg9[%swap3A_140], %swap3A_143 {strides = array<i32>} : memref<640xf32, #tpu.memory_space<vmem>>, vector<16xf32>,
    %swap3A_144 = arith.constant 464 : index
    %swap3A_145 = tpu.vector_load %arg9[%swap3A_144] {strides = array<i32>} : memref<640xf32, #tpu.memory_space<vmem>>, vector<16xf32>,
    %swap3A_146 = vector.shape_cast %swap3A_145 : vector<16xf32> to vector<16xf32>
    %swap3A_147 = vector.shape_cast %broadcast_in_dim3A_6 : vector<16xf32> to vector<16xf32>
    tpu.vector_store %arg9[%swap3A_144], %swap3A_147 {strides = array<i32>} : memref<640xf32, #tpu.memory_space<vmem>>, vector<16xf32>,
    %swap3A_148 = arith.constant 480 : index
    %swap3A_149 = tpu.vector_load %arg9[%swap3A_148] {strides = array<i32>} : memref<640xf32, #tpu.memory_space<vmem>>, vector<16xf32>,
    %swap3A_150 = vector.shape_cast %swap3A_149 : vector<16xf32> to vector<16xf32>
    %swap3A_151 = vector.shape_cast %broadcast_in_dim3A_6 : vector<16xf32> to vector<16xf32>
    tpu.vector_store %arg9[%swap3A_148], %swap3A_151 {strides = array<i32>} : memref<640xf32, #tpu.memory_space<vmem>>, vector<16xf32>,
    %swap3A_152 = arith.constant 496 : index
    %swap3A_153 = tpu.vector_load %arg9[%swap3A_152] {strides = array<i32>} : memref<640xf32, #tpu.memory_space<vmem>>, vector<16xf32>,
    %swap3A_154 = vector.shape_cast %swap3A_153 : vector<16xf32> to vector<16xf32>
    %swap3A_155 = vector.shape_cast %broadcast_in_dim3A_6 : vector<16xf32> to vector<16xf32>
    tpu.vector_store %arg9[%swap3A_152], %swap3A_155 {strides = array<i32>} : memref<640xf32, #tpu.memory_space<vmem>>, vector<16xf32>,
    %swap3A_156 = arith.constant 512 : index
    %swap3A_157 = tpu.vector_load %arg9[%swap3A_156] {strides = array<i32>} : memref<640xf32, #tpu.memory_space<vmem>>, vector<16xf32>,
    %swap3A_158 = vector.shape_cast %swap3A_157 : vector<16xf32> to vector<16xf32>
    %swap3A_159 = vector.shape_cast %broadcast_in_dim3A_6 : vector<16xf32> to vector<16xf32>
    tpu.vector_store %arg9[%swap3A_156], %swap3A_159 {strides = array<i32>} : memref<640xf32, #tpu.memory_space<vmem>>, vector<16xf32>,
    %swap3A_160 = arith.constant 528 : index
    %swap3A_161 = tpu.vector_load %arg9[%swap3A_160] {strides = array<i32>} : memref<640xf32, #tpu.memory_space<vmem>>, vector<16xf32>,
    %swap3A_162 = vector.shape_cast %swap3A_161 : vector<16xf32> to vector<16xf32>
    %swap3A_163 = vector.shape_cast %broadcast_in_dim3A_6 : vector<16xf32> to vector<16xf32>
    tpu.vector_store %arg9[%swap3A_160], %swap3A_163 {strides = array<i32>} : memref<640xf32, #tpu.memory_space<vmem>>, vector<16xf32>,
    %swap3A_164 = arith.constant 544 : index
    %swap3A_165 = tpu.vector_load %arg9[%swap3A_164] {strides = array<i32>} : memref<640xf32, #tpu.memory_space<vmem>>, vector<16xf32>,
    %swap3A_166 = vector.shape_cast %swap3A_165 : vector<16xf32> to vector<16xf32>
    %swap3A_167 = vector.shape_cast %broadcast_in_dim3A_6 : vector<16xf32> to vector<16xf32>
    tpu.vector_store %arg9[%swap3A_164], %swap3A_167 {strides = array<i32>} : memref<640xf32, #tpu.memory_space<vmem>>, vector<16xf32>,
    %swap3A_168 = arith.constant 560 : index
    %swap3A_169 = tpu.vector_load %arg9[%swap3A_168] {strides = array<i32>} : memref<640xf32, #tpu.memory_space<vmem>>, vector<16xf32>,
    %swap3A_170 = vector.shape_cast %swap3A_169 : vector<16xf32> to vector<16xf32>
    %swap3A_171 = vector.shape_cast %broadcast_in_dim3A_6 : vector<16xf32> to vector<16xf32>
    tpu.vector_store %arg9[%swap3A_168], %swap3A_171 {strides = array<i32>} : memref<640xf32, #tpu.memory_space<vmem>>, vector<16xf32>,
    %swap3A_172 = arith.constant 576 : index
    %swap3A_173 = tpu.vector_load %arg9[%swap3A_172] {strides = array<i32>} : memref<640xf32, #tpu.memory_space<vmem>>, vector<16xf32>,
    %swap3A_174 = vector.shape_cast %swap3A_173 : vector<16xf32> to vector<16xf32>
    %swap3A_175 = vector.shape_cast %broadcast_in_dim3A_6 : vector<16xf32> to vector<16xf32>
    tpu.vector_store %arg9[%swap3A_172], %swap3A_175 {strides = array<i32>} : memref<640xf32, #tpu.memory_space<vmem>>, vector<16xf32>,
    %swap3A_176 = arith.constant 592 : index
    %swap3A_177 = tpu.vector_load %arg9[%swap3A_176] {strides = array<i32>} : memref<640xf32, #tpu.memory_space<vmem>>, vector<16xf32>,
    %swap3A_178 = vector.shape_cast %swap3A_177 : vector<16xf32> to vector<16xf32>
    %swap3A_179 = vector.shape_cast %broadcast_in_dim3A_6 : vector<16xf32> to vector<16xf32>
    tpu.vector_store %arg9[%swap3A_176], %swap3A_179 {strides = array<i32>} : memref<640xf32, #tpu.memory_space<vmem>>, vector<16xf32>,
    %swap3A_180 = arith.constant 608 : index
    %swap3A_181 = tpu.vector_load %arg9[%swap3A_180] {strides = array<i32>} : memref<640xf32, #tpu.memory_space<vmem>>, vector<16xf32>,
    %swap3A_182 = vector.shape_cast %swap3A_181 : vector<16xf32> to vector<16xf32>
    %swap3A_183 = vector.shape_cast %broadcast_in_dim3A_6 : vector<16xf32> to vector<16xf32>
    tpu.vector_store %arg9[%swap3A_180], %swap3A_183 {strides = array<i32>} : memref<640xf32, #tpu.memory_space<vmem>>, vector<16xf32>,
    %swap3A_184 = arith.constant 624 : index
    %swap3A_185 = tpu.vector_load %arg9[%swap3A_184] {strides = array<i32>} : memref<640xf32, #tpu.memory_space<vmem>>, vector<16xf32>,
    %swap3A_186 = vector.shape_cast %swap3A_185 : vector<16xf32> to vector<16xf32>
    %swap3A_187 = vector.shape_cast %broadcast_in_dim3A_6 : vector<16xf32> to vector<16xf32>
    tpu.vector_store %arg9[%swap3A_184], %swap3A_187 {strides = array<i32>} : memref<640xf32, #tpu.memory_space<vmem>>, vector<16xf32>,
    %mul3A_188 = arith.constant 640 : i32
    %mul3A_189 = arith.muli %arg1, %mul3A_188 : i32
    "tpu.region"() ({
      %run_scoped3A = tpu.sem_alloc : memref<!tpu.dma_semaphore, #tpu.memory_space<semaphore_mem>>
      %dma_start3A_2428 = tpu.memref_slice %arg11[%mul3A_189] : memref<10240xf32, #tpu.memory_space<vmem_shared>> -> memref<640xf32, #tpu.memory_space<vmem_shared>>
      %dma_start3A_2429 = tpu.memref_slice %arg11[%mul3A_189] : memref<10240xf32, #tpu.memory_space<vmem_shared>> -> memref<640xf32, #tpu.memory_space<vmem_shared>>
      tpu.enqueue_dma source(%arg9 : memref<640xf32, #tpu.memory_space<vmem>>) target(%dma_start3A_2429 : memref<640xf32, #tpu.memory_space<vmem_shared>>) target_semaphore(%run_scoped3A : memref<!tpu.dma_semaphore, #tpu.memory_space<semaphore_mem>>)
      %dma_wait3A_2430 = tpu.memref_slice %arg11[%mul3A_189] : memref<10240xf32, #tpu.memory_space<vmem_shared>> -> memref<640xf32, #tpu.memory_space<vmem_shared>>
      %dma_wait3A_2431 = tpu.memref_slice %arg11[%mul3A_189] : memref<10240xf32, #tpu.memory_space<vmem_shared>> -> memref<640xf32, #tpu.memory_space<vmem_shared>>
      tpu.wait_dma2 semaphore(%run_scoped3A : memref<!tpu.dma_semaphore, #tpu.memory_space<semaphore_mem>>) src(%arg9 : memref<640xf32, #tpu.memory_space<vmem>>) dst(%dma_wait3A_2431 : memref<640xf32, #tpu.memory_space<vmem_shared>>)
      tpu.yield
    }) : () -> ()
    %mul3A_190 = arith.constant 640 : i32
    %mul3A_191 = arith.muli %arg1, %mul3A_190 : i32
    "tpu.region"() ({
      %run_scoped3A = tpu.sem_alloc : memref<!tpu.dma_semaphore, #tpu.memory_space<semaphore_mem>>
      %dma_start3A_2428 = tpu.memref_slice %arg12[%mul3A_191] : memref<10240xf32, #tpu.memory_space<vmem_shared>> -> memref<640xf32, #tpu.memory_space<vmem_shared>>
      %dma_start3A_2429 = tpu.memref_slice %arg12[%mul3A_191] : memref<10240xf32, #tpu.memory_space<vmem_shared>> -> memref<640xf32, #tpu.memory_space<vmem_shared>>
      tpu.enqueue_dma source(%arg9 : memref<640xf32, #tpu.memory_space<vmem>>) target(%dma_start3A_2429 : memref<640xf32, #tpu.memory_space<vmem_shared>>) target_semaphore(%run_scoped3A : memref<!tpu.dma_semaphore, #tpu.memory_space<semaphore_mem>>)
      %dma_wait3A_2430 = tpu.memref_slice %arg12[%mul3A_191] : memref<10240xf32, #tpu.memory_space<vmem_shared>> -> memref<640xf32, #tpu.memory_space<vmem_shared>>
      %dma_wait3A_2431 = tpu.memref_slice %arg12[%mul3A_191] : memref<10240xf32, #tpu.memory_space<vmem_shared>> -> memref<640xf32, #tpu.memory_space<vmem_shared>>
      tpu.wait_dma2 semaphore(%run_scoped3A : memref<!tpu.dma_semaphore, #tpu.memory_space<semaphore_mem>>) src(%arg9 : memref<640xf32, #tpu.memory_space<vmem>>) dst(%dma_wait3A_2431 : memref<640xf32, #tpu.memory_space<vmem_shared>>)
      tpu.yield
    }) : () -> ()
    %mul3A_192 = arith.constant 20000 : i32
    %mul3A_193 = arith.muli %arg1, %mul3A_192 : i32
    %dma_wait3A = tpu.memref_slice %arg2[%mul3A_193] : memref<320000xi32, #tpu.memory_space<hbm>> -> memref<20000xi32, #tpu.memory_space<hbm>>
    %dma_wait3A_194 = tpu.memref_slice %arg2[%mul3A_193] : memref<320000xi32, #tpu.memory_space<hbm>> -> memref<20000xi32, #tpu.memory_space<hbm>>
    tpu.wait_dma2 semaphore(%arg13 : memref<!tpu.dma_semaphore, #tpu.memory_space<semaphore_mem>>) src(%dma_wait3A_194 : memref<20000xi32, #tpu.memory_space<hbm>>) dst(%arg6 : memref<20000xi32, #tpu.memory_space<vmem>>)
    %mul3A_195 = arith.constant 20000 : i32
    %mul3A_196 = arith.muli %arg1, %mul3A_195 : i32
    %dma_wait3A_197 = tpu.memref_slice %arg3[%mul3A_196] : memref<320000xi32, #tpu.memory_space<hbm>> -> memref<20000xi32, #tpu.memory_space<hbm>>
    %dma_wait3A_198 = tpu.memref_slice %arg3[%mul3A_196] : memref<320000xi32, #tpu.memory_space<hbm>> -> memref<20000xi32, #tpu.memory_space<hbm>>
    tpu.wait_dma2 semaphore(%arg14 : memref<!tpu.dma_semaphore, #tpu.memory_space<semaphore_mem>>) src(%dma_wait3A_198 : memref<20000xi32, #tpu.memory_space<hbm>>) dst(%arg7 : memref<20000xi32, #tpu.memory_space<vmem>>)
    %barrier3A = arith.constant 0 : index
    tpu.barrier barrier_id(%barrier3A)
    %dma_start3A_199 = arith.constant 0 : i32
    %dma_start3A_200 = tpu.memref_slice %arg6[%dma_start3A_199] : memref<20000xi32, #tpu.memory_space<vmem>> -> memref<80xi32, #tpu.memory_space<vmem>>
    %dma_start3A_201 = arith.constant 0 : i32
    %dma_start3A_202 = tpu.memref_slice %arg11[%dma_start3A_201] : memref<10240xf32, #tpu.memory_space<vmem_shared>> -> memref<10240xf32, #tpu.memory_space<vmem_shared>>
    tpu.enqueue_indirect_dma source(%arg8 : memref<80xf32, #tpu.memory_space<vmem>>) target(%dma_start3A_202 : memref<10240xf32, #tpu.memory_space<vmem_shared>>) offsets(%dma_start3A_200 : memref<80xi32, #tpu.memory_space<vmem>>) semaphore(%arg15 : memref<!tpu.dma_semaphore, #tpu.memory_space<semaphore_mem>>) {add = true}
    %dma_start3A_203 = arith.constant 0 : i32
    %dma_start3A_204 = tpu.memref_slice %arg7[%dma_start3A_203] : memref<20000xi32, #tpu.memory_space<vmem>> -> memref<80xi32, #tpu.memory_space<vmem>>
    %dma_start3A_205 = arith.constant 0 : i32
    %dma_start3A_206 = tpu.memref_slice %arg12[%dma_start3A_205] : memref<10240xf32, #tpu.memory_space<vmem_shared>> -> memref<10240xf32, #tpu.memory_space<vmem_shared>>
    tpu.enqueue_indirect_dma source(%arg8 : memref<80xf32, #tpu.memory_space<vmem>>) target(%dma_start3A_206 : memref<10240xf32, #tpu.memory_space<vmem_shared>>) offsets(%dma_start3A_204 : memref<80xi32, #tpu.memory_space<vmem>>) semaphore(%arg16 : memref<!tpu.dma_semaphore, #tpu.memory_space<semaphore_mem>>) {add = true}
    %dma_start3A_207 = arith.constant 80 : i32
    %dma_start3A_208 = tpu.memref_slice %arg6[%dma_start3A_207] : memref<20000xi32, #tpu.memory_space<vmem>> -> memref<80xi32, #tpu.memory_space<vmem>>
    %dma_start3A_209 = arith.constant 0 : i32
    %dma_start3A_210 = tpu.memref_slice %arg11[%dma_start3A_209] : memref<10240xf32, #tpu.memory_space<vmem_shared>> -> memref<10240xf32, #tpu.memory_space<vmem_shared>>
    tpu.enqueue_indirect_dma source(%arg8 : memref<80xf32, #tpu.memory_space<vmem>>) target(%dma_start3A_210 : memref<10240xf32, #tpu.memory_space<vmem_shared>>) offsets(%dma_start3A_208 : memref<80xi32, #tpu.memory_space<vmem>>) semaphore(%arg15 : memref<!tpu.dma_semaphore, #tpu.memory_space<semaphore_mem>>) {add = true}
    %dma_start3A_211 = arith.constant 80 : i32
    %dma_start3A_212 = tpu.memref_slice %arg7[%dma_start3A_211] : memref<20000xi32, #tpu.memory_space<vmem>> -> memref<80xi32, #tpu.memory_space<vmem>>
    %dma_start3A_213 = arith.constant 0 : i32
    %dma_start3A_214 = tpu.memref_slice %arg12[%dma_start3A_213] : memref<10240xf32, #tpu.memory_space<vmem_shared>> -> memref<10240xf32, #tpu.memory_space<vmem_shared>>
    tpu.enqueue_indirect_dma source(%arg8 : memref<80xf32, #tpu.memory_space<vmem>>) target(%dma_start3A_214 : memref<10240xf32, #tpu.memory_space<vmem_shared>>) offsets(%dma_start3A_212 : memref<80xi32, #tpu.memory_space<vmem>>) semaphore(%arg16 : memref<!tpu.dma_semaphore, #tpu.memory_space<semaphore_mem>>) {add = true}
    %dma_start3A_215 = arith.constant 160 : i32
    %dma_start3A_216 = tpu.memref_slice %arg6[%dma_start3A_215] : memref<20000xi32, #tpu.memory_space<vmem>> -> memref<80xi32, #tpu.memory_space<vmem>>
    %dma_start3A_217 = arith.constant 0 : i32
    %dma_start3A_218 = tpu.memref_slice %arg11[%dma_start3A_217] : memref<10240xf32, #tpu.memory_space<vmem_shared>> -> memref<10240xf32, #tpu.memory_space<vmem_shared>>
    tpu.enqueue_indirect_dma source(%arg8 : memref<80xf32, #tpu.memory_space<vmem>>) target(%dma_start3A_218 : memref<10240xf32, #tpu.memory_space<vmem_shared>>) offsets(%dma_start3A_216 : memref<80xi32, #tpu.memory_space<vmem>>) semaphore(%arg15 : memref<!tpu.dma_semaphore, #tpu.memory_space<semaphore_mem>>) {add = true}
    %dma_start3A_219 = arith.constant 160 : i32
    %dma_start3A_220 = tpu.memref_slice %arg7[%dma_start3A_219] : memref<20000xi32, #tpu.memory_space<vmem>> -> memref<80xi32, #tpu.memory_space<vmem>>
    %dma_start3A_221 = arith.constant 0 : i32
    %dma_start3A_222 = tpu.memref_slice %arg12[%dma_start3A_221] : memref<10240xf32, #tpu.memory_space<vmem_shared>> -> memref<10240xf32, #tpu.memory_space<vmem_shared>>
    tpu.enqueue_indirect_dma source(%arg8 : memref<80xf32, #tpu.memory_space<vmem>>) target(%dma_start3A_222 : memref<10240xf32, #tpu.memory_space<vmem_shared>>) offsets(%dma_start3A_220 : memref<80xi32, #tpu.memory_space<vmem>>) semaphore(%arg16 : memref<!tpu.dma_semaphore, #tpu.memory_space<semaphore_mem>>) {add = true}
    %dma_start3A_223 = arith.constant 240 : i32
    %dma_start3A_224 = tpu.memref_slice %arg6[%dma_start3A_223] : memref<20000xi32, #tpu.memory_space<vmem>> -> memref<80xi32, #tpu.memory_space<vmem>>
    %dma_start3A_225 = arith.constant 0 : i32
    %dma_start3A_226 = tpu.memref_slice %arg11[%dma_start3A_225] : memref<10240xf32, #tpu.memory_space<vmem_shared>> -> memref<10240xf32, #tpu.memory_space<vmem_shared>>
    tpu.enqueue_indirect_dma source(%arg8 : memref<80xf32, #tpu.memory_space<vmem>>) target(%dma_start3A_226 : memref<10240xf32, #tpu.memory_space<vmem_shared>>) offsets(%dma_start3A_224 : memref<80xi32, #tpu.memory_space<vmem>>) semaphore(%arg15 : memref<!tpu.dma_semaphore, #tpu.memory_space<semaphore_mem>>) {add = true}
    %dma_start3A_227 = arith.constant 240 : i32
    %dma_start3A_228 = tpu.memref_slice %arg7[%dma_start3A_227] : memref<20000xi32, #tpu.memory_space<vmem>> -> memref<80xi32, #tpu.memory_space<vmem>>
    %dma_start3A_229 = arith.constant 0 : i32
    %dma_start3A_230 = tpu.memref_slice %arg12[%dma_start3A_229] : memref<10240xf32, #tpu.memory_space<vmem_shared>> -> memref<10240xf32, #tpu.memory_space<vmem_shared>>
    tpu.enqueue_indirect_dma source(%arg8 : memref<80xf32, #tpu.memory_space<vmem>>) target(%dma_start3A_230 : memref<10240xf32, #tpu.memory_space<vmem_shared>>) offsets(%dma_start3A_228 : memref<80xi32, #tpu.memory_space<vmem>>) semaphore(%arg16 : memref<!tpu.dma_semaphore, #tpu.memory_space<semaphore_mem>>) {add = true}
    %scan3A = arith.constant 0 : i32
    %scan3A_231 = arith.constant 0 : i32
    %scan3A_232 = arith.constant 246 : i32
    %scan3A_233 = arith.addi %scan3A_231, %scan3A_232 : i32
    %scan3A_234 = arith.constant 1 : i32
    scf.for %scan3A_2428 = %scan3A_231 to %scan3A_233 step %scan3A_234  : i32 {
      %mul3A_2429 = arith.constant 80 : i32
      %mul3A_2430 = arith.muli %scan3A_2428, %mul3A_2429 : i32
      %dma_wait3A_2431 = tpu.memref_slice %arg6[%mul3A_2430] : memref<20000xi32, #tpu.memory_space<vmem>> -> memref<80xi32, #tpu.memory_space<vmem>>
      %dma_wait3A_2432 = arith.constant 0 : i32
      %dma_wait3A_2433 = tpu.memref_slice %arg11[%dma_wait3A_2432] : memref<10240xf32, #tpu.memory_space<vmem_shared>> -> memref<10240xf32, #tpu.memory_space<vmem_shared>>
      tpu.wait_indirect_dma semaphore(%arg15 : memref<!tpu.dma_semaphore, #tpu.memory_space<semaphore_mem>>) src(%arg8 : memref<80xf32, #tpu.memory_space<vmem>>) dst(%dma_wait3A_2433 : memref<10240xf32, #tpu.memory_space<vmem_shared>>)
      %mul3A_2434 = arith.constant 80 : i32
      %mul3A_2435 = arith.muli %scan3A_2428, %mul3A_2434 : i32
      %dma_wait3A_2436 = tpu.memref_slice %arg7[%mul3A_2435] : memref<20000xi32, #tpu.memory_space<vmem>> -> memref<80xi32, #tpu.memory_space<vmem>>
      %dma_wait3A_2437 = arith.constant 0 : i32
      %dma_wait3A_2438 = tpu.memref_slice %arg12[%dma_wait3A_2437] : memref<10240xf32, #tpu.memory_space<vmem_shared>> -> memref<10240xf32, #tpu.memory_space<vmem_shared>>
      tpu.wait_indirect_dma semaphore(%arg16 : memref<!tpu.dma_semaphore, #tpu.memory_space<semaphore_mem>>) src(%arg8 : memref<80xf32, #tpu.memory_space<vmem>>) dst(%dma_wait3A_2438 : memref<10240xf32, #tpu.memory_space<vmem_shared>>)
      %add3A_2439 = arith.constant 4 : i32
      %add3A_2440 = arith.addi %scan3A_2428, %add3A_2439 : i32
      %mul3A_2441 = arith.constant 80 : i32
      %mul3A_2442 = arith.muli %add3A_2440, %mul3A_2441 : i32
      %dma_start3A_2443 = tpu.memref_slice %arg6[%mul3A_2442] : memref<20000xi32, #tpu.memory_space<vmem>> -> memref<80xi32, #tpu.memory_space<vmem>>
      %dma_start3A_2444 = arith.constant 0 : i32
      %dma_start3A_2445 = tpu.memref_slice %arg11[%dma_start3A_2444] : memref<10240xf32, #tpu.memory_space<vmem_shared>> -> memref<10240xf32, #tpu.memory_space<vmem_shared>>
      tpu.enqueue_indirect_dma source(%arg8 : memref<80xf32, #tpu.memory_space<vmem>>) target(%dma_start3A_2445 : memref<10240xf32, #tpu.memory_space<vmem_shared>>) offsets(%dma_start3A_2443 : memref<80xi32, #tpu.memory_space<vmem>>) semaphore(%arg15 : memref<!tpu.dma_semaphore, #tpu.memory_space<semaphore_mem>>) {add = true}
      %mul3A_2446 = arith.constant 80 : i32
      %mul3A_2447 = arith.muli %add3A_2440, %mul3A_2446 : i32
      %dma_start3A_2448 = tpu.memref_slice %arg7[%mul3A_2447] : memref<20000xi32, #tpu.memory_space<vmem>> -> memref<80xi32, #tpu.memory_space<vmem>>
      %dma_start3A_2449 = arith.constant 0 : i32
      %dma_start3A_2450 = tpu.memref_slice %arg12[%dma_start3A_2449] : memref<10240xf32, #tpu.memory_space<vmem_shared>> -> memref<10240xf32, #tpu.memory_space<vmem_shared>>
      tpu.enqueue_indirect_dma source(%arg8 : memref<80xf32, #tpu.memory_space<vmem>>) target(%dma_start3A_2450 : memref<10240xf32, #tpu.memory_space<vmem_shared>>) offsets(%dma_start3A_2448 : memref<80xi32, #tpu.memory_space<vmem>>) semaphore(%arg16 : memref<!tpu.dma_semaphore, #tpu.memory_space<semaphore_mem>>) {add = true}
    }
    %scan3A_235 = arith.constant 246 : i32
    %dma_wait3A_236 = arith.constant 19680 : i32
    %dma_wait3A_237 = tpu.memref_slice %arg6[%dma_wait3A_236] : memref<20000xi32, #tpu.memory_space<vmem>> -> memref<80xi32, #tpu.memory_space<vmem>>
    %dma_wait3A_238 = arith.constant 0 : i32
    %dma_wait3A_239 = tpu.memref_slice %arg11[%dma_wait3A_238] : memref<10240xf32, #tpu.memory_space<vmem_shared>> -> memref<10240xf32, #tpu.memory_space<vmem_shared>>
    tpu.wait_indirect_dma semaphore(%arg15 : memref<!tpu.dma_semaphore, #tpu.memory_space<semaphore_mem>>) src(%arg8 : memref<80xf32, #tpu.memory_space<vmem>>) dst(%dma_wait3A_239 : memref<10240xf32, #tpu.memory_space<vmem_shared>>)
    %dma_wait3A_240 = arith.constant 19680 : i32
    %dma_wait3A_241 = tpu.memref_slice %arg7[%dma_wait3A_240] : memref<20000xi32, #tpu.memory_space<vmem>> -> memref<80xi32, #tpu.memory_space<vmem>>
    %dma_wait3A_242 = arith.constant 0 : i32
    %dma_wait3A_243 = tpu.memref_slice %arg12[%dma_wait3A_242] : memref<10240xf32, #tpu.memory_space<vmem_shared>> -> memref<10240xf32, #tpu.memory_space<vmem_shared>>
    tpu.wait_indirect_dma semaphore(%arg16 : memref<!tpu.dma_semaphore, #tpu.memory_space<semaphore_mem>>) src(%arg8 : memref<80xf32, #tpu.memory_space<vmem>>) dst(%dma_wait3A_243 : memref<10240xf32, #tpu.memory_space<vmem_shared>>)
    %dma_wait3A_244 = arith.constant 19760 : i32
    %dma_wait3A_245 = tpu.memref_slice %arg6[%dma_wait3A_244] : memref<20000xi32, #tpu.memory_space<vmem>> -> memref<80xi32, #tpu.memory_space<vmem>>
    %dma_wait3A_246 = arith.constant 0 : i32
    %dma_wait3A_247 = tpu.memref_slice %arg11[%dma_wait3A_246] : memref<10240xf32, #tpu.memory_space<vmem_shared>> -> memref<10240xf32, #tpu.memory_space<vmem_shared>>
    tpu.wait_indirect_dma semaphore(%arg15 : memref<!tpu.dma_semaphore, #tpu.memory_space<semaphore_mem>>) src(%arg8 : memref<80xf32, #tpu.memory_space<vmem>>) dst(%dma_wait3A_247 : memref<10240xf32, #tpu.memory_space<vmem_shared>>)
    %dma_wait3A_248 = arith.constant 19760 : i32
    %dma_wait3A_249 = tpu.memref_slice %arg7[%dma_wait3A_248] : memref<20000xi32, #tpu.memory_space<vmem>> -> memref<80xi32, #tpu.memory_space<vmem>>
    %dma_wait3A_250 = arith.constant 0 : i32
    %dma_wait3A_251 = tpu.memref_slice %arg12[%dma_wait3A_250] : memref<10240xf32, #tpu.memory_space<vmem_shared>> -> memref<10240xf32, #tpu.memory_space<vmem_shared>>
    tpu.wait_indirect_dma semaphore(%arg16 : memref<!tpu.dma_semaphore, #tpu.memory_space<semaphore_mem>>) src(%arg8 : memref<80xf32, #tpu.memory_space<vmem>>) dst(%dma_wait3A_251 : memref<10240xf32, #tpu.memory_space<vmem_shared>>)
    %dma_wait3A_252 = arith.constant 19840 : i32
    %dma_wait3A_253 = tpu.memref_slice %arg6[%dma_wait3A_252] : memref<20000xi32, #tpu.memory_space<vmem>> -> memref<80xi32, #tpu.memory_space<vmem>>
    %dma_wait3A_254 = arith.constant 0 : i32
    %dma_wait3A_255 = tpu.memref_slice %arg11[%dma_wait3A_254] : memref<10240xf32, #tpu.memory_space<vmem_shared>> -> memref<10240xf32, #tpu.memory_space<vmem_shared>>
    tpu.wait_indirect_dma semaphore(%arg15 : memref<!tpu.dma_semaphore, #tpu.memory_space<semaphore_mem>>) src(%arg8 : memref<80xf32, #tpu.memory_space<vmem>>) dst(%dma_wait3A_255 : memref<10240xf32, #tpu.memory_space<vmem_shared>>)
    %dma_wait3A_256 = arith.constant 19840 : i32
    %dma_wait3A_257 = tpu.memref_slice %arg7[%dma_wait3A_256] : memref<20000xi32, #tpu.memory_space<vmem>> -> memref<80xi32, #tpu.memory_space<vmem>>
    %dma_wait3A_258 = arith.constant 0 : i32
    %dma_wait3A_259 = tpu.memref_slice %arg12[%dma_wait3A_258] : memref<10240xf32, #tpu.memory_space<vmem_shared>> -> memref<10240xf32, #tpu.memory_space<vmem_shared>>
    tpu.wait_indirect_dma semaphore(%arg16 : memref<!tpu.dma_semaphore, #tpu.memory_space<semaphore_mem>>) src(%arg8 : memref<80xf32, #tpu.memory_space<vmem>>) dst(%dma_wait3A_259 : memref<10240xf32, #tpu.memory_space<vmem_shared>>)
    %dma_wait3A_260 = arith.constant 19920 : i32
    %dma_wait3A_261 = tpu.memref_slice %arg6[%dma_wait3A_260] : memref<20000xi32, #tpu.memory_space<vmem>> -> memref<80xi32, #tpu.memory_space<vmem>>
    %dma_wait3A_262 = arith.constant 0 : i32
    %dma_wait3A_263 = tpu.memref_slice %arg11[%dma_wait3A_262] : memref<10240xf32, #tpu.memory_space<vmem_shared>> -> memref<10240xf32, #tpu.memory_space<vmem_shared>>
    tpu.wait_indirect_dma semaphore(%arg15 : memref<!tpu.dma_semaphore, #tpu.memory_space<semaphore_mem>>) src(%arg8 : memref<80xf32, #tpu.memory_space<vmem>>) dst(%dma_wait3A_263 : memref<10240xf32, #tpu.memory_space<vmem_shared>>)
    %dma_wait3A_264 = arith.constant 19920 : i32
    %dma_wait3A_265 = tpu.memref_slice %arg7[%dma_wait3A_264] : memref<20000xi32, #tpu.memory_space<vmem>> -> memref<80xi32, #tpu.memory_space<vmem>>
    %dma_wait3A_266 = arith.constant 0 : i32
    %dma_wait3A_267 = tpu.memref_slice %arg12[%dma_wait3A_266] : memref<10240xf32, #tpu.memory_space<vmem_shared>> -> memref<10240xf32, #tpu.memory_space<vmem_shared>>
    tpu.wait_indirect_dma semaphore(%arg16 : memref<!tpu.dma_semaphore, #tpu.memory_space<semaphore_mem>>) src(%arg8 : memref<80xf32, #tpu.memory_space<vmem>>) dst(%dma_wait3A_267 : memref<10240xf32, #tpu.memory_space<vmem_shared>>)
    %barrier3A_268 = arith.constant 0 : index
    tpu.barrier barrier_id(%barrier3A_268)
    %mul3A_269 = arith.constant 5120 : i32
    %mul3A_270 = arith.muli %arg0, %mul3A_269 : i32
    %mul3A_271 = arith.constant 320 : i32
    %mul3A_272 = arith.muli %arg1, %mul3A_271 : i32
    %add3A = arith.addi %mul3A_270, %mul3A_272 : i32
    "tpu.region"() ({
      %run_scoped3A = tpu.sem_alloc : memref<!tpu.dma_semaphore, #tpu.memory_space<semaphore_mem>>
      %dma_start3A_2428 = tpu.memref_slice %arg11[%add3A] : memref<10240xf32, #tpu.memory_space<vmem_shared>> -> memref<320xf32, #tpu.memory_space<vmem_shared>>
      %dma_start3A_2429 = tpu.memref_slice %arg11[%add3A] : memref<10240xf32, #tpu.memory_space<vmem_shared>> -> memref<320xf32, #tpu.memory_space<vmem_shared>>
      tpu.enqueue_dma source(%dma_start3A_2429 : memref<320xf32, #tpu.memory_space<vmem_shared>>) target(%arg10 : memref<320xf32, #tpu.memory_space<vmem>>) target_semaphore(%run_scoped3A : memref<!tpu.dma_semaphore, #tpu.memory_space<semaphore_mem>>)
      %dma_wait3A_2430 = tpu.memref_slice %arg11[%add3A] : memref<10240xf32, #tpu.memory_space<vmem_shared>> -> memref<320xf32, #tpu.memory_space<vmem_shared>>
      %dma_wait3A_2431 = tpu.memref_slice %arg11[%add3A] : memref<10240xf32, #tpu.memory_space<vmem_shared>> -> memref<320xf32, #tpu.memory_space<vmem_shared>>
      tpu.wait_dma2 semaphore(%run_scoped3A : memref<!tpu.dma_semaphore, #tpu.memory_space<semaphore_mem>>) src(%dma_wait3A_2431 : memref<320xf32, #tpu.memory_space<vmem_shared>>) dst(%arg10 : memref<320xf32, #tpu.memory_space<vmem>>)
      tpu.yield
    }) : () -> ()
    %get3A = arith.constant 0 : index
    %get3A_273 = tpu.vector_load %arg10[%get3A] {strides = array<i32>} : memref<320xf32, #tpu.memory_space<vmem>>, vector<16xf32>,
    %get3A_274 = vector.shape_cast %get3A_273 : vector<16xf32> to vector<16xf32>
    %max3A = arith.constant 1.000000e+00 : f32
    %max3A_275 = vector.broadcast %max3A : f32 to vector<16xf32>
    %max3A_276 = arith.maximumf %get3A_274, %max3A_275 : vector<16xf32>
    %bitcast_convert_type3A = tpu.bitcast %max3A_276 : vector<16xf32> -> vector<16xi32>
    %broadcast_in_dim3A_277 = arith.constant 1597463007 : i32
    %broadcast_in_dim3A_278 = vector.broadcast %broadcast_in_dim3A_277 : i32 to vector<16xi32>
    %broadcast_in_dim3A_279 = arith.constant 1 : i32
    %broadcast_in_dim3A_280 = vector.broadcast %broadcast_in_dim3A_279 : i32 to vector<16xi32>
    %shift_right_logical3A = arith.shrui %bitcast_convert_type3A, %broadcast_in_dim3A_280 : vector<16xi32>
    %sub3A = arith.subi %broadcast_in_dim3A_278, %shift_right_logical3A : vector<16xi32>
    %bitcast_convert_type3A_281 = tpu.bitcast %sub3A : vector<16xi32> -> vector<16xf32>
    %mul3A_282 = arith.constant 5.000000e-01 : f32
    %mul3A_283 = vector.broadcast %mul3A_282 : f32 to vector<16xf32>
    %mul3A_284 = arith.mulf %mul3A_283, %max3A_276 : vector<16xf32>
    %mul3A_285 = arith.mulf %mul3A_284, %bitcast_convert_type3A_281 : vector<16xf32>
    %mul3A_286 = arith.mulf %mul3A_285, %bitcast_convert_type3A_281 : vector<16xf32>
    %sub3A_287 = arith.constant 1.500000e+00 : f32
    %sub3A_288 = vector.broadcast %sub3A_287 : f32 to vector<16xf32>
    %sub3A_289 = arith.subf %sub3A_288, %mul3A_286 : vector<16xf32>
    %mul3A_290 = arith.mulf %bitcast_convert_type3A_281, %sub3A_289 : vector<16xf32>
    %mul3A_291 = arith.constant 5.000000e-01 : f32
    %mul3A_292 = vector.broadcast %mul3A_291 : f32 to vector<16xf32>
    %mul3A_293 = arith.mulf %mul3A_292, %max3A_276 : vector<16xf32>
    %mul3A_294 = arith.mulf %mul3A_293, %mul3A_290 : vector<16xf32>
    %mul3A_295 = arith.mulf %mul3A_294, %mul3A_290 : vector<16xf32>
    %sub3A_296 = arith.constant 1.500000e+00 : f32
    %sub3A_297 = vector.broadcast %sub3A_296 : f32 to vector<16xf32>
    %sub3A_298 = arith.subf %sub3A_297, %mul3A_295 : vector<16xf32>
    %mul3A_299 = arith.mulf %mul3A_290, %sub3A_298 : vector<16xf32>
    %mul3A_300 = arith.constant 5.000000e-01 : f32
    %mul3A_301 = vector.broadcast %mul3A_300 : f32 to vector<16xf32>
    %mul3A_302 = arith.mulf %mul3A_301, %max3A_276 : vector<16xf32>
    %mul3A_303 = arith.mulf %mul3A_302, %mul3A_299 : vector<16xf32>
    %mul3A_304 = arith.mulf %mul3A_303, %mul3A_299 : vector<16xf32>
    %sub3A_305 = arith.constant 1.500000e+00 : f32
    %sub3A_306 = vector.broadcast %sub3A_305 : f32 to vector<16xf32>
    %sub3A_307 = arith.subf %sub3A_306, %mul3A_304 : vector<16xf32>
    %mul3A_308 = arith.mulf %mul3A_299, %sub3A_307 : vector<16xf32>
    %mul3A_309 = arith.constant 5.000000e-01 : f32
    %mul3A_310 = vector.broadcast %mul3A_309 : f32 to vector<16xf32>
    %mul3A_311 = arith.mulf %mul3A_310, %max3A_276 : vector<16xf32>
    %mul3A_312 = arith.mulf %mul3A_311, %mul3A_308 : vector<16xf32>
    %mul3A_313 = arith.mulf %mul3A_312, %mul3A_308 : vector<16xf32>
    %sub3A_314 = arith.constant 1.500000e+00 : f32
    %sub3A_315 = vector.broadcast %sub3A_314 : f32 to vector<16xf32>
    %sub3A_316 = arith.subf %sub3A_315, %mul3A_313 : vector<16xf32>
    %mul3A_317 = arith.mulf %mul3A_308, %sub3A_316 : vector<16xf32>
    %swap3A_318 = arith.constant 0 : index
    %swap3A_319 = tpu.vector_load %arg10[%swap3A_318] {strides = array<i32>} : memref<320xf32, #tpu.memory_space<vmem>>, vector<16xf32>,
    %swap3A_320 = vector.shape_cast %swap3A_319 : vector<16xf32> to vector<16xf32>
    %swap3A_321 = vector.shape_cast %mul3A_317 : vector<16xf32> to vector<16xf32>
    tpu.vector_store %arg10[%swap3A_318], %swap3A_321 {strides = array<i32>} : memref<320xf32, #tpu.memory_space<vmem>>, vector<16xf32>,
    %get3A_322 = arith.constant 16 : index
    %get3A_323 = tpu.vector_load %arg10[%get3A_322] {strides = array<i32>} : memref<320xf32, #tpu.memory_space<vmem>>, vector<16xf32>,
    %get3A_324 = vector.shape_cast %get3A_323 : vector<16xf32> to vector<16xf32>
    %max3A_325 = arith.constant 1.000000e+00 : f32
    %max3A_326 = vector.broadcast %max3A_325 : f32 to vector<16xf32>
    %max3A_327 = arith.maximumf %get3A_324, %max3A_326 : vector<16xf32>
    %bitcast_convert_type3A_328 = tpu.bitcast %max3A_327 : vector<16xf32> -> vector<16xi32>
    %broadcast_in_dim3A_329 = arith.constant 1597463007 : i32
    %broadcast_in_dim3A_330 = vector.broadcast %broadcast_in_dim3A_329 : i32 to vector<16xi32>
    %broadcast_in_dim3A_331 = arith.constant 1 : i32
    %broadcast_in_dim3A_332 = vector.broadcast %broadcast_in_dim3A_331 : i32 to vector<16xi32>
    %shift_right_logical3A_333 = arith.shrui %bitcast_convert_type3A_328, %broadcast_in_dim3A_332 : vector<16xi32>
    %sub3A_334 = arith.subi %broadcast_in_dim3A_330, %shift_right_logical3A_333 : vector<16xi32>
    %bitcast_convert_type3A_335 = tpu.bitcast %sub3A_334 : vector<16xi32> -> vector<16xf32>
    %mul3A_336 = arith.constant 5.000000e-01 : f32
    %mul3A_337 = vector.broadcast %mul3A_336 : f32 to vector<16xf32>
    %mul3A_338 = arith.mulf %mul3A_337, %max3A_327 : vector<16xf32>
    %mul3A_339 = arith.mulf %mul3A_338, %bitcast_convert_type3A_335 : vector<16xf32>
    %mul3A_340 = arith.mulf %mul3A_339, %bitcast_convert_type3A_335 : vector<16xf32>
    %sub3A_341 = arith.constant 1.500000e+00 : f32
    %sub3A_342 = vector.broadcast %sub3A_341 : f32 to vector<16xf32>
    %sub3A_343 = arith.subf %sub3A_342, %mul3A_340 : vector<16xf32>
    %mul3A_344 = arith.mulf %bitcast_convert_type3A_335, %sub3A_343 : vector<16xf32>
    %mul3A_345 = arith.constant 5.000000e-01 : f32
    %mul3A_346 = vector.broadcast %mul3A_345 : f32 to vector<16xf32>
    %mul3A_347 = arith.mulf %mul3A_346, %max3A_327 : vector<16xf32>
    %mul3A_348 = arith.mulf %mul3A_347, %mul3A_344 : vector<16xf32>
    %mul3A_349 = arith.mulf %mul3A_348, %mul3A_344 : vector<16xf32>
    %sub3A_350 = arith.constant 1.500000e+00 : f32
    %sub3A_351 = vector.broadcast %sub3A_350 : f32 to vector<16xf32>
    %sub3A_352 = arith.subf %sub3A_351, %mul3A_349 : vector<16xf32>
    %mul3A_353 = arith.mulf %mul3A_344, %sub3A_352 : vector<16xf32>
    %mul3A_354 = arith.constant 5.000000e-01 : f32
    %mul3A_355 = vector.broadcast %mul3A_354 : f32 to vector<16xf32>
    %mul3A_356 = arith.mulf %mul3A_355, %max3A_327 : vector<16xf32>
    %mul3A_357 = arith.mulf %mul3A_356, %mul3A_353 : vector<16xf32>
    %mul3A_358 = arith.mulf %mul3A_357, %mul3A_353 : vector<16xf32>
    %sub3A_359 = arith.constant 1.500000e+00 : f32
    %sub3A_360 = vector.broadcast %sub3A_359 : f32 to vector<16xf32>
    %sub3A_361 = arith.subf %sub3A_360, %mul3A_358 : vector<16xf32>
    %mul3A_362 = arith.mulf %mul3A_353, %sub3A_361 : vector<16xf32>
    %mul3A_363 = arith.constant 5.000000e-01 : f32
    %mul3A_364 = vector.broadcast %mul3A_363 : f32 to vector<16xf32>
    %mul3A_365 = arith.mulf %mul3A_364, %max3A_327 : vector<16xf32>
    %mul3A_366 = arith.mulf %mul3A_365, %mul3A_362 : vector<16xf32>
    %mul3A_367 = arith.mulf %mul3A_366, %mul3A_362 : vector<16xf32>
    %sub3A_368 = arith.constant 1.500000e+00 : f32
    %sub3A_369 = vector.broadcast %sub3A_368 : f32 to vector<16xf32>
    %sub3A_370 = arith.subf %sub3A_369, %mul3A_367 : vector<16xf32>
    %mul3A_371 = arith.mulf %mul3A_362, %sub3A_370 : vector<16xf32>
    %swap3A_372 = arith.constant 16 : index
    %swap3A_373 = tpu.vector_load %arg10[%swap3A_372] {strides = array<i32>} : memref<320xf32, #tpu.memory_space<vmem>>, vector<16xf32>,
    %swap3A_374 = vector.shape_cast %swap3A_373 : vector<16xf32> to vector<16xf32>
    %swap3A_375 = vector.shape_cast %mul3A_371 : vector<16xf32> to vector<16xf32>
    tpu.vector_store %arg10[%swap3A_372], %swap3A_375 {strides = array<i32>} : memref<320xf32, #tpu.memory_space<vmem>>, vector<16xf32>,
    %get3A_376 = arith.constant 32 : index
    %get3A_377 = tpu.vector_load %arg10[%get3A_376] {strides = array<i32>} : memref<320xf32, #tpu.memory_space<vmem>>, vector<16xf32>,
    %get3A_378 = vector.shape_cast %get3A_377 : vector<16xf32> to vector<16xf32>
    %max3A_379 = arith.constant 1.000000e+00 : f32
    %max3A_380 = vector.broadcast %max3A_379 : f32 to vector<16xf32>
    %max3A_381 = arith.maximumf %get3A_378, %max3A_380 : vector<16xf32>
    %bitcast_convert_type3A_382 = tpu.bitcast %max3A_381 : vector<16xf32> -> vector<16xi32>
    %broadcast_in_dim3A_383 = arith.constant 1597463007 : i32
    %broadcast_in_dim3A_384 = vector.broadcast %broadcast_in_dim3A_383 : i32 to vector<16xi32>
    %broadcast_in_dim3A_385 = arith.constant 1 : i32
    %broadcast_in_dim3A_386 = vector.broadcast %broadcast_in_dim3A_385 : i32 to vector<16xi32>
    %shift_right_logical3A_387 = arith.shrui %bitcast_convert_type3A_382, %broadcast_in_dim3A_386 : vector<16xi32>
    %sub3A_388 = arith.subi %broadcast_in_dim3A_384, %shift_right_logical3A_387 : vector<16xi32>
    %bitcast_convert_type3A_389 = tpu.bitcast %sub3A_388 : vector<16xi32> -> vector<16xf32>
    %mul3A_390 = arith.constant 5.000000e-01 : f32
    %mul3A_391 = vector.broadcast %mul3A_390 : f32 to vector<16xf32>
    %mul3A_392 = arith.mulf %mul3A_391, %max3A_381 : vector<16xf32>
    %mul3A_393 = arith.mulf %mul3A_392, %bitcast_convert_type3A_389 : vector<16xf32>
    %mul3A_394 = arith.mulf %mul3A_393, %bitcast_convert_type3A_389 : vector<16xf32>
    %sub3A_395 = arith.constant 1.500000e+00 : f32
    %sub3A_396 = vector.broadcast %sub3A_395 : f32 to vector<16xf32>
    %sub3A_397 = arith.subf %sub3A_396, %mul3A_394 : vector<16xf32>
    %mul3A_398 = arith.mulf %bitcast_convert_type3A_389, %sub3A_397 : vector<16xf32>
    %mul3A_399 = arith.constant 5.000000e-01 : f32
    %mul3A_400 = vector.broadcast %mul3A_399 : f32 to vector<16xf32>
    %mul3A_401 = arith.mulf %mul3A_400, %max3A_381 : vector<16xf32>
    %mul3A_402 = arith.mulf %mul3A_401, %mul3A_398 : vector<16xf32>
    %mul3A_403 = arith.mulf %mul3A_402, %mul3A_398 : vector<16xf32>
    %sub3A_404 = arith.constant 1.500000e+00 : f32
    %sub3A_405 = vector.broadcast %sub3A_404 : f32 to vector<16xf32>
    %sub3A_406 = arith.subf %sub3A_405, %mul3A_403 : vector<16xf32>
    %mul3A_407 = arith.mulf %mul3A_398, %sub3A_406 : vector<16xf32>
    %mul3A_408 = arith.constant 5.000000e-01 : f32
    %mul3A_409 = vector.broadcast %mul3A_408 : f32 to vector<16xf32>
    %mul3A_410 = arith.mulf %mul3A_409, %max3A_381 : vector<16xf32>
    %mul3A_411 = arith.mulf %mul3A_410, %mul3A_407 : vector<16xf32>
    %mul3A_412 = arith.mulf %mul3A_411, %mul3A_407 : vector<16xf32>
    %sub3A_413 = arith.constant 1.500000e+00 : f32
    %sub3A_414 = vector.broadcast %sub3A_413 : f32 to vector<16xf32>
    %sub3A_415 = arith.subf %sub3A_414, %mul3A_412 : vector<16xf32>
    %mul3A_416 = arith.mulf %mul3A_407, %sub3A_415 : vector<16xf32>
    %mul3A_417 = arith.constant 5.000000e-01 : f32
    %mul3A_418 = vector.broadcast %mul3A_417 : f32 to vector<16xf32>
    %mul3A_419 = arith.mulf %mul3A_418, %max3A_381 : vector<16xf32>
    %mul3A_420 = arith.mulf %mul3A_419, %mul3A_416 : vector<16xf32>
    %mul3A_421 = arith.mulf %mul3A_420, %mul3A_416 : vector<16xf32>
    %sub3A_422 = arith.constant 1.500000e+00 : f32
    %sub3A_423 = vector.broadcast %sub3A_422 : f32 to vector<16xf32>
    %sub3A_424 = arith.subf %sub3A_423, %mul3A_421 : vector<16xf32>
    %mul3A_425 = arith.mulf %mul3A_416, %sub3A_424 : vector<16xf32>
    %swap3A_426 = arith.constant 32 : index
    %swap3A_427 = tpu.vector_load %arg10[%swap3A_426] {strides = array<i32>} : memref<320xf32, #tpu.memory_space<vmem>>, vector<16xf32>,
    %swap3A_428 = vector.shape_cast %swap3A_427 : vector<16xf32> to vector<16xf32>
    %swap3A_429 = vector.shape_cast %mul3A_425 : vector<16xf32> to vector<16xf32>
    tpu.vector_store %arg10[%swap3A_426], %swap3A_429 {strides = array<i32>} : memref<320xf32, #tpu.memory_space<vmem>>, vector<16xf32>,
    %get3A_430 = arith.constant 48 : index
    %get3A_431 = tpu.vector_load %arg10[%get3A_430] {strides = array<i32>} : memref<320xf32, #tpu.memory_space<vmem>>, vector<16xf32>,
    %get3A_432 = vector.shape_cast %get3A_431 : vector<16xf32> to vector<16xf32>
    %max3A_433 = arith.constant 1.000000e+00 : f32
    %max3A_434 = vector.broadcast %max3A_433 : f32 to vector<16xf32>
    %max3A_435 = arith.maximumf %get3A_432, %max3A_434 : vector<16xf32>
    %bitcast_convert_type3A_436 = tpu.bitcast %max3A_435 : vector<16xf32> -> vector<16xi32>
    %broadcast_in_dim3A_437 = arith.constant 1597463007 : i32
    %broadcast_in_dim3A_438 = vector.broadcast %broadcast_in_dim3A_437 : i32 to vector<16xi32>
    %broadcast_in_dim3A_439 = arith.constant 1 : i32
    %broadcast_in_dim3A_440 = vector.broadcast %broadcast_in_dim3A_439 : i32 to vector<16xi32>
    %shift_right_logical3A_441 = arith.shrui %bitcast_convert_type3A_436, %broadcast_in_dim3A_440 : vector<16xi32>
    %sub3A_442 = arith.subi %broadcast_in_dim3A_438, %shift_right_logical3A_441 : vector<16xi32>
    %bitcast_convert_type3A_443 = tpu.bitcast %sub3A_442 : vector<16xi32> -> vector<16xf32>
    %mul3A_444 = arith.constant 5.000000e-01 : f32
    %mul3A_445 = vector.broadcast %mul3A_444 : f32 to vector<16xf32>
    %mul3A_446 = arith.mulf %mul3A_445, %max3A_435 : vector<16xf32>
    %mul3A_447 = arith.mulf %mul3A_446, %bitcast_convert_type3A_443 : vector<16xf32>
    %mul3A_448 = arith.mulf %mul3A_447, %bitcast_convert_type3A_443 : vector<16xf32>
    %sub3A_449 = arith.constant 1.500000e+00 : f32
    %sub3A_450 = vector.broadcast %sub3A_449 : f32 to vector<16xf32>
    %sub3A_451 = arith.subf %sub3A_450, %mul3A_448 : vector<16xf32>
    %mul3A_452 = arith.mulf %bitcast_convert_type3A_443, %sub3A_451 : vector<16xf32>
    %mul3A_453 = arith.constant 5.000000e-01 : f32
    %mul3A_454 = vector.broadcast %mul3A_453 : f32 to vector<16xf32>
    %mul3A_455 = arith.mulf %mul3A_454, %max3A_435 : vector<16xf32>
    %mul3A_456 = arith.mulf %mul3A_455, %mul3A_452 : vector<16xf32>
    %mul3A_457 = arith.mulf %mul3A_456, %mul3A_452 : vector<16xf32>
    %sub3A_458 = arith.constant 1.500000e+00 : f32
    %sub3A_459 = vector.broadcast %sub3A_458 : f32 to vector<16xf32>
    %sub3A_460 = arith.subf %sub3A_459, %mul3A_457 : vector<16xf32>
    %mul3A_461 = arith.mulf %mul3A_452, %sub3A_460 : vector<16xf32>
    %mul3A_462 = arith.constant 5.000000e-01 : f32
    %mul3A_463 = vector.broadcast %mul3A_462 : f32 to vector<16xf32>
    %mul3A_464 = arith.mulf %mul3A_463, %max3A_435 : vector<16xf32>
    %mul3A_465 = arith.mulf %mul3A_464, %mul3A_461 : vector<16xf32>
    %mul3A_466 = arith.mulf %mul3A_465, %mul3A_461 : vector<16xf32>
    %sub3A_467 = arith.constant 1.500000e+00 : f32
    %sub3A_468 = vector.broadcast %sub3A_467 : f32 to vector<16xf32>
    %sub3A_469 = arith.subf %sub3A_468, %mul3A_466 : vector<16xf32>
    %mul3A_470 = arith.mulf %mul3A_461, %sub3A_469 : vector<16xf32>
    %mul3A_471 = arith.constant 5.000000e-01 : f32
    %mul3A_472 = vector.broadcast %mul3A_471 : f32 to vector<16xf32>
    %mul3A_473 = arith.mulf %mul3A_472, %max3A_435 : vector<16xf32>
    %mul3A_474 = arith.mulf %mul3A_473, %mul3A_470 : vector<16xf32>
    %mul3A_475 = arith.mulf %mul3A_474, %mul3A_470 : vector<16xf32>
    %sub3A_476 = arith.constant 1.500000e+00 : f32
    %sub3A_477 = vector.broadcast %sub3A_476 : f32 to vector<16xf32>
    %sub3A_478 = arith.subf %sub3A_477, %mul3A_475 : vector<16xf32>
    %mul3A_479 = arith.mulf %mul3A_470, %sub3A_478 : vector<16xf32>
    %swap3A_480 = arith.constant 48 : index
    %swap3A_481 = tpu.vector_load %arg10[%swap3A_480] {strides = array<i32>} : memref<320xf32, #tpu.memory_space<vmem>>, vector<16xf32>,
    %swap3A_482 = vector.shape_cast %swap3A_481 : vector<16xf32> to vector<16xf32>
    %swap3A_483 = vector.shape_cast %mul3A_479 : vector<16xf32> to vector<16xf32>
    tpu.vector_store %arg10[%swap3A_480], %swap3A_483 {strides = array<i32>} : memref<320xf32, #tpu.memory_space<vmem>>, vector<16xf32>,
    %get3A_484 = arith.constant 64 : index
    %get3A_485 = tpu.vector_load %arg10[%get3A_484] {strides = array<i32>} : memref<320xf32, #tpu.memory_space<vmem>>, vector<16xf32>,
    %get3A_486 = vector.shape_cast %get3A_485 : vector<16xf32> to vector<16xf32>
    %max3A_487 = arith.constant 1.000000e+00 : f32
    %max3A_488 = vector.broadcast %max3A_487 : f32 to vector<16xf32>
    %max3A_489 = arith.maximumf %get3A_486, %max3A_488 : vector<16xf32>
    %bitcast_convert_type3A_490 = tpu.bitcast %max3A_489 : vector<16xf32> -> vector<16xi32>
    %broadcast_in_dim3A_491 = arith.constant 1597463007 : i32
    %broadcast_in_dim3A_492 = vector.broadcast %broadcast_in_dim3A_491 : i32 to vector<16xi32>
    %broadcast_in_dim3A_493 = arith.constant 1 : i32
    %broadcast_in_dim3A_494 = vector.broadcast %broadcast_in_dim3A_493 : i32 to vector<16xi32>
    %shift_right_logical3A_495 = arith.shrui %bitcast_convert_type3A_490, %broadcast_in_dim3A_494 : vector<16xi32>
    %sub3A_496 = arith.subi %broadcast_in_dim3A_492, %shift_right_logical3A_495 : vector<16xi32>
    %bitcast_convert_type3A_497 = tpu.bitcast %sub3A_496 : vector<16xi32> -> vector<16xf32>
    %mul3A_498 = arith.constant 5.000000e-01 : f32
    %mul3A_499 = vector.broadcast %mul3A_498 : f32 to vector<16xf32>
    %mul3A_500 = arith.mulf %mul3A_499, %max3A_489 : vector<16xf32>
    %mul3A_501 = arith.mulf %mul3A_500, %bitcast_convert_type3A_497 : vector<16xf32>
    %mul3A_502 = arith.mulf %mul3A_501, %bitcast_convert_type3A_497 : vector<16xf32>
    %sub3A_503 = arith.constant 1.500000e+00 : f32
    %sub3A_504 = vector.broadcast %sub3A_503 : f32 to vector<16xf32>
    %sub3A_505 = arith.subf %sub3A_504, %mul3A_502 : vector<16xf32>
    %mul3A_506 = arith.mulf %bitcast_convert_type3A_497, %sub3A_505 : vector<16xf32>
    %mul3A_507 = arith.constant 5.000000e-01 : f32
    %mul3A_508 = vector.broadcast %mul3A_507 : f32 to vector<16xf32>
    %mul3A_509 = arith.mulf %mul3A_508, %max3A_489 : vector<16xf32>
    %mul3A_510 = arith.mulf %mul3A_509, %mul3A_506 : vector<16xf32>
    %mul3A_511 = arith.mulf %mul3A_510, %mul3A_506 : vector<16xf32>
    %sub3A_512 = arith.constant 1.500000e+00 : f32
    %sub3A_513 = vector.broadcast %sub3A_512 : f32 to vector<16xf32>
    %sub3A_514 = arith.subf %sub3A_513, %mul3A_511 : vector<16xf32>
    %mul3A_515 = arith.mulf %mul3A_506, %sub3A_514 : vector<16xf32>
    %mul3A_516 = arith.constant 5.000000e-01 : f32
    %mul3A_517 = vector.broadcast %mul3A_516 : f32 to vector<16xf32>
    %mul3A_518 = arith.mulf %mul3A_517, %max3A_489 : vector<16xf32>
    %mul3A_519 = arith.mulf %mul3A_518, %mul3A_515 : vector<16xf32>
    %mul3A_520 = arith.mulf %mul3A_519, %mul3A_515 : vector<16xf32>
    %sub3A_521 = arith.constant 1.500000e+00 : f32
    %sub3A_522 = vector.broadcast %sub3A_521 : f32 to vector<16xf32>
    %sub3A_523 = arith.subf %sub3A_522, %mul3A_520 : vector<16xf32>
    %mul3A_524 = arith.mulf %mul3A_515, %sub3A_523 : vector<16xf32>
    %mul3A_525 = arith.constant 5.000000e-01 : f32
    %mul3A_526 = vector.broadcast %mul3A_525 : f32 to vector<16xf32>
    %mul3A_527 = arith.mulf %mul3A_526, %max3A_489 : vector<16xf32>
    %mul3A_528 = arith.mulf %mul3A_527, %mul3A_524 : vector<16xf32>
    %mul3A_529 = arith.mulf %mul3A_528, %mul3A_524 : vector<16xf32>
    %sub3A_530 = arith.constant 1.500000e+00 : f32
    %sub3A_531 = vector.broadcast %sub3A_530 : f32 to vector<16xf32>
    %sub3A_532 = arith.subf %sub3A_531, %mul3A_529 : vector<16xf32>
    %mul3A_533 = arith.mulf %mul3A_524, %sub3A_532 : vector<16xf32>
    %swap3A_534 = arith.constant 64 : index
    %swap3A_535 = tpu.vector_load %arg10[%swap3A_534] {strides = array<i32>} : memref<320xf32, #tpu.memory_space<vmem>>, vector<16xf32>,
    %swap3A_536 = vector.shape_cast %swap3A_535 : vector<16xf32> to vector<16xf32>
    %swap3A_537 = vector.shape_cast %mul3A_533 : vector<16xf32> to vector<16xf32>
    tpu.vector_store %arg10[%swap3A_534], %swap3A_537 {strides = array<i32>} : memref<320xf32, #tpu.memory_space<vmem>>, vector<16xf32>,
    %get3A_538 = arith.constant 80 : index
    %get3A_539 = tpu.vector_load %arg10[%get3A_538] {strides = array<i32>} : memref<320xf32, #tpu.memory_space<vmem>>, vector<16xf32>,
    %get3A_540 = vector.shape_cast %get3A_539 : vector<16xf32> to vector<16xf32>
    %max3A_541 = arith.constant 1.000000e+00 : f32
    %max3A_542 = vector.broadcast %max3A_541 : f32 to vector<16xf32>
    %max3A_543 = arith.maximumf %get3A_540, %max3A_542 : vector<16xf32>
    %bitcast_convert_type3A_544 = tpu.bitcast %max3A_543 : vector<16xf32> -> vector<16xi32>
    %broadcast_in_dim3A_545 = arith.constant 1597463007 : i32
    %broadcast_in_dim3A_546 = vector.broadcast %broadcast_in_dim3A_545 : i32 to vector<16xi32>
    %broadcast_in_dim3A_547 = arith.constant 1 : i32
    %broadcast_in_dim3A_548 = vector.broadcast %broadcast_in_dim3A_547 : i32 to vector<16xi32>
    %shift_right_logical3A_549 = arith.shrui %bitcast_convert_type3A_544, %broadcast_in_dim3A_548 : vector<16xi32>
    %sub3A_550 = arith.subi %broadcast_in_dim3A_546, %shift_right_logical3A_549 : vector<16xi32>
    %bitcast_convert_type3A_551 = tpu.bitcast %sub3A_550 : vector<16xi32> -> vector<16xf32>
    %mul3A_552 = arith.constant 5.000000e-01 : f32
    %mul3A_553 = vector.broadcast %mul3A_552 : f32 to vector<16xf32>
    %mul3A_554 = arith.mulf %mul3A_553, %max3A_543 : vector<16xf32>
    %mul3A_555 = arith.mulf %mul3A_554, %bitcast_convert_type3A_551 : vector<16xf32>
    %mul3A_556 = arith.mulf %mul3A_555, %bitcast_convert_type3A_551 : vector<16xf32>
    %sub3A_557 = arith.constant 1.500000e+00 : f32
    %sub3A_558 = vector.broadcast %sub3A_557 : f32 to vector<16xf32>
    %sub3A_559 = arith.subf %sub3A_558, %mul3A_556 : vector<16xf32>
    %mul3A_560 = arith.mulf %bitcast_convert_type3A_551, %sub3A_559 : vector<16xf32>
    %mul3A_561 = arith.constant 5.000000e-01 : f32
    %mul3A_562 = vector.broadcast %mul3A_561 : f32 to vector<16xf32>
    %mul3A_563 = arith.mulf %mul3A_562, %max3A_543 : vector<16xf32>
    %mul3A_564 = arith.mulf %mul3A_563, %mul3A_560 : vector<16xf32>
    %mul3A_565 = arith.mulf %mul3A_564, %mul3A_560 : vector<16xf32>
    %sub3A_566 = arith.constant 1.500000e+00 : f32
    %sub3A_567 = vector.broadcast %sub3A_566 : f32 to vector<16xf32>
    %sub3A_568 = arith.subf %sub3A_567, %mul3A_565 : vector<16xf32>
    %mul3A_569 = arith.mulf %mul3A_560, %sub3A_568 : vector<16xf32>
    %mul3A_570 = arith.constant 5.000000e-01 : f32
    %mul3A_571 = vector.broadcast %mul3A_570 : f32 to vector<16xf32>
    %mul3A_572 = arith.mulf %mul3A_571, %max3A_543 : vector<16xf32>
    %mul3A_573 = arith.mulf %mul3A_572, %mul3A_569 : vector<16xf32>
    %mul3A_574 = arith.mulf %mul3A_573, %mul3A_569 : vector<16xf32>
    %sub3A_575 = arith.constant 1.500000e+00 : f32
    %sub3A_576 = vector.broadcast %sub3A_575 : f32 to vector<16xf32>
    %sub3A_577 = arith.subf %sub3A_576, %mul3A_574 : vector<16xf32>
    %mul3A_578 = arith.mulf %mul3A_569, %sub3A_577 : vector<16xf32>
    %mul3A_579 = arith.constant 5.000000e-01 : f32
    %mul3A_580 = vector.broadcast %mul3A_579 : f32 to vector<16xf32>
    %mul3A_581 = arith.mulf %mul3A_580, %max3A_543 : vector<16xf32>
    %mul3A_582 = arith.mulf %mul3A_581, %mul3A_578 : vector<16xf32>
    %mul3A_583 = arith.mulf %mul3A_582, %mul3A_578 : vector<16xf32>
    %sub3A_584 = arith.constant 1.500000e+00 : f32
    %sub3A_585 = vector.broadcast %sub3A_584 : f32 to vector<16xf32>
    %sub3A_586 = arith.subf %sub3A_585, %mul3A_583 : vector<16xf32>
    %mul3A_587 = arith.mulf %mul3A_578, %sub3A_586 : vector<16xf32>
    %swap3A_588 = arith.constant 80 : index
    %swap3A_589 = tpu.vector_load %arg10[%swap3A_588] {strides = array<i32>} : memref<320xf32, #tpu.memory_space<vmem>>, vector<16xf32>,
    %swap3A_590 = vector.shape_cast %swap3A_589 : vector<16xf32> to vector<16xf32>
    %swap3A_591 = vector.shape_cast %mul3A_587 : vector<16xf32> to vector<16xf32>
    tpu.vector_store %arg10[%swap3A_588], %swap3A_591 {strides = array<i32>} : memref<320xf32, #tpu.memory_space<vmem>>, vector<16xf32>,
    %get3A_592 = arith.constant 96 : index
    %get3A_593 = tpu.vector_load %arg10[%get3A_592] {strides = array<i32>} : memref<320xf32, #tpu.memory_space<vmem>>, vector<16xf32>,
    %get3A_594 = vector.shape_cast %get3A_593 : vector<16xf32> to vector<16xf32>
    %max3A_595 = arith.constant 1.000000e+00 : f32
    %max3A_596 = vector.broadcast %max3A_595 : f32 to vector<16xf32>
    %max3A_597 = arith.maximumf %get3A_594, %max3A_596 : vector<16xf32>
    %bitcast_convert_type3A_598 = tpu.bitcast %max3A_597 : vector<16xf32> -> vector<16xi32>
    %broadcast_in_dim3A_599 = arith.constant 1597463007 : i32
    %broadcast_in_dim3A_600 = vector.broadcast %broadcast_in_dim3A_599 : i32 to vector<16xi32>
    %broadcast_in_dim3A_601 = arith.constant 1 : i32
    %broadcast_in_dim3A_602 = vector.broadcast %broadcast_in_dim3A_601 : i32 to vector<16xi32>
    %shift_right_logical3A_603 = arith.shrui %bitcast_convert_type3A_598, %broadcast_in_dim3A_602 : vector<16xi32>
    %sub3A_604 = arith.subi %broadcast_in_dim3A_600, %shift_right_logical3A_603 : vector<16xi32>
    %bitcast_convert_type3A_605 = tpu.bitcast %sub3A_604 : vector<16xi32> -> vector<16xf32>
    %mul3A_606 = arith.constant 5.000000e-01 : f32
    %mul3A_607 = vector.broadcast %mul3A_606 : f32 to vector<16xf32>
    %mul3A_608 = arith.mulf %mul3A_607, %max3A_597 : vector<16xf32>
    %mul3A_609 = arith.mulf %mul3A_608, %bitcast_convert_type3A_605 : vector<16xf32>
    %mul3A_610 = arith.mulf %mul3A_609, %bitcast_convert_type3A_605 : vector<16xf32>
    %sub3A_611 = arith.constant 1.500000e+00 : f32
    %sub3A_612 = vector.broadcast %sub3A_611 : f32 to vector<16xf32>
    %sub3A_613 = arith.subf %sub3A_612, %mul3A_610 : vector<16xf32>
    %mul3A_614 = arith.mulf %bitcast_convert_type3A_605, %sub3A_613 : vector<16xf32>
    %mul3A_615 = arith.constant 5.000000e-01 : f32
    %mul3A_616 = vector.broadcast %mul3A_615 : f32 to vector<16xf32>
    %mul3A_617 = arith.mulf %mul3A_616, %max3A_597 : vector<16xf32>
    %mul3A_618 = arith.mulf %mul3A_617, %mul3A_614 : vector<16xf32>
    %mul3A_619 = arith.mulf %mul3A_618, %mul3A_614 : vector<16xf32>
    %sub3A_620 = arith.constant 1.500000e+00 : f32
    %sub3A_621 = vector.broadcast %sub3A_620 : f32 to vector<16xf32>
    %sub3A_622 = arith.subf %sub3A_621, %mul3A_619 : vector<16xf32>
    %mul3A_623 = arith.mulf %mul3A_614, %sub3A_622 : vector<16xf32>
    %mul3A_624 = arith.constant 5.000000e-01 : f32
    %mul3A_625 = vector.broadcast %mul3A_624 : f32 to vector<16xf32>
    %mul3A_626 = arith.mulf %mul3A_625, %max3A_597 : vector<16xf32>
    %mul3A_627 = arith.mulf %mul3A_626, %mul3A_623 : vector<16xf32>
    %mul3A_628 = arith.mulf %mul3A_627, %mul3A_623 : vector<16xf32>
    %sub3A_629 = arith.constant 1.500000e+00 : f32
    %sub3A_630 = vector.broadcast %sub3A_629 : f32 to vector<16xf32>
    %sub3A_631 = arith.subf %sub3A_630, %mul3A_628 : vector<16xf32>
    %mul3A_632 = arith.mulf %mul3A_623, %sub3A_631 : vector<16xf32>
    %mul3A_633 = arith.constant 5.000000e-01 : f32
    %mul3A_634 = vector.broadcast %mul3A_633 : f32 to vector<16xf32>
    %mul3A_635 = arith.mulf %mul3A_634, %max3A_597 : vector<16xf32>
    %mul3A_636 = arith.mulf %mul3A_635, %mul3A_632 : vector<16xf32>
    %mul3A_637 = arith.mulf %mul3A_636, %mul3A_632 : vector<16xf32>
    %sub3A_638 = arith.constant 1.500000e+00 : f32
    %sub3A_639 = vector.broadcast %sub3A_638 : f32 to vector<16xf32>
    %sub3A_640 = arith.subf %sub3A_639, %mul3A_637 : vector<16xf32>
    %mul3A_641 = arith.mulf %mul3A_632, %sub3A_640 : vector<16xf32>
    %swap3A_642 = arith.constant 96 : index
    %swap3A_643 = tpu.vector_load %arg10[%swap3A_642] {strides = array<i32>} : memref<320xf32, #tpu.memory_space<vmem>>, vector<16xf32>,
    %swap3A_644 = vector.shape_cast %swap3A_643 : vector<16xf32> to vector<16xf32>
    %swap3A_645 = vector.shape_cast %mul3A_641 : vector<16xf32> to vector<16xf32>
    tpu.vector_store %arg10[%swap3A_642], %swap3A_645 {strides = array<i32>} : memref<320xf32, #tpu.memory_space<vmem>>, vector<16xf32>,
    %get3A_646 = arith.constant 112 : index
    %get3A_647 = tpu.vector_load %arg10[%get3A_646] {strides = array<i32>} : memref<320xf32, #tpu.memory_space<vmem>>, vector<16xf32>,
    %get3A_648 = vector.shape_cast %get3A_647 : vector<16xf32> to vector<16xf32>
    %max3A_649 = arith.constant 1.000000e+00 : f32
    %max3A_650 = vector.broadcast %max3A_649 : f32 to vector<16xf32>
    %max3A_651 = arith.maximumf %get3A_648, %max3A_650 : vector<16xf32>
    %bitcast_convert_type3A_652 = tpu.bitcast %max3A_651 : vector<16xf32> -> vector<16xi32>
    %broadcast_in_dim3A_653 = arith.constant 1597463007 : i32
    %broadcast_in_dim3A_654 = vector.broadcast %broadcast_in_dim3A_653 : i32 to vector<16xi32>
    %broadcast_in_dim3A_655 = arith.constant 1 : i32
    %broadcast_in_dim3A_656 = vector.broadcast %broadcast_in_dim3A_655 : i32 to vector<16xi32>
    %shift_right_logical3A_657 = arith.shrui %bitcast_convert_type3A_652, %broadcast_in_dim3A_656 : vector<16xi32>
    %sub3A_658 = arith.subi %broadcast_in_dim3A_654, %shift_right_logical3A_657 : vector<16xi32>
    %bitcast_convert_type3A_659 = tpu.bitcast %sub3A_658 : vector<16xi32> -> vector<16xf32>
    %mul3A_660 = arith.constant 5.000000e-01 : f32
    %mul3A_661 = vector.broadcast %mul3A_660 : f32 to vector<16xf32>
    %mul3A_662 = arith.mulf %mul3A_661, %max3A_651 : vector<16xf32>
    %mul3A_663 = arith.mulf %mul3A_662, %bitcast_convert_type3A_659 : vector<16xf32>
    %mul3A_664 = arith.mulf %mul3A_663, %bitcast_convert_type3A_659 : vector<16xf32>
    %sub3A_665 = arith.constant 1.500000e+00 : f32
    %sub3A_666 = vector.broadcast %sub3A_665 : f32 to vector<16xf32>
    %sub3A_667 = arith.subf %sub3A_666, %mul3A_664 : vector<16xf32>
    %mul3A_668 = arith.mulf %bitcast_convert_type3A_659, %sub3A_667 : vector<16xf32>
    %mul3A_669 = arith.constant 5.000000e-01 : f32
    %mul3A_670 = vector.broadcast %mul3A_669 : f32 to vector<16xf32>
    %mul3A_671 = arith.mulf %mul3A_670, %max3A_651 : vector<16xf32>
    %mul3A_672 = arith.mulf %mul3A_671, %mul3A_668 : vector<16xf32>
    %mul3A_673 = arith.mulf %mul3A_672, %mul3A_668 : vector<16xf32>
    %sub3A_674 = arith.constant 1.500000e+00 : f32
    %sub3A_675 = vector.broadcast %sub3A_674 : f32 to vector<16xf32>
    %sub3A_676 = arith.subf %sub3A_675, %mul3A_673 : vector<16xf32>
    %mul3A_677 = arith.mulf %mul3A_668, %sub3A_676 : vector<16xf32>
    %mul3A_678 = arith.constant 5.000000e-01 : f32
    %mul3A_679 = vector.broadcast %mul3A_678 : f32 to vector<16xf32>
    %mul3A_680 = arith.mulf %mul3A_679, %max3A_651 : vector<16xf32>
    %mul3A_681 = arith.mulf %mul3A_680, %mul3A_677 : vector<16xf32>
    %mul3A_682 = arith.mulf %mul3A_681, %mul3A_677 : vector<16xf32>
    %sub3A_683 = arith.constant 1.500000e+00 : f32
    %sub3A_684 = vector.broadcast %sub3A_683 : f32 to vector<16xf32>
    %sub3A_685 = arith.subf %sub3A_684, %mul3A_682 : vector<16xf32>
    %mul3A_686 = arith.mulf %mul3A_677, %sub3A_685 : vector<16xf32>
    %mul3A_687 = arith.constant 5.000000e-01 : f32
    %mul3A_688 = vector.broadcast %mul3A_687 : f32 to vector<16xf32>
    %mul3A_689 = arith.mulf %mul3A_688, %max3A_651 : vector<16xf32>
    %mul3A_690 = arith.mulf %mul3A_689, %mul3A_686 : vector<16xf32>
    %mul3A_691 = arith.mulf %mul3A_690, %mul3A_686 : vector<16xf32>
    %sub3A_692 = arith.constant 1.500000e+00 : f32
    %sub3A_693 = vector.broadcast %sub3A_692 : f32 to vector<16xf32>
    %sub3A_694 = arith.subf %sub3A_693, %mul3A_691 : vector<16xf32>
    %mul3A_695 = arith.mulf %mul3A_686, %sub3A_694 : vector<16xf32>
    %swap3A_696 = arith.constant 112 : index
    %swap3A_697 = tpu.vector_load %arg10[%swap3A_696] {strides = array<i32>} : memref<320xf32, #tpu.memory_space<vmem>>, vector<16xf32>,
    %swap3A_698 = vector.shape_cast %swap3A_697 : vector<16xf32> to vector<16xf32>
    %swap3A_699 = vector.shape_cast %mul3A_695 : vector<16xf32> to vector<16xf32>
    tpu.vector_store %arg10[%swap3A_696], %swap3A_699 {strides = array<i32>} : memref<320xf32, #tpu.memory_space<vmem>>, vector<16xf32>,
    %get3A_700 = arith.constant 128 : index
    %get3A_701 = tpu.vector_load %arg10[%get3A_700] {strides = array<i32>} : memref<320xf32, #tpu.memory_space<vmem>>, vector<16xf32>,
    %get3A_702 = vector.shape_cast %get3A_701 : vector<16xf32> to vector<16xf32>
    %max3A_703 = arith.constant 1.000000e+00 : f32
    %max3A_704 = vector.broadcast %max3A_703 : f32 to vector<16xf32>
    %max3A_705 = arith.maximumf %get3A_702, %max3A_704 : vector<16xf32>
    %bitcast_convert_type3A_706 = tpu.bitcast %max3A_705 : vector<16xf32> -> vector<16xi32>
    %broadcast_in_dim3A_707 = arith.constant 1597463007 : i32
    %broadcast_in_dim3A_708 = vector.broadcast %broadcast_in_dim3A_707 : i32 to vector<16xi32>
    %broadcast_in_dim3A_709 = arith.constant 1 : i32
    %broadcast_in_dim3A_710 = vector.broadcast %broadcast_in_dim3A_709 : i32 to vector<16xi32>
    %shift_right_logical3A_711 = arith.shrui %bitcast_convert_type3A_706, %broadcast_in_dim3A_710 : vector<16xi32>
    %sub3A_712 = arith.subi %broadcast_in_dim3A_708, %shift_right_logical3A_711 : vector<16xi32>
    %bitcast_convert_type3A_713 = tpu.bitcast %sub3A_712 : vector<16xi32> -> vector<16xf32>
    %mul3A_714 = arith.constant 5.000000e-01 : f32
    %mul3A_715 = vector.broadcast %mul3A_714 : f32 to vector<16xf32>
    %mul3A_716 = arith.mulf %mul3A_715, %max3A_705 : vector<16xf32>
    %mul3A_717 = arith.mulf %mul3A_716, %bitcast_convert_type3A_713 : vector<16xf32>
    %mul3A_718 = arith.mulf %mul3A_717, %bitcast_convert_type3A_713 : vector<16xf32>
    %sub3A_719 = arith.constant 1.500000e+00 : f32
    %sub3A_720 = vector.broadcast %sub3A_719 : f32 to vector<16xf32>
    %sub3A_721 = arith.subf %sub3A_720, %mul3A_718 : vector<16xf32>
    %mul3A_722 = arith.mulf %bitcast_convert_type3A_713, %sub3A_721 : vector<16xf32>
    %mul3A_723 = arith.constant 5.000000e-01 : f32
    %mul3A_724 = vector.broadcast %mul3A_723 : f32 to vector<16xf32>
    %mul3A_725 = arith.mulf %mul3A_724, %max3A_705 : vector<16xf32>
    %mul3A_726 = arith.mulf %mul3A_725, %mul3A_722 : vector<16xf32>
    %mul3A_727 = arith.mulf %mul3A_726, %mul3A_722 : vector<16xf32>
    %sub3A_728 = arith.constant 1.500000e+00 : f32
    %sub3A_729 = vector.broadcast %sub3A_728 : f32 to vector<16xf32>
    %sub3A_730 = arith.subf %sub3A_729, %mul3A_727 : vector<16xf32>
    %mul3A_731 = arith.mulf %mul3A_722, %sub3A_730 : vector<16xf32>
    %mul3A_732 = arith.constant 5.000000e-01 : f32
    %mul3A_733 = vector.broadcast %mul3A_732 : f32 to vector<16xf32>
    %mul3A_734 = arith.mulf %mul3A_733, %max3A_705 : vector<16xf32>
    %mul3A_735 = arith.mulf %mul3A_734, %mul3A_731 : vector<16xf32>
    %mul3A_736 = arith.mulf %mul3A_735, %mul3A_731 : vector<16xf32>
    %sub3A_737 = arith.constant 1.500000e+00 : f32
    %sub3A_738 = vector.broadcast %sub3A_737 : f32 to vector<16xf32>
    %sub3A_739 = arith.subf %sub3A_738, %mul3A_736 : vector<16xf32>
    %mul3A_740 = arith.mulf %mul3A_731, %sub3A_739 : vector<16xf32>
    %mul3A_741 = arith.constant 5.000000e-01 : f32
    %mul3A_742 = vector.broadcast %mul3A_741 : f32 to vector<16xf32>
    %mul3A_743 = arith.mulf %mul3A_742, %max3A_705 : vector<16xf32>
    %mul3A_744 = arith.mulf %mul3A_743, %mul3A_740 : vector<16xf32>
    %mul3A_745 = arith.mulf %mul3A_744, %mul3A_740 : vector<16xf32>
    %sub3A_746 = arith.constant 1.500000e+00 : f32
    %sub3A_747 = vector.broadcast %sub3A_746 : f32 to vector<16xf32>
    %sub3A_748 = arith.subf %sub3A_747, %mul3A_745 : vector<16xf32>
    %mul3A_749 = arith.mulf %mul3A_740, %sub3A_748 : vector<16xf32>
    %swap3A_750 = arith.constant 128 : index
    %swap3A_751 = tpu.vector_load %arg10[%swap3A_750] {strides = array<i32>} : memref<320xf32, #tpu.memory_space<vmem>>, vector<16xf32>,
    %swap3A_752 = vector.shape_cast %swap3A_751 : vector<16xf32> to vector<16xf32>
    %swap3A_753 = vector.shape_cast %mul3A_749 : vector<16xf32> to vector<16xf32>
    tpu.vector_store %arg10[%swap3A_750], %swap3A_753 {strides = array<i32>} : memref<320xf32, #tpu.memory_space<vmem>>, vector<16xf32>,
    %get3A_754 = arith.constant 144 : index
    %get3A_755 = tpu.vector_load %arg10[%get3A_754] {strides = array<i32>} : memref<320xf32, #tpu.memory_space<vmem>>, vector<16xf32>,
    %get3A_756 = vector.shape_cast %get3A_755 : vector<16xf32> to vector<16xf32>
    %max3A_757 = arith.constant 1.000000e+00 : f32
    %max3A_758 = vector.broadcast %max3A_757 : f32 to vector<16xf32>
    %max3A_759 = arith.maximumf %get3A_756, %max3A_758 : vector<16xf32>
    %bitcast_convert_type3A_760 = tpu.bitcast %max3A_759 : vector<16xf32> -> vector<16xi32>
    %broadcast_in_dim3A_761 = arith.constant 1597463007 : i32
    %broadcast_in_dim3A_762 = vector.broadcast %broadcast_in_dim3A_761 : i32 to vector<16xi32>
    %broadcast_in_dim3A_763 = arith.constant 1 : i32
    %broadcast_in_dim3A_764 = vector.broadcast %broadcast_in_dim3A_763 : i32 to vector<16xi32>
    %shift_right_logical3A_765 = arith.shrui %bitcast_convert_type3A_760, %broadcast_in_dim3A_764 : vector<16xi32>
    %sub3A_766 = arith.subi %broadcast_in_dim3A_762, %shift_right_logical3A_765 : vector<16xi32>
    %bitcast_convert_type3A_767 = tpu.bitcast %sub3A_766 : vector<16xi32> -> vector<16xf32>
    %mul3A_768 = arith.constant 5.000000e-01 : f32
    %mul3A_769 = vector.broadcast %mul3A_768 : f32 to vector<16xf32>
    %mul3A_770 = arith.mulf %mul3A_769, %max3A_759 : vector<16xf32>
    %mul3A_771 = arith.mulf %mul3A_770, %bitcast_convert_type3A_767 : vector<16xf32>
    %mul3A_772 = arith.mulf %mul3A_771, %bitcast_convert_type3A_767 : vector<16xf32>
    %sub3A_773 = arith.constant 1.500000e+00 : f32
    %sub3A_774 = vector.broadcast %sub3A_773 : f32 to vector<16xf32>
    %sub3A_775 = arith.subf %sub3A_774, %mul3A_772 : vector<16xf32>
    %mul3A_776 = arith.mulf %bitcast_convert_type3A_767, %sub3A_775 : vector<16xf32>
    %mul3A_777 = arith.constant 5.000000e-01 : f32
    %mul3A_778 = vector.broadcast %mul3A_777 : f32 to vector<16xf32>
    %mul3A_779 = arith.mulf %mul3A_778, %max3A_759 : vector<16xf32>
    %mul3A_780 = arith.mulf %mul3A_779, %mul3A_776 : vector<16xf32>
    %mul3A_781 = arith.mulf %mul3A_780, %mul3A_776 : vector<16xf32>
    %sub3A_782 = arith.constant 1.500000e+00 : f32
    %sub3A_783 = vector.broadcast %sub3A_782 : f32 to vector<16xf32>
    %sub3A_784 = arith.subf %sub3A_783, %mul3A_781 : vector<16xf32>
    %mul3A_785 = arith.mulf %mul3A_776, %sub3A_784 : vector<16xf32>
    %mul3A_786 = arith.constant 5.000000e-01 : f32
    %mul3A_787 = vector.broadcast %mul3A_786 : f32 to vector<16xf32>
    %mul3A_788 = arith.mulf %mul3A_787, %max3A_759 : vector<16xf32>
    %mul3A_789 = arith.mulf %mul3A_788, %mul3A_785 : vector<16xf32>
    %mul3A_790 = arith.mulf %mul3A_789, %mul3A_785 : vector<16xf32>
    %sub3A_791 = arith.constant 1.500000e+00 : f32
    %sub3A_792 = vector.broadcast %sub3A_791 : f32 to vector<16xf32>
    %sub3A_793 = arith.subf %sub3A_792, %mul3A_790 : vector<16xf32>
    %mul3A_794 = arith.mulf %mul3A_785, %sub3A_793 : vector<16xf32>
    %mul3A_795 = arith.constant 5.000000e-01 : f32
    %mul3A_796 = vector.broadcast %mul3A_795 : f32 to vector<16xf32>
    %mul3A_797 = arith.mulf %mul3A_796, %max3A_759 : vector<16xf32>
    %mul3A_798 = arith.mulf %mul3A_797, %mul3A_794 : vector<16xf32>
    %mul3A_799 = arith.mulf %mul3A_798, %mul3A_794 : vector<16xf32>
    %sub3A_800 = arith.constant 1.500000e+00 : f32
    %sub3A_801 = vector.broadcast %sub3A_800 : f32 to vector<16xf32>
    %sub3A_802 = arith.subf %sub3A_801, %mul3A_799 : vector<16xf32>
    %mul3A_803 = arith.mulf %mul3A_794, %sub3A_802 : vector<16xf32>
    %swap3A_804 = arith.constant 144 : index
    %swap3A_805 = tpu.vector_load %arg10[%swap3A_804] {strides = array<i32>} : memref<320xf32, #tpu.memory_space<vmem>>, vector<16xf32>,
    %swap3A_806 = vector.shape_cast %swap3A_805 : vector<16xf32> to vector<16xf32>
    %swap3A_807 = vector.shape_cast %mul3A_803 : vector<16xf32> to vector<16xf32>
    tpu.vector_store %arg10[%swap3A_804], %swap3A_807 {strides = array<i32>} : memref<320xf32, #tpu.memory_space<vmem>>, vector<16xf32>,
    %get3A_808 = arith.constant 160 : index
    %get3A_809 = tpu.vector_load %arg10[%get3A_808] {strides = array<i32>} : memref<320xf32, #tpu.memory_space<vmem>>, vector<16xf32>,
    %get3A_810 = vector.shape_cast %get3A_809 : vector<16xf32> to vector<16xf32>
    %max3A_811 = arith.constant 1.000000e+00 : f32
    %max3A_812 = vector.broadcast %max3A_811 : f32 to vector<16xf32>
    %max3A_813 = arith.maximumf %get3A_810, %max3A_812 : vector<16xf32>
    %bitcast_convert_type3A_814 = tpu.bitcast %max3A_813 : vector<16xf32> -> vector<16xi32>
    %broadcast_in_dim3A_815 = arith.constant 1597463007 : i32
    %broadcast_in_dim3A_816 = vector.broadcast %broadcast_in_dim3A_815 : i32 to vector<16xi32>
    %broadcast_in_dim3A_817 = arith.constant 1 : i32
    %broadcast_in_dim3A_818 = vector.broadcast %broadcast_in_dim3A_817 : i32 to vector<16xi32>
    %shift_right_logical3A_819 = arith.shrui %bitcast_convert_type3A_814, %broadcast_in_dim3A_818 : vector<16xi32>
    %sub3A_820 = arith.subi %broadcast_in_dim3A_816, %shift_right_logical3A_819 : vector<16xi32>
    %bitcast_convert_type3A_821 = tpu.bitcast %sub3A_820 : vector<16xi32> -> vector<16xf32>
    %mul3A_822 = arith.constant 5.000000e-01 : f32
    %mul3A_823 = vector.broadcast %mul3A_822 : f32 to vector<16xf32>
    %mul3A_824 = arith.mulf %mul3A_823, %max3A_813 : vector<16xf32>
    %mul3A_825 = arith.mulf %mul3A_824, %bitcast_convert_type3A_821 : vector<16xf32>
    %mul3A_826 = arith.mulf %mul3A_825, %bitcast_convert_type3A_821 : vector<16xf32>
    %sub3A_827 = arith.constant 1.500000e+00 : f32
    %sub3A_828 = vector.broadcast %sub3A_827 : f32 to vector<16xf32>
    %sub3A_829 = arith.subf %sub3A_828, %mul3A_826 : vector<16xf32>
    %mul3A_830 = arith.mulf %bitcast_convert_type3A_821, %sub3A_829 : vector<16xf32>
    %mul3A_831 = arith.constant 5.000000e-01 : f32
    %mul3A_832 = vector.broadcast %mul3A_831 : f32 to vector<16xf32>
    %mul3A_833 = arith.mulf %mul3A_832, %max3A_813 : vector<16xf32>
    %mul3A_834 = arith.mulf %mul3A_833, %mul3A_830 : vector<16xf32>
    %mul3A_835 = arith.mulf %mul3A_834, %mul3A_830 : vector<16xf32>
    %sub3A_836 = arith.constant 1.500000e+00 : f32
    %sub3A_837 = vector.broadcast %sub3A_836 : f32 to vector<16xf32>
    %sub3A_838 = arith.subf %sub3A_837, %mul3A_835 : vector<16xf32>
    %mul3A_839 = arith.mulf %mul3A_830, %sub3A_838 : vector<16xf32>
    %mul3A_840 = arith.constant 5.000000e-01 : f32
    %mul3A_841 = vector.broadcast %mul3A_840 : f32 to vector<16xf32>
    %mul3A_842 = arith.mulf %mul3A_841, %max3A_813 : vector<16xf32>
    %mul3A_843 = arith.mulf %mul3A_842, %mul3A_839 : vector<16xf32>
    %mul3A_844 = arith.mulf %mul3A_843, %mul3A_839 : vector<16xf32>
    %sub3A_845 = arith.constant 1.500000e+00 : f32
    %sub3A_846 = vector.broadcast %sub3A_845 : f32 to vector<16xf32>
    %sub3A_847 = arith.subf %sub3A_846, %mul3A_844 : vector<16xf32>
    %mul3A_848 = arith.mulf %mul3A_839, %sub3A_847 : vector<16xf32>
    %mul3A_849 = arith.constant 5.000000e-01 : f32
    %mul3A_850 = vector.broadcast %mul3A_849 : f32 to vector<16xf32>
    %mul3A_851 = arith.mulf %mul3A_850, %max3A_813 : vector<16xf32>
    %mul3A_852 = arith.mulf %mul3A_851, %mul3A_848 : vector<16xf32>
    %mul3A_853 = arith.mulf %mul3A_852, %mul3A_848 : vector<16xf32>
    %sub3A_854 = arith.constant 1.500000e+00 : f32
    %sub3A_855 = vector.broadcast %sub3A_854 : f32 to vector<16xf32>
    %sub3A_856 = arith.subf %sub3A_855, %mul3A_853 : vector<16xf32>
    %mul3A_857 = arith.mulf %mul3A_848, %sub3A_856 : vector<16xf32>
    %swap3A_858 = arith.constant 160 : index
    %swap3A_859 = tpu.vector_load %arg10[%swap3A_858] {strides = array<i32>} : memref<320xf32, #tpu.memory_space<vmem>>, vector<16xf32>,
    %swap3A_860 = vector.shape_cast %swap3A_859 : vector<16xf32> to vector<16xf32>
    %swap3A_861 = vector.shape_cast %mul3A_857 : vector<16xf32> to vector<16xf32>
    tpu.vector_store %arg10[%swap3A_858], %swap3A_861 {strides = array<i32>} : memref<320xf32, #tpu.memory_space<vmem>>, vector<16xf32>,
    %get3A_862 = arith.constant 176 : index
    %get3A_863 = tpu.vector_load %arg10[%get3A_862] {strides = array<i32>} : memref<320xf32, #tpu.memory_space<vmem>>, vector<16xf32>,
    %get3A_864 = vector.shape_cast %get3A_863 : vector<16xf32> to vector<16xf32>
    %max3A_865 = arith.constant 1.000000e+00 : f32
    %max3A_866 = vector.broadcast %max3A_865 : f32 to vector<16xf32>
    %max3A_867 = arith.maximumf %get3A_864, %max3A_866 : vector<16xf32>
    %bitcast_convert_type3A_868 = tpu.bitcast %max3A_867 : vector<16xf32> -> vector<16xi32>
    %broadcast_in_dim3A_869 = arith.constant 1597463007 : i32
    %broadcast_in_dim3A_870 = vector.broadcast %broadcast_in_dim3A_869 : i32 to vector<16xi32>
    %broadcast_in_dim3A_871 = arith.constant 1 : i32
    %broadcast_in_dim3A_872 = vector.broadcast %broadcast_in_dim3A_871 : i32 to vector<16xi32>
    %shift_right_logical3A_873 = arith.shrui %bitcast_convert_type3A_868, %broadcast_in_dim3A_872 : vector<16xi32>
    %sub3A_874 = arith.subi %broadcast_in_dim3A_870, %shift_right_logical3A_873 : vector<16xi32>
    %bitcast_convert_type3A_875 = tpu.bitcast %sub3A_874 : vector<16xi32> -> vector<16xf32>
    %mul3A_876 = arith.constant 5.000000e-01 : f32
    %mul3A_877 = vector.broadcast %mul3A_876 : f32 to vector<16xf32>
    %mul3A_878 = arith.mulf %mul3A_877, %max3A_867 : vector<16xf32>
    %mul3A_879 = arith.mulf %mul3A_878, %bitcast_convert_type3A_875 : vector<16xf32>
    %mul3A_880 = arith.mulf %mul3A_879, %bitcast_convert_type3A_875 : vector<16xf32>
    %sub3A_881 = arith.constant 1.500000e+00 : f32
    %sub3A_882 = vector.broadcast %sub3A_881 : f32 to vector<16xf32>
    %sub3A_883 = arith.subf %sub3A_882, %mul3A_880 : vector<16xf32>
    %mul3A_884 = arith.mulf %bitcast_convert_type3A_875, %sub3A_883 : vector<16xf32>
    %mul3A_885 = arith.constant 5.000000e-01 : f32
    %mul3A_886 = vector.broadcast %mul3A_885 : f32 to vector<16xf32>
    %mul3A_887 = arith.mulf %mul3A_886, %max3A_867 : vector<16xf32>
    %mul3A_888 = arith.mulf %mul3A_887, %mul3A_884 : vector<16xf32>
    %mul3A_889 = arith.mulf %mul3A_888, %mul3A_884 : vector<16xf32>
    %sub3A_890 = arith.constant 1.500000e+00 : f32
    %sub3A_891 = vector.broadcast %sub3A_890 : f32 to vector<16xf32>
    %sub3A_892 = arith.subf %sub3A_891, %mul3A_889 : vector<16xf32>
    %mul3A_893 = arith.mulf %mul3A_884, %sub3A_892 : vector<16xf32>
    %mul3A_894 = arith.constant 5.000000e-01 : f32
    %mul3A_895 = vector.broadcast %mul3A_894 : f32 to vector<16xf32>
    %mul3A_896 = arith.mulf %mul3A_895, %max3A_867 : vector<16xf32>
    %mul3A_897 = arith.mulf %mul3A_896, %mul3A_893 : vector<16xf32>
    %mul3A_898 = arith.mulf %mul3A_897, %mul3A_893 : vector<16xf32>
    %sub3A_899 = arith.constant 1.500000e+00 : f32
    %sub3A_900 = vector.broadcast %sub3A_899 : f32 to vector<16xf32>
    %sub3A_901 = arith.subf %sub3A_900, %mul3A_898 : vector<16xf32>
    %mul3A_902 = arith.mulf %mul3A_893, %sub3A_901 : vector<16xf32>
    %mul3A_903 = arith.constant 5.000000e-01 : f32
    %mul3A_904 = vector.broadcast %mul3A_903 : f32 to vector<16xf32>
    %mul3A_905 = arith.mulf %mul3A_904, %max3A_867 : vector<16xf32>
    %mul3A_906 = arith.mulf %mul3A_905, %mul3A_902 : vector<16xf32>
    %mul3A_907 = arith.mulf %mul3A_906, %mul3A_902 : vector<16xf32>
    %sub3A_908 = arith.constant 1.500000e+00 : f32
    %sub3A_909 = vector.broadcast %sub3A_908 : f32 to vector<16xf32>
    %sub3A_910 = arith.subf %sub3A_909, %mul3A_907 : vector<16xf32>
    %mul3A_911 = arith.mulf %mul3A_902, %sub3A_910 : vector<16xf32>
    %swap3A_912 = arith.constant 176 : index
    %swap3A_913 = tpu.vector_load %arg10[%swap3A_912] {strides = array<i32>} : memref<320xf32, #tpu.memory_space<vmem>>, vector<16xf32>,
    %swap3A_914 = vector.shape_cast %swap3A_913 : vector<16xf32> to vector<16xf32>
    %swap3A_915 = vector.shape_cast %mul3A_911 : vector<16xf32> to vector<16xf32>
    tpu.vector_store %arg10[%swap3A_912], %swap3A_915 {strides = array<i32>} : memref<320xf32, #tpu.memory_space<vmem>>, vector<16xf32>,
    %get3A_916 = arith.constant 192 : index
    %get3A_917 = tpu.vector_load %arg10[%get3A_916] {strides = array<i32>} : memref<320xf32, #tpu.memory_space<vmem>>, vector<16xf32>,
    %get3A_918 = vector.shape_cast %get3A_917 : vector<16xf32> to vector<16xf32>
    %max3A_919 = arith.constant 1.000000e+00 : f32
    %max3A_920 = vector.broadcast %max3A_919 : f32 to vector<16xf32>
    %max3A_921 = arith.maximumf %get3A_918, %max3A_920 : vector<16xf32>
    %bitcast_convert_type3A_922 = tpu.bitcast %max3A_921 : vector<16xf32> -> vector<16xi32>
    %broadcast_in_dim3A_923 = arith.constant 1597463007 : i32
    %broadcast_in_dim3A_924 = vector.broadcast %broadcast_in_dim3A_923 : i32 to vector<16xi32>
    %broadcast_in_dim3A_925 = arith.constant 1 : i32
    %broadcast_in_dim3A_926 = vector.broadcast %broadcast_in_dim3A_925 : i32 to vector<16xi32>
    %shift_right_logical3A_927 = arith.shrui %bitcast_convert_type3A_922, %broadcast_in_dim3A_926 : vector<16xi32>
    %sub3A_928 = arith.subi %broadcast_in_dim3A_924, %shift_right_logical3A_927 : vector<16xi32>
    %bitcast_convert_type3A_929 = tpu.bitcast %sub3A_928 : vector<16xi32> -> vector<16xf32>
    %mul3A_930 = arith.constant 5.000000e-01 : f32
    %mul3A_931 = vector.broadcast %mul3A_930 : f32 to vector<16xf32>
    %mul3A_932 = arith.mulf %mul3A_931, %max3A_921 : vector<16xf32>
    %mul3A_933 = arith.mulf %mul3A_932, %bitcast_convert_type3A_929 : vector<16xf32>
    %mul3A_934 = arith.mulf %mul3A_933, %bitcast_convert_type3A_929 : vector<16xf32>
    %sub3A_935 = arith.constant 1.500000e+00 : f32
    %sub3A_936 = vector.broadcast %sub3A_935 : f32 to vector<16xf32>
    %sub3A_937 = arith.subf %sub3A_936, %mul3A_934 : vector<16xf32>
    %mul3A_938 = arith.mulf %bitcast_convert_type3A_929, %sub3A_937 : vector<16xf32>
    %mul3A_939 = arith.constant 5.000000e-01 : f32
    %mul3A_940 = vector.broadcast %mul3A_939 : f32 to vector<16xf32>
    %mul3A_941 = arith.mulf %mul3A_940, %max3A_921 : vector<16xf32>
    %mul3A_942 = arith.mulf %mul3A_941, %mul3A_938 : vector<16xf32>
    %mul3A_943 = arith.mulf %mul3A_942, %mul3A_938 : vector<16xf32>
    %sub3A_944 = arith.constant 1.500000e+00 : f32
    %sub3A_945 = vector.broadcast %sub3A_944 : f32 to vector<16xf32>
    %sub3A_946 = arith.subf %sub3A_945, %mul3A_943 : vector<16xf32>
    %mul3A_947 = arith.mulf %mul3A_938, %sub3A_946 : vector<16xf32>
    %mul3A_948 = arith.constant 5.000000e-01 : f32
    %mul3A_949 = vector.broadcast %mul3A_948 : f32 to vector<16xf32>
    %mul3A_950 = arith.mulf %mul3A_949, %max3A_921 : vector<16xf32>
    %mul3A_951 = arith.mulf %mul3A_950, %mul3A_947 : vector<16xf32>
    %mul3A_952 = arith.mulf %mul3A_951, %mul3A_947 : vector<16xf32>
    %sub3A_953 = arith.constant 1.500000e+00 : f32
    %sub3A_954 = vector.broadcast %sub3A_953 : f32 to vector<16xf32>
    %sub3A_955 = arith.subf %sub3A_954, %mul3A_952 : vector<16xf32>
    %mul3A_956 = arith.mulf %mul3A_947, %sub3A_955 : vector<16xf32>
    %mul3A_957 = arith.constant 5.000000e-01 : f32
    %mul3A_958 = vector.broadcast %mul3A_957 : f32 to vector<16xf32>
    %mul3A_959 = arith.mulf %mul3A_958, %max3A_921 : vector<16xf32>
    %mul3A_960 = arith.mulf %mul3A_959, %mul3A_956 : vector<16xf32>
    %mul3A_961 = arith.mulf %mul3A_960, %mul3A_956 : vector<16xf32>
    %sub3A_962 = arith.constant 1.500000e+00 : f32
    %sub3A_963 = vector.broadcast %sub3A_962 : f32 to vector<16xf32>
    %sub3A_964 = arith.subf %sub3A_963, %mul3A_961 : vector<16xf32>
    %mul3A_965 = arith.mulf %mul3A_956, %sub3A_964 : vector<16xf32>
    %swap3A_966 = arith.constant 192 : index
    %swap3A_967 = tpu.vector_load %arg10[%swap3A_966] {strides = array<i32>} : memref<320xf32, #tpu.memory_space<vmem>>, vector<16xf32>,
    %swap3A_968 = vector.shape_cast %swap3A_967 : vector<16xf32> to vector<16xf32>
    %swap3A_969 = vector.shape_cast %mul3A_965 : vector<16xf32> to vector<16xf32>
    tpu.vector_store %arg10[%swap3A_966], %swap3A_969 {strides = array<i32>} : memref<320xf32, #tpu.memory_space<vmem>>, vector<16xf32>,
    %get3A_970 = arith.constant 208 : index
    %get3A_971 = tpu.vector_load %arg10[%get3A_970] {strides = array<i32>} : memref<320xf32, #tpu.memory_space<vmem>>, vector<16xf32>,
    %get3A_972 = vector.shape_cast %get3A_971 : vector<16xf32> to vector<16xf32>
    %max3A_973 = arith.constant 1.000000e+00 : f32
    %max3A_974 = vector.broadcast %max3A_973 : f32 to vector<16xf32>
    %max3A_975 = arith.maximumf %get3A_972, %max3A_974 : vector<16xf32>
    %bitcast_convert_type3A_976 = tpu.bitcast %max3A_975 : vector<16xf32> -> vector<16xi32>
    %broadcast_in_dim3A_977 = arith.constant 1597463007 : i32
    %broadcast_in_dim3A_978 = vector.broadcast %broadcast_in_dim3A_977 : i32 to vector<16xi32>
    %broadcast_in_dim3A_979 = arith.constant 1 : i32
    %broadcast_in_dim3A_980 = vector.broadcast %broadcast_in_dim3A_979 : i32 to vector<16xi32>
    %shift_right_logical3A_981 = arith.shrui %bitcast_convert_type3A_976, %broadcast_in_dim3A_980 : vector<16xi32>
    %sub3A_982 = arith.subi %broadcast_in_dim3A_978, %shift_right_logical3A_981 : vector<16xi32>
    %bitcast_convert_type3A_983 = tpu.bitcast %sub3A_982 : vector<16xi32> -> vector<16xf32>
    %mul3A_984 = arith.constant 5.000000e-01 : f32
    %mul3A_985 = vector.broadcast %mul3A_984 : f32 to vector<16xf32>
    %mul3A_986 = arith.mulf %mul3A_985, %max3A_975 : vector<16xf32>
    %mul3A_987 = arith.mulf %mul3A_986, %bitcast_convert_type3A_983 : vector<16xf32>
    %mul3A_988 = arith.mulf %mul3A_987, %bitcast_convert_type3A_983 : vector<16xf32>
    %sub3A_989 = arith.constant 1.500000e+00 : f32
    %sub3A_990 = vector.broadcast %sub3A_989 : f32 to vector<16xf32>
    %sub3A_991 = arith.subf %sub3A_990, %mul3A_988 : vector<16xf32>
    %mul3A_992 = arith.mulf %bitcast_convert_type3A_983, %sub3A_991 : vector<16xf32>
    %mul3A_993 = arith.constant 5.000000e-01 : f32
    %mul3A_994 = vector.broadcast %mul3A_993 : f32 to vector<16xf32>
    %mul3A_995 = arith.mulf %mul3A_994, %max3A_975 : vector<16xf32>
    %mul3A_996 = arith.mulf %mul3A_995, %mul3A_992 : vector<16xf32>
    %mul3A_997 = arith.mulf %mul3A_996, %mul3A_992 : vector<16xf32>
    %sub3A_998 = arith.constant 1.500000e+00 : f32
    %sub3A_999 = vector.broadcast %sub3A_998 : f32 to vector<16xf32>
    %sub3A_1000 = arith.subf %sub3A_999, %mul3A_997 : vector<16xf32>
    %mul3A_1001 = arith.mulf %mul3A_992, %sub3A_1000 : vector<16xf32>
    %mul3A_1002 = arith.constant 5.000000e-01 : f32
    %mul3A_1003 = vector.broadcast %mul3A_1002 : f32 to vector<16xf32>
    %mul3A_1004 = arith.mulf %mul3A_1003, %max3A_975 : vector<16xf32>
    %mul3A_1005 = arith.mulf %mul3A_1004, %mul3A_1001 : vector<16xf32>
    %mul3A_1006 = arith.mulf %mul3A_1005, %mul3A_1001 : vector<16xf32>
    %sub3A_1007 = arith.constant 1.500000e+00 : f32
    %sub3A_1008 = vector.broadcast %sub3A_1007 : f32 to vector<16xf32>
    %sub3A_1009 = arith.subf %sub3A_1008, %mul3A_1006 : vector<16xf32>
    %mul3A_1010 = arith.mulf %mul3A_1001, %sub3A_1009 : vector<16xf32>
    %mul3A_1011 = arith.constant 5.000000e-01 : f32
    %mul3A_1012 = vector.broadcast %mul3A_1011 : f32 to vector<16xf32>
    %mul3A_1013 = arith.mulf %mul3A_1012, %max3A_975 : vector<16xf32>
    %mul3A_1014 = arith.mulf %mul3A_1013, %mul3A_1010 : vector<16xf32>
    %mul3A_1015 = arith.mulf %mul3A_1014, %mul3A_1010 : vector<16xf32>
    %sub3A_1016 = arith.constant 1.500000e+00 : f32
    %sub3A_1017 = vector.broadcast %sub3A_1016 : f32 to vector<16xf32>
    %sub3A_1018 = arith.subf %sub3A_1017, %mul3A_1015 : vector<16xf32>
    %mul3A_1019 = arith.mulf %mul3A_1010, %sub3A_1018 : vector<16xf32>
    %swap3A_1020 = arith.constant 208 : index
    %swap3A_1021 = tpu.vector_load %arg10[%swap3A_1020] {strides = array<i32>} : memref<320xf32, #tpu.memory_space<vmem>>, vector<16xf32>,
    %swap3A_1022 = vector.shape_cast %swap3A_1021 : vector<16xf32> to vector<16xf32>
    %swap3A_1023 = vector.shape_cast %mul3A_1019 : vector<16xf32> to vector<16xf32>
    tpu.vector_store %arg10[%swap3A_1020], %swap3A_1023 {strides = array<i32>} : memref<320xf32, #tpu.memory_space<vmem>>, vector<16xf32>,
    %get3A_1024 = arith.constant 224 : index
    %get3A_1025 = tpu.vector_load %arg10[%get3A_1024] {strides = array<i32>} : memref<320xf32, #tpu.memory_space<vmem>>, vector<16xf32>,
    %get3A_1026 = vector.shape_cast %get3A_1025 : vector<16xf32> to vector<16xf32>
    %max3A_1027 = arith.constant 1.000000e+00 : f32
    %max3A_1028 = vector.broadcast %max3A_1027 : f32 to vector<16xf32>
    %max3A_1029 = arith.maximumf %get3A_1026, %max3A_1028 : vector<16xf32>
    %bitcast_convert_type3A_1030 = tpu.bitcast %max3A_1029 : vector<16xf32> -> vector<16xi32>
    %broadcast_in_dim3A_1031 = arith.constant 1597463007 : i32
    %broadcast_in_dim3A_1032 = vector.broadcast %broadcast_in_dim3A_1031 : i32 to vector<16xi32>
    %broadcast_in_dim3A_1033 = arith.constant 1 : i32
    %broadcast_in_dim3A_1034 = vector.broadcast %broadcast_in_dim3A_1033 : i32 to vector<16xi32>
    %shift_right_logical3A_1035 = arith.shrui %bitcast_convert_type3A_1030, %broadcast_in_dim3A_1034 : vector<16xi32>
    %sub3A_1036 = arith.subi %broadcast_in_dim3A_1032, %shift_right_logical3A_1035 : vector<16xi32>
    %bitcast_convert_type3A_1037 = tpu.bitcast %sub3A_1036 : vector<16xi32> -> vector<16xf32>
    %mul3A_1038 = arith.constant 5.000000e-01 : f32
    %mul3A_1039 = vector.broadcast %mul3A_1038 : f32 to vector<16xf32>
    %mul3A_1040 = arith.mulf %mul3A_1039, %max3A_1029 : vector<16xf32>
    %mul3A_1041 = arith.mulf %mul3A_1040, %bitcast_convert_type3A_1037 : vector<16xf32>
    %mul3A_1042 = arith.mulf %mul3A_1041, %bitcast_convert_type3A_1037 : vector<16xf32>
    %sub3A_1043 = arith.constant 1.500000e+00 : f32
    %sub3A_1044 = vector.broadcast %sub3A_1043 : f32 to vector<16xf32>
    %sub3A_1045 = arith.subf %sub3A_1044, %mul3A_1042 : vector<16xf32>
    %mul3A_1046 = arith.mulf %bitcast_convert_type3A_1037, %sub3A_1045 : vector<16xf32>
    %mul3A_1047 = arith.constant 5.000000e-01 : f32
    %mul3A_1048 = vector.broadcast %mul3A_1047 : f32 to vector<16xf32>
    %mul3A_1049 = arith.mulf %mul3A_1048, %max3A_1029 : vector<16xf32>
    %mul3A_1050 = arith.mulf %mul3A_1049, %mul3A_1046 : vector<16xf32>
    %mul3A_1051 = arith.mulf %mul3A_1050, %mul3A_1046 : vector<16xf32>
    %sub3A_1052 = arith.constant 1.500000e+00 : f32
    %sub3A_1053 = vector.broadcast %sub3A_1052 : f32 to vector<16xf32>
    %sub3A_1054 = arith.subf %sub3A_1053, %mul3A_1051 : vector<16xf32>
    %mul3A_1055 = arith.mulf %mul3A_1046, %sub3A_1054 : vector<16xf32>
    %mul3A_1056 = arith.constant 5.000000e-01 : f32
    %mul3A_1057 = vector.broadcast %mul3A_1056 : f32 to vector<16xf32>
    %mul3A_1058 = arith.mulf %mul3A_1057, %max3A_1029 : vector<16xf32>
    %mul3A_1059 = arith.mulf %mul3A_1058, %mul3A_1055 : vector<16xf32>
    %mul3A_1060 = arith.mulf %mul3A_1059, %mul3A_1055 : vector<16xf32>
    %sub3A_1061 = arith.constant 1.500000e+00 : f32
    %sub3A_1062 = vector.broadcast %sub3A_1061 : f32 to vector<16xf32>
    %sub3A_1063 = arith.subf %sub3A_1062, %mul3A_1060 : vector<16xf32>
    %mul3A_1064 = arith.mulf %mul3A_1055, %sub3A_1063 : vector<16xf32>
    %mul3A_1065 = arith.constant 5.000000e-01 : f32
    %mul3A_1066 = vector.broadcast %mul3A_1065 : f32 to vector<16xf32>
    %mul3A_1067 = arith.mulf %mul3A_1066, %max3A_1029 : vector<16xf32>
    %mul3A_1068 = arith.mulf %mul3A_1067, %mul3A_1064 : vector<16xf32>
    %mul3A_1069 = arith.mulf %mul3A_1068, %mul3A_1064 : vector<16xf32>
    %sub3A_1070 = arith.constant 1.500000e+00 : f32
    %sub3A_1071 = vector.broadcast %sub3A_1070 : f32 to vector<16xf32>
    %sub3A_1072 = arith.subf %sub3A_1071, %mul3A_1069 : vector<16xf32>
    %mul3A_1073 = arith.mulf %mul3A_1064, %sub3A_1072 : vector<16xf32>
    %swap3A_1074 = arith.constant 224 : index
    %swap3A_1075 = tpu.vector_load %arg10[%swap3A_1074] {strides = array<i32>} : memref<320xf32, #tpu.memory_space<vmem>>, vector<16xf32>,
    %swap3A_1076 = vector.shape_cast %swap3A_1075 : vector<16xf32> to vector<16xf32>
    %swap3A_1077 = vector.shape_cast %mul3A_1073 : vector<16xf32> to vector<16xf32>
    tpu.vector_store %arg10[%swap3A_1074], %swap3A_1077 {strides = array<i32>} : memref<320xf32, #tpu.memory_space<vmem>>, vector<16xf32>,
    %get3A_1078 = arith.constant 240 : index
    %get3A_1079 = tpu.vector_load %arg10[%get3A_1078] {strides = array<i32>} : memref<320xf32, #tpu.memory_space<vmem>>, vector<16xf32>,
    %get3A_1080 = vector.shape_cast %get3A_1079 : vector<16xf32> to vector<16xf32>
    %max3A_1081 = arith.constant 1.000000e+00 : f32
    %max3A_1082 = vector.broadcast %max3A_1081 : f32 to vector<16xf32>
    %max3A_1083 = arith.maximumf %get3A_1080, %max3A_1082 : vector<16xf32>
    %bitcast_convert_type3A_1084 = tpu.bitcast %max3A_1083 : vector<16xf32> -> vector<16xi32>
    %broadcast_in_dim3A_1085 = arith.constant 1597463007 : i32
    %broadcast_in_dim3A_1086 = vector.broadcast %broadcast_in_dim3A_1085 : i32 to vector<16xi32>
    %broadcast_in_dim3A_1087 = arith.constant 1 : i32
    %broadcast_in_dim3A_1088 = vector.broadcast %broadcast_in_dim3A_1087 : i32 to vector<16xi32>
    %shift_right_logical3A_1089 = arith.shrui %bitcast_convert_type3A_1084, %broadcast_in_dim3A_1088 : vector<16xi32>
    %sub3A_1090 = arith.subi %broadcast_in_dim3A_1086, %shift_right_logical3A_1089 : vector<16xi32>
    %bitcast_convert_type3A_1091 = tpu.bitcast %sub3A_1090 : vector<16xi32> -> vector<16xf32>
    %mul3A_1092 = arith.constant 5.000000e-01 : f32
    %mul3A_1093 = vector.broadcast %mul3A_1092 : f32 to vector<16xf32>
    %mul3A_1094 = arith.mulf %mul3A_1093, %max3A_1083 : vector<16xf32>
    %mul3A_1095 = arith.mulf %mul3A_1094, %bitcast_convert_type3A_1091 : vector<16xf32>
    %mul3A_1096 = arith.mulf %mul3A_1095, %bitcast_convert_type3A_1091 : vector<16xf32>
    %sub3A_1097 = arith.constant 1.500000e+00 : f32
    %sub3A_1098 = vector.broadcast %sub3A_1097 : f32 to vector<16xf32>
    %sub3A_1099 = arith.subf %sub3A_1098, %mul3A_1096 : vector<16xf32>
    %mul3A_1100 = arith.mulf %bitcast_convert_type3A_1091, %sub3A_1099 : vector<16xf32>
    %mul3A_1101 = arith.constant 5.000000e-01 : f32
    %mul3A_1102 = vector.broadcast %mul3A_1101 : f32 to vector<16xf32>
    %mul3A_1103 = arith.mulf %mul3A_1102, %max3A_1083 : vector<16xf32>
    %mul3A_1104 = arith.mulf %mul3A_1103, %mul3A_1100 : vector<16xf32>
    %mul3A_1105 = arith.mulf %mul3A_1104, %mul3A_1100 : vector<16xf32>
    %sub3A_1106 = arith.constant 1.500000e+00 : f32
    %sub3A_1107 = vector.broadcast %sub3A_1106 : f32 to vector<16xf32>
    %sub3A_1108 = arith.subf %sub3A_1107, %mul3A_1105 : vector<16xf32>
    %mul3A_1109 = arith.mulf %mul3A_1100, %sub3A_1108 : vector<16xf32>
    %mul3A_1110 = arith.constant 5.000000e-01 : f32
    %mul3A_1111 = vector.broadcast %mul3A_1110 : f32 to vector<16xf32>
    %mul3A_1112 = arith.mulf %mul3A_1111, %max3A_1083 : vector<16xf32>
    %mul3A_1113 = arith.mulf %mul3A_1112, %mul3A_1109 : vector<16xf32>
    %mul3A_1114 = arith.mulf %mul3A_1113, %mul3A_1109 : vector<16xf32>
    %sub3A_1115 = arith.constant 1.500000e+00 : f32
    %sub3A_1116 = vector.broadcast %sub3A_1115 : f32 to vector<16xf32>
    %sub3A_1117 = arith.subf %sub3A_1116, %mul3A_1114 : vector<16xf32>
    %mul3A_1118 = arith.mulf %mul3A_1109, %sub3A_1117 : vector<16xf32>
    %mul3A_1119 = arith.constant 5.000000e-01 : f32
    %mul3A_1120 = vector.broadcast %mul3A_1119 : f32 to vector<16xf32>
    %mul3A_1121 = arith.mulf %mul3A_1120, %max3A_1083 : vector<16xf32>
    %mul3A_1122 = arith.mulf %mul3A_1121, %mul3A_1118 : vector<16xf32>
    %mul3A_1123 = arith.mulf %mul3A_1122, %mul3A_1118 : vector<16xf32>
    %sub3A_1124 = arith.constant 1.500000e+00 : f32
    %sub3A_1125 = vector.broadcast %sub3A_1124 : f32 to vector<16xf32>
    %sub3A_1126 = arith.subf %sub3A_1125, %mul3A_1123 : vector<16xf32>
    %mul3A_1127 = arith.mulf %mul3A_1118, %sub3A_1126 : vector<16xf32>
    %swap3A_1128 = arith.constant 240 : index
    %swap3A_1129 = tpu.vector_load %arg10[%swap3A_1128] {strides = array<i32>} : memref<320xf32, #tpu.memory_space<vmem>>, vector<16xf32>,
    %swap3A_1130 = vector.shape_cast %swap3A_1129 : vector<16xf32> to vector<16xf32>
    %swap3A_1131 = vector.shape_cast %mul3A_1127 : vector<16xf32> to vector<16xf32>
    tpu.vector_store %arg10[%swap3A_1128], %swap3A_1131 {strides = array<i32>} : memref<320xf32, #tpu.memory_space<vmem>>, vector<16xf32>,
    %get3A_1132 = arith.constant 256 : index
    %get3A_1133 = tpu.vector_load %arg10[%get3A_1132] {strides = array<i32>} : memref<320xf32, #tpu.memory_space<vmem>>, vector<16xf32>,
    %get3A_1134 = vector.shape_cast %get3A_1133 : vector<16xf32> to vector<16xf32>
    %max3A_1135 = arith.constant 1.000000e+00 : f32
    %max3A_1136 = vector.broadcast %max3A_1135 : f32 to vector<16xf32>
    %max3A_1137 = arith.maximumf %get3A_1134, %max3A_1136 : vector<16xf32>
    %bitcast_convert_type3A_1138 = tpu.bitcast %max3A_1137 : vector<16xf32> -> vector<16xi32>
    %broadcast_in_dim3A_1139 = arith.constant 1597463007 : i32
    %broadcast_in_dim3A_1140 = vector.broadcast %broadcast_in_dim3A_1139 : i32 to vector<16xi32>
    %broadcast_in_dim3A_1141 = arith.constant 1 : i32
    %broadcast_in_dim3A_1142 = vector.broadcast %broadcast_in_dim3A_1141 : i32 to vector<16xi32>
    %shift_right_logical3A_1143 = arith.shrui %bitcast_convert_type3A_1138, %broadcast_in_dim3A_1142 : vector<16xi32>
    %sub3A_1144 = arith.subi %broadcast_in_dim3A_1140, %shift_right_logical3A_1143 : vector<16xi32>
    %bitcast_convert_type3A_1145 = tpu.bitcast %sub3A_1144 : vector<16xi32> -> vector<16xf32>
    %mul3A_1146 = arith.constant 5.000000e-01 : f32
    %mul3A_1147 = vector.broadcast %mul3A_1146 : f32 to vector<16xf32>
    %mul3A_1148 = arith.mulf %mul3A_1147, %max3A_1137 : vector<16xf32>
    %mul3A_1149 = arith.mulf %mul3A_1148, %bitcast_convert_type3A_1145 : vector<16xf32>
    %mul3A_1150 = arith.mulf %mul3A_1149, %bitcast_convert_type3A_1145 : vector<16xf32>
    %sub3A_1151 = arith.constant 1.500000e+00 : f32
    %sub3A_1152 = vector.broadcast %sub3A_1151 : f32 to vector<16xf32>
    %sub3A_1153 = arith.subf %sub3A_1152, %mul3A_1150 : vector<16xf32>
    %mul3A_1154 = arith.mulf %bitcast_convert_type3A_1145, %sub3A_1153 : vector<16xf32>
    %mul3A_1155 = arith.constant 5.000000e-01 : f32
    %mul3A_1156 = vector.broadcast %mul3A_1155 : f32 to vector<16xf32>
    %mul3A_1157 = arith.mulf %mul3A_1156, %max3A_1137 : vector<16xf32>
    %mul3A_1158 = arith.mulf %mul3A_1157, %mul3A_1154 : vector<16xf32>
    %mul3A_1159 = arith.mulf %mul3A_1158, %mul3A_1154 : vector<16xf32>
    %sub3A_1160 = arith.constant 1.500000e+00 : f32
    %sub3A_1161 = vector.broadcast %sub3A_1160 : f32 to vector<16xf32>
    %sub3A_1162 = arith.subf %sub3A_1161, %mul3A_1159 : vector<16xf32>
    %mul3A_1163 = arith.mulf %mul3A_1154, %sub3A_1162 : vector<16xf32>
    %mul3A_1164 = arith.constant 5.000000e-01 : f32
    %mul3A_1165 = vector.broadcast %mul3A_1164 : f32 to vector<16xf32>
    %mul3A_1166 = arith.mulf %mul3A_1165, %max3A_1137 : vector<16xf32>
    %mul3A_1167 = arith.mulf %mul3A_1166, %mul3A_1163 : vector<16xf32>
    %mul3A_1168 = arith.mulf %mul3A_1167, %mul3A_1163 : vector<16xf32>
    %sub3A_1169 = arith.constant 1.500000e+00 : f32
    %sub3A_1170 = vector.broadcast %sub3A_1169 : f32 to vector<16xf32>
    %sub3A_1171 = arith.subf %sub3A_1170, %mul3A_1168 : vector<16xf32>
    %mul3A_1172 = arith.mulf %mul3A_1163, %sub3A_1171 : vector<16xf32>
    %mul3A_1173 = arith.constant 5.000000e-01 : f32
    %mul3A_1174 = vector.broadcast %mul3A_1173 : f32 to vector<16xf32>
    %mul3A_1175 = arith.mulf %mul3A_1174, %max3A_1137 : vector<16xf32>
    %mul3A_1176 = arith.mulf %mul3A_1175, %mul3A_1172 : vector<16xf32>
    %mul3A_1177 = arith.mulf %mul3A_1176, %mul3A_1172 : vector<16xf32>
    %sub3A_1178 = arith.constant 1.500000e+00 : f32
    %sub3A_1179 = vector.broadcast %sub3A_1178 : f32 to vector<16xf32>
    %sub3A_1180 = arith.subf %sub3A_1179, %mul3A_1177 : vector<16xf32>
    %mul3A_1181 = arith.mulf %mul3A_1172, %sub3A_1180 : vector<16xf32>
    %swap3A_1182 = arith.constant 256 : index
    %swap3A_1183 = tpu.vector_load %arg10[%swap3A_1182] {strides = array<i32>} : memref<320xf32, #tpu.memory_space<vmem>>, vector<16xf32>,
    %swap3A_1184 = vector.shape_cast %swap3A_1183 : vector<16xf32> to vector<16xf32>
    %swap3A_1185 = vector.shape_cast %mul3A_1181 : vector<16xf32> to vector<16xf32>
    tpu.vector_store %arg10[%swap3A_1182], %swap3A_1185 {strides = array<i32>} : memref<320xf32, #tpu.memory_space<vmem>>, vector<16xf32>,
    %get3A_1186 = arith.constant 272 : index
    %get3A_1187 = tpu.vector_load %arg10[%get3A_1186] {strides = array<i32>} : memref<320xf32, #tpu.memory_space<vmem>>, vector<16xf32>,
    %get3A_1188 = vector.shape_cast %get3A_1187 : vector<16xf32> to vector<16xf32>
    %max3A_1189 = arith.constant 1.000000e+00 : f32
    %max3A_1190 = vector.broadcast %max3A_1189 : f32 to vector<16xf32>
    %max3A_1191 = arith.maximumf %get3A_1188, %max3A_1190 : vector<16xf32>
    %bitcast_convert_type3A_1192 = tpu.bitcast %max3A_1191 : vector<16xf32> -> vector<16xi32>
    %broadcast_in_dim3A_1193 = arith.constant 1597463007 : i32
    %broadcast_in_dim3A_1194 = vector.broadcast %broadcast_in_dim3A_1193 : i32 to vector<16xi32>
    %broadcast_in_dim3A_1195 = arith.constant 1 : i32
    %broadcast_in_dim3A_1196 = vector.broadcast %broadcast_in_dim3A_1195 : i32 to vector<16xi32>
    %shift_right_logical3A_1197 = arith.shrui %bitcast_convert_type3A_1192, %broadcast_in_dim3A_1196 : vector<16xi32>
    %sub3A_1198 = arith.subi %broadcast_in_dim3A_1194, %shift_right_logical3A_1197 : vector<16xi32>
    %bitcast_convert_type3A_1199 = tpu.bitcast %sub3A_1198 : vector<16xi32> -> vector<16xf32>
    %mul3A_1200 = arith.constant 5.000000e-01 : f32
    %mul3A_1201 = vector.broadcast %mul3A_1200 : f32 to vector<16xf32>
    %mul3A_1202 = arith.mulf %mul3A_1201, %max3A_1191 : vector<16xf32>
    %mul3A_1203 = arith.mulf %mul3A_1202, %bitcast_convert_type3A_1199 : vector<16xf32>
    %mul3A_1204 = arith.mulf %mul3A_1203, %bitcast_convert_type3A_1199 : vector<16xf32>
    %sub3A_1205 = arith.constant 1.500000e+00 : f32
    %sub3A_1206 = vector.broadcast %sub3A_1205 : f32 to vector<16xf32>
    %sub3A_1207 = arith.subf %sub3A_1206, %mul3A_1204 : vector<16xf32>
    %mul3A_1208 = arith.mulf %bitcast_convert_type3A_1199, %sub3A_1207 : vector<16xf32>
    %mul3A_1209 = arith.constant 5.000000e-01 : f32
    %mul3A_1210 = vector.broadcast %mul3A_1209 : f32 to vector<16xf32>
    %mul3A_1211 = arith.mulf %mul3A_1210, %max3A_1191 : vector<16xf32>
    %mul3A_1212 = arith.mulf %mul3A_1211, %mul3A_1208 : vector<16xf32>
    %mul3A_1213 = arith.mulf %mul3A_1212, %mul3A_1208 : vector<16xf32>
    %sub3A_1214 = arith.constant 1.500000e+00 : f32
    %sub3A_1215 = vector.broadcast %sub3A_1214 : f32 to vector<16xf32>
    %sub3A_1216 = arith.subf %sub3A_1215, %mul3A_1213 : vector<16xf32>
    %mul3A_1217 = arith.mulf %mul3A_1208, %sub3A_1216 : vector<16xf32>
    %mul3A_1218 = arith.constant 5.000000e-01 : f32
    %mul3A_1219 = vector.broadcast %mul3A_1218 : f32 to vector<16xf32>
    %mul3A_1220 = arith.mulf %mul3A_1219, %max3A_1191 : vector<16xf32>
    %mul3A_1221 = arith.mulf %mul3A_1220, %mul3A_1217 : vector<16xf32>
    %mul3A_1222 = arith.mulf %mul3A_1221, %mul3A_1217 : vector<16xf32>
    %sub3A_1223 = arith.constant 1.500000e+00 : f32
    %sub3A_1224 = vector.broadcast %sub3A_1223 : f32 to vector<16xf32>
    %sub3A_1225 = arith.subf %sub3A_1224, %mul3A_1222 : vector<16xf32>
    %mul3A_1226 = arith.mulf %mul3A_1217, %sub3A_1225 : vector<16xf32>
    %mul3A_1227 = arith.constant 5.000000e-01 : f32
    %mul3A_1228 = vector.broadcast %mul3A_1227 : f32 to vector<16xf32>
    %mul3A_1229 = arith.mulf %mul3A_1228, %max3A_1191 : vector<16xf32>
    %mul3A_1230 = arith.mulf %mul3A_1229, %mul3A_1226 : vector<16xf32>
    %mul3A_1231 = arith.mulf %mul3A_1230, %mul3A_1226 : vector<16xf32>
    %sub3A_1232 = arith.constant 1.500000e+00 : f32
    %sub3A_1233 = vector.broadcast %sub3A_1232 : f32 to vector<16xf32>
    %sub3A_1234 = arith.subf %sub3A_1233, %mul3A_1231 : vector<16xf32>
    %mul3A_1235 = arith.mulf %mul3A_1226, %sub3A_1234 : vector<16xf32>
    %swap3A_1236 = arith.constant 272 : index
    %swap3A_1237 = tpu.vector_load %arg10[%swap3A_1236] {strides = array<i32>} : memref<320xf32, #tpu.memory_space<vmem>>, vector<16xf32>,
    %swap3A_1238 = vector.shape_cast %swap3A_1237 : vector<16xf32> to vector<16xf32>
    %swap3A_1239 = vector.shape_cast %mul3A_1235 : vector<16xf32> to vector<16xf32>
    tpu.vector_store %arg10[%swap3A_1236], %swap3A_1239 {strides = array<i32>} : memref<320xf32, #tpu.memory_space<vmem>>, vector<16xf32>,
    %get3A_1240 = arith.constant 288 : index
    %get3A_1241 = tpu.vector_load %arg10[%get3A_1240] {strides = array<i32>} : memref<320xf32, #tpu.memory_space<vmem>>, vector<16xf32>,
    %get3A_1242 = vector.shape_cast %get3A_1241 : vector<16xf32> to vector<16xf32>
    %max3A_1243 = arith.constant 1.000000e+00 : f32
    %max3A_1244 = vector.broadcast %max3A_1243 : f32 to vector<16xf32>
    %max3A_1245 = arith.maximumf %get3A_1242, %max3A_1244 : vector<16xf32>
    %bitcast_convert_type3A_1246 = tpu.bitcast %max3A_1245 : vector<16xf32> -> vector<16xi32>
    %broadcast_in_dim3A_1247 = arith.constant 1597463007 : i32
    %broadcast_in_dim3A_1248 = vector.broadcast %broadcast_in_dim3A_1247 : i32 to vector<16xi32>
    %broadcast_in_dim3A_1249 = arith.constant 1 : i32
    %broadcast_in_dim3A_1250 = vector.broadcast %broadcast_in_dim3A_1249 : i32 to vector<16xi32>
    %shift_right_logical3A_1251 = arith.shrui %bitcast_convert_type3A_1246, %broadcast_in_dim3A_1250 : vector<16xi32>
    %sub3A_1252 = arith.subi %broadcast_in_dim3A_1248, %shift_right_logical3A_1251 : vector<16xi32>
    %bitcast_convert_type3A_1253 = tpu.bitcast %sub3A_1252 : vector<16xi32> -> vector<16xf32>
    %mul3A_1254 = arith.constant 5.000000e-01 : f32
    %mul3A_1255 = vector.broadcast %mul3A_1254 : f32 to vector<16xf32>
    %mul3A_1256 = arith.mulf %mul3A_1255, %max3A_1245 : vector<16xf32>
    %mul3A_1257 = arith.mulf %mul3A_1256, %bitcast_convert_type3A_1253 : vector<16xf32>
    %mul3A_1258 = arith.mulf %mul3A_1257, %bitcast_convert_type3A_1253 : vector<16xf32>
    %sub3A_1259 = arith.constant 1.500000e+00 : f32
    %sub3A_1260 = vector.broadcast %sub3A_1259 : f32 to vector<16xf32>
    %sub3A_1261 = arith.subf %sub3A_1260, %mul3A_1258 : vector<16xf32>
    %mul3A_1262 = arith.mulf %bitcast_convert_type3A_1253, %sub3A_1261 : vector<16xf32>
    %mul3A_1263 = arith.constant 5.000000e-01 : f32
    %mul3A_1264 = vector.broadcast %mul3A_1263 : f32 to vector<16xf32>
    %mul3A_1265 = arith.mulf %mul3A_1264, %max3A_1245 : vector<16xf32>
    %mul3A_1266 = arith.mulf %mul3A_1265, %mul3A_1262 : vector<16xf32>
    %mul3A_1267 = arith.mulf %mul3A_1266, %mul3A_1262 : vector<16xf32>
    %sub3A_1268 = arith.constant 1.500000e+00 : f32
    %sub3A_1269 = vector.broadcast %sub3A_1268 : f32 to vector<16xf32>
    %sub3A_1270 = arith.subf %sub3A_1269, %mul3A_1267 : vector<16xf32>
    %mul3A_1271 = arith.mulf %mul3A_1262, %sub3A_1270 : vector<16xf32>
    %mul3A_1272 = arith.constant 5.000000e-01 : f32
    %mul3A_1273 = vector.broadcast %mul3A_1272 : f32 to vector<16xf32>
    %mul3A_1274 = arith.mulf %mul3A_1273, %max3A_1245 : vector<16xf32>
    %mul3A_1275 = arith.mulf %mul3A_1274, %mul3A_1271 : vector<16xf32>
    %mul3A_1276 = arith.mulf %mul3A_1275, %mul3A_1271 : vector<16xf32>
    %sub3A_1277 = arith.constant 1.500000e+00 : f32
    %sub3A_1278 = vector.broadcast %sub3A_1277 : f32 to vector<16xf32>
    %sub3A_1279 = arith.subf %sub3A_1278, %mul3A_1276 : vector<16xf32>
    %mul3A_1280 = arith.mulf %mul3A_1271, %sub3A_1279 : vector<16xf32>
    %mul3A_1281 = arith.constant 5.000000e-01 : f32
    %mul3A_1282 = vector.broadcast %mul3A_1281 : f32 to vector<16xf32>
    %mul3A_1283 = arith.mulf %mul3A_1282, %max3A_1245 : vector<16xf32>
    %mul3A_1284 = arith.mulf %mul3A_1283, %mul3A_1280 : vector<16xf32>
    %mul3A_1285 = arith.mulf %mul3A_1284, %mul3A_1280 : vector<16xf32>
    %sub3A_1286 = arith.constant 1.500000e+00 : f32
    %sub3A_1287 = vector.broadcast %sub3A_1286 : f32 to vector<16xf32>
    %sub3A_1288 = arith.subf %sub3A_1287, %mul3A_1285 : vector<16xf32>
    %mul3A_1289 = arith.mulf %mul3A_1280, %sub3A_1288 : vector<16xf32>
    %swap3A_1290 = arith.constant 288 : index
    %swap3A_1291 = tpu.vector_load %arg10[%swap3A_1290] {strides = array<i32>} : memref<320xf32, #tpu.memory_space<vmem>>, vector<16xf32>,
    %swap3A_1292 = vector.shape_cast %swap3A_1291 : vector<16xf32> to vector<16xf32>
    %swap3A_1293 = vector.shape_cast %mul3A_1289 : vector<16xf32> to vector<16xf32>
    tpu.vector_store %arg10[%swap3A_1290], %swap3A_1293 {strides = array<i32>} : memref<320xf32, #tpu.memory_space<vmem>>, vector<16xf32>,
    %get3A_1294 = arith.constant 304 : index
    %get3A_1295 = tpu.vector_load %arg10[%get3A_1294] {strides = array<i32>} : memref<320xf32, #tpu.memory_space<vmem>>, vector<16xf32>,
    %get3A_1296 = vector.shape_cast %get3A_1295 : vector<16xf32> to vector<16xf32>
    %max3A_1297 = arith.constant 1.000000e+00 : f32
    %max3A_1298 = vector.broadcast %max3A_1297 : f32 to vector<16xf32>
    %max3A_1299 = arith.maximumf %get3A_1296, %max3A_1298 : vector<16xf32>
    %bitcast_convert_type3A_1300 = tpu.bitcast %max3A_1299 : vector<16xf32> -> vector<16xi32>
    %broadcast_in_dim3A_1301 = arith.constant 1597463007 : i32
    %broadcast_in_dim3A_1302 = vector.broadcast %broadcast_in_dim3A_1301 : i32 to vector<16xi32>
    %broadcast_in_dim3A_1303 = arith.constant 1 : i32
    %broadcast_in_dim3A_1304 = vector.broadcast %broadcast_in_dim3A_1303 : i32 to vector<16xi32>
    %shift_right_logical3A_1305 = arith.shrui %bitcast_convert_type3A_1300, %broadcast_in_dim3A_1304 : vector<16xi32>
    %sub3A_1306 = arith.subi %broadcast_in_dim3A_1302, %shift_right_logical3A_1305 : vector<16xi32>
    %bitcast_convert_type3A_1307 = tpu.bitcast %sub3A_1306 : vector<16xi32> -> vector<16xf32>
    %mul3A_1308 = arith.constant 5.000000e-01 : f32
    %mul3A_1309 = vector.broadcast %mul3A_1308 : f32 to vector<16xf32>
    %mul3A_1310 = arith.mulf %mul3A_1309, %max3A_1299 : vector<16xf32>
    %mul3A_1311 = arith.mulf %mul3A_1310, %bitcast_convert_type3A_1307 : vector<16xf32>
    %mul3A_1312 = arith.mulf %mul3A_1311, %bitcast_convert_type3A_1307 : vector<16xf32>
    %sub3A_1313 = arith.constant 1.500000e+00 : f32
    %sub3A_1314 = vector.broadcast %sub3A_1313 : f32 to vector<16xf32>
    %sub3A_1315 = arith.subf %sub3A_1314, %mul3A_1312 : vector<16xf32>
    %mul3A_1316 = arith.mulf %bitcast_convert_type3A_1307, %sub3A_1315 : vector<16xf32>
    %mul3A_1317 = arith.constant 5.000000e-01 : f32
    %mul3A_1318 = vector.broadcast %mul3A_1317 : f32 to vector<16xf32>
    %mul3A_1319 = arith.mulf %mul3A_1318, %max3A_1299 : vector<16xf32>
    %mul3A_1320 = arith.mulf %mul3A_1319, %mul3A_1316 : vector<16xf32>
    %mul3A_1321 = arith.mulf %mul3A_1320, %mul3A_1316 : vector<16xf32>
    %sub3A_1322 = arith.constant 1.500000e+00 : f32
    %sub3A_1323 = vector.broadcast %sub3A_1322 : f32 to vector<16xf32>
    %sub3A_1324 = arith.subf %sub3A_1323, %mul3A_1321 : vector<16xf32>
    %mul3A_1325 = arith.mulf %mul3A_1316, %sub3A_1324 : vector<16xf32>
    %mul3A_1326 = arith.constant 5.000000e-01 : f32
    %mul3A_1327 = vector.broadcast %mul3A_1326 : f32 to vector<16xf32>
    %mul3A_1328 = arith.mulf %mul3A_1327, %max3A_1299 : vector<16xf32>
    %mul3A_1329 = arith.mulf %mul3A_1328, %mul3A_1325 : vector<16xf32>
    %mul3A_1330 = arith.mulf %mul3A_1329, %mul3A_1325 : vector<16xf32>
    %sub3A_1331 = arith.constant 1.500000e+00 : f32
    %sub3A_1332 = vector.broadcast %sub3A_1331 : f32 to vector<16xf32>
    %sub3A_1333 = arith.subf %sub3A_1332, %mul3A_1330 : vector<16xf32>
    %mul3A_1334 = arith.mulf %mul3A_1325, %sub3A_1333 : vector<16xf32>
    %mul3A_1335 = arith.constant 5.000000e-01 : f32
    %mul3A_1336 = vector.broadcast %mul3A_1335 : f32 to vector<16xf32>
    %mul3A_1337 = arith.mulf %mul3A_1336, %max3A_1299 : vector<16xf32>
    %mul3A_1338 = arith.mulf %mul3A_1337, %mul3A_1334 : vector<16xf32>
    %mul3A_1339 = arith.mulf %mul3A_1338, %mul3A_1334 : vector<16xf32>
    %sub3A_1340 = arith.constant 1.500000e+00 : f32
    %sub3A_1341 = vector.broadcast %sub3A_1340 : f32 to vector<16xf32>
    %sub3A_1342 = arith.subf %sub3A_1341, %mul3A_1339 : vector<16xf32>
    %mul3A_1343 = arith.mulf %mul3A_1334, %sub3A_1342 : vector<16xf32>
    %swap3A_1344 = arith.constant 304 : index
    %swap3A_1345 = tpu.vector_load %arg10[%swap3A_1344] {strides = array<i32>} : memref<320xf32, #tpu.memory_space<vmem>>, vector<16xf32>,
    %swap3A_1346 = vector.shape_cast %swap3A_1345 : vector<16xf32> to vector<16xf32>
    %swap3A_1347 = vector.shape_cast %mul3A_1343 : vector<16xf32> to vector<16xf32>
    tpu.vector_store %arg10[%swap3A_1344], %swap3A_1347 {strides = array<i32>} : memref<320xf32, #tpu.memory_space<vmem>>, vector<16xf32>,
    "tpu.region"() ({
      %run_scoped3A = tpu.sem_alloc : memref<!tpu.dma_semaphore, #tpu.memory_space<semaphore_mem>>
      %dma_start3A_2428 = tpu.memref_slice %arg4[%add3A] : memref<10240xf32, #tpu.memory_space<hbm>> -> memref<320xf32, #tpu.memory_space<hbm>>
      %dma_start3A_2429 = tpu.memref_slice %arg4[%add3A] : memref<10240xf32, #tpu.memory_space<hbm>> -> memref<320xf32, #tpu.memory_space<hbm>>
      tpu.enqueue_dma source(%arg10 : memref<320xf32, #tpu.memory_space<vmem>>) target(%dma_start3A_2429 : memref<320xf32, #tpu.memory_space<hbm>>) target_semaphore(%run_scoped3A : memref<!tpu.dma_semaphore, #tpu.memory_space<semaphore_mem>>)
      %dma_wait3A_2430 = tpu.memref_slice %arg4[%add3A] : memref<10240xf32, #tpu.memory_space<hbm>> -> memref<320xf32, #tpu.memory_space<hbm>>
      %dma_wait3A_2431 = tpu.memref_slice %arg4[%add3A] : memref<10240xf32, #tpu.memory_space<hbm>> -> memref<320xf32, #tpu.memory_space<hbm>>
      tpu.wait_dma2 semaphore(%run_scoped3A : memref<!tpu.dma_semaphore, #tpu.memory_space<semaphore_mem>>) src(%arg10 : memref<320xf32, #tpu.memory_space<vmem>>) dst(%dma_wait3A_2431 : memref<320xf32, #tpu.memory_space<hbm>>)
      tpu.yield
    }) : () -> ()
    "tpu.region"() ({
      %run_scoped3A = tpu.sem_alloc : memref<!tpu.dma_semaphore, #tpu.memory_space<semaphore_mem>>
      %dma_start3A_2428 = tpu.memref_slice %arg12[%add3A] : memref<10240xf32, #tpu.memory_space<vmem_shared>> -> memref<320xf32, #tpu.memory_space<vmem_shared>>
      %dma_start3A_2429 = tpu.memref_slice %arg12[%add3A] : memref<10240xf32, #tpu.memory_space<vmem_shared>> -> memref<320xf32, #tpu.memory_space<vmem_shared>>
      tpu.enqueue_dma source(%dma_start3A_2429 : memref<320xf32, #tpu.memory_space<vmem_shared>>) target(%arg10 : memref<320xf32, #tpu.memory_space<vmem>>) target_semaphore(%run_scoped3A : memref<!tpu.dma_semaphore, #tpu.memory_space<semaphore_mem>>)
      %dma_wait3A_2430 = tpu.memref_slice %arg12[%add3A] : memref<10240xf32, #tpu.memory_space<vmem_shared>> -> memref<320xf32, #tpu.memory_space<vmem_shared>>
      %dma_wait3A_2431 = tpu.memref_slice %arg12[%add3A] : memref<10240xf32, #tpu.memory_space<vmem_shared>> -> memref<320xf32, #tpu.memory_space<vmem_shared>>
      tpu.wait_dma2 semaphore(%run_scoped3A : memref<!tpu.dma_semaphore, #tpu.memory_space<semaphore_mem>>) src(%dma_wait3A_2431 : memref<320xf32, #tpu.memory_space<vmem_shared>>) dst(%arg10 : memref<320xf32, #tpu.memory_space<vmem>>)
      tpu.yield
    }) : () -> ()
    %get3A_1348 = arith.constant 0 : index
    %get3A_1349 = tpu.vector_load %arg10[%get3A_1348] {strides = array<i32>} : memref<320xf32, #tpu.memory_space<vmem>>, vector<16xf32>,
    %get3A_1350 = vector.shape_cast %get3A_1349 : vector<16xf32> to vector<16xf32>
    %max3A_1351 = arith.constant 1.000000e+00 : f32
    %max3A_1352 = vector.broadcast %max3A_1351 : f32 to vector<16xf32>
    %max3A_1353 = arith.maximumf %get3A_1350, %max3A_1352 : vector<16xf32>
    %bitcast_convert_type3A_1354 = tpu.bitcast %max3A_1353 : vector<16xf32> -> vector<16xi32>
    %broadcast_in_dim3A_1355 = arith.constant 1597463007 : i32
    %broadcast_in_dim3A_1356 = vector.broadcast %broadcast_in_dim3A_1355 : i32 to vector<16xi32>
    %broadcast_in_dim3A_1357 = arith.constant 1 : i32
    %broadcast_in_dim3A_1358 = vector.broadcast %broadcast_in_dim3A_1357 : i32 to vector<16xi32>
    %shift_right_logical3A_1359 = arith.shrui %bitcast_convert_type3A_1354, %broadcast_in_dim3A_1358 : vector<16xi32>
    %sub3A_1360 = arith.subi %broadcast_in_dim3A_1356, %shift_right_logical3A_1359 : vector<16xi32>
    %bitcast_convert_type3A_1361 = tpu.bitcast %sub3A_1360 : vector<16xi32> -> vector<16xf32>
    %mul3A_1362 = arith.constant 5.000000e-01 : f32
    %mul3A_1363 = vector.broadcast %mul3A_1362 : f32 to vector<16xf32>
    %mul3A_1364 = arith.mulf %mul3A_1363, %max3A_1353 : vector<16xf32>
    %mul3A_1365 = arith.mulf %mul3A_1364, %bitcast_convert_type3A_1361 : vector<16xf32>
    %mul3A_1366 = arith.mulf %mul3A_1365, %bitcast_convert_type3A_1361 : vector<16xf32>
    %sub3A_1367 = arith.constant 1.500000e+00 : f32
    %sub3A_1368 = vector.broadcast %sub3A_1367 : f32 to vector<16xf32>
    %sub3A_1369 = arith.subf %sub3A_1368, %mul3A_1366 : vector<16xf32>
    %mul3A_1370 = arith.mulf %bitcast_convert_type3A_1361, %sub3A_1369 : vector<16xf32>
    %mul3A_1371 = arith.constant 5.000000e-01 : f32
    %mul3A_1372 = vector.broadcast %mul3A_1371 : f32 to vector<16xf32>
    %mul3A_1373 = arith.mulf %mul3A_1372, %max3A_1353 : vector<16xf32>
    %mul3A_1374 = arith.mulf %mul3A_1373, %mul3A_1370 : vector<16xf32>
    %mul3A_1375 = arith.mulf %mul3A_1374, %mul3A_1370 : vector<16xf32>
    %sub3A_1376 = arith.constant 1.500000e+00 : f32
    %sub3A_1377 = vector.broadcast %sub3A_1376 : f32 to vector<16xf32>
    %sub3A_1378 = arith.subf %sub3A_1377, %mul3A_1375 : vector<16xf32>
    %mul3A_1379 = arith.mulf %mul3A_1370, %sub3A_1378 : vector<16xf32>
    %mul3A_1380 = arith.constant 5.000000e-01 : f32
    %mul3A_1381 = vector.broadcast %mul3A_1380 : f32 to vector<16xf32>
    %mul3A_1382 = arith.mulf %mul3A_1381, %max3A_1353 : vector<16xf32>
    %mul3A_1383 = arith.mulf %mul3A_1382, %mul3A_1379 : vector<16xf32>
    %mul3A_1384 = arith.mulf %mul3A_1383, %mul3A_1379 : vector<16xf32>
    %sub3A_1385 = arith.constant 1.500000e+00 : f32
    %sub3A_1386 = vector.broadcast %sub3A_1385 : f32 to vector<16xf32>
    %sub3A_1387 = arith.subf %sub3A_1386, %mul3A_1384 : vector<16xf32>
    %mul3A_1388 = arith.mulf %mul3A_1379, %sub3A_1387 : vector<16xf32>
    %mul3A_1389 = arith.constant 5.000000e-01 : f32
    %mul3A_1390 = vector.broadcast %mul3A_1389 : f32 to vector<16xf32>
    %mul3A_1391 = arith.mulf %mul3A_1390, %max3A_1353 : vector<16xf32>
    %mul3A_1392 = arith.mulf %mul3A_1391, %mul3A_1388 : vector<16xf32>
    %mul3A_1393 = arith.mulf %mul3A_1392, %mul3A_1388 : vector<16xf32>
    %sub3A_1394 = arith.constant 1.500000e+00 : f32
    %sub3A_1395 = vector.broadcast %sub3A_1394 : f32 to vector<16xf32>
    %sub3A_1396 = arith.subf %sub3A_1395, %mul3A_1393 : vector<16xf32>
    %mul3A_1397 = arith.mulf %mul3A_1388, %sub3A_1396 : vector<16xf32>
    %swap3A_1398 = arith.constant 0 : index
    %swap3A_1399 = tpu.vector_load %arg10[%swap3A_1398] {strides = array<i32>} : memref<320xf32, #tpu.memory_space<vmem>>, vector<16xf32>,
    %swap3A_1400 = vector.shape_cast %swap3A_1399 : vector<16xf32> to vector<16xf32>
    %swap3A_1401 = vector.shape_cast %mul3A_1397 : vector<16xf32> to vector<16xf32>
    tpu.vector_store %arg10[%swap3A_1398], %swap3A_1401 {strides = array<i32>} : memref<320xf32, #tpu.memory_space<vmem>>, vector<16xf32>,
    %get3A_1402 = arith.constant 16 : index
    %get3A_1403 = tpu.vector_load %arg10[%get3A_1402] {strides = array<i32>} : memref<320xf32, #tpu.memory_space<vmem>>, vector<16xf32>,
    %get3A_1404 = vector.shape_cast %get3A_1403 : vector<16xf32> to vector<16xf32>
    %max3A_1405 = arith.constant 1.000000e+00 : f32
    %max3A_1406 = vector.broadcast %max3A_1405 : f32 to vector<16xf32>
    %max3A_1407 = arith.maximumf %get3A_1404, %max3A_1406 : vector<16xf32>
    %bitcast_convert_type3A_1408 = tpu.bitcast %max3A_1407 : vector<16xf32> -> vector<16xi32>
    %broadcast_in_dim3A_1409 = arith.constant 1597463007 : i32
    %broadcast_in_dim3A_1410 = vector.broadcast %broadcast_in_dim3A_1409 : i32 to vector<16xi32>
    %broadcast_in_dim3A_1411 = arith.constant 1 : i32
    %broadcast_in_dim3A_1412 = vector.broadcast %broadcast_in_dim3A_1411 : i32 to vector<16xi32>
    %shift_right_logical3A_1413 = arith.shrui %bitcast_convert_type3A_1408, %broadcast_in_dim3A_1412 : vector<16xi32>
    %sub3A_1414 = arith.subi %broadcast_in_dim3A_1410, %shift_right_logical3A_1413 : vector<16xi32>
    %bitcast_convert_type3A_1415 = tpu.bitcast %sub3A_1414 : vector<16xi32> -> vector<16xf32>
    %mul3A_1416 = arith.constant 5.000000e-01 : f32
    %mul3A_1417 = vector.broadcast %mul3A_1416 : f32 to vector<16xf32>
    %mul3A_1418 = arith.mulf %mul3A_1417, %max3A_1407 : vector<16xf32>
    %mul3A_1419 = arith.mulf %mul3A_1418, %bitcast_convert_type3A_1415 : vector<16xf32>
    %mul3A_1420 = arith.mulf %mul3A_1419, %bitcast_convert_type3A_1415 : vector<16xf32>
    %sub3A_1421 = arith.constant 1.500000e+00 : f32
    %sub3A_1422 = vector.broadcast %sub3A_1421 : f32 to vector<16xf32>
    %sub3A_1423 = arith.subf %sub3A_1422, %mul3A_1420 : vector<16xf32>
    %mul3A_1424 = arith.mulf %bitcast_convert_type3A_1415, %sub3A_1423 : vector<16xf32>
    %mul3A_1425 = arith.constant 5.000000e-01 : f32
    %mul3A_1426 = vector.broadcast %mul3A_1425 : f32 to vector<16xf32>
    %mul3A_1427 = arith.mulf %mul3A_1426, %max3A_1407 : vector<16xf32>
    %mul3A_1428 = arith.mulf %mul3A_1427, %mul3A_1424 : vector<16xf32>
    %mul3A_1429 = arith.mulf %mul3A_1428, %mul3A_1424 : vector<16xf32>
    %sub3A_1430 = arith.constant 1.500000e+00 : f32
    %sub3A_1431 = vector.broadcast %sub3A_1430 : f32 to vector<16xf32>
    %sub3A_1432 = arith.subf %sub3A_1431, %mul3A_1429 : vector<16xf32>
    %mul3A_1433 = arith.mulf %mul3A_1424, %sub3A_1432 : vector<16xf32>
    %mul3A_1434 = arith.constant 5.000000e-01 : f32
    %mul3A_1435 = vector.broadcast %mul3A_1434 : f32 to vector<16xf32>
    %mul3A_1436 = arith.mulf %mul3A_1435, %max3A_1407 : vector<16xf32>
    %mul3A_1437 = arith.mulf %mul3A_1436, %mul3A_1433 : vector<16xf32>
    %mul3A_1438 = arith.mulf %mul3A_1437, %mul3A_1433 : vector<16xf32>
    %sub3A_1439 = arith.constant 1.500000e+00 : f32
    %sub3A_1440 = vector.broadcast %sub3A_1439 : f32 to vector<16xf32>
    %sub3A_1441 = arith.subf %sub3A_1440, %mul3A_1438 : vector<16xf32>
    %mul3A_1442 = arith.mulf %mul3A_1433, %sub3A_1441 : vector<16xf32>
    %mul3A_1443 = arith.constant 5.000000e-01 : f32
    %mul3A_1444 = vector.broadcast %mul3A_1443 : f32 to vector<16xf32>
    %mul3A_1445 = arith.mulf %mul3A_1444, %max3A_1407 : vector<16xf32>
    %mul3A_1446 = arith.mulf %mul3A_1445, %mul3A_1442 : vector<16xf32>
    %mul3A_1447 = arith.mulf %mul3A_1446, %mul3A_1442 : vector<16xf32>
    %sub3A_1448 = arith.constant 1.500000e+00 : f32
    %sub3A_1449 = vector.broadcast %sub3A_1448 : f32 to vector<16xf32>
    %sub3A_1450 = arith.subf %sub3A_1449, %mul3A_1447 : vector<16xf32>
    %mul3A_1451 = arith.mulf %mul3A_1442, %sub3A_1450 : vector<16xf32>
    %swap3A_1452 = arith.constant 16 : index
    %swap3A_1453 = tpu.vector_load %arg10[%swap3A_1452] {strides = array<i32>} : memref<320xf32, #tpu.memory_space<vmem>>, vector<16xf32>,
    %swap3A_1454 = vector.shape_cast %swap3A_1453 : vector<16xf32> to vector<16xf32>
    %swap3A_1455 = vector.shape_cast %mul3A_1451 : vector<16xf32> to vector<16xf32>
    tpu.vector_store %arg10[%swap3A_1452], %swap3A_1455 {strides = array<i32>} : memref<320xf32, #tpu.memory_space<vmem>>, vector<16xf32>,
    %get3A_1456 = arith.constant 32 : index
    %get3A_1457 = tpu.vector_load %arg10[%get3A_1456] {strides = array<i32>} : memref<320xf32, #tpu.memory_space<vmem>>, vector<16xf32>,
    %get3A_1458 = vector.shape_cast %get3A_1457 : vector<16xf32> to vector<16xf32>
    %max3A_1459 = arith.constant 1.000000e+00 : f32
    %max3A_1460 = vector.broadcast %max3A_1459 : f32 to vector<16xf32>
    %max3A_1461 = arith.maximumf %get3A_1458, %max3A_1460 : vector<16xf32>
    %bitcast_convert_type3A_1462 = tpu.bitcast %max3A_1461 : vector<16xf32> -> vector<16xi32>
    %broadcast_in_dim3A_1463 = arith.constant 1597463007 : i32
    %broadcast_in_dim3A_1464 = vector.broadcast %broadcast_in_dim3A_1463 : i32 to vector<16xi32>
    %broadcast_in_dim3A_1465 = arith.constant 1 : i32
    %broadcast_in_dim3A_1466 = vector.broadcast %broadcast_in_dim3A_1465 : i32 to vector<16xi32>
    %shift_right_logical3A_1467 = arith.shrui %bitcast_convert_type3A_1462, %broadcast_in_dim3A_1466 : vector<16xi32>
    %sub3A_1468 = arith.subi %broadcast_in_dim3A_1464, %shift_right_logical3A_1467 : vector<16xi32>
    %bitcast_convert_type3A_1469 = tpu.bitcast %sub3A_1468 : vector<16xi32> -> vector<16xf32>
    %mul3A_1470 = arith.constant 5.000000e-01 : f32
    %mul3A_1471 = vector.broadcast %mul3A_1470 : f32 to vector<16xf32>
    %mul3A_1472 = arith.mulf %mul3A_1471, %max3A_1461 : vector<16xf32>
    %mul3A_1473 = arith.mulf %mul3A_1472, %bitcast_convert_type3A_1469 : vector<16xf32>
    %mul3A_1474 = arith.mulf %mul3A_1473, %bitcast_convert_type3A_1469 : vector<16xf32>
    %sub3A_1475 = arith.constant 1.500000e+00 : f32
    %sub3A_1476 = vector.broadcast %sub3A_1475 : f32 to vector<16xf32>
    %sub3A_1477 = arith.subf %sub3A_1476, %mul3A_1474 : vector<16xf32>
    %mul3A_1478 = arith.mulf %bitcast_convert_type3A_1469, %sub3A_1477 : vector<16xf32>
    %mul3A_1479 = arith.constant 5.000000e-01 : f32
    %mul3A_1480 = vector.broadcast %mul3A_1479 : f32 to vector<16xf32>
    %mul3A_1481 = arith.mulf %mul3A_1480, %max3A_1461 : vector<16xf32>
    %mul3A_1482 = arith.mulf %mul3A_1481, %mul3A_1478 : vector<16xf32>
    %mul3A_1483 = arith.mulf %mul3A_1482, %mul3A_1478 : vector<16xf32>
    %sub3A_1484 = arith.constant 1.500000e+00 : f32
    %sub3A_1485 = vector.broadcast %sub3A_1484 : f32 to vector<16xf32>
    %sub3A_1486 = arith.subf %sub3A_1485, %mul3A_1483 : vector<16xf32>
    %mul3A_1487 = arith.mulf %mul3A_1478, %sub3A_1486 : vector<16xf32>
    %mul3A_1488 = arith.constant 5.000000e-01 : f32
    %mul3A_1489 = vector.broadcast %mul3A_1488 : f32 to vector<16xf32>
    %mul3A_1490 = arith.mulf %mul3A_1489, %max3A_1461 : vector<16xf32>
    %mul3A_1491 = arith.mulf %mul3A_1490, %mul3A_1487 : vector<16xf32>
    %mul3A_1492 = arith.mulf %mul3A_1491, %mul3A_1487 : vector<16xf32>
    %sub3A_1493 = arith.constant 1.500000e+00 : f32
    %sub3A_1494 = vector.broadcast %sub3A_1493 : f32 to vector<16xf32>
    %sub3A_1495 = arith.subf %sub3A_1494, %mul3A_1492 : vector<16xf32>
    %mul3A_1496 = arith.mulf %mul3A_1487, %sub3A_1495 : vector<16xf32>
    %mul3A_1497 = arith.constant 5.000000e-01 : f32
    %mul3A_1498 = vector.broadcast %mul3A_1497 : f32 to vector<16xf32>
    %mul3A_1499 = arith.mulf %mul3A_1498, %max3A_1461 : vector<16xf32>
    %mul3A_1500 = arith.mulf %mul3A_1499, %mul3A_1496 : vector<16xf32>
    %mul3A_1501 = arith.mulf %mul3A_1500, %mul3A_1496 : vector<16xf32>
    %sub3A_1502 = arith.constant 1.500000e+00 : f32
    %sub3A_1503 = vector.broadcast %sub3A_1502 : f32 to vector<16xf32>
    %sub3A_1504 = arith.subf %sub3A_1503, %mul3A_1501 : vector<16xf32>
    %mul3A_1505 = arith.mulf %mul3A_1496, %sub3A_1504 : vector<16xf32>
    %swap3A_1506 = arith.constant 32 : index
    %swap3A_1507 = tpu.vector_load %arg10[%swap3A_1506] {strides = array<i32>} : memref<320xf32, #tpu.memory_space<vmem>>, vector<16xf32>,
    %swap3A_1508 = vector.shape_cast %swap3A_1507 : vector<16xf32> to vector<16xf32>
    %swap3A_1509 = vector.shape_cast %mul3A_1505 : vector<16xf32> to vector<16xf32>
    tpu.vector_store %arg10[%swap3A_1506], %swap3A_1509 {strides = array<i32>} : memref<320xf32, #tpu.memory_space<vmem>>, vector<16xf32>,
    %get3A_1510 = arith.constant 48 : index
    %get3A_1511 = tpu.vector_load %arg10[%get3A_1510] {strides = array<i32>} : memref<320xf32, #tpu.memory_space<vmem>>, vector<16xf32>,
    %get3A_1512 = vector.shape_cast %get3A_1511 : vector<16xf32> to vector<16xf32>
    %max3A_1513 = arith.constant 1.000000e+00 : f32
    %max3A_1514 = vector.broadcast %max3A_1513 : f32 to vector<16xf32>
    %max3A_1515 = arith.maximumf %get3A_1512, %max3A_1514 : vector<16xf32>
    %bitcast_convert_type3A_1516 = tpu.bitcast %max3A_1515 : vector<16xf32> -> vector<16xi32>
    %broadcast_in_dim3A_1517 = arith.constant 1597463007 : i32
    %broadcast_in_dim3A_1518 = vector.broadcast %broadcast_in_dim3A_1517 : i32 to vector<16xi32>
    %broadcast_in_dim3A_1519 = arith.constant 1 : i32
    %broadcast_in_dim3A_1520 = vector.broadcast %broadcast_in_dim3A_1519 : i32 to vector<16xi32>
    %shift_right_logical3A_1521 = arith.shrui %bitcast_convert_type3A_1516, %broadcast_in_dim3A_1520 : vector<16xi32>
    %sub3A_1522 = arith.subi %broadcast_in_dim3A_1518, %shift_right_logical3A_1521 : vector<16xi32>
    %bitcast_convert_type3A_1523 = tpu.bitcast %sub3A_1522 : vector<16xi32> -> vector<16xf32>
    %mul3A_1524 = arith.constant 5.000000e-01 : f32
    %mul3A_1525 = vector.broadcast %mul3A_1524 : f32 to vector<16xf32>
    %mul3A_1526 = arith.mulf %mul3A_1525, %max3A_1515 : vector<16xf32>
    %mul3A_1527 = arith.mulf %mul3A_1526, %bitcast_convert_type3A_1523 : vector<16xf32>
    %mul3A_1528 = arith.mulf %mul3A_1527, %bitcast_convert_type3A_1523 : vector<16xf32>
    %sub3A_1529 = arith.constant 1.500000e+00 : f32
    %sub3A_1530 = vector.broadcast %sub3A_1529 : f32 to vector<16xf32>
    %sub3A_1531 = arith.subf %sub3A_1530, %mul3A_1528 : vector<16xf32>
    %mul3A_1532 = arith.mulf %bitcast_convert_type3A_1523, %sub3A_1531 : vector<16xf32>
    %mul3A_1533 = arith.constant 5.000000e-01 : f32
    %mul3A_1534 = vector.broadcast %mul3A_1533 : f32 to vector<16xf32>
    %mul3A_1535 = arith.mulf %mul3A_1534, %max3A_1515 : vector<16xf32>
    %mul3A_1536 = arith.mulf %mul3A_1535, %mul3A_1532 : vector<16xf32>
    %mul3A_1537 = arith.mulf %mul3A_1536, %mul3A_1532 : vector<16xf32>
    %sub3A_1538 = arith.constant 1.500000e+00 : f32
    %sub3A_1539 = vector.broadcast %sub3A_1538 : f32 to vector<16xf32>
    %sub3A_1540 = arith.subf %sub3A_1539, %mul3A_1537 : vector<16xf32>
    %mul3A_1541 = arith.mulf %mul3A_1532, %sub3A_1540 : vector<16xf32>
    %mul3A_1542 = arith.constant 5.000000e-01 : f32
    %mul3A_1543 = vector.broadcast %mul3A_1542 : f32 to vector<16xf32>
    %mul3A_1544 = arith.mulf %mul3A_1543, %max3A_1515 : vector<16xf32>
    %mul3A_1545 = arith.mulf %mul3A_1544, %mul3A_1541 : vector<16xf32>
    %mul3A_1546 = arith.mulf %mul3A_1545, %mul3A_1541 : vector<16xf32>
    %sub3A_1547 = arith.constant 1.500000e+00 : f32
    %sub3A_1548 = vector.broadcast %sub3A_1547 : f32 to vector<16xf32>
    %sub3A_1549 = arith.subf %sub3A_1548, %mul3A_1546 : vector<16xf32>
    %mul3A_1550 = arith.mulf %mul3A_1541, %sub3A_1549 : vector<16xf32>
    %mul3A_1551 = arith.constant 5.000000e-01 : f32
    %mul3A_1552 = vector.broadcast %mul3A_1551 : f32 to vector<16xf32>
    %mul3A_1553 = arith.mulf %mul3A_1552, %max3A_1515 : vector<16xf32>
    %mul3A_1554 = arith.mulf %mul3A_1553, %mul3A_1550 : vector<16xf32>
    %mul3A_1555 = arith.mulf %mul3A_1554, %mul3A_1550 : vector<16xf32>
    %sub3A_1556 = arith.constant 1.500000e+00 : f32
    %sub3A_1557 = vector.broadcast %sub3A_1556 : f32 to vector<16xf32>
    %sub3A_1558 = arith.subf %sub3A_1557, %mul3A_1555 : vector<16xf32>
    %mul3A_1559 = arith.mulf %mul3A_1550, %sub3A_1558 : vector<16xf32>
    %swap3A_1560 = arith.constant 48 : index
    %swap3A_1561 = tpu.vector_load %arg10[%swap3A_1560] {strides = array<i32>} : memref<320xf32, #tpu.memory_space<vmem>>, vector<16xf32>,
    %swap3A_1562 = vector.shape_cast %swap3A_1561 : vector<16xf32> to vector<16xf32>
    %swap3A_1563 = vector.shape_cast %mul3A_1559 : vector<16xf32> to vector<16xf32>
    tpu.vector_store %arg10[%swap3A_1560], %swap3A_1563 {strides = array<i32>} : memref<320xf32, #tpu.memory_space<vmem>>, vector<16xf32>,
    %get3A_1564 = arith.constant 64 : index
    %get3A_1565 = tpu.vector_load %arg10[%get3A_1564] {strides = array<i32>} : memref<320xf32, #tpu.memory_space<vmem>>, vector<16xf32>,
    %get3A_1566 = vector.shape_cast %get3A_1565 : vector<16xf32> to vector<16xf32>
    %max3A_1567 = arith.constant 1.000000e+00 : f32
    %max3A_1568 = vector.broadcast %max3A_1567 : f32 to vector<16xf32>
    %max3A_1569 = arith.maximumf %get3A_1566, %max3A_1568 : vector<16xf32>
    %bitcast_convert_type3A_1570 = tpu.bitcast %max3A_1569 : vector<16xf32> -> vector<16xi32>
    %broadcast_in_dim3A_1571 = arith.constant 1597463007 : i32
    %broadcast_in_dim3A_1572 = vector.broadcast %broadcast_in_dim3A_1571 : i32 to vector<16xi32>
    %broadcast_in_dim3A_1573 = arith.constant 1 : i32
    %broadcast_in_dim3A_1574 = vector.broadcast %broadcast_in_dim3A_1573 : i32 to vector<16xi32>
    %shift_right_logical3A_1575 = arith.shrui %bitcast_convert_type3A_1570, %broadcast_in_dim3A_1574 : vector<16xi32>
    %sub3A_1576 = arith.subi %broadcast_in_dim3A_1572, %shift_right_logical3A_1575 : vector<16xi32>
    %bitcast_convert_type3A_1577 = tpu.bitcast %sub3A_1576 : vector<16xi32> -> vector<16xf32>
    %mul3A_1578 = arith.constant 5.000000e-01 : f32
    %mul3A_1579 = vector.broadcast %mul3A_1578 : f32 to vector<16xf32>
    %mul3A_1580 = arith.mulf %mul3A_1579, %max3A_1569 : vector<16xf32>
    %mul3A_1581 = arith.mulf %mul3A_1580, %bitcast_convert_type3A_1577 : vector<16xf32>
    %mul3A_1582 = arith.mulf %mul3A_1581, %bitcast_convert_type3A_1577 : vector<16xf32>
    %sub3A_1583 = arith.constant 1.500000e+00 : f32
    %sub3A_1584 = vector.broadcast %sub3A_1583 : f32 to vector<16xf32>
    %sub3A_1585 = arith.subf %sub3A_1584, %mul3A_1582 : vector<16xf32>
    %mul3A_1586 = arith.mulf %bitcast_convert_type3A_1577, %sub3A_1585 : vector<16xf32>
    %mul3A_1587 = arith.constant 5.000000e-01 : f32
    %mul3A_1588 = vector.broadcast %mul3A_1587 : f32 to vector<16xf32>
    %mul3A_1589 = arith.mulf %mul3A_1588, %max3A_1569 : vector<16xf32>
    %mul3A_1590 = arith.mulf %mul3A_1589, %mul3A_1586 : vector<16xf32>
    %mul3A_1591 = arith.mulf %mul3A_1590, %mul3A_1586 : vector<16xf32>
    %sub3A_1592 = arith.constant 1.500000e+00 : f32
    %sub3A_1593 = vector.broadcast %sub3A_1592 : f32 to vector<16xf32>
    %sub3A_1594 = arith.subf %sub3A_1593, %mul3A_1591 : vector<16xf32>
    %mul3A_1595 = arith.mulf %mul3A_1586, %sub3A_1594 : vector<16xf32>
    %mul3A_1596 = arith.constant 5.000000e-01 : f32
    %mul3A_1597 = vector.broadcast %mul3A_1596 : f32 to vector<16xf32>
    %mul3A_1598 = arith.mulf %mul3A_1597, %max3A_1569 : vector<16xf32>
    %mul3A_1599 = arith.mulf %mul3A_1598, %mul3A_1595 : vector<16xf32>
    %mul3A_1600 = arith.mulf %mul3A_1599, %mul3A_1595 : vector<16xf32>
    %sub3A_1601 = arith.constant 1.500000e+00 : f32
    %sub3A_1602 = vector.broadcast %sub3A_1601 : f32 to vector<16xf32>
    %sub3A_1603 = arith.subf %sub3A_1602, %mul3A_1600 : vector<16xf32>
    %mul3A_1604 = arith.mulf %mul3A_1595, %sub3A_1603 : vector<16xf32>
    %mul3A_1605 = arith.constant 5.000000e-01 : f32
    %mul3A_1606 = vector.broadcast %mul3A_1605 : f32 to vector<16xf32>
    %mul3A_1607 = arith.mulf %mul3A_1606, %max3A_1569 : vector<16xf32>
    %mul3A_1608 = arith.mulf %mul3A_1607, %mul3A_1604 : vector<16xf32>
    %mul3A_1609 = arith.mulf %mul3A_1608, %mul3A_1604 : vector<16xf32>
    %sub3A_1610 = arith.constant 1.500000e+00 : f32
    %sub3A_1611 = vector.broadcast %sub3A_1610 : f32 to vector<16xf32>
    %sub3A_1612 = arith.subf %sub3A_1611, %mul3A_1609 : vector<16xf32>
    %mul3A_1613 = arith.mulf %mul3A_1604, %sub3A_1612 : vector<16xf32>
    %swap3A_1614 = arith.constant 64 : index
    %swap3A_1615 = tpu.vector_load %arg10[%swap3A_1614] {strides = array<i32>} : memref<320xf32, #tpu.memory_space<vmem>>, vector<16xf32>,
    %swap3A_1616 = vector.shape_cast %swap3A_1615 : vector<16xf32> to vector<16xf32>
    %swap3A_1617 = vector.shape_cast %mul3A_1613 : vector<16xf32> to vector<16xf32>
    tpu.vector_store %arg10[%swap3A_1614], %swap3A_1617 {strides = array<i32>} : memref<320xf32, #tpu.memory_space<vmem>>, vector<16xf32>,
    %get3A_1618 = arith.constant 80 : index
    %get3A_1619 = tpu.vector_load %arg10[%get3A_1618] {strides = array<i32>} : memref<320xf32, #tpu.memory_space<vmem>>, vector<16xf32>,
    %get3A_1620 = vector.shape_cast %get3A_1619 : vector<16xf32> to vector<16xf32>
    %max3A_1621 = arith.constant 1.000000e+00 : f32
    %max3A_1622 = vector.broadcast %max3A_1621 : f32 to vector<16xf32>
    %max3A_1623 = arith.maximumf %get3A_1620, %max3A_1622 : vector<16xf32>
    %bitcast_convert_type3A_1624 = tpu.bitcast %max3A_1623 : vector<16xf32> -> vector<16xi32>
    %broadcast_in_dim3A_1625 = arith.constant 1597463007 : i32
    %broadcast_in_dim3A_1626 = vector.broadcast %broadcast_in_dim3A_1625 : i32 to vector<16xi32>
    %broadcast_in_dim3A_1627 = arith.constant 1 : i32
    %broadcast_in_dim3A_1628 = vector.broadcast %broadcast_in_dim3A_1627 : i32 to vector<16xi32>
    %shift_right_logical3A_1629 = arith.shrui %bitcast_convert_type3A_1624, %broadcast_in_dim3A_1628 : vector<16xi32>
    %sub3A_1630 = arith.subi %broadcast_in_dim3A_1626, %shift_right_logical3A_1629 : vector<16xi32>
    %bitcast_convert_type3A_1631 = tpu.bitcast %sub3A_1630 : vector<16xi32> -> vector<16xf32>
    %mul3A_1632 = arith.constant 5.000000e-01 : f32
    %mul3A_1633 = vector.broadcast %mul3A_1632 : f32 to vector<16xf32>
    %mul3A_1634 = arith.mulf %mul3A_1633, %max3A_1623 : vector<16xf32>
    %mul3A_1635 = arith.mulf %mul3A_1634, %bitcast_convert_type3A_1631 : vector<16xf32>
    %mul3A_1636 = arith.mulf %mul3A_1635, %bitcast_convert_type3A_1631 : vector<16xf32>
    %sub3A_1637 = arith.constant 1.500000e+00 : f32
    %sub3A_1638 = vector.broadcast %sub3A_1637 : f32 to vector<16xf32>
    %sub3A_1639 = arith.subf %sub3A_1638, %mul3A_1636 : vector<16xf32>
    %mul3A_1640 = arith.mulf %bitcast_convert_type3A_1631, %sub3A_1639 : vector<16xf32>
    %mul3A_1641 = arith.constant 5.000000e-01 : f32
    %mul3A_1642 = vector.broadcast %mul3A_1641 : f32 to vector<16xf32>
    %mul3A_1643 = arith.mulf %mul3A_1642, %max3A_1623 : vector<16xf32>
    %mul3A_1644 = arith.mulf %mul3A_1643, %mul3A_1640 : vector<16xf32>
    %mul3A_1645 = arith.mulf %mul3A_1644, %mul3A_1640 : vector<16xf32>
    %sub3A_1646 = arith.constant 1.500000e+00 : f32
    %sub3A_1647 = vector.broadcast %sub3A_1646 : f32 to vector<16xf32>
    %sub3A_1648 = arith.subf %sub3A_1647, %mul3A_1645 : vector<16xf32>
    %mul3A_1649 = arith.mulf %mul3A_1640, %sub3A_1648 : vector<16xf32>
    %mul3A_1650 = arith.constant 5.000000e-01 : f32
    %mul3A_1651 = vector.broadcast %mul3A_1650 : f32 to vector<16xf32>
    %mul3A_1652 = arith.mulf %mul3A_1651, %max3A_1623 : vector<16xf32>
    %mul3A_1653 = arith.mulf %mul3A_1652, %mul3A_1649 : vector<16xf32>
    %mul3A_1654 = arith.mulf %mul3A_1653, %mul3A_1649 : vector<16xf32>
    %sub3A_1655 = arith.constant 1.500000e+00 : f32
    %sub3A_1656 = vector.broadcast %sub3A_1655 : f32 to vector<16xf32>
    %sub3A_1657 = arith.subf %sub3A_1656, %mul3A_1654 : vector<16xf32>
    %mul3A_1658 = arith.mulf %mul3A_1649, %sub3A_1657 : vector<16xf32>
    %mul3A_1659 = arith.constant 5.000000e-01 : f32
    %mul3A_1660 = vector.broadcast %mul3A_1659 : f32 to vector<16xf32>
    %mul3A_1661 = arith.mulf %mul3A_1660, %max3A_1623 : vector<16xf32>
    %mul3A_1662 = arith.mulf %mul3A_1661, %mul3A_1658 : vector<16xf32>
    %mul3A_1663 = arith.mulf %mul3A_1662, %mul3A_1658 : vector<16xf32>
    %sub3A_1664 = arith.constant 1.500000e+00 : f32
    %sub3A_1665 = vector.broadcast %sub3A_1664 : f32 to vector<16xf32>
    %sub3A_1666 = arith.subf %sub3A_1665, %mul3A_1663 : vector<16xf32>
    %mul3A_1667 = arith.mulf %mul3A_1658, %sub3A_1666 : vector<16xf32>
    %swap3A_1668 = arith.constant 80 : index
    %swap3A_1669 = tpu.vector_load %arg10[%swap3A_1668] {strides = array<i32>} : memref<320xf32, #tpu.memory_space<vmem>>, vector<16xf32>,
    %swap3A_1670 = vector.shape_cast %swap3A_1669 : vector<16xf32> to vector<16xf32>
    %swap3A_1671 = vector.shape_cast %mul3A_1667 : vector<16xf32> to vector<16xf32>
    tpu.vector_store %arg10[%swap3A_1668], %swap3A_1671 {strides = array<i32>} : memref<320xf32, #tpu.memory_space<vmem>>, vector<16xf32>,
    %get3A_1672 = arith.constant 96 : index
    %get3A_1673 = tpu.vector_load %arg10[%get3A_1672] {strides = array<i32>} : memref<320xf32, #tpu.memory_space<vmem>>, vector<16xf32>,
    %get3A_1674 = vector.shape_cast %get3A_1673 : vector<16xf32> to vector<16xf32>
    %max3A_1675 = arith.constant 1.000000e+00 : f32
    %max3A_1676 = vector.broadcast %max3A_1675 : f32 to vector<16xf32>
    %max3A_1677 = arith.maximumf %get3A_1674, %max3A_1676 : vector<16xf32>
    %bitcast_convert_type3A_1678 = tpu.bitcast %max3A_1677 : vector<16xf32> -> vector<16xi32>
    %broadcast_in_dim3A_1679 = arith.constant 1597463007 : i32
    %broadcast_in_dim3A_1680 = vector.broadcast %broadcast_in_dim3A_1679 : i32 to vector<16xi32>
    %broadcast_in_dim3A_1681 = arith.constant 1 : i32
    %broadcast_in_dim3A_1682 = vector.broadcast %broadcast_in_dim3A_1681 : i32 to vector<16xi32>
    %shift_right_logical3A_1683 = arith.shrui %bitcast_convert_type3A_1678, %broadcast_in_dim3A_1682 : vector<16xi32>
    %sub3A_1684 = arith.subi %broadcast_in_dim3A_1680, %shift_right_logical3A_1683 : vector<16xi32>
    %bitcast_convert_type3A_1685 = tpu.bitcast %sub3A_1684 : vector<16xi32> -> vector<16xf32>
    %mul3A_1686 = arith.constant 5.000000e-01 : f32
    %mul3A_1687 = vector.broadcast %mul3A_1686 : f32 to vector<16xf32>
    %mul3A_1688 = arith.mulf %mul3A_1687, %max3A_1677 : vector<16xf32>
    %mul3A_1689 = arith.mulf %mul3A_1688, %bitcast_convert_type3A_1685 : vector<16xf32>
    %mul3A_1690 = arith.mulf %mul3A_1689, %bitcast_convert_type3A_1685 : vector<16xf32>
    %sub3A_1691 = arith.constant 1.500000e+00 : f32
    %sub3A_1692 = vector.broadcast %sub3A_1691 : f32 to vector<16xf32>
    %sub3A_1693 = arith.subf %sub3A_1692, %mul3A_1690 : vector<16xf32>
    %mul3A_1694 = arith.mulf %bitcast_convert_type3A_1685, %sub3A_1693 : vector<16xf32>
    %mul3A_1695 = arith.constant 5.000000e-01 : f32
    %mul3A_1696 = vector.broadcast %mul3A_1695 : f32 to vector<16xf32>
    %mul3A_1697 = arith.mulf %mul3A_1696, %max3A_1677 : vector<16xf32>
    %mul3A_1698 = arith.mulf %mul3A_1697, %mul3A_1694 : vector<16xf32>
    %mul3A_1699 = arith.mulf %mul3A_1698, %mul3A_1694 : vector<16xf32>
    %sub3A_1700 = arith.constant 1.500000e+00 : f32
    %sub3A_1701 = vector.broadcast %sub3A_1700 : f32 to vector<16xf32>
    %sub3A_1702 = arith.subf %sub3A_1701, %mul3A_1699 : vector<16xf32>
    %mul3A_1703 = arith.mulf %mul3A_1694, %sub3A_1702 : vector<16xf32>
    %mul3A_1704 = arith.constant 5.000000e-01 : f32
    %mul3A_1705 = vector.broadcast %mul3A_1704 : f32 to vector<16xf32>
    %mul3A_1706 = arith.mulf %mul3A_1705, %max3A_1677 : vector<16xf32>
    %mul3A_1707 = arith.mulf %mul3A_1706, %mul3A_1703 : vector<16xf32>
    %mul3A_1708 = arith.mulf %mul3A_1707, %mul3A_1703 : vector<16xf32>
    %sub3A_1709 = arith.constant 1.500000e+00 : f32
    %sub3A_1710 = vector.broadcast %sub3A_1709 : f32 to vector<16xf32>
    %sub3A_1711 = arith.subf %sub3A_1710, %mul3A_1708 : vector<16xf32>
    %mul3A_1712 = arith.mulf %mul3A_1703, %sub3A_1711 : vector<16xf32>
    %mul3A_1713 = arith.constant 5.000000e-01 : f32
    %mul3A_1714 = vector.broadcast %mul3A_1713 : f32 to vector<16xf32>
    %mul3A_1715 = arith.mulf %mul3A_1714, %max3A_1677 : vector<16xf32>
    %mul3A_1716 = arith.mulf %mul3A_1715, %mul3A_1712 : vector<16xf32>
    %mul3A_1717 = arith.mulf %mul3A_1716, %mul3A_1712 : vector<16xf32>
    %sub3A_1718 = arith.constant 1.500000e+00 : f32
    %sub3A_1719 = vector.broadcast %sub3A_1718 : f32 to vector<16xf32>
    %sub3A_1720 = arith.subf %sub3A_1719, %mul3A_1717 : vector<16xf32>
    %mul3A_1721 = arith.mulf %mul3A_1712, %sub3A_1720 : vector<16xf32>
    %swap3A_1722 = arith.constant 96 : index
    %swap3A_1723 = tpu.vector_load %arg10[%swap3A_1722] {strides = array<i32>} : memref<320xf32, #tpu.memory_space<vmem>>, vector<16xf32>,
    %swap3A_1724 = vector.shape_cast %swap3A_1723 : vector<16xf32> to vector<16xf32>
    %swap3A_1725 = vector.shape_cast %mul3A_1721 : vector<16xf32> to vector<16xf32>
    tpu.vector_store %arg10[%swap3A_1722], %swap3A_1725 {strides = array<i32>} : memref<320xf32, #tpu.memory_space<vmem>>, vector<16xf32>,
    %get3A_1726 = arith.constant 112 : index
    %get3A_1727 = tpu.vector_load %arg10[%get3A_1726] {strides = array<i32>} : memref<320xf32, #tpu.memory_space<vmem>>, vector<16xf32>,
    %get3A_1728 = vector.shape_cast %get3A_1727 : vector<16xf32> to vector<16xf32>
    %max3A_1729 = arith.constant 1.000000e+00 : f32
    %max3A_1730 = vector.broadcast %max3A_1729 : f32 to vector<16xf32>
    %max3A_1731 = arith.maximumf %get3A_1728, %max3A_1730 : vector<16xf32>
    %bitcast_convert_type3A_1732 = tpu.bitcast %max3A_1731 : vector<16xf32> -> vector<16xi32>
    %broadcast_in_dim3A_1733 = arith.constant 1597463007 : i32
    %broadcast_in_dim3A_1734 = vector.broadcast %broadcast_in_dim3A_1733 : i32 to vector<16xi32>
    %broadcast_in_dim3A_1735 = arith.constant 1 : i32
    %broadcast_in_dim3A_1736 = vector.broadcast %broadcast_in_dim3A_1735 : i32 to vector<16xi32>
    %shift_right_logical3A_1737 = arith.shrui %bitcast_convert_type3A_1732, %broadcast_in_dim3A_1736 : vector<16xi32>
    %sub3A_1738 = arith.subi %broadcast_in_dim3A_1734, %shift_right_logical3A_1737 : vector<16xi32>
    %bitcast_convert_type3A_1739 = tpu.bitcast %sub3A_1738 : vector<16xi32> -> vector<16xf32>
    %mul3A_1740 = arith.constant 5.000000e-01 : f32
    %mul3A_1741 = vector.broadcast %mul3A_1740 : f32 to vector<16xf32>
    %mul3A_1742 = arith.mulf %mul3A_1741, %max3A_1731 : vector<16xf32>
    %mul3A_1743 = arith.mulf %mul3A_1742, %bitcast_convert_type3A_1739 : vector<16xf32>
    %mul3A_1744 = arith.mulf %mul3A_1743, %bitcast_convert_type3A_1739 : vector<16xf32>
    %sub3A_1745 = arith.constant 1.500000e+00 : f32
    %sub3A_1746 = vector.broadcast %sub3A_1745 : f32 to vector<16xf32>
    %sub3A_1747 = arith.subf %sub3A_1746, %mul3A_1744 : vector<16xf32>
    %mul3A_1748 = arith.mulf %bitcast_convert_type3A_1739, %sub3A_1747 : vector<16xf32>
    %mul3A_1749 = arith.constant 5.000000e-01 : f32
    %mul3A_1750 = vector.broadcast %mul3A_1749 : f32 to vector<16xf32>
    %mul3A_1751 = arith.mulf %mul3A_1750, %max3A_1731 : vector<16xf32>
    %mul3A_1752 = arith.mulf %mul3A_1751, %mul3A_1748 : vector<16xf32>
    %mul3A_1753 = arith.mulf %mul3A_1752, %mul3A_1748 : vector<16xf32>
    %sub3A_1754 = arith.constant 1.500000e+00 : f32
    %sub3A_1755 = vector.broadcast %sub3A_1754 : f32 to vector<16xf32>
    %sub3A_1756 = arith.subf %sub3A_1755, %mul3A_1753 : vector<16xf32>
    %mul3A_1757 = arith.mulf %mul3A_1748, %sub3A_1756 : vector<16xf32>
    %mul3A_1758 = arith.constant 5.000000e-01 : f32
    %mul3A_1759 = vector.broadcast %mul3A_1758 : f32 to vector<16xf32>
    %mul3A_1760 = arith.mulf %mul3A_1759, %max3A_1731 : vector<16xf32>
    %mul3A_1761 = arith.mulf %mul3A_1760, %mul3A_1757 : vector<16xf32>
    %mul3A_1762 = arith.mulf %mul3A_1761, %mul3A_1757 : vector<16xf32>
    %sub3A_1763 = arith.constant 1.500000e+00 : f32
    %sub3A_1764 = vector.broadcast %sub3A_1763 : f32 to vector<16xf32>
    %sub3A_1765 = arith.subf %sub3A_1764, %mul3A_1762 : vector<16xf32>
    %mul3A_1766 = arith.mulf %mul3A_1757, %sub3A_1765 : vector<16xf32>
    %mul3A_1767 = arith.constant 5.000000e-01 : f32
    %mul3A_1768 = vector.broadcast %mul3A_1767 : f32 to vector<16xf32>
    %mul3A_1769 = arith.mulf %mul3A_1768, %max3A_1731 : vector<16xf32>
    %mul3A_1770 = arith.mulf %mul3A_1769, %mul3A_1766 : vector<16xf32>
    %mul3A_1771 = arith.mulf %mul3A_1770, %mul3A_1766 : vector<16xf32>
    %sub3A_1772 = arith.constant 1.500000e+00 : f32
    %sub3A_1773 = vector.broadcast %sub3A_1772 : f32 to vector<16xf32>
    %sub3A_1774 = arith.subf %sub3A_1773, %mul3A_1771 : vector<16xf32>
    %mul3A_1775 = arith.mulf %mul3A_1766, %sub3A_1774 : vector<16xf32>
    %swap3A_1776 = arith.constant 112 : index
    %swap3A_1777 = tpu.vector_load %arg10[%swap3A_1776] {strides = array<i32>} : memref<320xf32, #tpu.memory_space<vmem>>, vector<16xf32>,
    %swap3A_1778 = vector.shape_cast %swap3A_1777 : vector<16xf32> to vector<16xf32>
    %swap3A_1779 = vector.shape_cast %mul3A_1775 : vector<16xf32> to vector<16xf32>
    tpu.vector_store %arg10[%swap3A_1776], %swap3A_1779 {strides = array<i32>} : memref<320xf32, #tpu.memory_space<vmem>>, vector<16xf32>,
    %get3A_1780 = arith.constant 128 : index
    %get3A_1781 = tpu.vector_load %arg10[%get3A_1780] {strides = array<i32>} : memref<320xf32, #tpu.memory_space<vmem>>, vector<16xf32>,
    %get3A_1782 = vector.shape_cast %get3A_1781 : vector<16xf32> to vector<16xf32>
    %max3A_1783 = arith.constant 1.000000e+00 : f32
    %max3A_1784 = vector.broadcast %max3A_1783 : f32 to vector<16xf32>
    %max3A_1785 = arith.maximumf %get3A_1782, %max3A_1784 : vector<16xf32>
    %bitcast_convert_type3A_1786 = tpu.bitcast %max3A_1785 : vector<16xf32> -> vector<16xi32>
    %broadcast_in_dim3A_1787 = arith.constant 1597463007 : i32
    %broadcast_in_dim3A_1788 = vector.broadcast %broadcast_in_dim3A_1787 : i32 to vector<16xi32>
    %broadcast_in_dim3A_1789 = arith.constant 1 : i32
    %broadcast_in_dim3A_1790 = vector.broadcast %broadcast_in_dim3A_1789 : i32 to vector<16xi32>
    %shift_right_logical3A_1791 = arith.shrui %bitcast_convert_type3A_1786, %broadcast_in_dim3A_1790 : vector<16xi32>
    %sub3A_1792 = arith.subi %broadcast_in_dim3A_1788, %shift_right_logical3A_1791 : vector<16xi32>
    %bitcast_convert_type3A_1793 = tpu.bitcast %sub3A_1792 : vector<16xi32> -> vector<16xf32>
    %mul3A_1794 = arith.constant 5.000000e-01 : f32
    %mul3A_1795 = vector.broadcast %mul3A_1794 : f32 to vector<16xf32>
    %mul3A_1796 = arith.mulf %mul3A_1795, %max3A_1785 : vector<16xf32>
    %mul3A_1797 = arith.mulf %mul3A_1796, %bitcast_convert_type3A_1793 : vector<16xf32>
    %mul3A_1798 = arith.mulf %mul3A_1797, %bitcast_convert_type3A_1793 : vector<16xf32>
    %sub3A_1799 = arith.constant 1.500000e+00 : f32
    %sub3A_1800 = vector.broadcast %sub3A_1799 : f32 to vector<16xf32>
    %sub3A_1801 = arith.subf %sub3A_1800, %mul3A_1798 : vector<16xf32>
    %mul3A_1802 = arith.mulf %bitcast_convert_type3A_1793, %sub3A_1801 : vector<16xf32>
    %mul3A_1803 = arith.constant 5.000000e-01 : f32
    %mul3A_1804 = vector.broadcast %mul3A_1803 : f32 to vector<16xf32>
    %mul3A_1805 = arith.mulf %mul3A_1804, %max3A_1785 : vector<16xf32>
    %mul3A_1806 = arith.mulf %mul3A_1805, %mul3A_1802 : vector<16xf32>
    %mul3A_1807 = arith.mulf %mul3A_1806, %mul3A_1802 : vector<16xf32>
    %sub3A_1808 = arith.constant 1.500000e+00 : f32
    %sub3A_1809 = vector.broadcast %sub3A_1808 : f32 to vector<16xf32>
    %sub3A_1810 = arith.subf %sub3A_1809, %mul3A_1807 : vector<16xf32>
    %mul3A_1811 = arith.mulf %mul3A_1802, %sub3A_1810 : vector<16xf32>
    %mul3A_1812 = arith.constant 5.000000e-01 : f32
    %mul3A_1813 = vector.broadcast %mul3A_1812 : f32 to vector<16xf32>
    %mul3A_1814 = arith.mulf %mul3A_1813, %max3A_1785 : vector<16xf32>
    %mul3A_1815 = arith.mulf %mul3A_1814, %mul3A_1811 : vector<16xf32>
    %mul3A_1816 = arith.mulf %mul3A_1815, %mul3A_1811 : vector<16xf32>
    %sub3A_1817 = arith.constant 1.500000e+00 : f32
    %sub3A_1818 = vector.broadcast %sub3A_1817 : f32 to vector<16xf32>
    %sub3A_1819 = arith.subf %sub3A_1818, %mul3A_1816 : vector<16xf32>
    %mul3A_1820 = arith.mulf %mul3A_1811, %sub3A_1819 : vector<16xf32>
    %mul3A_1821 = arith.constant 5.000000e-01 : f32
    %mul3A_1822 = vector.broadcast %mul3A_1821 : f32 to vector<16xf32>
    %mul3A_1823 = arith.mulf %mul3A_1822, %max3A_1785 : vector<16xf32>
    %mul3A_1824 = arith.mulf %mul3A_1823, %mul3A_1820 : vector<16xf32>
    %mul3A_1825 = arith.mulf %mul3A_1824, %mul3A_1820 : vector<16xf32>
    %sub3A_1826 = arith.constant 1.500000e+00 : f32
    %sub3A_1827 = vector.broadcast %sub3A_1826 : f32 to vector<16xf32>
    %sub3A_1828 = arith.subf %sub3A_1827, %mul3A_1825 : vector<16xf32>
    %mul3A_1829 = arith.mulf %mul3A_1820, %sub3A_1828 : vector<16xf32>
    %swap3A_1830 = arith.constant 128 : index
    %swap3A_1831 = tpu.vector_load %arg10[%swap3A_1830] {strides = array<i32>} : memref<320xf32, #tpu.memory_space<vmem>>, vector<16xf32>,
    %swap3A_1832 = vector.shape_cast %swap3A_1831 : vector<16xf32> to vector<16xf32>
    %swap3A_1833 = vector.shape_cast %mul3A_1829 : vector<16xf32> to vector<16xf32>
    tpu.vector_store %arg10[%swap3A_1830], %swap3A_1833 {strides = array<i32>} : memref<320xf32, #tpu.memory_space<vmem>>, vector<16xf32>,
    %get3A_1834 = arith.constant 144 : index
    %get3A_1835 = tpu.vector_load %arg10[%get3A_1834] {strides = array<i32>} : memref<320xf32, #tpu.memory_space<vmem>>, vector<16xf32>,
    %get3A_1836 = vector.shape_cast %get3A_1835 : vector<16xf32> to vector<16xf32>
    %max3A_1837 = arith.constant 1.000000e+00 : f32
    %max3A_1838 = vector.broadcast %max3A_1837 : f32 to vector<16xf32>
    %max3A_1839 = arith.maximumf %get3A_1836, %max3A_1838 : vector<16xf32>
    %bitcast_convert_type3A_1840 = tpu.bitcast %max3A_1839 : vector<16xf32> -> vector<16xi32>
    %broadcast_in_dim3A_1841 = arith.constant 1597463007 : i32
    %broadcast_in_dim3A_1842 = vector.broadcast %broadcast_in_dim3A_1841 : i32 to vector<16xi32>
    %broadcast_in_dim3A_1843 = arith.constant 1 : i32
    %broadcast_in_dim3A_1844 = vector.broadcast %broadcast_in_dim3A_1843 : i32 to vector<16xi32>
    %shift_right_logical3A_1845 = arith.shrui %bitcast_convert_type3A_1840, %broadcast_in_dim3A_1844 : vector<16xi32>
    %sub3A_1846 = arith.subi %broadcast_in_dim3A_1842, %shift_right_logical3A_1845 : vector<16xi32>
    %bitcast_convert_type3A_1847 = tpu.bitcast %sub3A_1846 : vector<16xi32> -> vector<16xf32>
    %mul3A_1848 = arith.constant 5.000000e-01 : f32
    %mul3A_1849 = vector.broadcast %mul3A_1848 : f32 to vector<16xf32>
    %mul3A_1850 = arith.mulf %mul3A_1849, %max3A_1839 : vector<16xf32>
    %mul3A_1851 = arith.mulf %mul3A_1850, %bitcast_convert_type3A_1847 : vector<16xf32>
    %mul3A_1852 = arith.mulf %mul3A_1851, %bitcast_convert_type3A_1847 : vector<16xf32>
    %sub3A_1853 = arith.constant 1.500000e+00 : f32
    %sub3A_1854 = vector.broadcast %sub3A_1853 : f32 to vector<16xf32>
    %sub3A_1855 = arith.subf %sub3A_1854, %mul3A_1852 : vector<16xf32>
    %mul3A_1856 = arith.mulf %bitcast_convert_type3A_1847, %sub3A_1855 : vector<16xf32>
    %mul3A_1857 = arith.constant 5.000000e-01 : f32
    %mul3A_1858 = vector.broadcast %mul3A_1857 : f32 to vector<16xf32>
    %mul3A_1859 = arith.mulf %mul3A_1858, %max3A_1839 : vector<16xf32>
    %mul3A_1860 = arith.mulf %mul3A_1859, %mul3A_1856 : vector<16xf32>
    %mul3A_1861 = arith.mulf %mul3A_1860, %mul3A_1856 : vector<16xf32>
    %sub3A_1862 = arith.constant 1.500000e+00 : f32
    %sub3A_1863 = vector.broadcast %sub3A_1862 : f32 to vector<16xf32>
    %sub3A_1864 = arith.subf %sub3A_1863, %mul3A_1861 : vector<16xf32>
    %mul3A_1865 = arith.mulf %mul3A_1856, %sub3A_1864 : vector<16xf32>
    %mul3A_1866 = arith.constant 5.000000e-01 : f32
    %mul3A_1867 = vector.broadcast %mul3A_1866 : f32 to vector<16xf32>
    %mul3A_1868 = arith.mulf %mul3A_1867, %max3A_1839 : vector<16xf32>
    %mul3A_1869 = arith.mulf %mul3A_1868, %mul3A_1865 : vector<16xf32>
    %mul3A_1870 = arith.mulf %mul3A_1869, %mul3A_1865 : vector<16xf32>
    %sub3A_1871 = arith.constant 1.500000e+00 : f32
    %sub3A_1872 = vector.broadcast %sub3A_1871 : f32 to vector<16xf32>
    %sub3A_1873 = arith.subf %sub3A_1872, %mul3A_1870 : vector<16xf32>
    %mul3A_1874 = arith.mulf %mul3A_1865, %sub3A_1873 : vector<16xf32>
    %mul3A_1875 = arith.constant 5.000000e-01 : f32
    %mul3A_1876 = vector.broadcast %mul3A_1875 : f32 to vector<16xf32>
    %mul3A_1877 = arith.mulf %mul3A_1876, %max3A_1839 : vector<16xf32>
    %mul3A_1878 = arith.mulf %mul3A_1877, %mul3A_1874 : vector<16xf32>
    %mul3A_1879 = arith.mulf %mul3A_1878, %mul3A_1874 : vector<16xf32>
    %sub3A_1880 = arith.constant 1.500000e+00 : f32
    %sub3A_1881 = vector.broadcast %sub3A_1880 : f32 to vector<16xf32>
    %sub3A_1882 = arith.subf %sub3A_1881, %mul3A_1879 : vector<16xf32>
    %mul3A_1883 = arith.mulf %mul3A_1874, %sub3A_1882 : vector<16xf32>
    %swap3A_1884 = arith.constant 144 : index
    %swap3A_1885 = tpu.vector_load %arg10[%swap3A_1884] {strides = array<i32>} : memref<320xf32, #tpu.memory_space<vmem>>, vector<16xf32>,
    %swap3A_1886 = vector.shape_cast %swap3A_1885 : vector<16xf32> to vector<16xf32>
    %swap3A_1887 = vector.shape_cast %mul3A_1883 : vector<16xf32> to vector<16xf32>
    tpu.vector_store %arg10[%swap3A_1884], %swap3A_1887 {strides = array<i32>} : memref<320xf32, #tpu.memory_space<vmem>>, vector<16xf32>,
    %get3A_1888 = arith.constant 160 : index
    %get3A_1889 = tpu.vector_load %arg10[%get3A_1888] {strides = array<i32>} : memref<320xf32, #tpu.memory_space<vmem>>, vector<16xf32>,
    %get3A_1890 = vector.shape_cast %get3A_1889 : vector<16xf32> to vector<16xf32>
    %max3A_1891 = arith.constant 1.000000e+00 : f32
    %max3A_1892 = vector.broadcast %max3A_1891 : f32 to vector<16xf32>
    %max3A_1893 = arith.maximumf %get3A_1890, %max3A_1892 : vector<16xf32>
    %bitcast_convert_type3A_1894 = tpu.bitcast %max3A_1893 : vector<16xf32> -> vector<16xi32>
    %broadcast_in_dim3A_1895 = arith.constant 1597463007 : i32
    %broadcast_in_dim3A_1896 = vector.broadcast %broadcast_in_dim3A_1895 : i32 to vector<16xi32>
    %broadcast_in_dim3A_1897 = arith.constant 1 : i32
    %broadcast_in_dim3A_1898 = vector.broadcast %broadcast_in_dim3A_1897 : i32 to vector<16xi32>
    %shift_right_logical3A_1899 = arith.shrui %bitcast_convert_type3A_1894, %broadcast_in_dim3A_1898 : vector<16xi32>
    %sub3A_1900 = arith.subi %broadcast_in_dim3A_1896, %shift_right_logical3A_1899 : vector<16xi32>
    %bitcast_convert_type3A_1901 = tpu.bitcast %sub3A_1900 : vector<16xi32> -> vector<16xf32>
    %mul3A_1902 = arith.constant 5.000000e-01 : f32
    %mul3A_1903 = vector.broadcast %mul3A_1902 : f32 to vector<16xf32>
    %mul3A_1904 = arith.mulf %mul3A_1903, %max3A_1893 : vector<16xf32>
    %mul3A_1905 = arith.mulf %mul3A_1904, %bitcast_convert_type3A_1901 : vector<16xf32>
    %mul3A_1906 = arith.mulf %mul3A_1905, %bitcast_convert_type3A_1901 : vector<16xf32>
    %sub3A_1907 = arith.constant 1.500000e+00 : f32
    %sub3A_1908 = vector.broadcast %sub3A_1907 : f32 to vector<16xf32>
    %sub3A_1909 = arith.subf %sub3A_1908, %mul3A_1906 : vector<16xf32>
    %mul3A_1910 = arith.mulf %bitcast_convert_type3A_1901, %sub3A_1909 : vector<16xf32>
    %mul3A_1911 = arith.constant 5.000000e-01 : f32
    %mul3A_1912 = vector.broadcast %mul3A_1911 : f32 to vector<16xf32>
    %mul3A_1913 = arith.mulf %mul3A_1912, %max3A_1893 : vector<16xf32>
    %mul3A_1914 = arith.mulf %mul3A_1913, %mul3A_1910 : vector<16xf32>
    %mul3A_1915 = arith.mulf %mul3A_1914, %mul3A_1910 : vector<16xf32>
    %sub3A_1916 = arith.constant 1.500000e+00 : f32
    %sub3A_1917 = vector.broadcast %sub3A_1916 : f32 to vector<16xf32>
    %sub3A_1918 = arith.subf %sub3A_1917, %mul3A_1915 : vector<16xf32>
    %mul3A_1919 = arith.mulf %mul3A_1910, %sub3A_1918 : vector<16xf32>
    %mul3A_1920 = arith.constant 5.000000e-01 : f32
    %mul3A_1921 = vector.broadcast %mul3A_1920 : f32 to vector<16xf32>
    %mul3A_1922 = arith.mulf %mul3A_1921, %max3A_1893 : vector<16xf32>
    %mul3A_1923 = arith.mulf %mul3A_1922, %mul3A_1919 : vector<16xf32>
    %mul3A_1924 = arith.mulf %mul3A_1923, %mul3A_1919 : vector<16xf32>
    %sub3A_1925 = arith.constant 1.500000e+00 : f32
    %sub3A_1926 = vector.broadcast %sub3A_1925 : f32 to vector<16xf32>
    %sub3A_1927 = arith.subf %sub3A_1926, %mul3A_1924 : vector<16xf32>
    %mul3A_1928 = arith.mulf %mul3A_1919, %sub3A_1927 : vector<16xf32>
    %mul3A_1929 = arith.constant 5.000000e-01 : f32
    %mul3A_1930 = vector.broadcast %mul3A_1929 : f32 to vector<16xf32>
    %mul3A_1931 = arith.mulf %mul3A_1930, %max3A_1893 : vector<16xf32>
    %mul3A_1932 = arith.mulf %mul3A_1931, %mul3A_1928 : vector<16xf32>
    %mul3A_1933 = arith.mulf %mul3A_1932, %mul3A_1928 : vector<16xf32>
    %sub3A_1934 = arith.constant 1.500000e+00 : f32
    %sub3A_1935 = vector.broadcast %sub3A_1934 : f32 to vector<16xf32>
    %sub3A_1936 = arith.subf %sub3A_1935, %mul3A_1933 : vector<16xf32>
    %mul3A_1937 = arith.mulf %mul3A_1928, %sub3A_1936 : vector<16xf32>
    %swap3A_1938 = arith.constant 160 : index
    %swap3A_1939 = tpu.vector_load %arg10[%swap3A_1938] {strides = array<i32>} : memref<320xf32, #tpu.memory_space<vmem>>, vector<16xf32>,
    %swap3A_1940 = vector.shape_cast %swap3A_1939 : vector<16xf32> to vector<16xf32>
    %swap3A_1941 = vector.shape_cast %mul3A_1937 : vector<16xf32> to vector<16xf32>
    tpu.vector_store %arg10[%swap3A_1938], %swap3A_1941 {strides = array<i32>} : memref<320xf32, #tpu.memory_space<vmem>>, vector<16xf32>,
    %get3A_1942 = arith.constant 176 : index
    %get3A_1943 = tpu.vector_load %arg10[%get3A_1942] {strides = array<i32>} : memref<320xf32, #tpu.memory_space<vmem>>, vector<16xf32>,
    %get3A_1944 = vector.shape_cast %get3A_1943 : vector<16xf32> to vector<16xf32>
    %max3A_1945 = arith.constant 1.000000e+00 : f32
    %max3A_1946 = vector.broadcast %max3A_1945 : f32 to vector<16xf32>
    %max3A_1947 = arith.maximumf %get3A_1944, %max3A_1946 : vector<16xf32>
    %bitcast_convert_type3A_1948 = tpu.bitcast %max3A_1947 : vector<16xf32> -> vector<16xi32>
    %broadcast_in_dim3A_1949 = arith.constant 1597463007 : i32
    %broadcast_in_dim3A_1950 = vector.broadcast %broadcast_in_dim3A_1949 : i32 to vector<16xi32>
    %broadcast_in_dim3A_1951 = arith.constant 1 : i32
    %broadcast_in_dim3A_1952 = vector.broadcast %broadcast_in_dim3A_1951 : i32 to vector<16xi32>
    %shift_right_logical3A_1953 = arith.shrui %bitcast_convert_type3A_1948, %broadcast_in_dim3A_1952 : vector<16xi32>
    %sub3A_1954 = arith.subi %broadcast_in_dim3A_1950, %shift_right_logical3A_1953 : vector<16xi32>
    %bitcast_convert_type3A_1955 = tpu.bitcast %sub3A_1954 : vector<16xi32> -> vector<16xf32>
    %mul3A_1956 = arith.constant 5.000000e-01 : f32
    %mul3A_1957 = vector.broadcast %mul3A_1956 : f32 to vector<16xf32>
    %mul3A_1958 = arith.mulf %mul3A_1957, %max3A_1947 : vector<16xf32>
    %mul3A_1959 = arith.mulf %mul3A_1958, %bitcast_convert_type3A_1955 : vector<16xf32>
    %mul3A_1960 = arith.mulf %mul3A_1959, %bitcast_convert_type3A_1955 : vector<16xf32>
    %sub3A_1961 = arith.constant 1.500000e+00 : f32
    %sub3A_1962 = vector.broadcast %sub3A_1961 : f32 to vector<16xf32>
    %sub3A_1963 = arith.subf %sub3A_1962, %mul3A_1960 : vector<16xf32>
    %mul3A_1964 = arith.mulf %bitcast_convert_type3A_1955, %sub3A_1963 : vector<16xf32>
    %mul3A_1965 = arith.constant 5.000000e-01 : f32
    %mul3A_1966 = vector.broadcast %mul3A_1965 : f32 to vector<16xf32>
    %mul3A_1967 = arith.mulf %mul3A_1966, %max3A_1947 : vector<16xf32>
    %mul3A_1968 = arith.mulf %mul3A_1967, %mul3A_1964 : vector<16xf32>
    %mul3A_1969 = arith.mulf %mul3A_1968, %mul3A_1964 : vector<16xf32>
    %sub3A_1970 = arith.constant 1.500000e+00 : f32
    %sub3A_1971 = vector.broadcast %sub3A_1970 : f32 to vector<16xf32>
    %sub3A_1972 = arith.subf %sub3A_1971, %mul3A_1969 : vector<16xf32>
    %mul3A_1973 = arith.mulf %mul3A_1964, %sub3A_1972 : vector<16xf32>
    %mul3A_1974 = arith.constant 5.000000e-01 : f32
    %mul3A_1975 = vector.broadcast %mul3A_1974 : f32 to vector<16xf32>
    %mul3A_1976 = arith.mulf %mul3A_1975, %max3A_1947 : vector<16xf32>
    %mul3A_1977 = arith.mulf %mul3A_1976, %mul3A_1973 : vector<16xf32>
    %mul3A_1978 = arith.mulf %mul3A_1977, %mul3A_1973 : vector<16xf32>
    %sub3A_1979 = arith.constant 1.500000e+00 : f32
    %sub3A_1980 = vector.broadcast %sub3A_1979 : f32 to vector<16xf32>
    %sub3A_1981 = arith.subf %sub3A_1980, %mul3A_1978 : vector<16xf32>
    %mul3A_1982 = arith.mulf %mul3A_1973, %sub3A_1981 : vector<16xf32>
    %mul3A_1983 = arith.constant 5.000000e-01 : f32
    %mul3A_1984 = vector.broadcast %mul3A_1983 : f32 to vector<16xf32>
    %mul3A_1985 = arith.mulf %mul3A_1984, %max3A_1947 : vector<16xf32>
    %mul3A_1986 = arith.mulf %mul3A_1985, %mul3A_1982 : vector<16xf32>
    %mul3A_1987 = arith.mulf %mul3A_1986, %mul3A_1982 : vector<16xf32>
    %sub3A_1988 = arith.constant 1.500000e+00 : f32
    %sub3A_1989 = vector.broadcast %sub3A_1988 : f32 to vector<16xf32>
    %sub3A_1990 = arith.subf %sub3A_1989, %mul3A_1987 : vector<16xf32>
    %mul3A_1991 = arith.mulf %mul3A_1982, %sub3A_1990 : vector<16xf32>
    %swap3A_1992 = arith.constant 176 : index
    %swap3A_1993 = tpu.vector_load %arg10[%swap3A_1992] {strides = array<i32>} : memref<320xf32, #tpu.memory_space<vmem>>, vector<16xf32>,
    %swap3A_1994 = vector.shape_cast %swap3A_1993 : vector<16xf32> to vector<16xf32>
    %swap3A_1995 = vector.shape_cast %mul3A_1991 : vector<16xf32> to vector<16xf32>
    tpu.vector_store %arg10[%swap3A_1992], %swap3A_1995 {strides = array<i32>} : memref<320xf32, #tpu.memory_space<vmem>>, vector<16xf32>,
    %get3A_1996 = arith.constant 192 : index
    %get3A_1997 = tpu.vector_load %arg10[%get3A_1996] {strides = array<i32>} : memref<320xf32, #tpu.memory_space<vmem>>, vector<16xf32>,
    %get3A_1998 = vector.shape_cast %get3A_1997 : vector<16xf32> to vector<16xf32>
    %max3A_1999 = arith.constant 1.000000e+00 : f32
    %max3A_2000 = vector.broadcast %max3A_1999 : f32 to vector<16xf32>
    %max3A_2001 = arith.maximumf %get3A_1998, %max3A_2000 : vector<16xf32>
    %bitcast_convert_type3A_2002 = tpu.bitcast %max3A_2001 : vector<16xf32> -> vector<16xi32>
    %broadcast_in_dim3A_2003 = arith.constant 1597463007 : i32
    %broadcast_in_dim3A_2004 = vector.broadcast %broadcast_in_dim3A_2003 : i32 to vector<16xi32>
    %broadcast_in_dim3A_2005 = arith.constant 1 : i32
    %broadcast_in_dim3A_2006 = vector.broadcast %broadcast_in_dim3A_2005 : i32 to vector<16xi32>
    %shift_right_logical3A_2007 = arith.shrui %bitcast_convert_type3A_2002, %broadcast_in_dim3A_2006 : vector<16xi32>
    %sub3A_2008 = arith.subi %broadcast_in_dim3A_2004, %shift_right_logical3A_2007 : vector<16xi32>
    %bitcast_convert_type3A_2009 = tpu.bitcast %sub3A_2008 : vector<16xi32> -> vector<16xf32>
    %mul3A_2010 = arith.constant 5.000000e-01 : f32
    %mul3A_2011 = vector.broadcast %mul3A_2010 : f32 to vector<16xf32>
    %mul3A_2012 = arith.mulf %mul3A_2011, %max3A_2001 : vector<16xf32>
    %mul3A_2013 = arith.mulf %mul3A_2012, %bitcast_convert_type3A_2009 : vector<16xf32>
    %mul3A_2014 = arith.mulf %mul3A_2013, %bitcast_convert_type3A_2009 : vector<16xf32>
    %sub3A_2015 = arith.constant 1.500000e+00 : f32
    %sub3A_2016 = vector.broadcast %sub3A_2015 : f32 to vector<16xf32>
    %sub3A_2017 = arith.subf %sub3A_2016, %mul3A_2014 : vector<16xf32>
    %mul3A_2018 = arith.mulf %bitcast_convert_type3A_2009, %sub3A_2017 : vector<16xf32>
    %mul3A_2019 = arith.constant 5.000000e-01 : f32
    %mul3A_2020 = vector.broadcast %mul3A_2019 : f32 to vector<16xf32>
    %mul3A_2021 = arith.mulf %mul3A_2020, %max3A_2001 : vector<16xf32>
    %mul3A_2022 = arith.mulf %mul3A_2021, %mul3A_2018 : vector<16xf32>
    %mul3A_2023 = arith.mulf %mul3A_2022, %mul3A_2018 : vector<16xf32>
    %sub3A_2024 = arith.constant 1.500000e+00 : f32
    %sub3A_2025 = vector.broadcast %sub3A_2024 : f32 to vector<16xf32>
    %sub3A_2026 = arith.subf %sub3A_2025, %mul3A_2023 : vector<16xf32>
    %mul3A_2027 = arith.mulf %mul3A_2018, %sub3A_2026 : vector<16xf32>
    %mul3A_2028 = arith.constant 5.000000e-01 : f32
    %mul3A_2029 = vector.broadcast %mul3A_2028 : f32 to vector<16xf32>
    %mul3A_2030 = arith.mulf %mul3A_2029, %max3A_2001 : vector<16xf32>
    %mul3A_2031 = arith.mulf %mul3A_2030, %mul3A_2027 : vector<16xf32>
    %mul3A_2032 = arith.mulf %mul3A_2031, %mul3A_2027 : vector<16xf32>
    %sub3A_2033 = arith.constant 1.500000e+00 : f32
    %sub3A_2034 = vector.broadcast %sub3A_2033 : f32 to vector<16xf32>
    %sub3A_2035 = arith.subf %sub3A_2034, %mul3A_2032 : vector<16xf32>
    %mul3A_2036 = arith.mulf %mul3A_2027, %sub3A_2035 : vector<16xf32>
    %mul3A_2037 = arith.constant 5.000000e-01 : f32
    %mul3A_2038 = vector.broadcast %mul3A_2037 : f32 to vector<16xf32>
    %mul3A_2039 = arith.mulf %mul3A_2038, %max3A_2001 : vector<16xf32>
    %mul3A_2040 = arith.mulf %mul3A_2039, %mul3A_2036 : vector<16xf32>
    %mul3A_2041 = arith.mulf %mul3A_2040, %mul3A_2036 : vector<16xf32>
    %sub3A_2042 = arith.constant 1.500000e+00 : f32
    %sub3A_2043 = vector.broadcast %sub3A_2042 : f32 to vector<16xf32>
    %sub3A_2044 = arith.subf %sub3A_2043, %mul3A_2041 : vector<16xf32>
    %mul3A_2045 = arith.mulf %mul3A_2036, %sub3A_2044 : vector<16xf32>
    %swap3A_2046 = arith.constant 192 : index
    %swap3A_2047 = tpu.vector_load %arg10[%swap3A_2046] {strides = array<i32>} : memref<320xf32, #tpu.memory_space<vmem>>, vector<16xf32>,
    %swap3A_2048 = vector.shape_cast %swap3A_2047 : vector<16xf32> to vector<16xf32>
    %swap3A_2049 = vector.shape_cast %mul3A_2045 : vector<16xf32> to vector<16xf32>
    tpu.vector_store %arg10[%swap3A_2046], %swap3A_2049 {strides = array<i32>} : memref<320xf32, #tpu.memory_space<vmem>>, vector<16xf32>,
    %get3A_2050 = arith.constant 208 : index
    %get3A_2051 = tpu.vector_load %arg10[%get3A_2050] {strides = array<i32>} : memref<320xf32, #tpu.memory_space<vmem>>, vector<16xf32>,
    %get3A_2052 = vector.shape_cast %get3A_2051 : vector<16xf32> to vector<16xf32>
    %max3A_2053 = arith.constant 1.000000e+00 : f32
    %max3A_2054 = vector.broadcast %max3A_2053 : f32 to vector<16xf32>
    %max3A_2055 = arith.maximumf %get3A_2052, %max3A_2054 : vector<16xf32>
    %bitcast_convert_type3A_2056 = tpu.bitcast %max3A_2055 : vector<16xf32> -> vector<16xi32>
    %broadcast_in_dim3A_2057 = arith.constant 1597463007 : i32
    %broadcast_in_dim3A_2058 = vector.broadcast %broadcast_in_dim3A_2057 : i32 to vector<16xi32>
    %broadcast_in_dim3A_2059 = arith.constant 1 : i32
    %broadcast_in_dim3A_2060 = vector.broadcast %broadcast_in_dim3A_2059 : i32 to vector<16xi32>
    %shift_right_logical3A_2061 = arith.shrui %bitcast_convert_type3A_2056, %broadcast_in_dim3A_2060 : vector<16xi32>
    %sub3A_2062 = arith.subi %broadcast_in_dim3A_2058, %shift_right_logical3A_2061 : vector<16xi32>
    %bitcast_convert_type3A_2063 = tpu.bitcast %sub3A_2062 : vector<16xi32> -> vector<16xf32>
    %mul3A_2064 = arith.constant 5.000000e-01 : f32
    %mul3A_2065 = vector.broadcast %mul3A_2064 : f32 to vector<16xf32>
    %mul3A_2066 = arith.mulf %mul3A_2065, %max3A_2055 : vector<16xf32>
    %mul3A_2067 = arith.mulf %mul3A_2066, %bitcast_convert_type3A_2063 : vector<16xf32>
    %mul3A_2068 = arith.mulf %mul3A_2067, %bitcast_convert_type3A_2063 : vector<16xf32>
    %sub3A_2069 = arith.constant 1.500000e+00 : f32
    %sub3A_2070 = vector.broadcast %sub3A_2069 : f32 to vector<16xf32>
    %sub3A_2071 = arith.subf %sub3A_2070, %mul3A_2068 : vector<16xf32>
    %mul3A_2072 = arith.mulf %bitcast_convert_type3A_2063, %sub3A_2071 : vector<16xf32>
    %mul3A_2073 = arith.constant 5.000000e-01 : f32
    %mul3A_2074 = vector.broadcast %mul3A_2073 : f32 to vector<16xf32>
    %mul3A_2075 = arith.mulf %mul3A_2074, %max3A_2055 : vector<16xf32>
    %mul3A_2076 = arith.mulf %mul3A_2075, %mul3A_2072 : vector<16xf32>
    %mul3A_2077 = arith.mulf %mul3A_2076, %mul3A_2072 : vector<16xf32>
    %sub3A_2078 = arith.constant 1.500000e+00 : f32
    %sub3A_2079 = vector.broadcast %sub3A_2078 : f32 to vector<16xf32>
    %sub3A_2080 = arith.subf %sub3A_2079, %mul3A_2077 : vector<16xf32>
    %mul3A_2081 = arith.mulf %mul3A_2072, %sub3A_2080 : vector<16xf32>
    %mul3A_2082 = arith.constant 5.000000e-01 : f32
    %mul3A_2083 = vector.broadcast %mul3A_2082 : f32 to vector<16xf32>
    %mul3A_2084 = arith.mulf %mul3A_2083, %max3A_2055 : vector<16xf32>
    %mul3A_2085 = arith.mulf %mul3A_2084, %mul3A_2081 : vector<16xf32>
    %mul3A_2086 = arith.mulf %mul3A_2085, %mul3A_2081 : vector<16xf32>
    %sub3A_2087 = arith.constant 1.500000e+00 : f32
    %sub3A_2088 = vector.broadcast %sub3A_2087 : f32 to vector<16xf32>
    %sub3A_2089 = arith.subf %sub3A_2088, %mul3A_2086 : vector<16xf32>
    %mul3A_2090 = arith.mulf %mul3A_2081, %sub3A_2089 : vector<16xf32>
    %mul3A_2091 = arith.constant 5.000000e-01 : f32
    %mul3A_2092 = vector.broadcast %mul3A_2091 : f32 to vector<16xf32>
    %mul3A_2093 = arith.mulf %mul3A_2092, %max3A_2055 : vector<16xf32>
    %mul3A_2094 = arith.mulf %mul3A_2093, %mul3A_2090 : vector<16xf32>
    %mul3A_2095 = arith.mulf %mul3A_2094, %mul3A_2090 : vector<16xf32>
    %sub3A_2096 = arith.constant 1.500000e+00 : f32
    %sub3A_2097 = vector.broadcast %sub3A_2096 : f32 to vector<16xf32>
    %sub3A_2098 = arith.subf %sub3A_2097, %mul3A_2095 : vector<16xf32>
    %mul3A_2099 = arith.mulf %mul3A_2090, %sub3A_2098 : vector<16xf32>
    %swap3A_2100 = arith.constant 208 : index
    %swap3A_2101 = tpu.vector_load %arg10[%swap3A_2100] {strides = array<i32>} : memref<320xf32, #tpu.memory_space<vmem>>, vector<16xf32>,
    %swap3A_2102 = vector.shape_cast %swap3A_2101 : vector<16xf32> to vector<16xf32>
    %swap3A_2103 = vector.shape_cast %mul3A_2099 : vector<16xf32> to vector<16xf32>
    tpu.vector_store %arg10[%swap3A_2100], %swap3A_2103 {strides = array<i32>} : memref<320xf32, #tpu.memory_space<vmem>>, vector<16xf32>,
    %get3A_2104 = arith.constant 224 : index
    %get3A_2105 = tpu.vector_load %arg10[%get3A_2104] {strides = array<i32>} : memref<320xf32, #tpu.memory_space<vmem>>, vector<16xf32>,
    %get3A_2106 = vector.shape_cast %get3A_2105 : vector<16xf32> to vector<16xf32>
    %max3A_2107 = arith.constant 1.000000e+00 : f32
    %max3A_2108 = vector.broadcast %max3A_2107 : f32 to vector<16xf32>
    %max3A_2109 = arith.maximumf %get3A_2106, %max3A_2108 : vector<16xf32>
    %bitcast_convert_type3A_2110 = tpu.bitcast %max3A_2109 : vector<16xf32> -> vector<16xi32>
    %broadcast_in_dim3A_2111 = arith.constant 1597463007 : i32
    %broadcast_in_dim3A_2112 = vector.broadcast %broadcast_in_dim3A_2111 : i32 to vector<16xi32>
    %broadcast_in_dim3A_2113 = arith.constant 1 : i32
    %broadcast_in_dim3A_2114 = vector.broadcast %broadcast_in_dim3A_2113 : i32 to vector<16xi32>
    %shift_right_logical3A_2115 = arith.shrui %bitcast_convert_type3A_2110, %broadcast_in_dim3A_2114 : vector<16xi32>
    %sub3A_2116 = arith.subi %broadcast_in_dim3A_2112, %shift_right_logical3A_2115 : vector<16xi32>
    %bitcast_convert_type3A_2117 = tpu.bitcast %sub3A_2116 : vector<16xi32> -> vector<16xf32>
    %mul3A_2118 = arith.constant 5.000000e-01 : f32
    %mul3A_2119 = vector.broadcast %mul3A_2118 : f32 to vector<16xf32>
    %mul3A_2120 = arith.mulf %mul3A_2119, %max3A_2109 : vector<16xf32>
    %mul3A_2121 = arith.mulf %mul3A_2120, %bitcast_convert_type3A_2117 : vector<16xf32>
    %mul3A_2122 = arith.mulf %mul3A_2121, %bitcast_convert_type3A_2117 : vector<16xf32>
    %sub3A_2123 = arith.constant 1.500000e+00 : f32
    %sub3A_2124 = vector.broadcast %sub3A_2123 : f32 to vector<16xf32>
    %sub3A_2125 = arith.subf %sub3A_2124, %mul3A_2122 : vector<16xf32>
    %mul3A_2126 = arith.mulf %bitcast_convert_type3A_2117, %sub3A_2125 : vector<16xf32>
    %mul3A_2127 = arith.constant 5.000000e-01 : f32
    %mul3A_2128 = vector.broadcast %mul3A_2127 : f32 to vector<16xf32>
    %mul3A_2129 = arith.mulf %mul3A_2128, %max3A_2109 : vector<16xf32>
    %mul3A_2130 = arith.mulf %mul3A_2129, %mul3A_2126 : vector<16xf32>
    %mul3A_2131 = arith.mulf %mul3A_2130, %mul3A_2126 : vector<16xf32>
    %sub3A_2132 = arith.constant 1.500000e+00 : f32
    %sub3A_2133 = vector.broadcast %sub3A_2132 : f32 to vector<16xf32>
    %sub3A_2134 = arith.subf %sub3A_2133, %mul3A_2131 : vector<16xf32>
    %mul3A_2135 = arith.mulf %mul3A_2126, %sub3A_2134 : vector<16xf32>
    %mul3A_2136 = arith.constant 5.000000e-01 : f32
    %mul3A_2137 = vector.broadcast %mul3A_2136 : f32 to vector<16xf32>
    %mul3A_2138 = arith.mulf %mul3A_2137, %max3A_2109 : vector<16xf32>
    %mul3A_2139 = arith.mulf %mul3A_2138, %mul3A_2135 : vector<16xf32>
    %mul3A_2140 = arith.mulf %mul3A_2139, %mul3A_2135 : vector<16xf32>
    %sub3A_2141 = arith.constant 1.500000e+00 : f32
    %sub3A_2142 = vector.broadcast %sub3A_2141 : f32 to vector<16xf32>
    %sub3A_2143 = arith.subf %sub3A_2142, %mul3A_2140 : vector<16xf32>
    %mul3A_2144 = arith.mulf %mul3A_2135, %sub3A_2143 : vector<16xf32>
    %mul3A_2145 = arith.constant 5.000000e-01 : f32
    %mul3A_2146 = vector.broadcast %mul3A_2145 : f32 to vector<16xf32>
    %mul3A_2147 = arith.mulf %mul3A_2146, %max3A_2109 : vector<16xf32>
    %mul3A_2148 = arith.mulf %mul3A_2147, %mul3A_2144 : vector<16xf32>
    %mul3A_2149 = arith.mulf %mul3A_2148, %mul3A_2144 : vector<16xf32>
    %sub3A_2150 = arith.constant 1.500000e+00 : f32
    %sub3A_2151 = vector.broadcast %sub3A_2150 : f32 to vector<16xf32>
    %sub3A_2152 = arith.subf %sub3A_2151, %mul3A_2149 : vector<16xf32>
    %mul3A_2153 = arith.mulf %mul3A_2144, %sub3A_2152 : vector<16xf32>
    %swap3A_2154 = arith.constant 224 : index
    %swap3A_2155 = tpu.vector_load %arg10[%swap3A_2154] {strides = array<i32>} : memref<320xf32, #tpu.memory_space<vmem>>, vector<16xf32>,
    %swap3A_2156 = vector.shape_cast %swap3A_2155 : vector<16xf32> to vector<16xf32>
    %swap3A_2157 = vector.shape_cast %mul3A_2153 : vector<16xf32> to vector<16xf32>
    tpu.vector_store %arg10[%swap3A_2154], %swap3A_2157 {strides = array<i32>} : memref<320xf32, #tpu.memory_space<vmem>>, vector<16xf32>,
    %get3A_2158 = arith.constant 240 : index
    %get3A_2159 = tpu.vector_load %arg10[%get3A_2158] {strides = array<i32>} : memref<320xf32, #tpu.memory_space<vmem>>, vector<16xf32>,
    %get3A_2160 = vector.shape_cast %get3A_2159 : vector<16xf32> to vector<16xf32>
    %max3A_2161 = arith.constant 1.000000e+00 : f32
    %max3A_2162 = vector.broadcast %max3A_2161 : f32 to vector<16xf32>
    %max3A_2163 = arith.maximumf %get3A_2160, %max3A_2162 : vector<16xf32>
    %bitcast_convert_type3A_2164 = tpu.bitcast %max3A_2163 : vector<16xf32> -> vector<16xi32>
    %broadcast_in_dim3A_2165 = arith.constant 1597463007 : i32
    %broadcast_in_dim3A_2166 = vector.broadcast %broadcast_in_dim3A_2165 : i32 to vector<16xi32>
    %broadcast_in_dim3A_2167 = arith.constant 1 : i32
    %broadcast_in_dim3A_2168 = vector.broadcast %broadcast_in_dim3A_2167 : i32 to vector<16xi32>
    %shift_right_logical3A_2169 = arith.shrui %bitcast_convert_type3A_2164, %broadcast_in_dim3A_2168 : vector<16xi32>
    %sub3A_2170 = arith.subi %broadcast_in_dim3A_2166, %shift_right_logical3A_2169 : vector<16xi32>
    %bitcast_convert_type3A_2171 = tpu.bitcast %sub3A_2170 : vector<16xi32> -> vector<16xf32>
    %mul3A_2172 = arith.constant 5.000000e-01 : f32
    %mul3A_2173 = vector.broadcast %mul3A_2172 : f32 to vector<16xf32>
    %mul3A_2174 = arith.mulf %mul3A_2173, %max3A_2163 : vector<16xf32>
    %mul3A_2175 = arith.mulf %mul3A_2174, %bitcast_convert_type3A_2171 : vector<16xf32>
    %mul3A_2176 = arith.mulf %mul3A_2175, %bitcast_convert_type3A_2171 : vector<16xf32>
    %sub3A_2177 = arith.constant 1.500000e+00 : f32
    %sub3A_2178 = vector.broadcast %sub3A_2177 : f32 to vector<16xf32>
    %sub3A_2179 = arith.subf %sub3A_2178, %mul3A_2176 : vector<16xf32>
    %mul3A_2180 = arith.mulf %bitcast_convert_type3A_2171, %sub3A_2179 : vector<16xf32>
    %mul3A_2181 = arith.constant 5.000000e-01 : f32
    %mul3A_2182 = vector.broadcast %mul3A_2181 : f32 to vector<16xf32>
    %mul3A_2183 = arith.mulf %mul3A_2182, %max3A_2163 : vector<16xf32>
    %mul3A_2184 = arith.mulf %mul3A_2183, %mul3A_2180 : vector<16xf32>
    %mul3A_2185 = arith.mulf %mul3A_2184, %mul3A_2180 : vector<16xf32>
    %sub3A_2186 = arith.constant 1.500000e+00 : f32
    %sub3A_2187 = vector.broadcast %sub3A_2186 : f32 to vector<16xf32>
    %sub3A_2188 = arith.subf %sub3A_2187, %mul3A_2185 : vector<16xf32>
    %mul3A_2189 = arith.mulf %mul3A_2180, %sub3A_2188 : vector<16xf32>
    %mul3A_2190 = arith.constant 5.000000e-01 : f32
    %mul3A_2191 = vector.broadcast %mul3A_2190 : f32 to vector<16xf32>
    %mul3A_2192 = arith.mulf %mul3A_2191, %max3A_2163 : vector<16xf32>
    %mul3A_2193 = arith.mulf %mul3A_2192, %mul3A_2189 : vector<16xf32>
    %mul3A_2194 = arith.mulf %mul3A_2193, %mul3A_2189 : vector<16xf32>
    %sub3A_2195 = arith.constant 1.500000e+00 : f32
    %sub3A_2196 = vector.broadcast %sub3A_2195 : f32 to vector<16xf32>
    %sub3A_2197 = arith.subf %sub3A_2196, %mul3A_2194 : vector<16xf32>
    %mul3A_2198 = arith.mulf %mul3A_2189, %sub3A_2197 : vector<16xf32>
    %mul3A_2199 = arith.constant 5.000000e-01 : f32
    %mul3A_2200 = vector.broadcast %mul3A_2199 : f32 to vector<16xf32>
    %mul3A_2201 = arith.mulf %mul3A_2200, %max3A_2163 : vector<16xf32>
    %mul3A_2202 = arith.mulf %mul3A_2201, %mul3A_2198 : vector<16xf32>
    %mul3A_2203 = arith.mulf %mul3A_2202, %mul3A_2198 : vector<16xf32>
    %sub3A_2204 = arith.constant 1.500000e+00 : f32
    %sub3A_2205 = vector.broadcast %sub3A_2204 : f32 to vector<16xf32>
    %sub3A_2206 = arith.subf %sub3A_2205, %mul3A_2203 : vector<16xf32>
    %mul3A_2207 = arith.mulf %mul3A_2198, %sub3A_2206 : vector<16xf32>
    %swap3A_2208 = arith.constant 240 : index
    %swap3A_2209 = tpu.vector_load %arg10[%swap3A_2208] {strides = array<i32>} : memref<320xf32, #tpu.memory_space<vmem>>, vector<16xf32>,
    %swap3A_2210 = vector.shape_cast %swap3A_2209 : vector<16xf32> to vector<16xf32>
    %swap3A_2211 = vector.shape_cast %mul3A_2207 : vector<16xf32> to vector<16xf32>
    tpu.vector_store %arg10[%swap3A_2208], %swap3A_2211 {strides = array<i32>} : memref<320xf32, #tpu.memory_space<vmem>>, vector<16xf32>,
    %get3A_2212 = arith.constant 256 : index
    %get3A_2213 = tpu.vector_load %arg10[%get3A_2212] {strides = array<i32>} : memref<320xf32, #tpu.memory_space<vmem>>, vector<16xf32>,
    %get3A_2214 = vector.shape_cast %get3A_2213 : vector<16xf32> to vector<16xf32>
    %max3A_2215 = arith.constant 1.000000e+00 : f32
    %max3A_2216 = vector.broadcast %max3A_2215 : f32 to vector<16xf32>
    %max3A_2217 = arith.maximumf %get3A_2214, %max3A_2216 : vector<16xf32>
    %bitcast_convert_type3A_2218 = tpu.bitcast %max3A_2217 : vector<16xf32> -> vector<16xi32>
    %broadcast_in_dim3A_2219 = arith.constant 1597463007 : i32
    %broadcast_in_dim3A_2220 = vector.broadcast %broadcast_in_dim3A_2219 : i32 to vector<16xi32>
    %broadcast_in_dim3A_2221 = arith.constant 1 : i32
    %broadcast_in_dim3A_2222 = vector.broadcast %broadcast_in_dim3A_2221 : i32 to vector<16xi32>
    %shift_right_logical3A_2223 = arith.shrui %bitcast_convert_type3A_2218, %broadcast_in_dim3A_2222 : vector<16xi32>
    %sub3A_2224 = arith.subi %broadcast_in_dim3A_2220, %shift_right_logical3A_2223 : vector<16xi32>
    %bitcast_convert_type3A_2225 = tpu.bitcast %sub3A_2224 : vector<16xi32> -> vector<16xf32>
    %mul3A_2226 = arith.constant 5.000000e-01 : f32
    %mul3A_2227 = vector.broadcast %mul3A_2226 : f32 to vector<16xf32>
    %mul3A_2228 = arith.mulf %mul3A_2227, %max3A_2217 : vector<16xf32>
    %mul3A_2229 = arith.mulf %mul3A_2228, %bitcast_convert_type3A_2225 : vector<16xf32>
    %mul3A_2230 = arith.mulf %mul3A_2229, %bitcast_convert_type3A_2225 : vector<16xf32>
    %sub3A_2231 = arith.constant 1.500000e+00 : f32
    %sub3A_2232 = vector.broadcast %sub3A_2231 : f32 to vector<16xf32>
    %sub3A_2233 = arith.subf %sub3A_2232, %mul3A_2230 : vector<16xf32>
    %mul3A_2234 = arith.mulf %bitcast_convert_type3A_2225, %sub3A_2233 : vector<16xf32>
    %mul3A_2235 = arith.constant 5.000000e-01 : f32
    %mul3A_2236 = vector.broadcast %mul3A_2235 : f32 to vector<16xf32>
    %mul3A_2237 = arith.mulf %mul3A_2236, %max3A_2217 : vector<16xf32>
    %mul3A_2238 = arith.mulf %mul3A_2237, %mul3A_2234 : vector<16xf32>
    %mul3A_2239 = arith.mulf %mul3A_2238, %mul3A_2234 : vector<16xf32>
    %sub3A_2240 = arith.constant 1.500000e+00 : f32
    %sub3A_2241 = vector.broadcast %sub3A_2240 : f32 to vector<16xf32>
    %sub3A_2242 = arith.subf %sub3A_2241, %mul3A_2239 : vector<16xf32>
    %mul3A_2243 = arith.mulf %mul3A_2234, %sub3A_2242 : vector<16xf32>
    %mul3A_2244 = arith.constant 5.000000e-01 : f32
    %mul3A_2245 = vector.broadcast %mul3A_2244 : f32 to vector<16xf32>
    %mul3A_2246 = arith.mulf %mul3A_2245, %max3A_2217 : vector<16xf32>
    %mul3A_2247 = arith.mulf %mul3A_2246, %mul3A_2243 : vector<16xf32>
    %mul3A_2248 = arith.mulf %mul3A_2247, %mul3A_2243 : vector<16xf32>
    %sub3A_2249 = arith.constant 1.500000e+00 : f32
    %sub3A_2250 = vector.broadcast %sub3A_2249 : f32 to vector<16xf32>
    %sub3A_2251 = arith.subf %sub3A_2250, %mul3A_2248 : vector<16xf32>
    %mul3A_2252 = arith.mulf %mul3A_2243, %sub3A_2251 : vector<16xf32>
    %mul3A_2253 = arith.constant 5.000000e-01 : f32
    %mul3A_2254 = vector.broadcast %mul3A_2253 : f32 to vector<16xf32>
    %mul3A_2255 = arith.mulf %mul3A_2254, %max3A_2217 : vector<16xf32>
    %mul3A_2256 = arith.mulf %mul3A_2255, %mul3A_2252 : vector<16xf32>
    %mul3A_2257 = arith.mulf %mul3A_2256, %mul3A_2252 : vector<16xf32>
    %sub3A_2258 = arith.constant 1.500000e+00 : f32
    %sub3A_2259 = vector.broadcast %sub3A_2258 : f32 to vector<16xf32>
    %sub3A_2260 = arith.subf %sub3A_2259, %mul3A_2257 : vector<16xf32>
    %mul3A_2261 = arith.mulf %mul3A_2252, %sub3A_2260 : vector<16xf32>
    %swap3A_2262 = arith.constant 256 : index
    %swap3A_2263 = tpu.vector_load %arg10[%swap3A_2262] {strides = array<i32>} : memref<320xf32, #tpu.memory_space<vmem>>, vector<16xf32>,
    %swap3A_2264 = vector.shape_cast %swap3A_2263 : vector<16xf32> to vector<16xf32>
    %swap3A_2265 = vector.shape_cast %mul3A_2261 : vector<16xf32> to vector<16xf32>
    tpu.vector_store %arg10[%swap3A_2262], %swap3A_2265 {strides = array<i32>} : memref<320xf32, #tpu.memory_space<vmem>>, vector<16xf32>,
    %get3A_2266 = arith.constant 272 : index
    %get3A_2267 = tpu.vector_load %arg10[%get3A_2266] {strides = array<i32>} : memref<320xf32, #tpu.memory_space<vmem>>, vector<16xf32>,
    %get3A_2268 = vector.shape_cast %get3A_2267 : vector<16xf32> to vector<16xf32>
    %max3A_2269 = arith.constant 1.000000e+00 : f32
    %max3A_2270 = vector.broadcast %max3A_2269 : f32 to vector<16xf32>
    %max3A_2271 = arith.maximumf %get3A_2268, %max3A_2270 : vector<16xf32>
    %bitcast_convert_type3A_2272 = tpu.bitcast %max3A_2271 : vector<16xf32> -> vector<16xi32>
    %broadcast_in_dim3A_2273 = arith.constant 1597463007 : i32
    %broadcast_in_dim3A_2274 = vector.broadcast %broadcast_in_dim3A_2273 : i32 to vector<16xi32>
    %broadcast_in_dim3A_2275 = arith.constant 1 : i32
    %broadcast_in_dim3A_2276 = vector.broadcast %broadcast_in_dim3A_2275 : i32 to vector<16xi32>
    %shift_right_logical3A_2277 = arith.shrui %bitcast_convert_type3A_2272, %broadcast_in_dim3A_2276 : vector<16xi32>
    %sub3A_2278 = arith.subi %broadcast_in_dim3A_2274, %shift_right_logical3A_2277 : vector<16xi32>
    %bitcast_convert_type3A_2279 = tpu.bitcast %sub3A_2278 : vector<16xi32> -> vector<16xf32>
    %mul3A_2280 = arith.constant 5.000000e-01 : f32
    %mul3A_2281 = vector.broadcast %mul3A_2280 : f32 to vector<16xf32>
    %mul3A_2282 = arith.mulf %mul3A_2281, %max3A_2271 : vector<16xf32>
    %mul3A_2283 = arith.mulf %mul3A_2282, %bitcast_convert_type3A_2279 : vector<16xf32>
    %mul3A_2284 = arith.mulf %mul3A_2283, %bitcast_convert_type3A_2279 : vector<16xf32>
    %sub3A_2285 = arith.constant 1.500000e+00 : f32
    %sub3A_2286 = vector.broadcast %sub3A_2285 : f32 to vector<16xf32>
    %sub3A_2287 = arith.subf %sub3A_2286, %mul3A_2284 : vector<16xf32>
    %mul3A_2288 = arith.mulf %bitcast_convert_type3A_2279, %sub3A_2287 : vector<16xf32>
    %mul3A_2289 = arith.constant 5.000000e-01 : f32
    %mul3A_2290 = vector.broadcast %mul3A_2289 : f32 to vector<16xf32>
    %mul3A_2291 = arith.mulf %mul3A_2290, %max3A_2271 : vector<16xf32>
    %mul3A_2292 = arith.mulf %mul3A_2291, %mul3A_2288 : vector<16xf32>
    %mul3A_2293 = arith.mulf %mul3A_2292, %mul3A_2288 : vector<16xf32>
    %sub3A_2294 = arith.constant 1.500000e+00 : f32
    %sub3A_2295 = vector.broadcast %sub3A_2294 : f32 to vector<16xf32>
    %sub3A_2296 = arith.subf %sub3A_2295, %mul3A_2293 : vector<16xf32>
    %mul3A_2297 = arith.mulf %mul3A_2288, %sub3A_2296 : vector<16xf32>
    %mul3A_2298 = arith.constant 5.000000e-01 : f32
    %mul3A_2299 = vector.broadcast %mul3A_2298 : f32 to vector<16xf32>
    %mul3A_2300 = arith.mulf %mul3A_2299, %max3A_2271 : vector<16xf32>
    %mul3A_2301 = arith.mulf %mul3A_2300, %mul3A_2297 : vector<16xf32>
    %mul3A_2302 = arith.mulf %mul3A_2301, %mul3A_2297 : vector<16xf32>
    %sub3A_2303 = arith.constant 1.500000e+00 : f32
    %sub3A_2304 = vector.broadcast %sub3A_2303 : f32 to vector<16xf32>
    %sub3A_2305 = arith.subf %sub3A_2304, %mul3A_2302 : vector<16xf32>
    %mul3A_2306 = arith.mulf %mul3A_2297, %sub3A_2305 : vector<16xf32>
    %mul3A_2307 = arith.constant 5.000000e-01 : f32
    %mul3A_2308 = vector.broadcast %mul3A_2307 : f32 to vector<16xf32>
    %mul3A_2309 = arith.mulf %mul3A_2308, %max3A_2271 : vector<16xf32>
    %mul3A_2310 = arith.mulf %mul3A_2309, %mul3A_2306 : vector<16xf32>
    %mul3A_2311 = arith.mulf %mul3A_2310, %mul3A_2306 : vector<16xf32>
    %sub3A_2312 = arith.constant 1.500000e+00 : f32
    %sub3A_2313 = vector.broadcast %sub3A_2312 : f32 to vector<16xf32>
    %sub3A_2314 = arith.subf %sub3A_2313, %mul3A_2311 : vector<16xf32>
    %mul3A_2315 = arith.mulf %mul3A_2306, %sub3A_2314 : vector<16xf32>
    %swap3A_2316 = arith.constant 272 : index
    %swap3A_2317 = tpu.vector_load %arg10[%swap3A_2316] {strides = array<i32>} : memref<320xf32, #tpu.memory_space<vmem>>, vector<16xf32>,
    %swap3A_2318 = vector.shape_cast %swap3A_2317 : vector<16xf32> to vector<16xf32>
    %swap3A_2319 = vector.shape_cast %mul3A_2315 : vector<16xf32> to vector<16xf32>
    tpu.vector_store %arg10[%swap3A_2316], %swap3A_2319 {strides = array<i32>} : memref<320xf32, #tpu.memory_space<vmem>>, vector<16xf32>,
    %get3A_2320 = arith.constant 288 : index
    %get3A_2321 = tpu.vector_load %arg10[%get3A_2320] {strides = array<i32>} : memref<320xf32, #tpu.memory_space<vmem>>, vector<16xf32>,
    %get3A_2322 = vector.shape_cast %get3A_2321 : vector<16xf32> to vector<16xf32>
    %max3A_2323 = arith.constant 1.000000e+00 : f32
    %max3A_2324 = vector.broadcast %max3A_2323 : f32 to vector<16xf32>
    %max3A_2325 = arith.maximumf %get3A_2322, %max3A_2324 : vector<16xf32>
    %bitcast_convert_type3A_2326 = tpu.bitcast %max3A_2325 : vector<16xf32> -> vector<16xi32>
    %broadcast_in_dim3A_2327 = arith.constant 1597463007 : i32
    %broadcast_in_dim3A_2328 = vector.broadcast %broadcast_in_dim3A_2327 : i32 to vector<16xi32>
    %broadcast_in_dim3A_2329 = arith.constant 1 : i32
    %broadcast_in_dim3A_2330 = vector.broadcast %broadcast_in_dim3A_2329 : i32 to vector<16xi32>
    %shift_right_logical3A_2331 = arith.shrui %bitcast_convert_type3A_2326, %broadcast_in_dim3A_2330 : vector<16xi32>
    %sub3A_2332 = arith.subi %broadcast_in_dim3A_2328, %shift_right_logical3A_2331 : vector<16xi32>
    %bitcast_convert_type3A_2333 = tpu.bitcast %sub3A_2332 : vector<16xi32> -> vector<16xf32>
    %mul3A_2334 = arith.constant 5.000000e-01 : f32
    %mul3A_2335 = vector.broadcast %mul3A_2334 : f32 to vector<16xf32>
    %mul3A_2336 = arith.mulf %mul3A_2335, %max3A_2325 : vector<16xf32>
    %mul3A_2337 = arith.mulf %mul3A_2336, %bitcast_convert_type3A_2333 : vector<16xf32>
    %mul3A_2338 = arith.mulf %mul3A_2337, %bitcast_convert_type3A_2333 : vector<16xf32>
    %sub3A_2339 = arith.constant 1.500000e+00 : f32
    %sub3A_2340 = vector.broadcast %sub3A_2339 : f32 to vector<16xf32>
    %sub3A_2341 = arith.subf %sub3A_2340, %mul3A_2338 : vector<16xf32>
    %mul3A_2342 = arith.mulf %bitcast_convert_type3A_2333, %sub3A_2341 : vector<16xf32>
    %mul3A_2343 = arith.constant 5.000000e-01 : f32
    %mul3A_2344 = vector.broadcast %mul3A_2343 : f32 to vector<16xf32>
    %mul3A_2345 = arith.mulf %mul3A_2344, %max3A_2325 : vector<16xf32>
    %mul3A_2346 = arith.mulf %mul3A_2345, %mul3A_2342 : vector<16xf32>
    %mul3A_2347 = arith.mulf %mul3A_2346, %mul3A_2342 : vector<16xf32>
    %sub3A_2348 = arith.constant 1.500000e+00 : f32
    %sub3A_2349 = vector.broadcast %sub3A_2348 : f32 to vector<16xf32>
    %sub3A_2350 = arith.subf %sub3A_2349, %mul3A_2347 : vector<16xf32>
    %mul3A_2351 = arith.mulf %mul3A_2342, %sub3A_2350 : vector<16xf32>
    %mul3A_2352 = arith.constant 5.000000e-01 : f32
    %mul3A_2353 = vector.broadcast %mul3A_2352 : f32 to vector<16xf32>
    %mul3A_2354 = arith.mulf %mul3A_2353, %max3A_2325 : vector<16xf32>
    %mul3A_2355 = arith.mulf %mul3A_2354, %mul3A_2351 : vector<16xf32>
    %mul3A_2356 = arith.mulf %mul3A_2355, %mul3A_2351 : vector<16xf32>
    %sub3A_2357 = arith.constant 1.500000e+00 : f32
    %sub3A_2358 = vector.broadcast %sub3A_2357 : f32 to vector<16xf32>
    %sub3A_2359 = arith.subf %sub3A_2358, %mul3A_2356 : vector<16xf32>
    %mul3A_2360 = arith.mulf %mul3A_2351, %sub3A_2359 : vector<16xf32>
    %mul3A_2361 = arith.constant 5.000000e-01 : f32
    %mul3A_2362 = vector.broadcast %mul3A_2361 : f32 to vector<16xf32>
    %mul3A_2363 = arith.mulf %mul3A_2362, %max3A_2325 : vector<16xf32>
    %mul3A_2364 = arith.mulf %mul3A_2363, %mul3A_2360 : vector<16xf32>
    %mul3A_2365 = arith.mulf %mul3A_2364, %mul3A_2360 : vector<16xf32>
    %sub3A_2366 = arith.constant 1.500000e+00 : f32
    %sub3A_2367 = vector.broadcast %sub3A_2366 : f32 to vector<16xf32>
    %sub3A_2368 = arith.subf %sub3A_2367, %mul3A_2365 : vector<16xf32>
    %mul3A_2369 = arith.mulf %mul3A_2360, %sub3A_2368 : vector<16xf32>
    %swap3A_2370 = arith.constant 288 : index
    %swap3A_2371 = tpu.vector_load %arg10[%swap3A_2370] {strides = array<i32>} : memref<320xf32, #tpu.memory_space<vmem>>, vector<16xf32>,
    %swap3A_2372 = vector.shape_cast %swap3A_2371 : vector<16xf32> to vector<16xf32>
    %swap3A_2373 = vector.shape_cast %mul3A_2369 : vector<16xf32> to vector<16xf32>
    tpu.vector_store %arg10[%swap3A_2370], %swap3A_2373 {strides = array<i32>} : memref<320xf32, #tpu.memory_space<vmem>>, vector<16xf32>,
    %get3A_2374 = arith.constant 304 : index
    %get3A_2375 = tpu.vector_load %arg10[%get3A_2374] {strides = array<i32>} : memref<320xf32, #tpu.memory_space<vmem>>, vector<16xf32>,
    %get3A_2376 = vector.shape_cast %get3A_2375 : vector<16xf32> to vector<16xf32>
    %max3A_2377 = arith.constant 1.000000e+00 : f32
    %max3A_2378 = vector.broadcast %max3A_2377 : f32 to vector<16xf32>
    %max3A_2379 = arith.maximumf %get3A_2376, %max3A_2378 : vector<16xf32>
    %bitcast_convert_type3A_2380 = tpu.bitcast %max3A_2379 : vector<16xf32> -> vector<16xi32>
    %broadcast_in_dim3A_2381 = arith.constant 1597463007 : i32
    %broadcast_in_dim3A_2382 = vector.broadcast %broadcast_in_dim3A_2381 : i32 to vector<16xi32>
    %broadcast_in_dim3A_2383 = arith.constant 1 : i32
    %broadcast_in_dim3A_2384 = vector.broadcast %broadcast_in_dim3A_2383 : i32 to vector<16xi32>
    %shift_right_logical3A_2385 = arith.shrui %bitcast_convert_type3A_2380, %broadcast_in_dim3A_2384 : vector<16xi32>
    %sub3A_2386 = arith.subi %broadcast_in_dim3A_2382, %shift_right_logical3A_2385 : vector<16xi32>
    %bitcast_convert_type3A_2387 = tpu.bitcast %sub3A_2386 : vector<16xi32> -> vector<16xf32>
    %mul3A_2388 = arith.constant 5.000000e-01 : f32
    %mul3A_2389 = vector.broadcast %mul3A_2388 : f32 to vector<16xf32>
    %mul3A_2390 = arith.mulf %mul3A_2389, %max3A_2379 : vector<16xf32>
    %mul3A_2391 = arith.mulf %mul3A_2390, %bitcast_convert_type3A_2387 : vector<16xf32>
    %mul3A_2392 = arith.mulf %mul3A_2391, %bitcast_convert_type3A_2387 : vector<16xf32>
    %sub3A_2393 = arith.constant 1.500000e+00 : f32
    %sub3A_2394 = vector.broadcast %sub3A_2393 : f32 to vector<16xf32>
    %sub3A_2395 = arith.subf %sub3A_2394, %mul3A_2392 : vector<16xf32>
    %mul3A_2396 = arith.mulf %bitcast_convert_type3A_2387, %sub3A_2395 : vector<16xf32>
    %mul3A_2397 = arith.constant 5.000000e-01 : f32
    %mul3A_2398 = vector.broadcast %mul3A_2397 : f32 to vector<16xf32>
    %mul3A_2399 = arith.mulf %mul3A_2398, %max3A_2379 : vector<16xf32>
    %mul3A_2400 = arith.mulf %mul3A_2399, %mul3A_2396 : vector<16xf32>
    %mul3A_2401 = arith.mulf %mul3A_2400, %mul3A_2396 : vector<16xf32>
    %sub3A_2402 = arith.constant 1.500000e+00 : f32
    %sub3A_2403 = vector.broadcast %sub3A_2402 : f32 to vector<16xf32>
    %sub3A_2404 = arith.subf %sub3A_2403, %mul3A_2401 : vector<16xf32>
    %mul3A_2405 = arith.mulf %mul3A_2396, %sub3A_2404 : vector<16xf32>
    %mul3A_2406 = arith.constant 5.000000e-01 : f32
    %mul3A_2407 = vector.broadcast %mul3A_2406 : f32 to vector<16xf32>
    %mul3A_2408 = arith.mulf %mul3A_2407, %max3A_2379 : vector<16xf32>
    %mul3A_2409 = arith.mulf %mul3A_2408, %mul3A_2405 : vector<16xf32>
    %mul3A_2410 = arith.mulf %mul3A_2409, %mul3A_2405 : vector<16xf32>
    %sub3A_2411 = arith.constant 1.500000e+00 : f32
    %sub3A_2412 = vector.broadcast %sub3A_2411 : f32 to vector<16xf32>
    %sub3A_2413 = arith.subf %sub3A_2412, %mul3A_2410 : vector<16xf32>
    %mul3A_2414 = arith.mulf %mul3A_2405, %sub3A_2413 : vector<16xf32>
    %mul3A_2415 = arith.constant 5.000000e-01 : f32
    %mul3A_2416 = vector.broadcast %mul3A_2415 : f32 to vector<16xf32>
    %mul3A_2417 = arith.mulf %mul3A_2416, %max3A_2379 : vector<16xf32>
    %mul3A_2418 = arith.mulf %mul3A_2417, %mul3A_2414 : vector<16xf32>
    %mul3A_2419 = arith.mulf %mul3A_2418, %mul3A_2414 : vector<16xf32>
    %sub3A_2420 = arith.constant 1.500000e+00 : f32
    %sub3A_2421 = vector.broadcast %sub3A_2420 : f32 to vector<16xf32>
    %sub3A_2422 = arith.subf %sub3A_2421, %mul3A_2419 : vector<16xf32>
    %mul3A_2423 = arith.mulf %mul3A_2414, %sub3A_2422 : vector<16xf32>
    %swap3A_2424 = arith.constant 304 : index
    %swap3A_2425 = tpu.vector_load %arg10[%swap3A_2424] {strides = array<i32>} : memref<320xf32, #tpu.memory_space<vmem>>, vector<16xf32>,
    %swap3A_2426 = vector.shape_cast %swap3A_2425 : vector<16xf32> to vector<16xf32>
    %swap3A_2427 = vector.shape_cast %mul3A_2423 : vector<16xf32> to vector<16xf32>
    tpu.vector_store %arg10[%swap3A_2424], %swap3A_2427 {strides = array<i32>} : memref<320xf32, #tpu.memory_space<vmem>>, vector<16xf32>,
    "tpu.region"() ({
      %run_scoped3A = tpu.sem_alloc : memref<!tpu.dma_semaphore, #tpu.memory_space<semaphore_mem>>
      %dma_start3A_2428 = tpu.memref_slice %arg5[%add3A] : memref<10240xf32, #tpu.memory_space<hbm>> -> memref<320xf32, #tpu.memory_space<hbm>>
      %dma_start3A_2429 = tpu.memref_slice %arg5[%add3A] : memref<10240xf32, #tpu.memory_space<hbm>> -> memref<320xf32, #tpu.memory_space<hbm>>
      tpu.enqueue_dma source(%arg10 : memref<320xf32, #tpu.memory_space<vmem>>) target(%dma_start3A_2429 : memref<320xf32, #tpu.memory_space<hbm>>) target_semaphore(%run_scoped3A : memref<!tpu.dma_semaphore, #tpu.memory_space<semaphore_mem>>)
      %dma_wait3A_2430 = tpu.memref_slice %arg5[%add3A] : memref<10240xf32, #tpu.memory_space<hbm>> -> memref<320xf32, #tpu.memory_space<hbm>>
      %dma_wait3A_2431 = tpu.memref_slice %arg5[%add3A] : memref<10240xf32, #tpu.memory_space<hbm>> -> memref<320xf32, #tpu.memory_space<hbm>>
      tpu.wait_dma2 semaphore(%run_scoped3A : memref<!tpu.dma_semaphore, #tpu.memory_space<semaphore_mem>>) src(%arg10 : memref<320xf32, #tpu.memory_space<vmem>>) dst(%dma_wait3A_2431 : memref<320xf32, #tpu.memory_space<hbm>>)
      tpu.yield
    }) : () -> ()
    return
  }
}

module attributes {stable_mosaic.version = 14 : i64} {
  func.func @_scale_mm_body(%arg0: i32, %arg1: memref<1000x128xf32, #tpu.memory_space<vmem>>, %arg2: memref<128x128xf32, #tpu.memory_space<vmem>>, %arg3: memref<1000x1xf32, #tpu.memory_space<vmem>>, %arg4: memref<1000x128xf32, #tpu.memory_space<vmem>>) attributes {dimension_semantics = [#tpu.dimension_semantics<arbitrary>], iteration_bounds = array<i64: 10>, scalar_prefetch = 0 : i64, scratch_operands = 0 : i64, tpu.core_type = #tpu.core_type<tc>, window_params = [{transform_indices = @transform_0, window_bounds = array<i64: 1000, 128>}, {pipeline_mode = #tpu.pipeline_mode<synchronous>, transform_indices = @transform_1, window_bounds = array<i64: 128, 128>}, {transform_indices = @transform_2, window_bounds = array<i64: 1000, 1>}, {transform_indices = @transform_3, window_bounds = array<i64: 1000, 128>}]} {
    %get3A = arith.constant 0 : index
    %get3A_0 = arith.constant 0 : index
    %get3A_1 = vector.load %arg1[%get3A, %get3A_0] : memref<1000x128xf32, #tpu.memory_space<vmem>>, vector<1000x128xf32>
    %get3A_2 = arith.constant 0 : index
    %get3A_3 = arith.constant 0 : index
    %get3A_4 = vector.load %arg2[%get3A_2, %get3A_3] : memref<128x128xf32, #tpu.memory_space<vmem>>, vector<128x128xf32>
    %dot_general3A = arith.constant dense<0.000000e+00> : vector<1000x128xf32>
    %dot_general3A_5 = tpu.matmul %get3A_1, %get3A_4, %dot_general3A {dimension_numbers = #tpu.dot_dimension_numbers<[1], [0], [0], [1], [0, 0, 1, 1], [], []>, transpose_lhs_hint = false} : vector<1000x128xf32>, vector<128x128xf32>, vector<1000x128xf32> -> vector<1000x128xf32>
    %get3A_6 = arith.constant 0 : index
    %get3A_7 = arith.constant 0 : index
    %get3A_8 = vector.load %arg3[%get3A_6, %get3A_7] : memref<1000x1xf32, #tpu.memory_space<vmem>>, vector<1000x1xf32>
    %mul3A = vector.broadcast %get3A_8 : vector<1000x1xf32> to vector<1000x128xf32>
    %mul3A_9 = arith.mulf %dot_general3A_5, %mul3A : vector<1000x128xf32>
    %swap3A = arith.constant 0 : index
    %swap3A_10 = arith.constant 0 : index
    %swap3A_11 = vector.load %arg4[%swap3A, %swap3A_10] : memref<1000x128xf32, #tpu.memory_space<vmem>>, vector<1000x128xf32>
    tpu.vector_store %arg4[%swap3A, %swap3A_10], %mul3A_9 {strides = array<i32>} : memref<1000x128xf32, #tpu.memory_space<vmem>>, vector<1000x128xf32>,
    return
  }
  func.func @transform_0(%arg0: i32) -> (i32, i32) {
    %c0_i32 = arith.constant 0 : i32
    %c0_i32_0 = arith.constant 0 : i32
    return %arg0, %c0_i32 : i32, i32
  }
  func.func @transform_1(%arg0: i32) -> (i32, i32) {
    %c0_i32 = arith.constant 0 : i32
    %c0_i32_0 = arith.constant 0 : i32
    %c0_i32_1 = arith.constant 0 : i32
    return %c0_i32, %c0_i32_0 : i32, i32
  }
  func.func @transform_2(%arg0: i32) -> (i32, i32) {
    %c0_i32 = arith.constant 0 : i32
    %c0_i32_0 = arith.constant 0 : i32
    return %arg0, %c0_i32 : i32, i32
  }
  func.func @transform_3(%arg0: i32) -> (i32, i32) {
    %c0_i32 = arith.constant 0 : i32
    %c0_i32_0 = arith.constant 0 : i32
    return %arg0, %c0_i32 : i32, i32
  }
}

module attributes {stable_mosaic.version = 14 : i64} {
  func.func @_mid_body(%arg0: i32, %arg1: memref<2x1000x128xf32, #tpu.memory_space<vmem>>, %arg2: memref<1000x1xf32, #tpu.memory_space<vmem>>, %arg3: memref<1000x1xf32, #tpu.memory_space<vmem>>, %arg4: memref<1x128xf32, #tpu.memory_space<vmem>>, %arg5: memref<128x128xf32, #tpu.memory_space<vmem>>, %arg6: memref<1000x128xf32, #tpu.memory_space<vmem>>) attributes {dimension_semantics = [#tpu.dimension_semantics<arbitrary>], iteration_bounds = array<i64: 10>, scalar_prefetch = 0 : i64, scratch_operands = 0 : i64, tpu.core_type = #tpu.core_type<tc>, window_params = [{transform_indices = @transform_0, window_bounds = array<i64: 2, 1000, 128>}, {transform_indices = @transform_1, window_bounds = array<i64: 1000, 1>}, {transform_indices = @transform_2, window_bounds = array<i64: 1000, 1>}, {pipeline_mode = #tpu.pipeline_mode<synchronous>, transform_indices = @transform_3, window_bounds = array<i64: 1, 128>}, {pipeline_mode = #tpu.pipeline_mode<synchronous>, transform_indices = @transform_4, window_bounds = array<i64: 128, 128>}, {transform_indices = @transform_5, window_bounds = array<i64: 1000, 128>}]} {
    %get3A = arith.constant 0 : index
    %get3A_0 = arith.constant 0 : index
    %get3A_1 = arith.constant 0 : index
    %get3A_2 = vector.load %arg1[%get3A, %get3A_0, %get3A_1] : memref<2x1000x128xf32, #tpu.memory_space<vmem>>, vector<1x1000x128xf32>
    %get3A_3 = vector.shape_cast %get3A_2 : vector<1x1000x128xf32> to vector<1000x128xf32>
    %get3A_4 = arith.constant 1 : index
    %get3A_5 = arith.constant 0 : index
    %get3A_6 = arith.constant 0 : index
    %get3A_7 = vector.load %arg1[%get3A_4, %get3A_5, %get3A_6] : memref<2x1000x128xf32, #tpu.memory_space<vmem>>, vector<1x1000x128xf32>
    %get3A_8 = vector.shape_cast %get3A_7 : vector<1x1000x128xf32> to vector<1000x128xf32>
    %add3A = arith.addf %get3A_3, %get3A_8 : vector<1000x128xf32>
    %get3A_9 = arith.constant 0 : index
    %get3A_10 = arith.constant 0 : index
    %get3A_11 = vector.load %arg2[%get3A_9, %get3A_10] : memref<1000x1xf32, #tpu.memory_space<vmem>>, vector<1000x1xf32>
    %mul3A = vector.broadcast %get3A_11 : vector<1000x1xf32> to vector<1000x128xf32>
    %mul3A_12 = arith.mulf %add3A, %mul3A : vector<1000x128xf32>
    %get3A_13 = arith.constant 0 : index
    %get3A_14 = arith.constant 0 : index
    %get3A_15 = vector.load %arg4[%get3A_13, %get3A_14] : memref<1x128xf32, #tpu.memory_space<vmem>>, vector<1x128xf32>
    %add3A_16 = vector.broadcast %get3A_15 : vector<1x128xf32> to vector<1000x128xf32>
    %add3A_17 = arith.addf %mul3A_12, %add3A_16 : vector<1000x128xf32>
    %max3A = arith.constant 0.000000e+00 : f32
    %max3A_18 = vector.broadcast %max3A : f32 to vector<1000x128xf32>
    %max3A_19 = arith.maximumf %add3A_17, %max3A_18 : vector<1000x128xf32>
    %get3A_20 = arith.constant 0 : index
    %get3A_21 = arith.constant 0 : index
    %get3A_22 = vector.load %arg5[%get3A_20, %get3A_21] : memref<128x128xf32, #tpu.memory_space<vmem>>, vector<128x128xf32>
    %dot_general3A = arith.constant dense<0.000000e+00> : vector<1000x128xf32>
    %dot_general3A_23 = tpu.matmul %max3A_19, %get3A_22, %dot_general3A {dimension_numbers = #tpu.dot_dimension_numbers<[1], [0], [0], [1], [0, 0, 1, 1], [], []>, transpose_lhs_hint = false} : vector<1000x128xf32>, vector<128x128xf32>, vector<1000x128xf32> -> vector<1000x128xf32>
    %get3A_24 = arith.constant 0 : index
    %get3A_25 = arith.constant 0 : index
    %get3A_26 = vector.load %arg3[%get3A_24, %get3A_25] : memref<1000x1xf32, #tpu.memory_space<vmem>>, vector<1000x1xf32>
    %mul3A_27 = vector.broadcast %get3A_26 : vector<1000x1xf32> to vector<1000x128xf32>
    %mul3A_28 = arith.mulf %dot_general3A_23, %mul3A_27 : vector<1000x128xf32>
    %swap3A = arith.constant 0 : index
    %swap3A_29 = arith.constant 0 : index
    %swap3A_30 = vector.load %arg6[%swap3A, %swap3A_29] : memref<1000x128xf32, #tpu.memory_space<vmem>>, vector<1000x128xf32>
    tpu.vector_store %arg6[%swap3A, %swap3A_29], %mul3A_28 {strides = array<i32>} : memref<1000x128xf32, #tpu.memory_space<vmem>>, vector<1000x128xf32>,
    return
  }
  func.func @transform_0(%arg0: i32) -> (i32, i32, i32) {
    %c0_i32 = arith.constant 0 : i32
    %c0_i32_0 = arith.constant 0 : i32
    %c0_i32_1 = arith.constant 0 : i32
    return %c0_i32, %arg0, %c0_i32_0 : i32, i32, i32
  }
  func.func @transform_1(%arg0: i32) -> (i32, i32) {
    %c0_i32 = arith.constant 0 : i32
    %c0_i32_0 = arith.constant 0 : i32
    return %arg0, %c0_i32 : i32, i32
  }
  func.func @transform_2(%arg0: i32) -> (i32, i32) {
    %c0_i32 = arith.constant 0 : i32
    %c0_i32_0 = arith.constant 0 : i32
    return %arg0, %c0_i32 : i32, i32
  }
  func.func @transform_3(%arg0: i32) -> (i32, i32) {
    %c0_i32 = arith.constant 0 : i32
    %c0_i32_0 = arith.constant 0 : i32
    %c0_i32_1 = arith.constant 0 : i32
    return %c0_i32, %c0_i32_0 : i32, i32
  }
  func.func @transform_4(%arg0: i32) -> (i32, i32) {
    %c0_i32 = arith.constant 0 : i32
    %c0_i32_0 = arith.constant 0 : i32
    %c0_i32_1 = arith.constant 0 : i32
    return %c0_i32, %c0_i32_0 : i32, i32
  }
  func.func @transform_5(%arg0: i32) -> (i32, i32) {
    %c0_i32 = arith.constant 0 : i32
    %c0_i32_0 = arith.constant 0 : i32
    return %arg0, %c0_i32 : i32, i32
  }
}

module attributes {stable_mosaic.version = 14 : i64} {
  func.func @_final_body(%arg0: i32, %arg1: memref<2x1000x128xf32, #tpu.memory_space<vmem>>, %arg2: memref<1000x1xf32, #tpu.memory_space<vmem>>, %arg3: memref<1x128xf32, #tpu.memory_space<vmem>>, %arg4: memref<1000x128xf32, #tpu.memory_space<vmem>>) attributes {dimension_semantics = [#tpu.dimension_semantics<arbitrary>], iteration_bounds = array<i64: 10>, scalar_prefetch = 0 : i64, scratch_operands = 0 : i64, tpu.core_type = #tpu.core_type<tc>, window_params = [{transform_indices = @transform_0, window_bounds = array<i64: 2, 1000, 128>}, {transform_indices = @transform_1, window_bounds = array<i64: 1000, 1>}, {pipeline_mode = #tpu.pipeline_mode<synchronous>, transform_indices = @transform_2, window_bounds = array<i64: 1, 128>}, {transform_indices = @transform_3, window_bounds = array<i64: 1000, 128>}]} {
    %get3A = arith.constant 0 : index
    %get3A_0 = arith.constant 0 : index
    %get3A_1 = arith.constant 0 : index
    %get3A_2 = vector.load %arg1[%get3A, %get3A_0, %get3A_1] : memref<2x1000x128xf32, #tpu.memory_space<vmem>>, vector<1x1000x128xf32>
    %get3A_3 = vector.shape_cast %get3A_2 : vector<1x1000x128xf32> to vector<1000x128xf32>
    %get3A_4 = arith.constant 1 : index
    %get3A_5 = arith.constant 0 : index
    %get3A_6 = arith.constant 0 : index
    %get3A_7 = vector.load %arg1[%get3A_4, %get3A_5, %get3A_6] : memref<2x1000x128xf32, #tpu.memory_space<vmem>>, vector<1x1000x128xf32>
    %get3A_8 = vector.shape_cast %get3A_7 : vector<1x1000x128xf32> to vector<1000x128xf32>
    %add3A = arith.addf %get3A_3, %get3A_8 : vector<1000x128xf32>
    %get3A_9 = arith.constant 0 : index
    %get3A_10 = arith.constant 0 : index
    %get3A_11 = vector.load %arg2[%get3A_9, %get3A_10] : memref<1000x1xf32, #tpu.memory_space<vmem>>, vector<1000x1xf32>
    %mul3A = vector.broadcast %get3A_11 : vector<1000x1xf32> to vector<1000x128xf32>
    %mul3A_12 = arith.mulf %add3A, %mul3A : vector<1000x128xf32>
    %get3A_13 = arith.constant 0 : index
    %get3A_14 = arith.constant 0 : index
    %get3A_15 = vector.load %arg3[%get3A_13, %get3A_14] : memref<1x128xf32, #tpu.memory_space<vmem>>, vector<1x128xf32>
    %add3A_16 = vector.broadcast %get3A_15 : vector<1x128xf32> to vector<1000x128xf32>
    %add3A_17 = arith.addf %mul3A_12, %add3A_16 : vector<1000x128xf32>
    %swap3A = arith.constant 0 : index
    %swap3A_18 = arith.constant 0 : index
    %swap3A_19 = vector.load %arg4[%swap3A, %swap3A_18] : memref<1000x128xf32, #tpu.memory_space<vmem>>, vector<1000x128xf32>
    tpu.vector_store %arg4[%swap3A, %swap3A_18], %add3A_17 {strides = array<i32>} : memref<1000x128xf32, #tpu.memory_space<vmem>>, vector<1000x128xf32>,
    return
  }
  func.func @transform_0(%arg0: i32) -> (i32, i32, i32) {
    %c0_i32 = arith.constant 0 : i32
    %c0_i32_0 = arith.constant 0 : i32
    %c0_i32_1 = arith.constant 0 : i32
    return %c0_i32, %arg0, %c0_i32_0 : i32, i32, i32
  }
  func.func @transform_1(%arg0: i32) -> (i32, i32) {
    %c0_i32 = arith.constant 0 : i32
    %c0_i32_0 = arith.constant 0 : i32
    return %arg0, %c0_i32 : i32, i32
  }
  func.func @transform_2(%arg0: i32) -> (i32, i32) {
    %c0_i32 = arith.constant 0 : i32
    %c0_i32_0 = arith.constant 0 : i32
    %c0_i32_1 = arith.constant 0 : i32
    return %c0_i32, %c0_i32_0 : i32, i32
  }
  func.func @transform_3(%arg0: i32) -> (i32, i32) {
    %c0_i32 = arith.constant 0 : i32
    %c0_i32_0 = arith.constant 0 : i32
    return %arg0, %c0_i32 : i32, i32
  }
}

</mosaic_0001>

<sc_bundles>
// kernel: kernel.11.cloned.1.call-start
scs
__scs_entry_jumppad:
0x0: {  	(pc) =	sbr.rel $0x88, $3  }
0x1: {  	(tag) =	ssettag $0x0;
	lr =	simm.s32 $0x1  }
0x2: {  	[smem:$0x3F9B] =	sst lr;
	_ =	strace $0xD0000000  }
0x3: {  	_ = 	snop  }
0x4: {  	_ = 	snop  }
0x5: {  	_ = 	snop  }
0x6: {  	_ = 	snop  }
0x7: {  	_ = 	snop  }
__scs_overlays_trampoline_lowered:
0x8: {  	[smem:$0x3FAA] =	sst s0  }
0x9: {  	[smem:$0x3FAB] =	sst s1  }
0xa: {  	[smem:$0x3FAC] =	sst s2  }
0xb: {  	[smem:$0x3FAD] =	sst s3  }
0xc: {  	[smem:$0x3FAE] =	sst s4  }
0xd: {  	[smem:$0x3FAF] =	sst s5  }
0xe: {  	[smem:$0x3FB0] =	sst s6  }
0xf: {  	[smem:$0x3FB1] =	sst s7  }
0x10: {  	[smem:$0x3FB2] =	sst s8  }
0x11: {  	[smem:$0x3FB3] =	sst s9;
	s0 =	simm.s32 @!p0 $0x0  }
0x12: {  	s1 =	sld [smem:$0x3F99];
	s0 =	simm.s32 @p0 $0x1  }
0x13: {  	[smem:$0x3FB4] =	sst s0;
	s0 =	simm.s32 @!p1 $0x0  }
0x14: {  	s2 =	sld [smem:$0x3F98];
	s0 =	simm.s32 @p1 $0x1  }
0x15: {  	[smem:$0x3FB5] =	sst s0;
	s0 =	simm.s32 @!p2 $0x0  }
0x16: {  	s3 =	sld [smem:$0x3FDB];
	s0 =	simm.s32 @p2 $0x1  }
0x17: {  	s4 =	simm.s32 $0x1BF5;
	[smem:$0x3FB7] =	sst s0  }
0x18: {  	s0 =	sld [smem:$0x3F9A];
	_ =	swait.ge [sflag:s4], $0x0  }
0x19: {  	s7 =	sld [smem:$0x3F9B]  }
0x1a: {  	s8 =	sadd.s32 $0xFFFFE003, lr  }
0x1b: {  	s9 =	sadd.s32 $0xFFFFFEF7, lr;
	s5 =	simm.s32 $0xFFFFFFFF;
	p2 =	slt.u32 s8, $0xFFFFF086  }
0x1c: {  	p1 =	slt.u32 s9, $0xF7A;
	s5 =	simm.s32 @!p2 $0x0  }
0x1d: {  	s5 =	simm.s32 @p1 $0x1;
	p0 =	seq.s32 s7, s2  }
0x1e: {  	s7 =	smul.u32 @!p0 $0xF7A, s2;
	p2 =	seq.s32 @!p0 s5, $0x0  }
0x1f: {  	s9 =	smul.u32 $0xF7A, s1;
	s8 =	simm.s32 @!p0 $0x1BF5;
	p2 =	por !p2, p0  }
0x20: {  	[sflag:s8] =	ssyncset.s32 @!p0 $0xFFFFF086;
	s6 =	sadd.s32 @!p0 s3, s7;
	s7 =	simm.s32 @!p0 $0x108  }
0x21: {  	s3 =	sadd.s32 s3, s9;
	s6 =	sadd.s32 @!p0 $0x88, s6;
	s7 =	simm.s32 @p2 $0x1082  }
0x22: {  	[simem:s7], [sflag:s8] =	dma.local @!p0 [hbm:s6], $0xF7A  }
0x23: {  	s9 =	sor.u32 $0xD0000000, s2;
	s6 =	simm.s32 $0x108;
	_ =	swait.ge @!p0 [sflag:s8], $0x0  }
0x24: {  	s3 =	sadd.s32 $0x88, s3;
	s6 =	simm.s32 @!p1 $0x1082;
	[sflag:s4] =	ssyncset.s32 $0xFFFFF086  }
0x25: {  	[simem:s6], [sflag:s4] =	dma.local [hbm:s3], $0xF7A  }
0x26: {  	[smem:$0x3F9B] =	sst s1;
	(tag) =	ssettag s2;
	_ =	strace s9  }
0x27: {  	s1 =	sld [smem:$0x3FAB]  }
0x28: {  	s2 =	sld [smem:$0x3FAC]  }
0x29: {  	s4 =	sld [smem:$0x3FAE]  }
0x2a: {  	p0 =	seq.s32 s5, $0x0;
	s5 =	sld [smem:$0x3FAF]  }
0x2b: {  	s6 =	sld [smem:$0x3FB0]  }
0x2c: {  	s7 =	sld [smem:$0x3FB1]  }
0x2d: {  	s3 =	simm.s32 $0x108;
	s8 =	sld [smem:$0x3FB2]  }
0x2e: {  	s3 =	simm.s32 @!p0 $0x1082;
	s9 =	sld [smem:$0x3FB3]  }
0x2f: {  	lr =	sadd.s32 s0, s3;
	s0 =	sld [smem:$0x3FAA]  }
0x30: {  	s3 =	sld [smem:$0x3FAD]  }
0x31: {  	[smem:$0x3FB6] =	sst s10  }
0x32: {  	s10 =	sld [smem:$0x3FB4];
	_ =	sdelay $0x3  }
0x33: {  	p0 =	seq.s32 s10, $0x1;
	s10 =	sld [smem:$0x3FB6];
	_ =	sdelay $0x3  }
0x34: {  	[smem:$0x3FB6] =	sst s10  }
0x35: {  	s10 =	sld [smem:$0x3FB5];
	_ =	sdelay $0x3  }
0x36: {  	p1 =	seq.s32 s10, $0x1;
	s10 =	sld [smem:$0x3FB6];
	_ =	sdelay $0x3  }
0x37: {  	[smem:$0x3FB6] =	sst s10  }
0x38: {  	s10 =	sld [smem:$0x3FB7]  }
0x39: {  	_ = 	snop;
	(pc) =	sbr.ind lr, $3  }
0x3a: {  	_ = 	snop  }
0x3b: {  	_ = 	snop  }
0x3c: {  	p2 =	seq.s32 s10, $0x1;
	s10 =	sld [smem:$0x3FB6]  }
0x3d: {  	_ =	shalt  }
0x3e: {  	_ =	shalt  }
0x3f: {  	_ =	shalt  }
0x40: {  	_ =	shalt  }
0x41: {  	_ =	shalt  }
0x42: {  	_ =	shalt  }
0x43: {  	_ =	shalt  }
0x44: {  	_ =	shalt  }
0x45: {  	_ =	shalt  }
0x46: {  	_ =	shalt  }
0x47: {  	_ =	shalt  }
0x48: {  	_ =	shalt  }
0x49: {  	_ =	shalt  }
0x4a: {  	_ =	shalt  }
0x4b: {  	_ =	shalt  }
0x4c: {  	_ =	shalt  }
0x4d: {  	_ =	shalt  }
0x4e: {  	_ =	shalt  }
0x4f: {  	_ =	shalt  }
0x50: {  	_ =	shalt  }
0x51: {  	_ =	shalt  }
0x52: {  	_ =	shalt  }
0x53: {  	_ =	shalt  }
0x54: {  	_ =	shalt  }
0x55: {  	_ =	shalt  }
0x56: {  	_ =	shalt  }
0x57: {  	_ =	shalt  }
0x58: {  	_ =	shalt  }
0x59: {  	_ =	shalt  }
0x5a: {  	_ =	shalt  }
0x5b: {  	_ =	shalt  }
0x5c: {  	_ =	shalt  }
0x5d: {  	_ =	shalt  }
0x5e: {  	_ =	shalt  }
0x5f: {  	_ =	shalt  }
0x60: {  	_ =	shalt  }
0x61: {  	_ =	shalt  }
0x62: {  	_ =	shalt  }
0x63: {  	_ =	shalt  }
0x64: {  	_ =	shalt  }
0x65: {  	_ =	shalt  }
0x66: {  	_ =	shalt  }
0x67: {  	_ =	shalt  }
0x68: {  	_ =	shalt  }
0x69: {  	_ =	shalt  }
0x6a: {  	_ =	shalt  }
0x6b: {  	_ =	shalt  }
0x6c: {  	_ =	shalt  }
0x6d: {  	_ =	shalt  }
0x6e: {  	_ =	shalt  }
0x6f: {  	_ =	shalt  }
0x70: {  	_ =	shalt  }
0x71: {  	_ =	shalt  }
0x72: {  	_ =	shalt  }
0x73: {  	_ =	shalt  }
0x74: {  	_ =	shalt  }
0x75: {  	_ =	shalt  }
0x76: {  	_ =	shalt  }
0x77: {  	_ =	shalt  }
0x78: {  	_ =	shalt  }
0x79: {  	_ =	shalt  }
0x7a: {  	_ =	shalt  }
0x7b: {  	_ =	shalt  }
0x7c: {  	_ =	shalt  }
0x7d: {  	_ =	shalt  }
0x7e: {  	_ =	shalt  }
0x7f: {  	_ =	shalt  }
0x80: {  	_ =	shalt  }
0x81: {  	_ =	shalt  }
0x82: {  	_ =	shalt  }
0x83: {  	_ =	shalt  }
0x84: {  	_ =	shalt  }
0x85: {  	_ =	shalt  }
0x86: {  	_ =	shalt  }
0x87: {  	_ =	shalt  }
.Lfunc_end0:
.L_simem_size_0:
called_computation.1_lowered:
.L_overlay_start_0:
0x88: {  	s2 =	sld [smem:$0x3FD9]  }
0x89: {  	s3 =	sld [smem:$0x3FFE];
	_ =	sdelay $0x1  }
0x8a: {  	s1 =	srdreg.scid  }
0x8b: {  	s0 =	sand.u32 $0x1, s1  }
0x8c: {  	s17 =	sshll.u32 s0, $0xA;
	s2 =	sadd.s32 s3, s2  }
0x8d: {  	s2 =	sadd.s32 s2, s17  }
0x8e: {  	[smem:$0x3FC2] =	sst s2  }
0x8f: {  	_ = 	snop  }
0x90: {  	s2 =	sld [smem:$0x3FD0];
	(tm) =	ssettm $0x1  }
0x91: {  	s18 =	sld [smem:$0x3FFB];
	_ =	sdelay $0x3  }
0x92: {  	_ =	strace s18  }
0x93: {  	s3 =	sld [smem:$0x3FFC];
	_ =	sdelay $0x3  }
0x94: {  	_ =	strace s3  }
0x95: {  	s3 =	sld [smem:$0x3FFD];
	_ =	sdelay $0x3  }
0x96: {  	_ =	strace s3  }
0x97: {  	_ =	strace $0x8FFFFFFF  }
0x98: {  	s19 =	sld [smem:$0x3FDB];
	_ =	sdelay $0x1  }
0x99: {  	s4 =	simm.s32 $_scs_section_size  }
0x9a: {  	s5 =	simm.s32 $_size__tile_overlayer_lowered;
	s6 =	simm.s32 $_tile_overlayer_lowered  }
0x9b: {  	s22 =	simm.s32 $0x1BFF;
	s21 =	sshll.u32 s6, $0x1;
	s3 =	sadd.s32 s4, s19  }
0x9c: {  	s7 =	simm.s32 $0x0;
	s20 =	sshll.u32 s5, $0x1;
	s5 =	sadd.s32 s21, s3  }
0x9d: {  	[timem:s7], [sflag:s22] =	dma.local [hbm:s5], s20  }
0x9e: {  	_ =	swait.ge [sflag:s22], s20  }
0x9f: {  	s4 =	ssub.s32 $0x0, s20;
	[sflag:s22] =	ssyncset.done $0x0  }
0xa0: {  	[sflag:s22] =	ssyncadd.s32 s4;
	_ =	sdelay $0x1  }
0xa1: {  	s23 =	simm.s32 $0x1B8B  }
0xa2: {  	_ =	swait.ge [sflag:s23], $0x1  }
0xa3: {  	[sflag:s23] =	ssyncset.done $0x0  }
0xa4: {  	s25 =	simm.s32 $0x1B8E;
	s24 =	sld [smem:$0x3FFE];
	[sflag:s23] =	ssyncadd.s32 $0xFFFFFFFF  }
0xa5: {  	s26 =	simm.s32 $execute0_lowered;
	[smem:$0x3FD2] =	sst s25  }
0xa6: {  	s5 =	sshll.u32 s26, $0x1;
	_ =	strace $0x80000049;
	[dreg:$0x1] =	wrdreg $0xFFFFFFFF  }
0xa7: {  	s28 =	simm.s32 $_size_execute0_lowered;
	s3 =	sadd.s32 s3, s5;
	[dreg:$0x0] =	wrdreg $0x0  }
0xa8: {  	s5 =	sshll.u32 s28, $0x1;
	[dreg:$0x2] =	wrdreg s3  }
0xa9: {  	[dreg:$0x3] =	wrdreg s5  }
0xaa: {  	[dreg:$0x4] =	wrdreg $0xC0  }
0xab: {  	_ =	task [dreg:s7], $0x5FFFF  }
0xac: {  	[dreg:$0x1] =	wrdreg $0xFFFFFFFF  }
0xad: {  	[dreg:$0x0] =	wrdreg $0x60  }
0xae: {  	[dreg:$0x2] =	wrdreg s2  }
0xaf: {  	[dreg:$0x3] =	wrdreg s24  }
0xb0: {  	[dreg:$0x4] =	wrdreg $0xC7000  }
0xb1: {  	[dreg:$0x5] =	wrdreg $0x9  }
0xb2: {  	_ =	task.clear_ibuf [dreg:s7], $0x6FFFF;
	_ =	strace $0x90000049  }
0xb3: {  	s29 =	simm.s32 $0x9;
	_ =	strace $0x8000004B  }
0xb4: {  	_ =	swait.ge [sflag:s29], $0x1  }
0xb5: {  	[sflag:s29] =	ssyncadd.s32 $0xFFFFFFFF  }
0xb6: {  	_ =	strace $0x9000004B  }
0xb7: {  	_ =	sfence  }
0xb8: {  	s30 =	sld [smem:$0x0];
	_ =	sdelay $0x2  }
0xb9: {  	s31 =	sshll.u32 s1, $0xD;
	s1 =	sshrl.u32 s1, $0x2  }
0xba: {  	s3 =	sand.u32 $0x4000, s31;
	s1 =	sadd.s32 s1, s30  }
0xbb: {  	s0 =	sor.u32 s3, s0;
	s1 =	sshll.u32 s1, $0x11  }
0xbc: {  	s0 =	sor.u32 s1, s0  }
0xbd: {  	s0 =	sadd.s32 $0x8F2B, s0  }
0xbe: {  	[sflag:s0] =	ssyncadd.remote.s32 $0x1  }
0xbf: {  	_ =	sfence.sel $0xFFFF  }
0xc0: {  	[dreg:$0x0] =	wrdreg $0xFFFFFFFF;
	(pc) =	sbr.abs _section_cstart, $3  }
0xc1: {  	[dreg:$0x1] =	wrdreg $0xFFFFFFFF  }
0xc2: {  	_ =	task.clear_ibuf [dreg:s7], $0x2FFFF;
	_ =	strace $0x9FFFFFFF  }
0xc3: {  	(tm) =	ssettm $0x7FFFFFFF  }
tec
execute0_lowered:
.L_overlay_start_1:
0x0: {  	(tag) =	ssettag $0x1  }
0x1: {  	s0 =	srdreg.scid;
	s1 =	rddreg [dreg:$0x0]  }
0x2: {  	s2 =	rddreg [dreg:$0x1];
	s9 =	stileid.u32  }
0x3: {  	s3 =	rddreg [dreg:$0x2];
	s5 =	simm.s32 $0x0;
	s28 =	simm.s32 $0x7  }
0x4: {  	s29 =	simm.s32 $0x8;
	s0 =	sand.u32 $0x1, s0;
	s20 =	smul.u32 $0xA000, s9  }
0x5: {  	s30 =	simm.s32 $0x50;
	s6 =	sor.u32 $0x10, s9;
	s19 =	smul.u32 $0x27100, s0  }
0x6: {  	s31 =	simm.s32 $0x7700;
	s11 =	sor.u32 $0x20, s9;
	s7 =	smul.u32 $0xA000, s6  }
0x7: {  	[smem:$0x7FF] =	sst s5;
	s12 =	sor.u32 $0x30, s9;
	s10 =	smul.u32 $0xA000, s11  }
0x8: {  	s14 =	sor.u32 $0x40, s9;
	s16 =	sor.u32 $0x50, s9;
	s13 =	smul.u32 $0xA000, s12  }
0x9: {  	s17 =	sor.u32 $0x60, s9;
	s5 =	simm.s32 $0x4;
	s15 =	smul.u32 $0xA000, s14  }
0xa: {  	s4 =	sshll.u32 s0, $0x4;
	_ =	strace $0x8000004A;
	s18 =	smul.u32 $0xA000, s17  }
0xb: {  	s0 =	ssub.s32 $0x2, s0;
	s6 =	smul.u32 $0x500, s6;
	s4 =	sor.u32 s9, s4  }
0xc: {  	s8 =	sshrl.u32 s0, $0x1;
	s22 =	sshrl.u32 s20, $0x2;
	s20 =	smul.u32 $0x500, s11  }
0xd: {  	s4 =	smul.u32 $0x4E2, s4;
	s0 =	ssub.s32 s0, s8;
	s8 =	sadd.s32 s22, s3  }
0xe: {  	s24 =	sshrl.u32 s7, $0x2;
	s7 =	smul.u32 $0x500, s9;
	s25 =	sshrl.u32 s10, $0x2  }
0xf: {  	s26 =	sshrl.u32 s13, $0x2;
	s13 =	sshrl.u32 s15, $0x2;
	s22 =	sshrl.u32 s18, $0x2  }
0x10: {  	s0 =	smax.u32 s0, $0x1;
	s10 =	sadd.s32 s25, s3;
	s11 =	sadd.s32 s26, s3  }
0x11: {  	s4 =	sadd.s32 s4, s2;
	s2 =	sadd.s32 s19, s2;
	s19 =	sor.u32 $0x70, s9  }
0x12: {  	[dreg:$0x6] =	wrdreg s0;
	s9 =	sadd.s32 s24, s3;
	s24 =	smul.u32 $0x500, s17  }
0x13: {  	s17 =	simm.s32 $0x0;
	s21 =	sadd.s32 $0xBE00, s4;
	s23 =	smul.u32 $0xA000, s19  }
0x14: {  	s4 =	sadd.s32 $0x2000, s4;
	s2 =	sadd.s32 $0x16200, s2;
	s0 =	smul.u32 $0x500, s19  }
0x15: {  	p0 =	sgt.u32 s19, $0x7C;
	[dreg:$0x5] =	wrdreg s4;
	s4 =	smul.u32 $0xA000, s16  }
0x16: {  	[dreg:$0x4] =	wrdreg s21;
	s21 =	smul.u32 $0x500, s12;
	s7 =	sadd.s32 s7, s2  }
0x17: {  	s12 =	sadd.s32 s13, s3;
	s6 =	sadd.s32 s6, s2;
	[dreg:$0x7] =	wrdreg s7  }
0x18: {  	s16 =	smul.u32 $0x500, s16;
	s25 =	sadd.s32 s20, s2;
	[dreg:$0x8] =	wrdreg s6  }
0x19: {  	s23 =	sshrl.u32 s23, $0x2;
	[dreg:$0x9] =	wrdreg s25;
	s25 =	simm.s32 $0x4F00  }
0x1a: {  	s6 =	simm.s32 $0x3;
	s7 =	simm.s32 $0x5;
	s15 =	sshrl.u32 s4, $0x2  }
0x1b: {  	s4 =	smul.u32 $0x500, s14;
	s14 =	sadd.s32 s22, s3;
	s26 =	sadd.s32 s21, s2  }
0x1c: {  	s22 =	sadd.s32 s16, s2;
	s16 =	simm.s32 $0x6;
	s13 =	sadd.s32 s15, s3  }
0x1d: {  	s15 =	sadd.s32 s23, s3;
	[dreg:$0xa] =	wrdreg s26;
	s23 =	sadd.s32 s24, s2  }
0x1e: {  	s24 =	sadd.s32 @!p0 s0, s2;
	s26 =	simm.s32 $0x9;
	s0 =	simm.s32 $0x9F00  }
0x1f: {  	v0 =	vimm.f32 $0.0e+00;
	s21 =	sadd.s32 s4, s2;
	s2 =	simm.s32 $0x1;
	s4 =	simm.s32 $0x2  }
.LBB2_1:
0x20: {  	s18 =	simm.s32 $0x0;
	s19 =	rddreg [dreg:$0x4]  }
0x21: {  	[tilespmem:s18], [sflag:$0x7] =	stream.linear.gather [hbm4b:s19+s18], $0x2710, $0x38;
	[tilespmem:$0x1FF80] =	vst v63  }
0x22: {  	s20 =	simm.s32 $0x2780;
	s19 =	rddreg [dreg:$0x5]  }
0x23: {  	[tilespmem:s20], [sflag:$0x8] =	stream.linear.gather [hbm4b:s19+s18], $0x2710, $0x38;
	[tilespmem:$0x1FF80] =	vst v63  }
0x24: {  	s18 =	simm.s32 $0x0;
	s19 =	simm.s32 $0x200  }
.LBB2_2:
0x25: {  	p1 =	sne.s32 s19, $0x9E00;
	[tilespmem:s18+$0x4F70] =	vst v0  }
0x26: {  	[tilespmem:s18+$0x4F00] =	vst v0  }
0x27: {  	[tilespmem:s18+$0x4F10] =	vst v0  }
.Ltmp0:
0x28: {  	[tilespmem:s18+$0x4F20] =	vst v0;
	(pc) =	sbr.rel @p1 .LBB2_2-.Ltmp0, $4  }
0x29: {  	[tilespmem:s18+$0x4F30] =	vst v0  }
0x2a: {  	[tilespmem:s18+$0x4F40] =	vst v0  }
0x2b: {  	[tilespmem:s18+$0x4F50] =	vst v0  }
0x2c: {  	[tilespmem:s18+$0x4F60] =	vst v0;
	s18 =	sshra.s32 s19, $0x2;
	s19 =	sadd.s32 $0x200, s19  }
0x2d: {  	[tilespmem:s18+$0x4F70] =	vst v0  }
0x2e: {  	[tilespmem:s18+$0x4F00] =	vst v0  }
0x2f: {  	[tilespmem:s18+$0x4F10] =	vst v0  }
0x30: {  	[tilespmem:s18+$0x4F20] =	vst v0  }
0x31: {  	[tilespmem:s18+$0x4F30] =	vst v0  }
0x32: {  	[tilespmem:s18+$0x4F40] =	vst v0  }
0x33: {  	[tilespmem:s18+$0x4F50] =	vst v0  }
0x34: {  	[tilespmem:s18+$0x4F60] =	vst v0  }
0x35: {  	[spmem:s8] =	stream.linear.scatter [tilespmem:s25], [sflag:$0x9], $0x2800, $0x38;
	[tilespmem:$0x1FF80] =	vst v63  }
0x36: {  	_ =	swait.ge [sflag:s26], $0x2800  }
0x37: {  	[sflag:s26] =	ssyncset.done $0x0  }
0x38: {  	[sflag:s26] =	ssyncadd.s32 $0xFFFFD800  }
0x39: {  	[spmem:s9] =	stream.linear.scatter [tilespmem:s25], [sflag:$0x9], $0x2800, $0x38;
	[tilespmem:$0x1FF80] =	vst v63  }
0x3a: {  	_ =	swait.ge [sflag:s26], $0x2800  }
0x3b: {  	[sflag:s26] =	ssyncset.done $0x0  }
0x3c: {  	[sflag:s26] =	ssyncadd.s32 $0xFFFFD800  }
0x3d: {  	[spmem:s10] =	stream.linear.scatter [tilespmem:s25], [sflag:$0x9], $0x2800, $0x38;
	[tilespmem:$0x1FF80] =	vst v63  }
0x3e: {  	_ =	swait.ge [sflag:s26], $0x2800  }
0x3f: {  	[sflag:s26] =	ssyncset.done $0x0  }
0x40: {  	[sflag:s26] =	ssyncadd.s32 $0xFFFFD800  }
0x41: {  	[spmem:s11] =	stream.linear.scatter [tilespmem:s25], [sflag:$0x9], $0x2800, $0x38;
	[tilespmem:$0x1FF80] =	vst v63  }
0x42: {  	_ =	swait.ge [sflag:s26], $0x2800  }
0x43: {  	[sflag:s26] =	ssyncset.done $0x0  }
0x44: {  	[sflag:s26] =	ssyncadd.s32 $0xFFFFD800  }
0x45: {  	[spmem:s12] =	stream.linear.scatter [tilespmem:s25], [sflag:$0x9], $0x2800, $0x38;
	[tilespmem:$0x1FF80] =	vst v63  }
0x46: {  	_ =	swait.ge [sflag:s26], $0x2800  }
0x47: {  	[sflag:s26] =	ssyncset.done $0x0  }
0x48: {  	[sflag:s26] =	ssyncadd.s32 $0xFFFFD800  }
0x49: {  	[spmem:s13] =	stream.linear.scatter [tilespmem:s25], [sflag:$0x9], $0x2800, $0x38;
	[tilespmem:$0x1FF80] =	vst v63  }
0x4a: {  	_ =	swait.ge [sflag:s26], $0x2800  }
0x4b: {  	[sflag:s26] =	ssyncset.done $0x0  }
0x4c: {  	[sflag:s26] =	ssyncadd.s32 $0xFFFFD800  }
0x4d: {  	[spmem:s14] =	stream.linear.scatter [tilespmem:s25], [sflag:$0x9], $0x2800, $0x38;
	[tilespmem:$0x1FF80] =	vst v63  }
0x4e: {  	_ =	swait.ge [sflag:s26], $0x2800  }
0x4f: {  	[sflag:s26] =	ssyncset.done $0x0  }
0x50: {  	s18 =	simm.s32 @!p0 $0x4F00;
	[sflag:s26] =	ssyncadd.s32 $0xFFFFD800  }
0x51: {  	[spmem:s15] =	stream.linear.scatter @!p0 [tilespmem:s18], [sflag:$0x9], $0x2800, $0x38;
	[tilespmem:$0x1FF80] =	vst v63  }
0x52: {  	s18 =	simm.s32 @!p0 $0x9  }
0x53: {  	_ =	swait.ge @!p0 [sflag:s18], $0x2800  }
0x54: {  	[sflag:s18] =	ssyncset.done @!p0 $0x0  }
0x55: {  	[sflag:s18] =	ssyncadd.s32 @!p0 $0xFFFFD800  }
0x56: {  	_ =	swait.ge [sflag:s28], $0x2710  }
0x57: {  	[sflag:s28] =	ssyncset.done $0x0  }
0x58: {  	[sflag:s28] =	ssyncadd.s32 $0xFFFFD8F0  }
0x59: {  	_ =	swait.ge [sflag:s29], $0x2710  }
0x5a: {  	[sflag:s29] =	ssyncset.done $0x0  }
0x5b: {  	[sflag:s29] =	ssyncadd.s32 $0xFFFFD8F0  }
0x5c: {  	s20 =	simm.s32 $0x0;
	[bflag:$0x0] =	sbarrier.arrive $0xFFFF  }
0x5d: {  	[tilespmem:s25], [sflag:$0x1] =	stream.indirect.gather [hbm4b:s1+s30], $0x80, s20, s30, $0xb8;
	[tilespmem:$0x1FF80] =	vst v63  }
0x5e: {  	_ = 	snop  }
0x5f: {  	[tilespmem:s31], [sflag:$0x2] =	stream.indirect.gather [hbm4b:s1+s30], $0x80, s30, s30, $0xb8;
	[tilespmem:$0x1FF80] =	vst v63  }
0x60: {  	_ =	swait.ge [sflag:s2], $0x2800  }
0x61: {  	[sflag:s2] =	ssyncset.done $0x0  }
0x62: {  	s19 =	simm.s32 $0x2780;
	[sflag:s2] =	ssyncadd.s32 $0xFFFFD800  }
0x63: {  	[spmem:s3] =	stream.indirect.scatter.add.f32 [tilespmem:s25], [sflag:$0x4], $0x80, s19, s30, $0xb8;
	[tilespmem:$0x1FF80] =	vst v63  }
0x64: {  	s20 =	simm.s32 $0xA0  }
0x65: {  	[tilespmem:s0], [sflag:$0x3] =	stream.indirect.gather [hbm4b:s1+s30], $0x80, s20, s30, $0xb8;
	[tilespmem:$0x1FF80] =	vst v63  }
0x66: {  	_ =	swait.ge [sflag:s4], $0x2800  }
0x67: {  	[sflag:s4] =	ssyncset.done $0x0  }
0x68: {  	s19 =	simm.s32 $0x27D0;
	[sflag:s4] =	ssyncadd.s32 $0xFFFFD800  }
0x69: {  	[spmem:s3] =	stream.indirect.scatter.add.f32 [tilespmem:s31], [sflag:$0x5], $0x80, s19, s30, $0xb8;
	[tilespmem:$0x1FF80] =	vst v63  }
0x6a: {  	_ =	swait.ge [sflag:s5], $0x2800  }
0x6b: {  	[sflag:s5] =	ssyncset.done $0x0  }
0x6c: {  	s20 =	simm.s32 $0xF0;
	[sflag:s5] =	ssyncadd.s32 $0xFFFFD800  }
0x6d: {  	[tilespmem:s25], [sflag:$0x1] =	stream.indirect.gather [hbm4b:s1+s30], $0x80, s20, s30, $0xb8;
	[tilespmem:$0x1FF80] =	vst v63  }
0x6e: {  	_ =	swait.ge [sflag:s6], $0x2800  }
0x6f: {  	[sflag:s6] =	ssyncset.done $0x0  }
0x70: {  	s19 =	simm.s32 $0x2820;
	[sflag:s6] =	ssyncadd.s32 $0xFFFFD800  }
0x71: {  	[spmem:s3] =	stream.indirect.scatter.add.f32 [tilespmem:s0], [sflag:$0x6], $0x80, s19, s30, $0xb8;
	[tilespmem:$0x1FF80] =	vst v63  }
0x72: {  	_ =	swait.ge [sflag:s7], $0x2800  }
0x73: {  	[sflag:s7] =	ssyncset.done $0x0  }
0x74: {  	s20 =	simm.s32 $0x140;
	[sflag:s7] =	ssyncadd.s32 $0xFFFFD800  }
0x75: {  	[tilespmem:s31], [sflag:$0x2] =	stream.indirect.gather [hbm4b:s1+s30], $0x80, s20, s30, $0xb8;
	[tilespmem:$0x1FF80] =	vst v63  }
0x76: {  	_ =	swait.ge [sflag:s2], $0x2800  }
0x77: {  	[sflag:s2] =	ssyncset.done $0x0  }
0x78: {  	s19 =	simm.s32 $0x2870;
	[sflag:s2] =	ssyncadd.s32 $0xFFFFD800  }
0x79: {  	[spmem:s3] =	stream.indirect.scatter.add.f32 [tilespmem:s25], [sflag:$0x4], $0x80, s19, s30, $0xb8;
	[tilespmem:$0x1FF80] =	vst v63  }
0x7a: {  	_ =	swait.ge [sflag:s16], $0x2800  }
0x7b: {  	[sflag:s16] =	ssyncset.done $0x0  }
0x7c: {  	s20 =	simm.s32 $0x190;
	[sflag:s16] =	ssyncadd.s32 $0xFFFFD800  }
0x7d: {  	[tilespmem:s0], [sflag:$0x3] =	stream.indirect.gather [hbm4b:s1+s30], $0x80, s20, s30, $0xb8;
	[tilespmem:$0x1FF80] =	vst v63  }
0x7e: {  	_ =	swait.ge [sflag:s4], $0x2800  }
0x7f: {  	[sflag:s4] =	ssyncset.done $0x0  }
0x80: {  	s19 =	simm.s32 $0x28C0;
	[sflag:s4] =	ssyncadd.s32 $0xFFFFD800  }
0x81: {  	[spmem:s3] =	stream.indirect.scatter.add.f32 [tilespmem:s31], [sflag:$0x5], $0x80, s19, s30, $0xb8;
	[tilespmem:$0x1FF80] =	vst v63  }
0x82: {  	_ =	swait.ge [sflag:s5], $0x2800  }
0x83: {  	[sflag:s5] =	ssyncset.done $0x0  }
0x84: {  	s20 =	simm.s32 $0x1E0;
	[sflag:s5] =	ssyncadd.s32 $0xFFFFD800  }
0x85: {  	[tilespmem:s25], [sflag:$0x1] =	stream.indirect.gather [hbm4b:s1+s30], $0x80, s20, s30, $0xb8;
	[tilespmem:$0x1FF80] =	vst v63  }
0x86: {  	_ =	swait.ge [sflag:s6], $0x2800  }
0x87: {  	[sflag:s6] =	ssyncset.done $0x0  }
0x88: {  	s18 =	simm.s32 $0x3C0;
	s19 =	simm.s32 $0x2910;
	[sflag:s6] =	ssyncadd.s32 $0xFFFFD800  }
.LBB2_4:
0x89: {  	[spmem:s3] =	stream.indirect.scatter.add.f32 [tilespmem:s0], [sflag:$0x6], $0x80, s19, s30, $0xb8;
	[tilespmem:$0x1FF80] =	vst v63  }
0x8a: {  	s19 =	smov.u32 s18  }
0x8b: {  	p1 =	sne.s32 s18, $0x9240;
	s18 =	sadd.s32 $0x3C0, s18;
	_ =	swait.ge [sflag:s7], $0x2800  }
0x8c: {  	s19 =	sshra.s32 s19, $0x2;
	[sflag:s7] =	ssyncset.done $0x0  }
0x8d: {  	s20 =	sadd.s32 $0x140, s19;
	[sflag:s7] =	ssyncadd.s32 $0xFFFFD800  }
0x8e: {  	[tilespmem:s31], [sflag:$0x2] =	stream.indirect.gather [hbm4b:s1+s30], $0x80, s20, s30, $0xb8;
	[tilespmem:$0x1FF80] =	vst v63  }
0x8f: {  	_ =	swait.ge [sflag:s2], $0x2800  }
0x90: {  	[sflag:s2] =	ssyncset.done $0x0  }
0x91: {  	s20 =	sadd.s32 $0x2870, s19;
	[sflag:s2] =	ssyncadd.s32 $0xFFFFD800  }
0x92: {  	[spmem:s3] =	stream.indirect.scatter.add.f32 [tilespmem:s25], [sflag:$0x4], $0x80, s20, s30, $0xb8;
	[tilespmem:$0x1FF80] =	vst v63  }
0x93: {  	_ =	swait.ge [sflag:s16], $0x2800  }
0x94: {  	[sflag:s16] =	ssyncset.done $0x0  }
0x95: {  	s20 =	sadd.s32 $0x190, s19;
	[sflag:s16] =	ssyncadd.s32 $0xFFFFD800  }
0x96: {  	[tilespmem:s0], [sflag:$0x3] =	stream.indirect.gather [hbm4b:s1+s30], $0x80, s20, s30, $0xb8;
	[tilespmem:$0x1FF80] =	vst v63  }
0x97: {  	_ =	swait.ge [sflag:s4], $0x2800  }
0x98: {  	[sflag:s4] =	ssyncset.done $0x0  }
0x99: {  	s20 =	sadd.s32 $0x28C0, s19;
	[sflag:s4] =	ssyncadd.s32 $0xFFFFD800  }
0x9a: {  	[spmem:s3] =	stream.indirect.scatter.add.f32 [tilespmem:s31], [sflag:$0x5], $0x80, s20, s30, $0xb8;
	[tilespmem:$0x1FF80] =	vst v63  }
0x9b: {  	_ =	swait.ge [sflag:s5], $0x2800  }
0x9c: {  	[sflag:s5] =	ssyncset.done $0x0  }
.Ltmp1:
0x9d: {  	s20 =	sadd.s32 $0x1E0, s19;
	[sflag:s5] =	ssyncadd.s32 $0xFFFFD800;
	(pc) =	sbr.rel @p1 .LBB2_4-.Ltmp1, $4  }
0x9e: {  	[tilespmem:s25], [sflag:$0x1] =	stream.indirect.gather [hbm4b:s1+s30], $0x80, s20, s30, $0xb8;
	[tilespmem:$0x1FF80] =	vst v63  }
0x9f: {  	_ =	swait.ge [sflag:s6], $0x2800  }
0xa0: {  	[sflag:s6] =	ssyncset.done $0x0  }
0xa1: {  	s19 =	sadd.s32 $0x2910, s19;
	[sflag:s6] =	ssyncadd.s32 $0xFFFFD800  }
0xa2: {  	[spmem:s3] =	stream.indirect.scatter.add.f32 [tilespmem:s0], [sflag:$0x6], $0x80, s19, s30, $0xb8;
	[tilespmem:$0x1FF80] =	vst v63  }
0xa3: {  	_ =	swait.ge [sflag:s7], $0x2800  }
0xa4: {  	[sflag:s7] =	ssyncset.done $0x0  }
0xa5: {  	s18 =	simm.s32 $0x26C0;
	[sflag:s7] =	ssyncadd.s32 $0xFFFFD800  }
0xa6: {  	[tilespmem:s31], [sflag:$0x2] =	stream.indirect.gather [hbm4b:s1+s30], $0x80, s18, s30, $0xb8;
	[tilespmem:$0x1FF80] =	vst v63  }
0xa7: {  	_ =	swait.ge [sflag:s2], $0x2800  }
0xa8: {  	[sflag:s2] =	ssyncset.done $0x0  }
0xa9: {  	s19 =	simm.s32 $0x4DF0;
	[sflag:s2] =	ssyncadd.s32 $0xFFFFD800  }
0xaa: {  	[spmem:s3] =	stream.indirect.scatter.add.f32 [tilespmem:s25], [sflag:$0x4], $0x80, s19, s30, $0xb8;
	[tilespmem:$0x1FF80] =	vst v63  }
0xab: {  	_ =	swait.ge [sflag:s16], $0x2800  }
0xac: {  	[sflag:s16] =	ssyncset.done $0x0  }
0xad: {  	[sflag:s16] =	ssyncadd.s32 $0xFFFFD800  }
0xae: {  	_ =	swait.ge [sflag:s4], $0x2800  }
0xaf: {  	[sflag:s4] =	ssyncset.done $0x0  }
0xb0: {  	s20 =	simm.s32 $0x4E40;
	[sflag:s4] =	ssyncadd.s32 $0xFFFFD800  }
0xb1: {  	[spmem:s3] =	stream.indirect.scatter.add.f32 [tilespmem:s31], [sflag:$0x5], $0x80, s20, s30, $0xb8;
	[tilespmem:$0x1FF80] =	vst v63  }
0xb2: {  	_ =	swait.ge [sflag:s5], $0x2800  }
0xb3: {  	[sflag:s5] =	ssyncset.done $0x0  }
0xb4: {  	[sflag:s5] =	ssyncadd.s32 $0xFFFFD800  }
0xb5: {  	_ =	swait.ge [sflag:s7], $0x2800  }
0xb6: {  	[sflag:s7] =	ssyncset.done $0x0  }
0xb7: {  	s19 =	stileid.u32;
	[sflag:s7] =	ssyncadd.s32 $0xFFFFD800  }
0xb8: {  	s18 =	sshll.u32 s19, $0x6;
	[bflag:$0x0] =	sbarrier.arrive $0xFFFF  }
0xb9: {  	s19 =	sshrl.u32 s8, $0x3;
	s18 =	sor.u32 $0x1C09, s18;
	s20 =	rddreg [dreg:$0x7]  }
0xba: {  	[hbm:s20], [sflag:s18] =	dma.local [spmem:s19], $0x500  }
0xbb: {  	_ =	swait.ge [sflag:s26], $0x500  }
0xbc: {  	[sflag:s26] =	ssyncset.done $0x0  }
0xbd: {  	s19 =	sshrl.u32 s9, $0x3;
	s20 =	rddreg [dreg:$0x8];
	[sflag:s26] =	ssyncadd.s32 $0xFFFFFB00  }
0xbe: {  	[hbm:s20], [sflag:s18] =	dma.local [spmem:s19], $0x500  }
0xbf: {  	_ =	swait.ge [sflag:s26], $0x500  }
0xc0: {  	[sflag:s26] =	ssyncset.done $0x0  }
0xc1: {  	s19 =	sshrl.u32 s10, $0x3;
	s20 =	rddreg [dreg:$0x9];
	[sflag:s26] =	ssyncadd.s32 $0xFFFFFB00  }
0xc2: {  	[hbm:s20], [sflag:s18] =	dma.local [spmem:s19], $0x500  }
0xc3: {  	_ =	swait.ge [sflag:s26], $0x500  }
0xc4: {  	[sflag:s26] =	ssyncset.done $0x0  }
0xc5: {  	s19 =	sshrl.u32 s11, $0x3;
	s20 =	rddreg [dreg:$0xa];
	[sflag:s26] =	ssyncadd.s32 $0xFFFFFB00  }
0xc6: {  	[hbm:s20], [sflag:s18] =	dma.local [spmem:s19], $0x500  }
0xc7: {  	_ =	swait.ge [sflag:s26], $0x500  }
0xc8: {  	[sflag:s26] =	ssyncset.done $0x0  }
0xc9: {  	s20 =	sshrl.u32 s12, $0x3;
	[sflag:s26] =	ssyncadd.s32 $0xFFFFFB00  }
0xca: {  	[hbm:s21], [sflag:s18] =	dma.local [spmem:s20], $0x500  }
0xcb: {  	_ =	swait.ge [sflag:s26], $0x500  }
0xcc: {  	[sflag:s26] =	ssyncset.done $0x0  }
0xcd: {  	s20 =	sshrl.u32 s13, $0x3;
	[sflag:s26] =	ssyncadd.s32 $0xFFFFFB00  }
0xce: {  	[hbm:s22], [sflag:s18] =	dma.local [spmem:s20], $0x500  }
0xcf: {  	_ =	swait.ge [sflag:s26], $0x500  }
0xd0: {  	[sflag:s26] =	ssyncset.done $0x0  }
0xd1: {  	s20 =	sshrl.u32 s14, $0x3;
	[sflag:s26] =	ssyncadd.s32 $0xFFFFFB00  }
0xd2: {  	[hbm:s23], [sflag:s18] =	dma.local [spmem:s20], $0x500  }
0xd3: {  	_ =	swait.ge [sflag:s26], $0x500  }
0xd4: {  	[sflag:s26] =	ssyncset.done $0x0  }
0xd5: {  	s19 =	sshrl.u32 @!p0 s15, $0x3;
	[sflag:s26] =	ssyncadd.s32 $0xFFFFFB00  }
0xd6: {  	[hbm:s24], [sflag:s18] =	dma.local @!p0 [spmem:s19], $0x500  }
0xd7: {  	s18 =	simm.s32 @!p0 $0x9  }
0xd8: {  	_ =	swait.ge @!p0 [sflag:s18], $0x500  }
0xd9: {  	s17 =	sadd.s32 $0x1, s17;
	s20 =	rddreg [dreg:$0x6]  }
0xda: {  	p1 =	sne.s32 s17, s20  }
.Ltmp2:
0xdb: {  	_ = 	snop;
	(pc) =	sbr.rel @p1 .LBB2_1-.Ltmp2, $3  }
0xdc: {  	_ =	sdelay $0x1  }
0xdd: {  	[sflag:s18] =	ssyncset.done @!p0 $0x0  }
0xde: {  	[sflag:s18] =	ssyncadd.s32 @!p0 $0xFFFFFB00  }
0xdf: {  	_ =	sfence.sel $0x180000  }
0xe0: {  	[bflag:$0x0] =	sbarrier.arrive $0xFFFF  }
0xe1: {  	_ =	strace $0x9000004A  }
0xe2: {  	s0 =	stileid.u32;
	[bflag:$0x2] =	sbarrier.arrive $0xFFFF  }
0xe3: {  	p0 =	sne.s32 s0, $0x0;
	s0 =	rddreg [dreg:$0x3]  }
0xe4: {  	s0 =	sadd.s32 @!p0 $0x100000, s0  }
0xe5: {  	[sflag:s0] =	ssyncadd.tile.s32 @!p0 $0x1;
	_ =	shalt  }
.Lfunc_end2:
_tile_overlayer_lowered:
.L_overlay_start_2:
0xe6: {  	(tag) =	ssettag $0x2  }
0xe7: {  	s0 =	rddreg [dreg:$0x0];
	s2 =	stileid.u32  }
0xe8: {  	s1 =	rddreg [dreg:$0x1];
	p0 =	sne.s32 s2, $0x0  }
0xe9: {  	s3 =	rddreg [dreg:$0x2];
	[bflag:$0x3] =	sbarrier.arrive $0xFFFF;
	s2 =	simm.s32 @!p0 $0x1C09  }
0xea: {  	[timem:s3], [sflag:s2] =	dma.local @!p0 [hbm:s0], s1  }
0xeb: {  	s0 =	simm.s32 @!p0 $0x9  }
0xec: {  	_ =	swait.ge @!p0 [sflag:s0], s1  }
0xed: {  	s1 =	ssub.s32 @!p0 $0x0, s1;
	[sflag:s0] =	ssyncset.done @!p0 $0x0  }
0xee: {  	[sflag:s0] =	ssyncadd.s32 @!p0 s1  }
0xef: {  	[bflag:$0x3] =	sbarrier.arrive $0xFFFF  }
0xf0: {  	_ =	shalt  }

// kernel: kernel.14.cloned.1.call-start
scs
__scs_entry_jumppad:
0x0: {  	(pc) =	sbr.rel $0x88, $3  }
0x1: {  	(tag) =	ssettag $0x0;
	lr =	simm.s32 $0x1  }
0x2: {  	[smem:$0x3F9B] =	sst lr;
	_ =	strace $0xD0000000  }
0x3: {  	_ = 	snop  }
0x4: {  	_ = 	snop  }
0x5: {  	_ = 	snop  }
0x6: {  	_ = 	snop  }
0x7: {  	_ = 	snop  }
__scs_overlays_trampoline_lowered:
0x8: {  	[smem:$0x3FAA] =	sst s0  }
0x9: {  	[smem:$0x3FAB] =	sst s1  }
0xa: {  	[smem:$0x3FAC] =	sst s2  }
0xb: {  	[smem:$0x3FAD] =	sst s3  }
0xc: {  	[smem:$0x3FAE] =	sst s4  }
0xd: {  	[smem:$0x3FAF] =	sst s5  }
0xe: {  	[smem:$0x3FB0] =	sst s6  }
0xf: {  	[smem:$0x3FB1] =	sst s7  }
0x10: {  	[smem:$0x3FB2] =	sst s8  }
0x11: {  	[smem:$0x3FB3] =	sst s9;
	s0 =	simm.s32 @!p0 $0x0  }
0x12: {  	s1 =	sld [smem:$0x3F99];
	s0 =	simm.s32 @p0 $0x1  }
0x13: {  	[smem:$0x3FB4] =	sst s0;
	s0 =	simm.s32 @!p1 $0x0  }
0x14: {  	s2 =	sld [smem:$0x3F98];
	s0 =	simm.s32 @p1 $0x1  }
0x15: {  	[smem:$0x3FB5] =	sst s0;
	s0 =	simm.s32 @!p2 $0x0  }
0x16: {  	s3 =	sld [smem:$0x3FDB];
	s0 =	simm.s32 @p2 $0x1  }
0x17: {  	s4 =	simm.s32 $0x1BF5;
	[smem:$0x3FB7] =	sst s0  }
0x18: {  	s0 =	sld [smem:$0x3F9A];
	_ =	swait.ge [sflag:s4], $0x0  }
0x19: {  	s7 =	sld [smem:$0x3F9B]  }
0x1a: {  	s8 =	sadd.s32 $0xFFFFE003, lr  }
0x1b: {  	s9 =	sadd.s32 $0xFFFFFEF7, lr;
	s5 =	simm.s32 $0xFFFFFFFF;
	p2 =	slt.u32 s8, $0xFFFFF086  }
0x1c: {  	p1 =	slt.u32 s9, $0xF7A;
	s5 =	simm.s32 @!p2 $0x0  }
0x1d: {  	s5 =	simm.s32 @p1 $0x1;
	p0 =	seq.s32 s7, s2  }
0x1e: {  	s7 =	smul.u32 @!p0 $0xF7A, s2;
	p2 =	seq.s32 @!p0 s5, $0x0  }
0x1f: {  	s9 =	smul.u32 $0xF7A, s1;
	s8 =	simm.s32 @!p0 $0x1BF5;
	p2 =	por !p2, p0  }
0x20: {  	[sflag:s8] =	ssyncset.s32 @!p0 $0xFFFFF086;
	s6 =	sadd.s32 @!p0 s3, s7;
	s7 =	simm.s32 @!p0 $0x108  }
0x21: {  	s3 =	sadd.s32 s3, s9;
	s6 =	sadd.s32 @!p0 $0x88, s6;
	s7 =	simm.s32 @p2 $0x1082  }
0x22: {  	[simem:s7], [sflag:s8] =	dma.local @!p0 [hbm:s6], $0xF7A  }
0x23: {  	s9 =	sor.u32 $0xD0000000, s2;
	s6 =	simm.s32 $0x108;
	_ =	swait.ge @!p0 [sflag:s8], $0x0  }
0x24: {  	s3 =	sadd.s32 $0x88, s3;
	s6 =	simm.s32 @!p1 $0x1082;
	[sflag:s4] =	ssyncset.s32 $0xFFFFF086  }
0x25: {  	[simem:s6], [sflag:s4] =	dma.local [hbm:s3], $0xF7A  }
0x26: {  	[smem:$0x3F9B] =	sst s1;
	(tag) =	ssettag s2;
	_ =	strace s9  }
0x27: {  	s1 =	sld [smem:$0x3FAB]  }
0x28: {  	s2 =	sld [smem:$0x3FAC]  }
0x29: {  	s4 =	sld [smem:$0x3FAE]  }
0x2a: {  	p0 =	seq.s32 s5, $0x0;
	s5 =	sld [smem:$0x3FAF]  }
0x2b: {  	s6 =	sld [smem:$0x3FB0]  }
0x2c: {  	s7 =	sld [smem:$0x3FB1]  }
0x2d: {  	s3 =	simm.s32 $0x108;
	s8 =	sld [smem:$0x3FB2]  }
0x2e: {  	s3 =	simm.s32 @!p0 $0x1082;
	s9 =	sld [smem:$0x3FB3]  }
0x2f: {  	lr =	sadd.s32 s0, s3;
	s0 =	sld [smem:$0x3FAA]  }
0x30: {  	s3 =	sld [smem:$0x3FAD]  }
0x31: {  	[smem:$0x3FB6] =	sst s10  }
0x32: {  	s10 =	sld [smem:$0x3FB4];
	_ =	sdelay $0x3  }
0x33: {  	p0 =	seq.s32 s10, $0x1;
	s10 =	sld [smem:$0x3FB6];
	_ =	sdelay $0x3  }
0x34: {  	[smem:$0x3FB6] =	sst s10  }
0x35: {  	s10 =	sld [smem:$0x3FB5];
	_ =	sdelay $0x3  }
0x36: {  	p1 =	seq.s32 s10, $0x1;
	s10 =	sld [smem:$0x3FB6];
	_ =	sdelay $0x3  }
0x37: {  	[smem:$0x3FB6] =	sst s10  }
0x38: {  	s10 =	sld [smem:$0x3FB7]  }
0x39: {  	_ = 	snop;
	(pc) =	sbr.ind lr, $3  }
0x3a: {  	_ = 	snop  }
0x3b: {  	_ = 	snop  }
0x3c: {  	p2 =	seq.s32 s10, $0x1;
	s10 =	sld [smem:$0x3FB6]  }
0x3d: {  	_ =	shalt  }
0x3e: {  	_ =	shalt  }
0x3f: {  	_ =	shalt  }
0x40: {  	_ =	shalt  }
0x41: {  	_ =	shalt  }
0x42: {  	_ =	shalt  }
0x43: {  	_ =	shalt  }
0x44: {  	_ =	shalt  }
0x45: {  	_ =	shalt  }
0x46: {  	_ =	shalt  }
0x47: {  	_ =	shalt  }
0x48: {  	_ =	shalt  }
0x49: {  	_ =	shalt  }
0x4a: {  	_ =	shalt  }
0x4b: {  	_ =	shalt  }
0x4c: {  	_ =	shalt  }
0x4d: {  	_ =	shalt  }
0x4e: {  	_ =	shalt  }
0x4f: {  	_ =	shalt  }
0x50: {  	_ =	shalt  }
0x51: {  	_ =	shalt  }
0x52: {  	_ =	shalt  }
0x53: {  	_ =	shalt  }
0x54: {  	_ =	shalt  }
0x55: {  	_ =	shalt  }
0x56: {  	_ =	shalt  }
0x57: {  	_ =	shalt  }
0x58: {  	_ =	shalt  }
0x59: {  	_ =	shalt  }
0x5a: {  	_ =	shalt  }
0x5b: {  	_ =	shalt  }
0x5c: {  	_ =	shalt  }
0x5d: {  	_ =	shalt  }
0x5e: {  	_ =	shalt  }
0x5f: {  	_ =	shalt  }
0x60: {  	_ =	shalt  }
0x61: {  	_ =	shalt  }
0x62: {  	_ =	shalt  }
0x63: {  	_ =	shalt  }
0x64: {  	_ =	shalt  }
0x65: {  	_ =	shalt  }
0x66: {  	_ =	shalt  }
0x67: {  	_ =	shalt  }
0x68: {  	_ =	shalt  }
0x69: {  	_ =	shalt  }
0x6a: {  	_ =	shalt  }
0x6b: {  	_ =	shalt  }
0x6c: {  	_ =	shalt  }
0x6d: {  	_ =	shalt  }
0x6e: {  	_ =	shalt  }
0x6f: {  	_ =	shalt  }
0x70: {  	_ =	shalt  }
0x71: {  	_ =	shalt  }
0x72: {  	_ =	shalt  }
0x73: {  	_ =	shalt  }
0x74: {  	_ =	shalt  }
0x75: {  	_ =	shalt  }
0x76: {  	_ =	shalt  }
0x77: {  	_ =	shalt  }
0x78: {  	_ =	shalt  }
0x79: {  	_ =	shalt  }
0x7a: {  	_ =	shalt  }
0x7b: {  	_ =	shalt  }
0x7c: {  	_ =	shalt  }
0x7d: {  	_ =	shalt  }
0x7e: {  	_ =	shalt  }
0x7f: {  	_ =	shalt  }
0x80: {  	_ =	shalt  }
0x81: {  	_ =	shalt  }
0x82: {  	_ =	shalt  }
0x83: {  	_ =	shalt  }
0x84: {  	_ =	shalt  }
0x85: {  	_ =	shalt  }
0x86: {  	_ =	shalt  }
0x87: {  	_ =	shalt  }
.Lfunc_end0:
.L_simem_size_0:
called_computation.2_lowered:
.L_overlay_start_0:
0x88: {  	s2 =	sld [smem:$0x3FD9]  }
0x89: {  	s3 =	sld [smem:$0x3FFE];
	_ =	sdelay $0x1  }
0x8a: {  	s1 =	srdreg.scid  }
0x8b: {  	s0 =	sand.u32 $0x1, s1  }
0x8c: {  	s17 =	sshll.u32 s0, $0xA;
	s2 =	sadd.s32 s3, s2  }
0x8d: {  	s2 =	sadd.s32 s2, s17  }
0x8e: {  	[smem:$0x3FC2] =	sst s2  }
0x8f: {  	_ = 	snop  }
0x90: {  	s2 =	sld [smem:$0x3FD0];
	(tm) =	ssettm $0x1  }
0x91: {  	s18 =	sld [smem:$0x3FFB];
	_ =	sdelay $0x3  }
0x92: {  	_ =	strace s18  }
0x93: {  	s3 =	sld [smem:$0x3FFC];
	_ =	sdelay $0x3  }
0x94: {  	_ =	strace s3  }
0x95: {  	s3 =	sld [smem:$0x3FFD];
	_ =	sdelay $0x3  }
0x96: {  	_ =	strace s3  }
0x97: {  	_ =	strace $0x8FFFFFFF  }
0x98: {  	s19 =	sld [smem:$0x3FDB];
	_ =	sdelay $0x1  }
0x99: {  	s4 =	simm.s32 $_scs_section_size  }
0x9a: {  	s5 =	simm.s32 $_size__tile_overlayer_lowered;
	s6 =	simm.s32 $_tile_overlayer_lowered  }
0x9b: {  	s22 =	simm.s32 $0x1BFF;
	s21 =	sshll.u32 s6, $0x1;
	s3 =	sadd.s32 s4, s19  }
0x9c: {  	s7 =	simm.s32 $0x0;
	s20 =	sshll.u32 s5, $0x1;
	s5 =	sadd.s32 s21, s3  }
0x9d: {  	[timem:s7], [sflag:s22] =	dma.local [hbm:s5], s20  }
0x9e: {  	_ =	swait.ge [sflag:s22], s20  }
0x9f: {  	s4 =	ssub.s32 $0x0, s20;
	[sflag:s22] =	ssyncset.done $0x0  }
0xa0: {  	[sflag:s22] =	ssyncadd.s32 s4;
	_ =	sdelay $0x1  }
0xa1: {  	s23 =	simm.s32 $0x1B8B  }
0xa2: {  	_ =	swait.ge [sflag:s23], $0x1  }
0xa3: {  	[sflag:s23] =	ssyncset.done $0x0  }
0xa4: {  	s25 =	simm.s32 $0x1B8E;
	s24 =	sld [smem:$0x3FFE];
	[sflag:s23] =	ssyncadd.s32 $0xFFFFFFFF  }
0xa5: {  	s26 =	simm.s32 $execute0_lowered;
	[smem:$0x3FD2] =	sst s25  }
0xa6: {  	s5 =	sshll.u32 s26, $0x1;
	_ =	strace $0x8000004C;
	[dreg:$0x1] =	wrdreg $0xFFFFFFFF  }
0xa7: {  	s28 =	simm.s32 $_size_execute0_lowered;
	s3 =	sadd.s32 s3, s5;
	[dreg:$0x0] =	wrdreg $0x0  }
0xa8: {  	s5 =	sshll.u32 s28, $0x1;
	[dreg:$0x2] =	wrdreg s3  }
0xa9: {  	[dreg:$0x3] =	wrdreg s5  }
0xaa: {  	[dreg:$0x4] =	wrdreg $0xC0  }
0xab: {  	_ =	task [dreg:s7], $0x5FFFF  }
0xac: {  	[dreg:$0x1] =	wrdreg $0xFFFFFFFF  }
0xad: {  	[dreg:$0x0] =	wrdreg $0x60  }
0xae: {  	[dreg:$0x2] =	wrdreg s2  }
0xaf: {  	[dreg:$0x3] =	wrdreg s24  }
0xb0: {  	[dreg:$0x4] =	wrdreg $0xC7000  }
0xb1: {  	[dreg:$0x5] =	wrdreg $0x9  }
0xb2: {  	_ =	task.clear_ibuf [dreg:s7], $0x6FFFF;
	_ =	strace $0x9000004C  }
0xb3: {  	s29 =	simm.s32 $0x9;
	_ =	strace $0x8000004E  }
0xb4: {  	_ =	swait.ge [sflag:s29], $0x1  }
0xb5: {  	[sflag:s29] =	ssyncadd.s32 $0xFFFFFFFF  }
0xb6: {  	_ =	strace $0x9000004E  }
0xb7: {  	_ =	sfence  }
0xb8: {  	s30 =	sld [smem:$0x0];
	_ =	sdelay $0x2  }
0xb9: {  	s31 =	sshll.u32 s1, $0xD;
	s1 =	sshrl.u32 s1, $0x2  }
0xba: {  	s3 =	sand.u32 $0x4000, s31;
	s1 =	sadd.s32 s1, s30  }
0xbb: {  	s0 =	sor.u32 s3, s0;
	s1 =	sshll.u32 s1, $0x11  }
0xbc: {  	s0 =	sor.u32 s1, s0  }
0xbd: {  	s0 =	sadd.s32 $0x8F2B, s0  }
0xbe: {  	[sflag:s0] =	ssyncadd.remote.s32 $0x1  }
0xbf: {  	_ =	sfence.sel $0xFFFF  }
0xc0: {  	[dreg:$0x0] =	wrdreg $0xFFFFFFFF;
	(pc) =	sbr.abs _section_cstart, $3  }
0xc1: {  	[dreg:$0x1] =	wrdreg $0xFFFFFFFF  }
0xc2: {  	_ =	task.clear_ibuf [dreg:s7], $0x2FFFF;
	_ =	strace $0x9FFFFFFF  }
0xc3: {  	(tm) =	ssettm $0x7FFFFFFF  }
tec
execute0_lowered:
.L_overlay_start_1:
0x0: {  	(tag) =	ssettag $0x1  }
0x1: {  	s0 =	srdreg.scid;
	s1 =	rddreg [dreg:$0x0]  }
0x2: {  	s2 =	rddreg [dreg:$0x1];
	s9 =	stileid.u32  }
0x3: {  	s3 =	rddreg [dreg:$0x2];
	s5 =	simm.s32 $0x0;
	s28 =	simm.s32 $0x7  }
0x4: {  	s29 =	simm.s32 $0x8;
	s0 =	sand.u32 $0x1, s0;
	s20 =	smul.u32 $0xA000, s9  }
0x5: {  	s30 =	simm.s32 $0x50;
	s6 =	sor.u32 $0x10, s9;
	s19 =	smul.u32 $0x27100, s0  }
0x6: {  	s31 =	simm.s32 $0x7700;
	s11 =	sor.u32 $0x20, s9;
	s7 =	smul.u32 $0xA000, s6  }
0x7: {  	[smem:$0x7FF] =	sst s5;
	s12 =	sor.u32 $0x30, s9;
	s10 =	smul.u32 $0xA000, s11  }
0x8: {  	s14 =	sor.u32 $0x40, s9;
	s16 =	sor.u32 $0x50, s9;
	s13 =	smul.u32 $0xA000, s12  }
0x9: {  	s17 =	sor.u32 $0x60, s9;
	s5 =	simm.s32 $0x4;
	s15 =	smul.u32 $0xA000, s14  }
0xa: {  	s4 =	sshll.u32 s0, $0x4;
	_ =	strace $0x8000004D;
	s18 =	smul.u32 $0xA000, s17  }
0xb: {  	s0 =	ssub.s32 $0x2, s0;
	s6 =	smul.u32 $0x500, s6;
	s4 =	sor.u32 s9, s4  }
0xc: {  	s8 =	sshrl.u32 s0, $0x1;
	s22 =	sshrl.u32 s20, $0x2;
	s20 =	smul.u32 $0x500, s11  }
0xd: {  	s4 =	smul.u32 $0x4E2, s4;
	s0 =	ssub.s32 s0, s8;
	s8 =	sadd.s32 s22, s3  }
0xe: {  	s24 =	sshrl.u32 s7, $0x2;
	s7 =	smul.u32 $0x500, s9;
	s25 =	sshrl.u32 s10, $0x2  }
0xf: {  	s26 =	sshrl.u32 s13, $0x2;
	s13 =	sshrl.u32 s15, $0x2;
	s22 =	sshrl.u32 s18, $0x2  }
0x10: {  	s0 =	smax.u32 s0, $0x1;
	s10 =	sadd.s32 s25, s3;
	s11 =	sadd.s32 s26, s3  }
0x11: {  	s4 =	sadd.s32 s4, s2;
	s2 =	sadd.s32 s19, s2;
	s19 =	sor.u32 $0x70, s9  }
0x12: {  	[dreg:$0x6] =	wrdreg s0;
	s9 =	sadd.s32 s24, s3;
	s24 =	smul.u32 $0x500, s17  }
0x13: {  	s17 =	simm.s32 $0x0;
	s21 =	sadd.s32 $0xBE00, s4;
	s23 =	smul.u32 $0xA000, s19  }
0x14: {  	s4 =	sadd.s32 $0x2000, s4;
	s2 =	sadd.s32 $0x15C00, s2;
	s0 =	smul.u32 $0x500, s19  }
0x15: {  	p0 =	sgt.u32 s19, $0x7C;
	[dreg:$0x5] =	wrdreg s4;
	s4 =	smul.u32 $0xA000, s16  }
0x16: {  	[dreg:$0x4] =	wrdreg s21;
	s21 =	smul.u32 $0x500, s12;
	s7 =	sadd.s32 s7, s2  }
0x17: {  	s12 =	sadd.s32 s13, s3;
	s6 =	sadd.s32 s6, s2;
	[dreg:$0x7] =	wrdreg s7  }
0x18: {  	s16 =	smul.u32 $0x500, s16;
	s25 =	sadd.s32 s20, s2;
	[dreg:$0x8] =	wrdreg s6  }
0x19: {  	s23 =	sshrl.u32 s23, $0x2;
	[dreg:$0x9] =	wrdreg s25;
	s25 =	simm.s32 $0x4F00  }
0x1a: {  	s6 =	simm.s32 $0x3;
	s7 =	simm.s32 $0x5;
	s15 =	sshrl.u32 s4, $0x2  }
0x1b: {  	s4 =	smul.u32 $0x500, s14;
	s14 =	sadd.s32 s22, s3;
	s26 =	sadd.s32 s21, s2  }
0x1c: {  	s22 =	sadd.s32 s16, s2;
	s16 =	simm.s32 $0x6;
	s13 =	sadd.s32 s15, s3  }
0x1d: {  	s15 =	sadd.s32 s23, s3;
	[dreg:$0xa] =	wrdreg s26;
	s23 =	sadd.s32 s24, s2  }
0x1e: {  	s24 =	sadd.s32 @!p0 s0, s2;
	s26 =	simm.s32 $0x9;
	s0 =	simm.s32 $0x9F00  }
0x1f: {  	v0 =	vimm.f32 $0.0e+00;
	s21 =	sadd.s32 s4, s2;
	s2 =	simm.s32 $0x1;
	s4 =	simm.s32 $0x2  }
.LBB2_1:
0x20: {  	s18 =	simm.s32 $0x0;
	s19 =	rddreg [dreg:$0x4]  }
0x21: {  	[tilespmem:s18], [sflag:$0x7] =	stream.linear.gather [hbm4b:s19+s18], $0x2710, $0x38;
	[tilespmem:$0x1FF80] =	vst v63  }
0x22: {  	s20 =	simm.s32 $0x2780;
	s19 =	rddreg [dreg:$0x5]  }
0x23: {  	[tilespmem:s20], [sflag:$0x8] =	stream.linear.gather [hbm4b:s19+s18], $0x2710, $0x38;
	[tilespmem:$0x1FF80] =	vst v63  }
0x24: {  	s18 =	simm.s32 $0x0;
	s19 =	simm.s32 $0x200  }
.LBB2_2:
0x25: {  	p1 =	sne.s32 s19, $0x9E00;
	[tilespmem:s18+$0x4F70] =	vst v0  }
0x26: {  	[tilespmem:s18+$0x4F00] =	vst v0  }
0x27: {  	[tilespmem:s18+$0x4F10] =	vst v0  }
.Ltmp0:
0x28: {  	[tilespmem:s18+$0x4F20] =	vst v0;
	(pc) =	sbr.rel @p1 .LBB2_2-.Ltmp0, $4  }
0x29: {  	[tilespmem:s18+$0x4F30] =	vst v0  }
0x2a: {  	[tilespmem:s18+$0x4F40] =	vst v0  }
0x2b: {  	[tilespmem:s18+$0x4F50] =	vst v0  }
0x2c: {  	[tilespmem:s18+$0x4F60] =	vst v0;
	s18 =	sshra.s32 s19, $0x2;
	s19 =	sadd.s32 $0x200, s19  }
0x2d: {  	[tilespmem:s18+$0x4F70] =	vst v0  }
0x2e: {  	[tilespmem:s18+$0x4F00] =	vst v0  }
0x2f: {  	[tilespmem:s18+$0x4F10] =	vst v0  }
0x30: {  	[tilespmem:s18+$0x4F20] =	vst v0  }
0x31: {  	[tilespmem:s18+$0x4F30] =	vst v0  }
0x32: {  	[tilespmem:s18+$0x4F40] =	vst v0  }
0x33: {  	[tilespmem:s18+$0x4F50] =	vst v0  }
0x34: {  	[tilespmem:s18+$0x4F60] =	vst v0  }
0x35: {  	[spmem:s8] =	stream.linear.scatter [tilespmem:s25], [sflag:$0x9], $0x2800, $0x38;
	[tilespmem:$0x1FF80] =	vst v63  }
0x36: {  	_ =	swait.ge [sflag:s26], $0x2800  }
0x37: {  	[sflag:s26] =	ssyncset.done $0x0  }
0x38: {  	[sflag:s26] =	ssyncadd.s32 $0xFFFFD800  }
0x39: {  	[spmem:s9] =	stream.linear.scatter [tilespmem:s25], [sflag:$0x9], $0x2800, $0x38;
	[tilespmem:$0x1FF80] =	vst v63  }
0x3a: {  	_ =	swait.ge [sflag:s26], $0x2800  }
0x3b: {  	[sflag:s26] =	ssyncset.done $0x0  }
0x3c: {  	[sflag:s26] =	ssyncadd.s32 $0xFFFFD800  }
0x3d: {  	[spmem:s10] =	stream.linear.scatter [tilespmem:s25], [sflag:$0x9], $0x2800, $0x38;
	[tilespmem:$0x1FF80] =	vst v63  }
0x3e: {  	_ =	swait.ge [sflag:s26], $0x2800  }
0x3f: {  	[sflag:s26] =	ssyncset.done $0x0  }
0x40: {  	[sflag:s26] =	ssyncadd.s32 $0xFFFFD800  }
0x41: {  	[spmem:s11] =	stream.linear.scatter [tilespmem:s25], [sflag:$0x9], $0x2800, $0x38;
	[tilespmem:$0x1FF80] =	vst v63  }
0x42: {  	_ =	swait.ge [sflag:s26], $0x2800  }
0x43: {  	[sflag:s26] =	ssyncset.done $0x0  }
0x44: {  	[sflag:s26] =	ssyncadd.s32 $0xFFFFD800  }
0x45: {  	[spmem:s12] =	stream.linear.scatter [tilespmem:s25], [sflag:$0x9], $0x2800, $0x38;
	[tilespmem:$0x1FF80] =	vst v63  }
0x46: {  	_ =	swait.ge [sflag:s26], $0x2800  }
0x47: {  	[sflag:s26] =	ssyncset.done $0x0  }
0x48: {  	[sflag:s26] =	ssyncadd.s32 $0xFFFFD800  }
0x49: {  	[spmem:s13] =	stream.linear.scatter [tilespmem:s25], [sflag:$0x9], $0x2800, $0x38;
	[tilespmem:$0x1FF80] =	vst v63  }
0x4a: {  	_ =	swait.ge [sflag:s26], $0x2800  }
0x4b: {  	[sflag:s26] =	ssyncset.done $0x0  }
0x4c: {  	[sflag:s26] =	ssyncadd.s32 $0xFFFFD800  }
0x4d: {  	[spmem:s14] =	stream.linear.scatter [tilespmem:s25], [sflag:$0x9], $0x2800, $0x38;
	[tilespmem:$0x1FF80] =	vst v63  }
0x4e: {  	_ =	swait.ge [sflag:s26], $0x2800  }
0x4f: {  	[sflag:s26] =	ssyncset.done $0x0  }
0x50: {  	s18 =	simm.s32 @!p0 $0x4F00;
	[sflag:s26] =	ssyncadd.s32 $0xFFFFD800  }
0x51: {  	[spmem:s15] =	stream.linear.scatter @!p0 [tilespmem:s18], [sflag:$0x9], $0x2800, $0x38;
	[tilespmem:$0x1FF80] =	vst v63  }
0x52: {  	s18 =	simm.s32 @!p0 $0x9  }
0x53: {  	_ =	swait.ge @!p0 [sflag:s18], $0x2800  }
0x54: {  	[sflag:s18] =	ssyncset.done @!p0 $0x0  }
0x55: {  	[sflag:s18] =	ssyncadd.s32 @!p0 $0xFFFFD800  }
0x56: {  	_ =	swait.ge [sflag:s28], $0x2710  }
0x57: {  	[sflag:s28] =	ssyncset.done $0x0  }
0x58: {  	[sflag:s28] =	ssyncadd.s32 $0xFFFFD8F0  }
0x59: {  	_ =	swait.ge [sflag:s29], $0x2710  }
0x5a: {  	[sflag:s29] =	ssyncset.done $0x0  }
0x5b: {  	[sflag:s29] =	ssyncadd.s32 $0xFFFFD8F0  }
0x5c: {  	s20 =	simm.s32 $0x0;
	[bflag:$0x0] =	sbarrier.arrive $0xFFFF  }
0x5d: {  	[tilespmem:s25], [sflag:$0x1] =	stream.indirect.gather [hbm4b:s1+s30], $0x80, s20, s30, $0xb8;
	[tilespmem:$0x1FF80] =	vst v63  }
0x5e: {  	_ = 	snop  }
0x5f: {  	[tilespmem:s31], [sflag:$0x2] =	stream.indirect.gather [hbm4b:s1+s30], $0x80, s30, s30, $0xb8;
	[tilespmem:$0x1FF80] =	vst v63  }
0x60: {  	_ =	swait.ge [sflag:s2], $0x2800  }
0x61: {  	[sflag:s2] =	ssyncset.done $0x0  }
0x62: {  	s19 =	simm.s32 $0x2780;
	[sflag:s2] =	ssyncadd.s32 $0xFFFFD800  }
0x63: {  	[spmem:s3] =	stream.indirect.scatter.add.f32 [tilespmem:s25], [sflag:$0x4], $0x80, s19, s30, $0xb8;
	[tilespmem:$0x1FF80] =	vst v63  }
0x64: {  	s20 =	simm.s32 $0xA0  }
0x65: {  	[tilespmem:s0], [sflag:$0x3] =	stream.indirect.gather [hbm4b:s1+s30], $0x80, s20, s30, $0xb8;
	[tilespmem:$0x1FF80] =	vst v63  }
0x66: {  	_ =	swait.ge [sflag:s4], $0x2800  }
0x67: {  	[sflag:s4] =	ssyncset.done $0x0  }
0x68: {  	s19 =	simm.s32 $0x27D0;
	[sflag:s4] =	ssyncadd.s32 $0xFFFFD800  }
0x69: {  	[spmem:s3] =	stream.indirect.scatter.add.f32 [tilespmem:s31], [sflag:$0x5], $0x80, s19, s30, $0xb8;
	[tilespmem:$0x1FF80] =	vst v63  }
0x6a: {  	_ =	swait.ge [sflag:s5], $0x2800  }
0x6b: {  	[sflag:s5] =	ssyncset.done $0x0  }
0x6c: {  	s20 =	simm.s32 $0xF0;
	[sflag:s5] =	ssyncadd.s32 $0xFFFFD800  }
0x6d: {  	[tilespmem:s25], [sflag:$0x1] =	stream.indirect.gather [hbm4b:s1+s30], $0x80, s20, s30, $0xb8;
	[tilespmem:$0x1FF80] =	vst v63  }
0x6e: {  	_ =	swait.ge [sflag:s6], $0x2800  }
0x6f: {  	[sflag:s6] =	ssyncset.done $0x0  }
0x70: {  	s19 =	simm.s32 $0x2820;
	[sflag:s6] =	ssyncadd.s32 $0xFFFFD800  }
0x71: {  	[spmem:s3] =	stream.indirect.scatter.add.f32 [tilespmem:s0], [sflag:$0x6], $0x80, s19, s30, $0xb8;
	[tilespmem:$0x1FF80] =	vst v63  }
0x72: {  	_ =	swait.ge [sflag:s7], $0x2800  }
0x73: {  	[sflag:s7] =	ssyncset.done $0x0  }
0x74: {  	s20 =	simm.s32 $0x140;
	[sflag:s7] =	ssyncadd.s32 $0xFFFFD800  }
0x75: {  	[tilespmem:s31], [sflag:$0x2] =	stream.indirect.gather [hbm4b:s1+s30], $0x80, s20, s30, $0xb8;
	[tilespmem:$0x1FF80] =	vst v63  }
0x76: {  	_ =	swait.ge [sflag:s2], $0x2800  }
0x77: {  	[sflag:s2] =	ssyncset.done $0x0  }
0x78: {  	s19 =	simm.s32 $0x2870;
	[sflag:s2] =	ssyncadd.s32 $0xFFFFD800  }
0x79: {  	[spmem:s3] =	stream.indirect.scatter.add.f32 [tilespmem:s25], [sflag:$0x4], $0x80, s19, s30, $0xb8;
	[tilespmem:$0x1FF80] =	vst v63  }
0x7a: {  	_ =	swait.ge [sflag:s16], $0x2800  }
0x7b: {  	[sflag:s16] =	ssyncset.done $0x0  }
0x7c: {  	s20 =	simm.s32 $0x190;
	[sflag:s16] =	ssyncadd.s32 $0xFFFFD800  }
0x7d: {  	[tilespmem:s0], [sflag:$0x3] =	stream.indirect.gather [hbm4b:s1+s30], $0x80, s20, s30, $0xb8;
	[tilespmem:$0x1FF80] =	vst v63  }
0x7e: {  	_ =	swait.ge [sflag:s4], $0x2800  }
0x7f: {  	[sflag:s4] =	ssyncset.done $0x0  }
0x80: {  	s19 =	simm.s32 $0x28C0;
	[sflag:s4] =	ssyncadd.s32 $0xFFFFD800  }
0x81: {  	[spmem:s3] =	stream.indirect.scatter.add.f32 [tilespmem:s31], [sflag:$0x5], $0x80, s19, s30, $0xb8;
	[tilespmem:$0x1FF80] =	vst v63  }
0x82: {  	_ =	swait.ge [sflag:s5], $0x2800  }
0x83: {  	[sflag:s5] =	ssyncset.done $0x0  }
0x84: {  	s20 =	simm.s32 $0x1E0;
	[sflag:s5] =	ssyncadd.s32 $0xFFFFD800  }
0x85: {  	[tilespmem:s25], [sflag:$0x1] =	stream.indirect.gather [hbm4b:s1+s30], $0x80, s20, s30, $0xb8;
	[tilespmem:$0x1FF80] =	vst v63  }
0x86: {  	_ =	swait.ge [sflag:s6], $0x2800  }
0x87: {  	[sflag:s6] =	ssyncset.done $0x0  }
0x88: {  	s18 =	simm.s32 $0x3C0;
	s19 =	simm.s32 $0x2910;
	[sflag:s6] =	ssyncadd.s32 $0xFFFFD800  }
.LBB2_4:
0x89: {  	[spmem:s3] =	stream.indirect.scatter.add.f32 [tilespmem:s0], [sflag:$0x6], $0x80, s19, s30, $0xb8;
	[tilespmem:$0x1FF80] =	vst v63  }
0x8a: {  	s19 =	smov.u32 s18  }
0x8b: {  	p1 =	sne.s32 s18, $0x9240;
	s18 =	sadd.s32 $0x3C0, s18;
	_ =	swait.ge [sflag:s7], $0x2800  }
0x8c: {  	s19 =	sshra.s32 s19, $0x2;
	[sflag:s7] =	ssyncset.done $0x0  }
0x8d: {  	s20 =	sadd.s32 $0x140, s19;
	[sflag:s7] =	ssyncadd.s32 $0xFFFFD800  }
0x8e: {  	[tilespmem:s31], [sflag:$0x2] =	stream.indirect.gather [hbm4b:s1+s30], $0x80, s20, s30, $0xb8;
	[tilespmem:$0x1FF80] =	vst v63  }
0x8f: {  	_ =	swait.ge [sflag:s2], $0x2800  }
0x90: {  	[sflag:s2] =	ssyncset.done $0x0  }
0x91: {  	s20 =	sadd.s32 $0x2870, s19;
	[sflag:s2] =	ssyncadd.s32 $0xFFFFD800  }
0x92: {  	[spmem:s3] =	stream.indirect.scatter.add.f32 [tilespmem:s25], [sflag:$0x4], $0x80, s20, s30, $0xb8;
	[tilespmem:$0x1FF80] =	vst v63  }
0x93: {  	_ =	swait.ge [sflag:s16], $0x2800  }
0x94: {  	[sflag:s16] =	ssyncset.done $0x0  }
0x95: {  	s20 =	sadd.s32 $0x190, s19;
	[sflag:s16] =	ssyncadd.s32 $0xFFFFD800  }
0x96: {  	[tilespmem:s0], [sflag:$0x3] =	stream.indirect.gather [hbm4b:s1+s30], $0x80, s20, s30, $0xb8;
	[tilespmem:$0x1FF80] =	vst v63  }
0x97: {  	_ =	swait.ge [sflag:s4], $0x2800  }
0x98: {  	[sflag:s4] =	ssyncset.done $0x0  }
0x99: {  	s20 =	sadd.s32 $0x28C0, s19;
	[sflag:s4] =	ssyncadd.s32 $0xFFFFD800  }
0x9a: {  	[spmem:s3] =	stream.indirect.scatter.add.f32 [tilespmem:s31], [sflag:$0x5], $0x80, s20, s30, $0xb8;
	[tilespmem:$0x1FF80] =	vst v63  }
0x9b: {  	_ =	swait.ge [sflag:s5], $0x2800  }
0x9c: {  	[sflag:s5] =	ssyncset.done $0x0  }
.Ltmp1:
0x9d: {  	s20 =	sadd.s32 $0x1E0, s19;
	[sflag:s5] =	ssyncadd.s32 $0xFFFFD800;
	(pc) =	sbr.rel @p1 .LBB2_4-.Ltmp1, $4  }
0x9e: {  	[tilespmem:s25], [sflag:$0x1] =	stream.indirect.gather [hbm4b:s1+s30], $0x80, s20, s30, $0xb8;
	[tilespmem:$0x1FF80] =	vst v63  }
0x9f: {  	_ =	swait.ge [sflag:s6], $0x2800  }
0xa0: {  	[sflag:s6] =	ssyncset.done $0x0  }
0xa1: {  	s19 =	sadd.s32 $0x2910, s19;
	[sflag:s6] =	ssyncadd.s32 $0xFFFFD800  }
0xa2: {  	[spmem:s3] =	stream.indirect.scatter.add.f32 [tilespmem:s0], [sflag:$0x6], $0x80, s19, s30, $0xb8;
	[tilespmem:$0x1FF80] =	vst v63  }
0xa3: {  	_ =	swait.ge [sflag:s7], $0x2800  }
0xa4: {  	[sflag:s7] =	ssyncset.done $0x0  }
0xa5: {  	s18 =	simm.s32 $0x26C0;
	[sflag:s7] =	ssyncadd.s32 $0xFFFFD800  }
0xa6: {  	[tilespmem:s31], [sflag:$0x2] =	stream.indirect.gather [hbm4b:s1+s30], $0x80, s18, s30, $0xb8;
	[tilespmem:$0x1FF80] =	vst v63  }
0xa7: {  	_ =	swait.ge [sflag:s2], $0x2800  }
0xa8: {  	[sflag:s2] =	ssyncset.done $0x0  }
0xa9: {  	s19 =	simm.s32 $0x4DF0;
	[sflag:s2] =	ssyncadd.s32 $0xFFFFD800  }
0xaa: {  	[spmem:s3] =	stream.indirect.scatter.add.f32 [tilespmem:s25], [sflag:$0x4], $0x80, s19, s30, $0xb8;
	[tilespmem:$0x1FF80] =	vst v63  }
0xab: {  	_ =	swait.ge [sflag:s16], $0x2800  }
0xac: {  	[sflag:s16] =	ssyncset.done $0x0  }
0xad: {  	[sflag:s16] =	ssyncadd.s32 $0xFFFFD800  }
0xae: {  	_ =	swait.ge [sflag:s4], $0x2800  }
0xaf: {  	[sflag:s4] =	ssyncset.done $0x0  }
0xb0: {  	s20 =	simm.s32 $0x4E40;
	[sflag:s4] =	ssyncadd.s32 $0xFFFFD800  }
0xb1: {  	[spmem:s3] =	stream.indirect.scatter.add.f32 [tilespmem:s31], [sflag:$0x5], $0x80, s20, s30, $0xb8;
	[tilespmem:$0x1FF80] =	vst v63  }
0xb2: {  	_ =	swait.ge [sflag:s5], $0x2800  }
0xb3: {  	[sflag:s5] =	ssyncset.done $0x0  }
0xb4: {  	[sflag:s5] =	ssyncadd.s32 $0xFFFFD800  }
0xb5: {  	_ =	swait.ge [sflag:s7], $0x2800  }
0xb6: {  	[sflag:s7] =	ssyncset.done $0x0  }
0xb7: {  	s19 =	stileid.u32;
	[sflag:s7] =	ssyncadd.s32 $0xFFFFD800  }
0xb8: {  	s18 =	sshll.u32 s19, $0x6;
	[bflag:$0x0] =	sbarrier.arrive $0xFFFF  }
0xb9: {  	s19 =	sshrl.u32 s8, $0x3;
	s18 =	sor.u32 $0x1C09, s18;
	s20 =	rddreg [dreg:$0x7]  }
0xba: {  	[hbm:s20], [sflag:s18] =	dma.local [spmem:s19], $0x500  }
0xbb: {  	_ =	swait.ge [sflag:s26], $0x500  }
0xbc: {  	[sflag:s26] =	ssyncset.done $0x0  }
0xbd: {  	s19 =	sshrl.u32 s9, $0x3;
	s20 =	rddreg [dreg:$0x8];
	[sflag:s26] =	ssyncadd.s32 $0xFFFFFB00  }
0xbe: {  	[hbm:s20], [sflag:s18] =	dma.local [spmem:s19], $0x500  }
0xbf: {  	_ =	swait.ge [sflag:s26], $0x500  }
0xc0: {  	[sflag:s26] =	ssyncset.done $0x0  }
0xc1: {  	s19 =	sshrl.u32 s10, $0x3;
	s20 =	rddreg [dreg:$0x9];
	[sflag:s26] =	ssyncadd.s32 $0xFFFFFB00  }
0xc2: {  	[hbm:s20], [sflag:s18] =	dma.local [spmem:s19], $0x500  }
0xc3: {  	_ =	swait.ge [sflag:s26], $0x500  }
0xc4: {  	[sflag:s26] =	ssyncset.done $0x0  }
0xc5: {  	s19 =	sshrl.u32 s11, $0x3;
	s20 =	rddreg [dreg:$0xa];
	[sflag:s26] =	ssyncadd.s32 $0xFFFFFB00  }
0xc6: {  	[hbm:s20], [sflag:s18] =	dma.local [spmem:s19], $0x500  }
0xc7: {  	_ =	swait.ge [sflag:s26], $0x500  }
0xc8: {  	[sflag:s26] =	ssyncset.done $0x0  }
0xc9: {  	s20 =	sshrl.u32 s12, $0x3;
	[sflag:s26] =	ssyncadd.s32 $0xFFFFFB00  }
0xca: {  	[hbm:s21], [sflag:s18] =	dma.local [spmem:s20], $0x500  }
0xcb: {  	_ =	swait.ge [sflag:s26], $0x500  }
0xcc: {  	[sflag:s26] =	ssyncset.done $0x0  }
0xcd: {  	s20 =	sshrl.u32 s13, $0x3;
	[sflag:s26] =	ssyncadd.s32 $0xFFFFFB00  }
0xce: {  	[hbm:s22], [sflag:s18] =	dma.local [spmem:s20], $0x500  }
0xcf: {  	_ =	swait.ge [sflag:s26], $0x500  }
0xd0: {  	[sflag:s26] =	ssyncset.done $0x0  }
0xd1: {  	s20 =	sshrl.u32 s14, $0x3;
	[sflag:s26] =	ssyncadd.s32 $0xFFFFFB00  }
0xd2: {  	[hbm:s23], [sflag:s18] =	dma.local [spmem:s20], $0x500  }
0xd3: {  	_ =	swait.ge [sflag:s26], $0x500  }
0xd4: {  	[sflag:s26] =	ssyncset.done $0x0  }
0xd5: {  	s19 =	sshrl.u32 @!p0 s15, $0x3;
	[sflag:s26] =	ssyncadd.s32 $0xFFFFFB00  }
0xd6: {  	[hbm:s24], [sflag:s18] =	dma.local @!p0 [spmem:s19], $0x500  }
0xd7: {  	s18 =	simm.s32 @!p0 $0x9  }
0xd8: {  	_ =	swait.ge @!p0 [sflag:s18], $0x500  }
0xd9: {  	s17 =	sadd.s32 $0x1, s17;
	s20 =	rddreg [dreg:$0x6]  }
0xda: {  	p1 =	sne.s32 s17, s20  }
.Ltmp2:
0xdb: {  	_ = 	snop;
	(pc) =	sbr.rel @p1 .LBB2_1-.Ltmp2, $3  }
0xdc: {  	_ =	sdelay $0x1  }
0xdd: {  	[sflag:s18] =	ssyncset.done @!p0 $0x0  }
0xde: {  	[sflag:s18] =	ssyncadd.s32 @!p0 $0xFFFFFB00  }
0xdf: {  	_ =	sfence.sel $0x180000  }
0xe0: {  	[bflag:$0x0] =	sbarrier.arrive $0xFFFF  }
0xe1: {  	_ =	strace $0x9000004D  }
0xe2: {  	s0 =	stileid.u32;
	[bflag:$0x2] =	sbarrier.arrive $0xFFFF  }
0xe3: {  	p0 =	sne.s32 s0, $0x0;
	s0 =	rddreg [dreg:$0x3]  }
0xe4: {  	s0 =	sadd.s32 @!p0 $0x100000, s0  }
0xe5: {  	[sflag:s0] =	ssyncadd.tile.s32 @!p0 $0x1;
	_ =	shalt  }
.Lfunc_end2:
_tile_overlayer_lowered:
.L_overlay_start_2:
0xe6: {  	(tag) =	ssettag $0x2  }
0xe7: {  	s0 =	rddreg [dreg:$0x0];
	s2 =	stileid.u32  }
0xe8: {  	s1 =	rddreg [dreg:$0x1];
	p0 =	sne.s32 s2, $0x0  }
0xe9: {  	s3 =	rddreg [dreg:$0x2];
	[bflag:$0x3] =	sbarrier.arrive $0xFFFF;
	s2 =	simm.s32 @!p0 $0x1C09  }
0xea: {  	[timem:s3], [sflag:s2] =	dma.local @!p0 [hbm:s0], s1  }
0xeb: {  	s0 =	simm.s32 @!p0 $0x9  }
0xec: {  	_ =	swait.ge @!p0 [sflag:s0], s1  }
0xed: {  	s1 =	ssub.s32 @!p0 $0x0, s1;
	[sflag:s0] =	ssyncset.done @!p0 $0x0  }
0xee: {  	[sflag:s0] =	ssyncadd.s32 @!p0 s1  }
0xef: {  	[bflag:$0x3] =	sbarrier.arrive $0xFFFF  }
0xf0: {  	_ =	shalt  }

// kernel: kernel.8.cloned.1.call-start
scs
__scs_entry_jumppad:
0x0: {  	(pc) =	sbr.rel $0x88, $3  }
0x1: {  	(tag) =	ssettag $0x0;
	lr =	simm.s32 $0x1  }
0x2: {  	[smem:$0x3F9B] =	sst lr;
	_ =	strace $0xD0000000  }
0x3: {  	_ = 	snop  }
0x4: {  	_ = 	snop  }
0x5: {  	_ = 	snop  }
0x6: {  	_ = 	snop  }
0x7: {  	_ = 	snop  }
__scs_overlays_trampoline_lowered:
0x8: {  	[smem:$0x3FAA] =	sst s0  }
0x9: {  	[smem:$0x3FAB] =	sst s1  }
0xa: {  	[smem:$0x3FAC] =	sst s2  }
0xb: {  	[smem:$0x3FAD] =	sst s3  }
0xc: {  	[smem:$0x3FAE] =	sst s4  }
0xd: {  	[smem:$0x3FAF] =	sst s5  }
0xe: {  	[smem:$0x3FB0] =	sst s6  }
0xf: {  	[smem:$0x3FB1] =	sst s7  }
0x10: {  	[smem:$0x3FB2] =	sst s8  }
0x11: {  	[smem:$0x3FB3] =	sst s9;
	s0 =	simm.s32 @!p0 $0x0  }
0x12: {  	s1 =	sld [smem:$0x3F99];
	s0 =	simm.s32 @p0 $0x1  }
0x13: {  	[smem:$0x3FB4] =	sst s0;
	s0 =	simm.s32 @!p1 $0x0  }
0x14: {  	s2 =	sld [smem:$0x3F98];
	s0 =	simm.s32 @p1 $0x1  }
0x15: {  	[smem:$0x3FB5] =	sst s0;
	s0 =	simm.s32 @!p2 $0x0  }
0x16: {  	s3 =	sld [smem:$0x3FDB];
	s0 =	simm.s32 @p2 $0x1  }
0x17: {  	s4 =	simm.s32 $0x1BF5;
	[smem:$0x3FB7] =	sst s0  }
0x18: {  	s0 =	sld [smem:$0x3F9A];
	_ =	swait.ge [sflag:s4], $0x0  }
0x19: {  	s7 =	sld [smem:$0x3F9B]  }
0x1a: {  	s8 =	sadd.s32 $0xFFFFE003, lr  }
0x1b: {  	s9 =	sadd.s32 $0xFFFFFEF7, lr;
	s5 =	simm.s32 $0xFFFFFFFF;
	p2 =	slt.u32 s8, $0xFFFFF086  }
0x1c: {  	p1 =	slt.u32 s9, $0xF7A;
	s5 =	simm.s32 @!p2 $0x0  }
0x1d: {  	s5 =	simm.s32 @p1 $0x1;
	p0 =	seq.s32 s7, s2  }
0x1e: {  	s7 =	smul.u32 @!p0 $0xF7A, s2;
	p2 =	seq.s32 @!p0 s5, $0x0  }
0x1f: {  	s9 =	smul.u32 $0xF7A, s1;
	s8 =	simm.s32 @!p0 $0x1BF5;
	p2 =	por !p2, p0  }
0x20: {  	[sflag:s8] =	ssyncset.s32 @!p0 $0xFFFFF086;
	s6 =	sadd.s32 @!p0 s3, s7;
	s7 =	simm.s32 @!p0 $0x108  }
0x21: {  	s3 =	sadd.s32 s3, s9;
	s6 =	sadd.s32 @!p0 $0x88, s6;
	s7 =	simm.s32 @p2 $0x1082  }
0x22: {  	[simem:s7], [sflag:s8] =	dma.local @!p0 [hbm:s6], $0xF7A  }
0x23: {  	s9 =	sor.u32 $0xD0000000, s2;
	s6 =	simm.s32 $0x108;
	_ =	swait.ge @!p0 [sflag:s8], $0x0  }
0x24: {  	s3 =	sadd.s32 $0x88, s3;
	s6 =	simm.s32 @!p1 $0x1082;
	[sflag:s4] =	ssyncset.s32 $0xFFFFF086  }
0x25: {  	[simem:s6], [sflag:s4] =	dma.local [hbm:s3], $0xF7A  }
0x26: {  	[smem:$0x3F9B] =	sst s1;
	(tag) =	ssettag s2;
	_ =	strace s9  }
0x27: {  	s1 =	sld [smem:$0x3FAB]  }
0x28: {  	s2 =	sld [smem:$0x3FAC]  }
0x29: {  	s4 =	sld [smem:$0x3FAE]  }
0x2a: {  	p0 =	seq.s32 s5, $0x0;
	s5 =	sld [smem:$0x3FAF]  }
0x2b: {  	s6 =	sld [smem:$0x3FB0]  }
0x2c: {  	s7 =	sld [smem:$0x3FB1]  }
0x2d: {  	s3 =	simm.s32 $0x108;
	s8 =	sld [smem:$0x3FB2]  }
0x2e: {  	s3 =	simm.s32 @!p0 $0x1082;
	s9 =	sld [smem:$0x3FB3]  }
0x2f: {  	lr =	sadd.s32 s0, s3;
	s0 =	sld [smem:$0x3FAA]  }
0x30: {  	s3 =	sld [smem:$0x3FAD]  }
0x31: {  	[smem:$0x3FB6] =	sst s10  }
0x32: {  	s10 =	sld [smem:$0x3FB4];
	_ =	sdelay $0x3  }
0x33: {  	p0 =	seq.s32 s10, $0x1;
	s10 =	sld [smem:$0x3FB6];
	_ =	sdelay $0x3  }
0x34: {  	[smem:$0x3FB6] =	sst s10  }
0x35: {  	s10 =	sld [smem:$0x3FB5];
	_ =	sdelay $0x3  }
0x36: {  	p1 =	seq.s32 s10, $0x1;
	s10 =	sld [smem:$0x3FB6];
	_ =	sdelay $0x3  }
0x37: {  	[smem:$0x3FB6] =	sst s10  }
0x38: {  	s10 =	sld [smem:$0x3FB7]  }
0x39: {  	_ = 	snop;
	(pc) =	sbr.ind lr, $3  }
0x3a: {  	_ = 	snop  }
0x3b: {  	_ = 	snop  }
0x3c: {  	p2 =	seq.s32 s10, $0x1;
	s10 =	sld [smem:$0x3FB6]  }
0x3d: {  	_ =	shalt  }
0x3e: {  	_ =	shalt  }
0x3f: {  	_ =	shalt  }
0x40: {  	_ =	shalt  }
0x41: {  	_ =	shalt  }
0x42: {  	_ =	shalt  }
0x43: {  	_ =	shalt  }
0x44: {  	_ =	shalt  }
0x45: {  	_ =	shalt  }
0x46: {  	_ =	shalt  }
0x47: {  	_ =	shalt  }
0x48: {  	_ =	shalt  }
0x49: {  	_ =	shalt  }
0x4a: {  	_ =	shalt  }
0x4b: {  	_ =	shalt  }
0x4c: {  	_ =	shalt  }
0x4d: {  	_ =	shalt  }
0x4e: {  	_ =	shalt  }
0x4f: {  	_ =	shalt  }
0x50: {  	_ =	shalt  }
0x51: {  	_ =	shalt  }
0x52: {  	_ =	shalt  }
0x53: {  	_ =	shalt  }
0x54: {  	_ =	shalt  }
0x55: {  	_ =	shalt  }
0x56: {  	_ =	shalt  }
0x57: {  	_ =	shalt  }
0x58: {  	_ =	shalt  }
0x59: {  	_ =	shalt  }
0x5a: {  	_ =	shalt  }
0x5b: {  	_ =	shalt  }
0x5c: {  	_ =	shalt  }
0x5d: {  	_ =	shalt  }
0x5e: {  	_ =	shalt  }
0x5f: {  	_ =	shalt  }
0x60: {  	_ =	shalt  }
0x61: {  	_ =	shalt  }
0x62: {  	_ =	shalt  }
0x63: {  	_ =	shalt  }
0x64: {  	_ =	shalt  }
0x65: {  	_ =	shalt  }
0x66: {  	_ =	shalt  }
0x67: {  	_ =	shalt  }
0x68: {  	_ =	shalt  }
0x69: {  	_ =	shalt  }
0x6a: {  	_ =	shalt  }
0x6b: {  	_ =	shalt  }
0x6c: {  	_ =	shalt  }
0x6d: {  	_ =	shalt  }
0x6e: {  	_ =	shalt  }
0x6f: {  	_ =	shalt  }
0x70: {  	_ =	shalt  }
0x71: {  	_ =	shalt  }
0x72: {  	_ =	shalt  }
0x73: {  	_ =	shalt  }
0x74: {  	_ =	shalt  }
0x75: {  	_ =	shalt  }
0x76: {  	_ =	shalt  }
0x77: {  	_ =	shalt  }
0x78: {  	_ =	shalt  }
0x79: {  	_ =	shalt  }
0x7a: {  	_ =	shalt  }
0x7b: {  	_ =	shalt  }
0x7c: {  	_ =	shalt  }
0x7d: {  	_ =	shalt  }
0x7e: {  	_ =	shalt  }
0x7f: {  	_ =	shalt  }
0x80: {  	_ =	shalt  }
0x81: {  	_ =	shalt  }
0x82: {  	_ =	shalt  }
0x83: {  	_ =	shalt  }
0x84: {  	_ =	shalt  }
0x85: {  	_ =	shalt  }
0x86: {  	_ =	shalt  }
0x87: {  	_ =	shalt  }
.Lfunc_end0:
.L_simem_size_0:
called_computation_lowered:
.L_overlay_start_0:
0x88: {  	s2 =	sld [smem:$0x3FD9]  }
0x89: {  	s3 =	sld [smem:$0x3FFE];
	_ =	sdelay $0x1  }
0x8a: {  	s1 =	srdreg.scid  }
0x8b: {  	s0 =	sand.u32 $0x1, s1  }
0x8c: {  	s17 =	sshll.u32 s0, $0xA;
	s2 =	sadd.s32 s3, s2  }
0x8d: {  	s2 =	sadd.s32 s2, s17  }
0x8e: {  	[smem:$0x3FC2] =	sst s2  }
0x8f: {  	_ = 	snop  }
0x90: {  	s2 =	sld [smem:$0x3FD0];
	(tm) =	ssettm $0x1  }
0x91: {  	s18 =	sld [smem:$0x3FFB];
	_ =	sdelay $0x3  }
0x92: {  	_ =	strace s18  }
0x93: {  	s3 =	sld [smem:$0x3FFC];
	_ =	sdelay $0x3  }
0x94: {  	_ =	strace s3  }
0x95: {  	s3 =	sld [smem:$0x3FFD];
	_ =	sdelay $0x3  }
0x96: {  	_ =	strace s3  }
0x97: {  	_ =	strace $0x8FFFFFFF  }
0x98: {  	s19 =	sld [smem:$0x3FDB];
	_ =	sdelay $0x1  }
0x99: {  	s4 =	simm.s32 $_scs_section_size  }
0x9a: {  	s5 =	simm.s32 $_size__tile_overlayer_lowered;
	s6 =	simm.s32 $_tile_overlayer_lowered  }
0x9b: {  	s22 =	simm.s32 $0x1BFF;
	s21 =	sshll.u32 s6, $0x1;
	s3 =	sadd.s32 s4, s19  }
0x9c: {  	s7 =	simm.s32 $0x0;
	s20 =	sshll.u32 s5, $0x1;
	s5 =	sadd.s32 s21, s3  }
0x9d: {  	[timem:s7], [sflag:s22] =	dma.local [hbm:s5], s20  }
0x9e: {  	_ =	swait.ge [sflag:s22], s20  }
0x9f: {  	s4 =	ssub.s32 $0x0, s20;
	[sflag:s22] =	ssyncset.done $0x0  }
0xa0: {  	[sflag:s22] =	ssyncadd.s32 s4;
	_ =	sdelay $0x1  }
0xa1: {  	s23 =	simm.s32 $0x1B8B  }
0xa2: {  	_ =	swait.ge [sflag:s23], $0x1  }
0xa3: {  	[sflag:s23] =	ssyncset.done $0x0  }
0xa4: {  	s25 =	simm.s32 $0x1B8E;
	s24 =	sld [smem:$0x3FFE];
	[sflag:s23] =	ssyncadd.s32 $0xFFFFFFFF  }
0xa5: {  	s26 =	simm.s32 $execute0_lowered;
	[smem:$0x3FD2] =	sst s25  }
0xa6: {  	s5 =	sshll.u32 s26, $0x1;
	_ =	strace $0x80000046;
	[dreg:$0x1] =	wrdreg $0xFFFFFFFF  }
0xa7: {  	s28 =	simm.s32 $_size_execute0_lowered;
	s3 =	sadd.s32 s3, s5;
	[dreg:$0x0] =	wrdreg $0x0  }
0xa8: {  	s5 =	sshll.u32 s28, $0x1;
	[dreg:$0x2] =	wrdreg s3  }
0xa9: {  	[dreg:$0x3] =	wrdreg s5  }
0xaa: {  	[dreg:$0x4] =	wrdreg $0xC0  }
0xab: {  	_ =	task [dreg:s7], $0x5FFFF  }
0xac: {  	[dreg:$0x1] =	wrdreg $0xFFFFFFFF  }
0xad: {  	[dreg:$0x0] =	wrdreg $0x60  }
0xae: {  	[dreg:$0x2] =	wrdreg s24  }
0xaf: {  	[dreg:$0x3] =	wrdreg s2  }
0xb0: {  	[dreg:$0x4] =	wrdreg $0xA1800  }
0xb1: {  	[dreg:$0x5] =	wrdreg $0xA4000  }
0xb2: {  	[dreg:$0x6] =	wrdreg $0x9  }
0xb3: {  	_ =	task.clear_ibuf [dreg:s7], $0x7FFFF;
	_ =	strace $0x90000046  }
0xb4: {  	s29 =	simm.s32 $0x9;
	_ =	strace $0x80000048  }
0xb5: {  	_ =	swait.ge [sflag:s29], $0x1  }
0xb6: {  	[sflag:s29] =	ssyncadd.s32 $0xFFFFFFFF  }
0xb7: {  	_ =	strace $0x90000048  }
0xb8: {  	_ =	sfence  }
0xb9: {  	s30 =	sld [smem:$0x0];
	_ =	sdelay $0x2  }
0xba: {  	s31 =	sshll.u32 s1, $0xD;
	s1 =	sshrl.u32 s1, $0x2  }
0xbb: {  	s3 =	sand.u32 $0x4000, s31;
	s1 =	sadd.s32 s1, s30  }
0xbc: {  	s0 =	sor.u32 s3, s0;
	s1 =	sshll.u32 s1, $0x11  }
0xbd: {  	s0 =	sor.u32 s1, s0  }
0xbe: {  	s0 =	sadd.s32 $0x8F2B, s0  }
0xbf: {  	[sflag:s0] =	ssyncadd.remote.s32 $0x1  }
0xc0: {  	_ =	sfence.sel $0xFFFF  }
0xc1: {  	[dreg:$0x0] =	wrdreg $0xFFFFFFFF;
	(pc) =	sbr.abs _section_cstart, $3  }
0xc2: {  	[dreg:$0x1] =	wrdreg $0xFFFFFFFF  }
0xc3: {  	_ =	task.clear_ibuf [dreg:s7], $0x2FFFF;
	_ =	strace $0x9FFFFFFF  }
0xc4: {  	(tm) =	ssettm $0x7FFFFFFF  }
0xc5: {  	_ =	shalt  }
tec
execute0_lowered:
.L_overlay_start_1:
0x0: {  	(tag) =	ssettag $0x1  }
0x1: {  	s1 =	rddreg [dreg:$0x0]  }
0x2: {  	s10 =	rddreg [dreg:$0x1]  }
0x3: {  	s2 =	rddreg [dreg:$0x2];
	s0 =	stileid.u32  }
0x4: {  	s4 =	srdreg.scid;
	s3 =	rddreg [dreg:$0x3];
	s14 =	simm.s32 $0x4E80  }
0x5: {  	s15 =	simm.s32 $0x9D80;
	s16 =	simm.s32 $0x5;
	s17 =	simm.s32 $0x1  }
0x6: {  	s18 =	simm.s32 $0x2;
	s19 =	simm.s32 $0x50;
	s20 =	simm.s32 $0x9D00  }
0x7: {  	s21 =	simm.s32 $0x4ED0;
	s22 =	simm.s32 $0xA0;
	s23 =	simm.s32 $0x4F20  }
0x8: {  	s24 =	simm.s32 $0xF0;
	s25 =	simm.s32 $0x4F70;
	s28 =	simm.s32 $0x4  }
0x9: {  	s29 =	simm.s32 $0xA000;
	s30 =	simm.s32 $0x0;
	s5 =	smul.u32 $0x9C4, s0  }
0xa: {  	s6 =	sand.u32 $0x1, s4;
	s4 =	simm.s32 $0x0;
	s8 =	smul.u32 $0x140, s0  }
0xb: {  	s7 =	smul.u32 $0x1400, s6;
	[smem:$0x7FF] =	sst s4;
	s26 =	ssub.s32 $0x2, s6  }
0xc: {  	s31 =	smul.u32 $0x280, s0;
	_ =	strace $0x80000047;
	s6 =	sshrl.u32 s26, $0x1  }
0xd: {  	s9 =	sadd.s32 s5, s1;
	s11 =	sadd.s32 s8, s7;
	s13 =	ssub.s32 s26, s6  }
0xe: {  	s5 =	sadd.s32 $0xBE00, s9;
	s6 =	sadd.s32 $0x2000, s9;
	s7 =	sadd.s32 s31, s2  }
0xf: {  	s8 =	sadd.s32 s31, s3;
	s26 =	simm.s32 $0x3;
	s12 =	sshrl.u32 s11, $0x3  }
0x10: {  	s9 =	sadd.s32 s11, s2;
	s11 =	sadd.s32 s11, s3;
	s1 =	sadd.s32 s12, s1  }
0x11: {  	v0 =	vimm.f32 $1.000000000e+00;
	v1 =	vimm.f32 $0.0e+00;
	s13 =	smax.u32 s13, $0x1;
	s10 =	sadd.s32 s10, s12;
	s12 =	sadd.s32 $0x15C00, s1  }
.LBB2_1:
0x12: {  	[tilespmem:s4], [sflag:$0x1] =	stream.linear.gather [hbm4b:s5+s4], $0x4E20, $0x38;
	[tilespmem:$0xA680] =	vst v63  }
0x13: {  	_ = 	snop  }
0x14: {  	[tilespmem:s14], [sflag:$0x2] =	stream.linear.gather [hbm4b:s6+s4], $0x4E20, $0x38;
	[tilespmem:$0xA680] =	vst v63  }
0x15: {  	[tilespmem:$0x9D00] =	vst v0  }
0x16: {  	[tilespmem:$0x9D10] =	vst v0  }
0x17: {  	[tilespmem:$0x9D20] =	vst v0  }
0x18: {  	[tilespmem:$0x9D30] =	vst v0  }
0x19: {  	[tilespmem:$0x9D40] =	vst v0  }
0x1a: {  	[tilespmem:$0x9D80] =	vst v1  }
0x1b: {  	[tilespmem:$0x9D90] =	vst v1  }
0x1c: {  	[tilespmem:$0x9DA0] =	vst v1  }
0x1d: {  	[tilespmem:$0x9DB0] =	vst v1  }
0x1e: {  	[tilespmem:$0x9DC0] =	vst v1  }
0x1f: {  	[tilespmem:$0x9DD0] =	vst v1  }
0x20: {  	[tilespmem:$0x9DE0] =	vst v1  }
0x21: {  	[tilespmem:$0x9DF0] =	vst v1  }
0x22: {  	[tilespmem:$0x9E00] =	vst v1  }
0x23: {  	[tilespmem:$0x9E10] =	vst v1  }
0x24: {  	[tilespmem:$0x9E20] =	vst v1  }
0x25: {  	[tilespmem:$0x9E30] =	vst v1  }
0x26: {  	[tilespmem:$0x9E40] =	vst v1  }
0x27: {  	[tilespmem:$0x9E50] =	vst v1  }
0x28: {  	[tilespmem:$0x9E60] =	vst v1  }
0x29: {  	[tilespmem:$0x9E70] =	vst v1  }
0x2a: {  	[tilespmem:$0x9E80] =	vst v1  }
0x2b: {  	[tilespmem:$0x9E90] =	vst v1  }
0x2c: {  	[tilespmem:$0x9EA0] =	vst v1  }
0x2d: {  	[tilespmem:$0x9EB0] =	vst v1  }
0x2e: {  	[tilespmem:$0x9EC0] =	vst v1  }
0x2f: {  	[tilespmem:$0x9ED0] =	vst v1  }
0x30: {  	[tilespmem:$0x9EE0] =	vst v1  }
0x31: {  	[tilespmem:$0x9EF0] =	vst v1  }
0x32: {  	[tilespmem:$0x9F00] =	vst v1  }
0x33: {  	[tilespmem:$0x9F10] =	vst v1  }
0x34: {  	[tilespmem:$0x9F20] =	vst v1  }
0x35: {  	[tilespmem:$0x9F30] =	vst v1  }
0x36: {  	[tilespmem:$0x9F40] =	vst v1  }
0x37: {  	[tilespmem:$0x9F50] =	vst v1  }
0x38: {  	[tilespmem:$0x9F60] =	vst v1  }
0x39: {  	[tilespmem:$0x9F70] =	vst v1  }
0x3a: {  	[tilespmem:$0x9F80] =	vst v1  }
0x3b: {  	[tilespmem:$0x9F90] =	vst v1  }
0x3c: {  	[tilespmem:$0x9FA0] =	vst v1  }
0x3d: {  	[tilespmem:$0x9FB0] =	vst v1  }
0x3e: {  	[tilespmem:$0x9FC0] =	vst v1  }
0x3f: {  	[tilespmem:$0x9FD0] =	vst v1  }
0x40: {  	[tilespmem:$0x9FE0] =	vst v1  }
0x41: {  	[tilespmem:$0x9FF0] =	vst v1  }
0x42: {  	[spmem:s7] =	stream.linear.scatter [tilespmem:s15], [sflag:$0x5], $0x280, $0x38;
	[tilespmem:$0xA680] =	vst v63  }
0x43: {  	_ =	swait.ge [sflag:s16], $0x280  }
0x44: {  	[sflag:s16] =	ssyncset.done $0x0  }
0x45: {  	[sflag:s16] =	ssyncadd.s32 $0xFFFFFD80  }
0x46: {  	[spmem:s8] =	stream.linear.scatter [tilespmem:s15], [sflag:$0x5], $0x280, $0x38;
	[tilespmem:$0xA680] =	vst v63  }
0x47: {  	_ =	swait.ge [sflag:s16], $0x280  }
0x48: {  	[sflag:s16] =	ssyncset.done $0x0  }
0x49: {  	[sflag:s16] =	ssyncadd.s32 $0xFFFFFD80  }
0x4a: {  	_ =	swait.ge [sflag:s17], $0x4E20  }
0x4b: {  	[sflag:s17] =	ssyncset.done $0x0  }
0x4c: {  	[sflag:s17] =	ssyncadd.s32 $0xFFFFB1E0  }
0x4d: {  	_ =	swait.ge [sflag:s18], $0x4E20  }
0x4e: {  	[sflag:s18] =	ssyncset.done $0x0  }
0x4f: {  	[sflag:s18] =	ssyncadd.s32 $0xFFFFB1E0  }
0x50: {  	[bflag:$0x0] =	sbarrier.arrive $0xFFFF  }
0x51: {  	[spmem:s2] =	stream.indirect.scatter.add.f32 [tilespmem:s20], [sflag:$0x3], $0x1, s4, s19, $0xb8;
	[tilespmem:$0xA680] =	vst v63  }
0x52: {  	_ = 	snop  }
0x53: {  	[spmem:s3] =	stream.indirect.scatter.add.f32 [tilespmem:s20], [sflag:$0x4], $0x1, s14, s19, $0xb8;
	[tilespmem:$0xA680] =	vst v63  }
0x54: {  	_ = 	snop  }
0x55: {  	[spmem:s2] =	stream.indirect.scatter.add.f32 [tilespmem:s20], [sflag:$0x3], $0x1, s19, s19, $0xb8;
	[tilespmem:$0xA680] =	vst v63  }
0x56: {  	_ = 	snop  }
0x57: {  	[spmem:s3] =	stream.indirect.scatter.add.f32 [tilespmem:s20], [sflag:$0x4], $0x1, s21, s19, $0xb8;
	[tilespmem:$0xA680] =	vst v63  }
0x58: {  	_ = 	snop  }
0x59: {  	[spmem:s2] =	stream.indirect.scatter.add.f32 [tilespmem:s20], [sflag:$0x3], $0x1, s22, s19, $0xb8;
	[tilespmem:$0xA680] =	vst v63  }
0x5a: {  	_ = 	snop  }
0x5b: {  	[spmem:s3] =	stream.indirect.scatter.add.f32 [tilespmem:s20], [sflag:$0x4], $0x1, s23, s19, $0xb8;
	[tilespmem:$0xA680] =	vst v63  }
0x5c: {  	_ = 	snop  }
0x5d: {  	[spmem:s2] =	stream.indirect.scatter.add.f32 [tilespmem:s20], [sflag:$0x3], $0x1, s24, s19, $0xb8;
	[tilespmem:$0xA680] =	vst v63  }
0x5e: {  	_ = 	snop  }
0x5f: {  	[spmem:s3] =	stream.indirect.scatter.add.f32 [tilespmem:s20], [sflag:$0x4], $0x1, s25, s19, $0xb8;
	[tilespmem:$0xA680] =	vst v63  }
0x60: {  	_ =	swait.ge [sflag:s26], $0x50  }
0x61: {  	[sflag:s26] =	ssyncset.done $0x0  }
0x62: {  	[sflag:s26] =	ssyncadd.s32 $0xFFFFFFB0  }
0x63: {  	_ =	swait.ge [sflag:s28], $0x50  }
0x64: {  	[sflag:s28] =	ssyncset.done $0x0  }
0x65: {  	s1 =	simm.s32 $0x140;
	[sflag:s28] =	ssyncadd.s32 $0xFFFFFFB0  }
0x66: {  	[spmem:s2] =	stream.indirect.scatter.add.f32 [tilespmem:s20], [sflag:$0x3], $0x1, s1, s19, $0xb8;
	[tilespmem:$0xA680] =	vst v63  }
0x67: {  	s31 =	simm.s32 $0x640;
	s1 =	simm.s32 $0x4FC0  }
.LBB2_2:
0x68: {  	[spmem:s3] =	stream.indirect.scatter.add.f32 [tilespmem:s20], [sflag:$0x4], $0x1, s1, s19, $0xb8;
	[tilespmem:$0xA680] =	vst v63  }
0x69: {  	s1 =	smov.u32 s31  }
0x6a: {  	p0 =	sne.s32 s31, $0x13740;
	s31 =	sadd.s32 $0x140, s31;
	_ =	swait.ge [sflag:s26], $0x50  }
0x6b: {  	[sflag:s26] =	ssyncset.done $0x0  }
0x6c: {  	[sflag:s26] =	ssyncadd.s32 $0xFFFFFFB0  }
.Ltmp0:
0x6d: {  	_ =	swait.ge [sflag:s28], $0x50;
	(pc) =	sbr.rel @p0 .LBB2_2-.Ltmp0, $4  }
0x6e: {  	[sflag:s28] =	ssyncset.done $0x0  }
0x6f: {  	s1 =	sshra.s32 s1, $0x2;
	[sflag:s28] =	ssyncadd.s32 $0xFFFFFFB0  }
0x70: {  	[spmem:s2] =	stream.indirect.scatter.add.f32 [tilespmem:s20], [sflag:$0x3], $0x1, s1, s19, $0xb8;
	[tilespmem:$0xA680] =	vst v63  }
0x71: {  	s1 =	sadd.s32 $0x4E80, s1  }
0x72: {  	[spmem:s3] =	stream.indirect.scatter.add.f32 [tilespmem:s20], [sflag:$0x4], $0x1, s1, s19, $0xb8;
	[tilespmem:$0xA680] =	vst v63  }
0x73: {  	_ =	swait.ge [sflag:s26], $0x50  }
0x74: {  	[sflag:s26] =	ssyncset.done $0x0  }
0x75: {  	[sflag:s26] =	ssyncadd.s32 $0xFFFFFFB0  }
0x76: {  	_ =	swait.ge [sflag:s28], $0x50  }
0x77: {  	[sflag:s28] =	ssyncset.done $0x0  }
0x78: {  	[sflag:s28] =	ssyncadd.s32 $0xFFFFFFB0  }
0x79: {  	_ =	swait.ge [sflag:s26], $0x50  }
0x7a: {  	[sflag:s26] =	ssyncset.done $0x0  }
0x7b: {  	[sflag:s26] =	ssyncadd.s32 $0xFFFFFFB0  }
0x7c: {  	_ =	swait.ge [sflag:s28], $0x50  }
0x7d: {  	[sflag:s28] =	ssyncset.done $0x0  }
0x7e: {  	[sflag:s28] =	ssyncadd.s32 $0xFFFFFFB0  }
0x7f: {  	_ =	swait.ge [sflag:s26], $0x50  }
0x80: {  	[sflag:s26] =	ssyncset.done $0x0  }
0x81: {  	[sflag:s26] =	ssyncadd.s32 $0xFFFFFFB0  }
0x82: {  	_ =	swait.ge [sflag:s28], $0x50  }
0x83: {  	[sflag:s28] =	ssyncset.done $0x0  }
0x84: {  	[sflag:s28] =	ssyncadd.s32 $0xFFFFFFB0  }
0x85: {  	_ =	swait.ge [sflag:s26], $0x50  }
0x86: {  	[sflag:s26] =	ssyncset.done $0x0  }
0x87: {  	[sflag:s26] =	ssyncadd.s32 $0xFFFFFFB0  }
0x88: {  	_ =	swait.ge [sflag:s28], $0x50  }
0x89: {  	[sflag:s28] =	ssyncset.done $0x0  }
0x8a: {  	[sflag:s28] =	ssyncadd.s32 $0xFFFFFFB0  }
0x8b: {  	[bflag:$0x0] =	sbarrier.arrive $0xFFFF  }
0x8c: {  	[tilespmem:s29], [sflag:$0x5] =	stream.linear.gather [spmem:s9], $0x140, $0x38;
	[tilespmem:$0xA680] =	vst v63  }
0x8d: {  	_ =	swait.ge [sflag:s16], $0x140  }
0x8e: {  	[sflag:s16] =	ssyncset.done $0x0  }
0x8f: {  	[sflag:s16] =	ssyncadd.s32 $0xFFFFFEC0  }
0x90: {  	v2 =	vld [tilespmem:$0xA000];
	_ =	sdelay $0x1  }
0x91: {  	v3 =	vld [tilespmem:$0xA010];
	_ =	sdelay $0x2  }
0x92: {  	v2 =	vmax.f32 v2, $1.000000000e+00  }
0x93: {  	v4 =	vshrl.u32 v2, $0x1;
	v2 =	vmul.f32 $5.000000000e-01, v2  }
0x94: {  	v3 =	vmax.f32 v3, $1.000000000e+00;
	v4 =	vsub.s32 $0x5F3759DF, v4  }
0x95: {  	v6 =	vshrl.u32 v3, $0x1;
	v3 =	vmul.f32 $5.000000000e-01, v3;
	v5 =	vmul.f32 v4, v2  }
0x96: {  	v6 =	vsub.s32 $0x5F3759DF, v6  }
0x97: {  	v7 =	vmul.f32 v6, v3;
	v5 =	vmul.f32 v4, v5;
	_ =	sdelay $0x1  }
0x98: {  	v25 =	vmul.f32 v6, v7;
	v5 =	vsub.f32 $1.500000000e+00, v5;
	_ =	sdelay $0x1  }
0x99: {  	v4 =	vmul.f32 v4, v5;
	v5 =	vsub.f32 $1.500000000e+00, v25  }
0x9a: {  	v8 =	vld [tilespmem:$0xA020]  }
0x9b: {  	v26 =	vmul.f32 v4, v2;
	v5 =	vmul.f32 v6, v5;
	_ =	sdelay $0x1  }
0x9c: {  	v7 =	vmul.f32 v26, v4;
	v28 =	vmul.f32 v5, v3  }
0x9d: {  	v9 =	vld [tilespmem:$0xA030]  }
0x9e: {  	v30 =	vmax.f32 v8, $1.000000000e+00;
	v27 =	vsub.f32 $1.500000000e+00, v7;
	v29 =	vmul.f32 v28, v5  }
0x9f: {  	v8 =	vshrl.u32 v30, $0x1;
	v7 =	vmul.f32 $5.000000000e-01, v30  }
0xa0: {  	v8 =	vsub.s32 $0x5F3759DF, v8;
	v4 =	vmul.f32 v27, v4;
	v6 =	vsub.f32 $1.500000000e+00, v29  }
0xa1: {  	v35 =	vld [tilespmem:$0xA040];
	v11 =	vmul.f32 v8, v7  }
0xa2: {  	v40 =	vld [tilespmem:$0xA050];
	v31 =	vmax.f32 v9, $1.000000000e+00;
	v10 =	vmul.f32 v4, v2;
	v5 =	vmul.f32 v6, v5  }
0xa3: {  	v33 =	vshrl.u32 v31, $0x1;
	v32 =	vmul.f32 v8, v11;
	v6 =	vmul.f32 $5.000000000e-01, v31  }
0xa4: {  	v11 =	vsub.s32 $0x5F3759DF, v33;
	v10 =	vmul.f32 v10, v4  }
0xa5: {  	v9 =	vsub.f32 $1.500000000e+00, v32;
	v13 =	vmul.f32 v11, v6  }
0xa6: {  	v39 =	vmax.f32 v35, $1.000000000e+00;
	v12 =	vmul.f32 v5, v3;
	v10 =	vsub.f32 $1.500000000e+00, v10  }
0xa7: {  	v8 =	vmul.f32 v8, v9;
	v36 =	vmul.f32 v11, v13;
	v13 =	vmax.f32 v40, $1.000000000e+00  }
0xa8: {  	v34 =	vmul.f32 v12, v5;
	v44 =	vshrl.u32 v13, $0x1;
	v13 =	vmul.f32 $5.000000000e-01, v13  }
0xa9: {  	v4 =	vmul.f32 v10, v4;
	v37 =	vmul.f32 v8, v7;
	v45 =	vsub.s32 $0x5F3759DF, v44  }
0xaa: {  	v12 =	vshrl.u32 v39, $0x1;
	v9 =	vsub.f32 $1.500000000e+00, v36;
	v47 =	vmul.f32 v45, v13  }
0xab: {  	v46 =	vld [tilespmem:$0xA060];
	v10 =	vsub.f32 $1.500000000e+00, v34;
	v2 =	vmul.f32 v4, v2;
	v38 =	vmul.f32 v37, v8  }
0xac: {  	v12 =	vsub.s32 $0x5F3759DF, v12;
	v9 =	vmul.f32 v11, v9;
	v11 =	vmul.f32 $5.000000000e-01, v39  }
0xad: {  	v5 =	vmul.f32 v10, v5;
	v2 =	vmul.f32 v2, v4;
	v10 =	vsub.f32 $1.500000000e+00, v38  }
0xae: {  	v14 =	vmul.f32 v9, v6;
	v15 =	vmul.f32 v12, v11  }
0xaf: {  	v3 =	vmul.f32 v5, v3;
	v2 =	vsub.f32 $1.500000000e+00, v2;
	v8 =	vmul.f32 v10, v8  }
0xb0: {  	v41 =	vmul.f32 v14, v9;
	v42 =	vmul.f32 v12, v15;
	v15 =	vmax.f32 v46, $1.000000000e+00  }
0xb1: {  	v3 =	vmul.f32 v3, v5;
	v17 =	vshrl.u32 v15, $0x1;
	v15 =	vmul.f32 $5.000000000e-01, v15  }
0xb2: {  	v51 =	vld [tilespmem:$0xA070];
	v43 =	vmul.f32 v8, v7;
	v10 =	vsub.f32 $1.500000000e+00, v41;
	v52 =	vsub.s32 $0x5F3759DF, v17  }
0xb3: {  	v2 =	vmul.f32 v2, v4;
	v4 =	vsub.f32 $1.500000000e+00, v42;
	v53 =	vmul.f32 v52, v15  }
0xb4: {  	v3 =	vsub.f32 $1.500000000e+00, v3;
	v14 =	vmul.f32 v43, v8;
	v9 =	vmul.f32 v10, v9  }
0xb5: {  	v4 =	vmul.f32 v12, v4;
	v12 =	vmul.f32 v45, v47  }
0xb6: {  	v3 =	vmul.f32 v3, v5;
	v48 =	vsub.f32 $1.500000000e+00, v14;
	v49 =	vmul.f32 v9, v6  }
0xb7: {  	v16 =	vmul.f32 v4, v11;
	v12 =	vsub.f32 $1.500000000e+00, v12;
	v14 =	vmax.f32 v51, $1.000000000e+00  }
0xb8: {  	v55 =	vshrl.u32 v14, $0x1;
	v14 =	vmul.f32 $5.000000000e-01, v14;
	v50 =	vmul.f32 v49, v9  }
0xb9: {  	v16 =	vmul.f32 v16, v4;
	v10 =	vmul.f32 v45, v12;
	v17 =	vsub.s32 $0x5F3759DF, v55  }
0xba: {  	v5 =	vmul.f32 v48, v8;
	v19 =	vmul.f32 v17, v14  }
0xbb: {  	v8 =	vsub.f32 $1.500000000e+00, v50;
	v16 =	vsub.f32 $1.500000000e+00, v16;
	v54 =	vmul.f32 v10, v13  }
0xbc: {  	v7 =	vmul.f32 v5, v7;
	v56 =	vmul.f32 v17, v19  }
0xbd: {  	v8 =	vmul.f32 v8, v9;
	v4 =	vmul.f32 v16, v4  }
0xbe: {  	v9 =	vmul.f32 v52, v53;
	v16 =	vmul.f32 v54, v10  }
0xbf: {  	v7 =	vmul.f32 v7, v5;
	v12 =	vsub.f32 $1.500000000e+00, v56;
	v18 =	vmul.f32 v4, v11  }
0xc0: {  	v9 =	vsub.f32 $1.500000000e+00, v9;
	v6 =	vmul.f32 v8, v6;
	v16 =	vsub.f32 $1.500000000e+00, v16  }
0xc1: {  	v12 =	vmul.f32 v17, v12;
	v18 =	vmul.f32 v18, v4  }
0xc2: {  	v59 =	vld [tilespmem:$0xA080];
	v9 =	vmul.f32 v52, v9;
	v10 =	vmul.f32 v16, v10  }
0xc3: {  	v6 =	vmul.f32 v6, v8;
	v62 =	vmul.f32 v12, v14;
	v18 =	vsub.f32 $1.500000000e+00, v18  }
0xc4: {  	v57 =	vmul.f32 v9, v15;
	v58 =	vmul.f32 v10, v13  }
0xc5: {  	v7 =	vsub.f32 $1.500000000e+00, v7;
	v24 =	vmul.f32 v62, v12;
	v18 =	vmul.f32 v18, v4  }
0xc6: {  	v23 =	vld [tilespmem:$0xA090];
	v6 =	vsub.f32 $1.500000000e+00, v6;
	v16 =	vmul.f32 v57, v9;
	v60 =	vmul.f32 v58, v10  }
0xc7: {  	v25 =	vmax.f32 v59, $1.000000000e+00;
	v4 =	vmul.f32 v7, v5;
	v11 =	vmul.f32 v18, v11  }
0xc8: {  	v5 =	vmul.f32 v6, v8;
	v61 =	vsub.f32 $1.500000000e+00, v16;
	v22 =	vsub.f32 $1.500000000e+00, v60  }
0xc9: {  	v16 =	vmul.f32 $5.000000000e-01, v25;
	v63 =	vmul.f32 v11, v18  }
0xca: {  	v26 =	vshrl.u32 v25, $0x1;
	v7 =	vmul.f32 v61, v9;
	v8 =	vmul.f32 v22, v10  }
0xcb: {  	v47 =	vld [tilespmem:$0xA0D0];
	v9 =	vsub.f32 $1.500000000e+00, v24;
	v10 =	vsub.s32 $0x5F3759DF, v26;
	v11 =	vmax.f32 v23, $1.000000000e+00  }
0xcc: {  	v22 =	vld [tilespmem:$0xA0A0];
	v28 =	vmul.f32 v10, v16;
	v30 =	vshrl.u32 v11, $0x1;
	v11 =	vmul.f32 $5.000000000e-01, v11  }
0xcd: {  	v45 =	vld [tilespmem:$0xA0C0];
	v27 =	vmul.f32 v7, v15;
	v13 =	vmul.f32 v8, v13  }
0xce: {  	v9 =	vmul.f32 v9, v12;
	v19 =	vsub.s32 $0x5F3759DF, v30;
	v29 =	vmul.f32 v10, v28  }
0xcf: {  	v21 =	vmul.f32 v19, v11;
	v17 =	vmul.f32 v27, v7  }
0xd0: {  	v6 =	vsub.f32 $1.500000000e+00, v63;
	v20 =	vmul.f32 v9, v14;
	v13 =	vmul.f32 v13, v8  }
0xd1: {  	v12 =	vsub.f32 $1.500000000e+00, v29;
	v31 =	vmul.f32 v19, v21;
	v35 =	vmax.f32 v22, $1.000000000e+00  }
0xd2: {  	v21 =	vmax.f32 v45, $1.000000000e+00;
	v22 =	vmax.f32 v47, $1.000000000e+00;
	v17 =	vsub.f32 $1.500000000e+00, v17  }
0xd3: {  	v20 =	vmul.f32 v20, v9;
	v13 =	vsub.f32 $1.500000000e+00, v13;
	v52 =	vshrl.u32 v21, $0x1  }
0xd4: {  	v21 =	vmul.f32 $5.000000000e-01, v21;
	v24 =	vshrl.u32 v22, $0x1;
	v22 =	vmul.f32 $5.000000000e-01, v22  }
0xd5: {  	v37 =	vld [tilespmem:$0xA0B0];
	v10 =	vmul.f32 v10, v12;
	v12 =	vsub.f32 $1.500000000e+00, v31;
	v17 =	vmul.f32 v17, v7  }
0xd6: {  	v24 =	vsub.s32 $0x5F3759DF, v24;
	v7 =	vmul.f32 v6, v18;
	v6 =	vmul.f32 v13, v8  }
0xd7: {  	v32 =	vsub.f32 $1.500000000e+00, v20;
	v25 =	vmul.f32 v24, v22;
	v33 =	vmul.f32 v10, v16  }
0xd8: {  	v36 =	vshrl.u32 v35, $0x1;
	v12 =	vmul.f32 v19, v12;
	v15 =	vmul.f32 v17, v15  }
0xd9: {  	v18 =	vsub.s32 $0x5F3759DF, v36;
	v9 =	vmul.f32 v32, v9;
	v8 =	vmul.f32 v33, v10  }
0xda: {  	v19 =	vmax.f32 v37, $1.000000000e+00;
	v34 =	vmul.f32 v15, v17;
	v15 =	vmul.f32 $5.000000000e-01, v35  }
0xdb: {  	v43 =	vshrl.u32 v19, $0x1;
	v38 =	vmul.f32 v12, v11;
	v14 =	vmul.f32 v9, v14  }
0xdc: {  	v19 =	vmul.f32 $5.000000000e-01, v19;
	v8 =	vsub.f32 $1.500000000e+00, v8;
	v39 =	vmul.f32 v18, v15  }
0xdd: {  	v20 =	vmul.f32 v38, v12;
	v14 =	vmul.f32 v14, v9  }
0xde: {  	v44 =	vsub.s32 $0x5F3759DF, v43;
	v10 =	vmul.f32 v8, v10;
	v41 =	vmul.f32 v18, v39  }
0xdf: {  	v46 =	vmul.f32 v44, v19;
	v13 =	vsub.f32 $1.500000000e+00, v34;
	v20 =	vsub.f32 $1.500000000e+00, v20  }
0xe0: {  	v40 =	vsub.f32 $1.500000000e+00, v14;
	v42 =	vmul.f32 v10, v16;
	v14 =	vsub.f32 $1.500000000e+00, v41  }
0xe1: {  	v8 =	vmul.f32 v13, v17;
	v12 =	vmul.f32 v20, v12  }
0xe2: {  	v17 =	vmul.f32 v42, v10;
	v14 =	vmul.f32 v18, v14  }
0xe3: {  	v49 =	vmul.f32 v12, v11;
	v18 =	vmul.f32 v44, v46  }
0xe4: {  	v54 =	vmul.f32 v24, v25;
	v48 =	vsub.f32 $1.500000000e+00, v17;
	v23 =	vmul.f32 v14, v15  }
0xe5: {  	v9 =	vmul.f32 v40, v9;
	v50 =	vmul.f32 v49, v12;
	v18 =	vsub.f32 $1.500000000e+00, v18  }
0xe6: {  	v10 =	vmul.f32 v48, v10;
	v51 =	vmul.f32 v23, v14  }
0xe7: {  	v13 =	vsub.f32 $1.500000000e+00, v50;
	v23 =	vsub.s32 $0x5F3759DF, v52;
	v18 =	vmul.f32 v44, v18  }
0xe8: {  	v53 =	vmul.f32 v23, v21;
	v16 =	vmul.f32 v10, v16;
	v17 =	vsub.f32 $1.500000000e+00, v51  }
0xe9: {  	v12 =	vmul.f32 v13, v12;
	v26 =	vmul.f32 v18, v19  }
0xea: {  	v59 =	vld [tilespmem:$0xA0E0];
	v20 =	vmul.f32 v23, v53;
	v14 =	vmul.f32 v17, v14  }
0xeb: {  	v11 =	vmul.f32 v12, v11;
	v55 =	vmul.f32 v26, v18;
	v17 =	vsub.f32 $1.500000000e+00, v54  }
0xec: {  	v16 =	vmul.f32 v16, v10;
	v20 =	vsub.f32 $1.500000000e+00, v20;
	v56 =	vmul.f32 v14, v15  }
0xed: {  	v63 =	vld [tilespmem:$0xA0F0];
	v11 =	vmul.f32 v11, v12;
	v13 =	vsub.f32 $1.500000000e+00, v55;
	v17 =	vmul.f32 v24, v17  }
0xee: {  	v16 =	vsub.f32 $1.500000000e+00, v16;
	v20 =	vmul.f32 v23, v20;
	v57 =	vmul.f32 v56, v14  }
0xef: {  	v30 =	vmax.f32 v59, $1.000000000e+00;
	v13 =	vmul.f32 v13, v18;
	v24 =	vmul.f32 v17, v22  }
0xf0: {  	v11 =	vsub.f32 $1.500000000e+00, v11;
	v10 =	vmul.f32 v16, v10;
	v58 =	vmul.f32 v20, v21  }
0xf1: {  	v23 =	vsub.f32 $1.500000000e+00, v57;
	v60 =	vmul.f32 v13, v19;
	v61 =	vmul.f32 v24, v17  }
0xf2: {  	v11 =	vmul.f32 v11, v12;
	v24 =	vmax.f32 v63, $1.000000000e+00;
	v18 =	vmul.f32 v58, v20  }
0xf3: {  	v14 =	vmul.f32 v23, v14;
	v62 =	vmul.f32 v60, v13;
	v29 =	vsub.f32 $1.500000000e+00, v61  }
0xf4: {  	v39 =	vld [tilespmem:$0xA110];
	v35 =	vshrl.u32 v24, $0x1;
	v24 =	vmul.f32 $5.000000000e-01, v24;
	v18 =	vsub.f32 $1.500000000e+00, v18  }
0xf5: {  	v28 =	vmul.f32 v14, v15;
	v16 =	vsub.f32 $1.500000000e+00, v62;
	v15 =	vmul.f32 v29, v17  }
0xf6: {  	v18 =	vmul.f32 v18, v20;
	v20 =	vmul.f32 $5.000000000e-01, v30  }
0xf7: {  	v31 =	vshrl.u32 v30, $0x1;
	v13 =	vmul.f32 v16, v13;
	v33 =	vmul.f32 v15, v22  }
0xf8: {  	v17 =	vsub.s32 $0x5F3759DF, v31;
	v12 =	vmul.f32 v28, v14;
	v32 =	vmul.f32 v18, v21  }
0xf9: {  	v49 =	vmax.f32 v39, $1.000000000e+00;
	v34 =	vmul.f32 v17, v20;
	v23 =	vmul.f32 v33, v15  }
0xfa: {  	v38 =	vld [tilespmem:$0xA100];
	v26 =	vsub.s32 $0x5F3759DF, v35;
	v19 =	vmul.f32 v13, v19;
	v16 =	vmul.f32 v32, v18  }
0xfb: {  	v27 =	vmul.f32 v26, v24;
	v12 =	vsub.f32 $1.500000000e+00, v12;
	v25 =	vmul.f32 v17, v34  }
0xfc: {  	v23 =	vsub.f32 $1.500000000e+00, v23;
	v19 =	vmul.f32 v19, v13;
	v16 =	vsub.f32 $1.500000000e+00, v16  }
0xfd: {  	v36 =	vmul.f32 v26, v27;
	v12 =	vmul.f32 v12, v14;
	v25 =	vsub.f32 $1.500000000e+00, v25  }
0xfe: {  	v15 =	vmul.f32 v23, v15;
	v19 =	vsub.f32 $1.500000000e+00, v19;
	v16 =	vmul.f32 v16, v18  }
0xff: {  	v46 =	vmax.f32 v38, $1.000000000e+00;
	v17 =	vmul.f32 v17, v25;
	v25 =	vmul.f32 $5.000000000e-01, v49  }
0x100: {  	v18 =	vsub.f32 $1.500000000e+00, v36;
	v22 =	vmul.f32 v15, v22;
	v13 =	vmul.f32 v19, v13  }
0x101: {  	v47 =	vld [tilespmem:$0xA130];
	v48 =	vshrl.u32 v46, $0x1;
	v19 =	vmul.f32 $5.000000000e-01, v46;
	v21 =	vmul.f32 v16, v21  }
0x102: {  	v45 =	vld [tilespmem:$0xA120];
	v50 =	vsub.s32 $0x5F3759DF, v48;
	v37 =	vmul.f32 v17, v20;
	v18 =	vmul.f32 v26, v18  }
0x103: {  	v26 =	vshrl.u32 v49, $0x1;
	v22 =	vmul.f32 v22, v15;
	v52 =	vmul.f32 v50, v19  }
0x104: {  	v51 =	vsub.s32 $0x5F3759DF, v26;
	v21 =	vmul.f32 v21, v16;
	v23 =	vmul.f32 v37, v17  }
0x105: {  	v41 =	vmul.f32 v18, v24;
	v53 =	vmul.f32 v51, v25;
	v42 =	vsub.f32 $1.500000000e+00, v22  }
0x106: {  	v22 =	vmax.f32 v47, $1.000000000e+00;
	v26 =	vmul.f32 v50, v52;
	v40 =	vsub.f32 $1.500000000e+00, v21  }
0x107: {  	v43 =	vsub.f32 $1.500000000e+00, v23;
	v44 =	vmul.f32 v41, v18;
	v21 =	vmax.f32 v45, $1.000000000e+00  }
0x108: {  	v29 =	vshrl.u32 v22, $0x1;
	v22 =	vmul.f32 $5.000000000e-01, v22;
	v27 =	vmul.f32 v51, v53  }
0x109: {  	v15 =	vmul.f32 v42, v15;
	v28 =	vshrl.u32 v21, $0x1;
	v21 =	vmul.f32 $5.000000000e-01, v21  }
0x10a: {  	v29 =	vsub.s32 $0x5F3759DF, v29;
	v14 =	vmul.f32 v40, v16;
	v16 =	vsub.f32 $1.500000000e+00, v44  }
0x10b: {  	v17 =	vmul.f32 v43, v17;
	v28 =	vsub.s32 $0x5F3759DF, v28;
	v31 =	vmul.f32 v29, v22  }
0x10c: {  	v26 =	vsub.f32 $1.500000000e+00, v26;
	v30 =	vmul.f32 v28, v21;
	v16 =	vmul.f32 v16, v18  }
0x10d: {  	v27 =	vsub.f32 $1.500000000e+00, v27;
	v32 =	vmul.f32 v17, v20;
	v31 =	vmul.f32 v29, v31  }
0x10e: {  	v18 =	vmul.f32 v50, v26;
	v30 =	vmul.f32 v28, v30  }
0x10f: {  	v23 =	vmul.f32 v51, v27;
	v33 =	vmul.f32 v16, v24;
	v56 =	vsub.f32 $1.500000000e+00, v31  }
0x110: {  	v32 =	vmul.f32 v32, v17;
	v57 =	vmul.f32 v18, v19;
	v54 =	vsub.f32 $1.500000000e+00, v30  }
0x111: {  	v58 =	vmul.f32 v23, v25;
	v27 =	vmul.f32 v29, v56  }
0x112: {  	v55 =	vmul.f32 v33, v16;
	v26 =	vmul.f32 v28, v54  }
0x113: {  	v28 =	vmul.f32 v58, v23;
	v61 =	vmul.f32 v27, v22  }
0x114: {  	v59 =	vmul.f32 v57, v18;
	v60 =	vmul.f32 v26, v21  }
0x115: {  	v32 =	vsub.f32 $1.500000000e+00, v32;
	v28 =	vsub.f32 $1.500000000e+00, v28;
	v33 =	vmul.f32 v61, v27  }
0x116: {  	v29 =	vsub.f32 $1.500000000e+00, v59;
	v30 =	vsub.f32 $1.500000000e+00, v55;
	v31 =	vmul.f32 v60, v26  }
0x117: {  	v17 =	vmul.f32 v32, v17;
	v23 =	vmul.f32 v28, v23;
	v63 =	vsub.f32 $1.500000000e+00, v33  }
0x118: {  	v18 =	vmul.f32 v29, v18;
	v16 =	vmul.f32 v30, v16;
	v62 =	vsub.f32 $1.500000000e+00, v31  }
0x119: {  	[tilespmem:$0xA010] =	vst v3;
	v3 =	vmul.f32 v23, v25;
	v27 =	vmul.f32 v63, v27  }
0x11a: {  	[tilespmem:$0xA000] =	vst v2;
	v2 =	vmul.f32 v18, v19;
	v26 =	vmul.f32 v62, v26  }
0x11b: {  	[tilespmem:$0xA020] =	vst v4;
	v3 =	vmul.f32 v3, v23;
	v33 =	vmul.f32 v27, v22  }
0x11c: {  	[tilespmem:$0xA030] =	vst v5;
	v2 =	vmul.f32 v2, v18;
	v32 =	vmul.f32 v26, v21  }
0x11d: {  	[tilespmem:$0xA040] =	vst v7;
	v34 =	vmul.f32 v17, v20;
	v3 =	vsub.f32 $1.500000000e+00, v3;
	v5 =	vmul.f32 v33, v27  }
0x11e: {  	[tilespmem:$0xA050] =	vst v6;
	v35 =	vmul.f32 v16, v24;
	v2 =	vsub.f32 $1.500000000e+00, v2;
	v4 =	vmul.f32 v32, v26  }
0x11f: {  	[tilespmem:$0xA060] =	vst v8;
	v7 =	vmul.f32 v34, v17;
	v3 =	vmul.f32 v3, v23;
	v5 =	vsub.f32 $1.500000000e+00, v5  }
0x120: {  	[tilespmem:$0xA070] =	vst v9;
	v6 =	vmul.f32 v35, v16;
	v2 =	vmul.f32 v2, v18;
	v4 =	vsub.f32 $1.500000000e+00, v4  }
0x121: {  	[tilespmem:$0xA080] =	vst v10;
	v37 =	vmul.f32 v3, v25;
	v5 =	vmul.f32 v5, v27  }
0x122: {  	[tilespmem:$0xA090] =	vst v11;
	v36 =	vmul.f32 v2, v19;
	v4 =	vmul.f32 v4, v26  }
0x123: {  	[tilespmem:$0xA0A0] =	vst v12;
	v7 =	vsub.f32 $1.500000000e+00, v7;
	v9 =	vmul.f32 v37, v3;
	v39 =	vmul.f32 v5, v22  }
0x124: {  	[tilespmem:$0xA0B0] =	vst v13;
	v6 =	vsub.f32 $1.500000000e+00, v6;
	v8 =	vmul.f32 v36, v2;
	v38 =	vmul.f32 v4, v21  }
0x125: {  	[tilespmem:$0xA0D0] =	vst v15;
	v7 =	vmul.f32 v7, v17;
	v9 =	vsub.f32 $1.500000000e+00, v9;
	v11 =	vmul.f32 v39, v5  }
0x126: {  	[tilespmem:$0xA0C0] =	vst v14;
	v6 =	vmul.f32 v6, v16;
	v8 =	vsub.f32 $1.500000000e+00, v8;
	v10 =	vmul.f32 v38, v4  }
0x127: {  	[tilespmem:$0xA0E0] =	vst v7;
	v3 =	vmul.f32 v9, v3;
	v41 =	vsub.f32 $1.500000000e+00, v11  }
0x128: {  	[tilespmem:$0xA0F0] =	vst v6;
	v2 =	vmul.f32 v8, v2;
	v40 =	vsub.f32 $1.500000000e+00, v10  }
0x129: {  	[tilespmem:$0xA110] =	vst v3;
	v3 =	vmul.f32 v41, v5  }
0x12a: {  	[tilespmem:$0xA100] =	vst v2;
	v2 =	vmul.f32 v40, v4  }
0x12b: {  	[tilespmem:$0xA130] =	vst v3  }
0x12c: {  	[tilespmem:$0xA120] =	vst v2  }
0x12d: {  	[hbm4b:s10+s4] =	stream.linear.scatter [tilespmem:s29], [sflag:$0x5], $0x140, $0x38;
	[tilespmem:$0xA680] =	vst v63  }
0x12e: {  	_ =	swait.ge [sflag:s16], $0x140  }
0x12f: {  	[sflag:s16] =	ssyncset.done $0x0  }
0x130: {  	[sflag:s16] =	ssyncadd.s32 $0xFFFFFEC0  }
0x131: {  	[tilespmem:s29], [sflag:$0x5] =	stream.linear.gather [spmem:s11], $0x140, $0x38;
	[tilespmem:$0xA680] =	vst v63  }
0x132: {  	_ =	swait.ge [sflag:s16], $0x140  }
0x133: {  	[sflag:s16] =	ssyncset.done $0x0  }
0x134: {  	[sflag:s16] =	ssyncadd.s32 $0xFFFFFEC0  }
0x135: {  	v2 =	vld [tilespmem:$0xA000];
	_ =	sdelay $0x1  }
0x136: {  	v3 =	vld [tilespmem:$0xA010];
	_ =	sdelay $0x2  }
0x137: {  	v2 =	vmax.f32 v2, $1.000000000e+00  }
0x138: {  	v42 =	vshrl.u32 v2, $0x1;
	v2 =	vmul.f32 $5.000000000e-01, v2  }
0x139: {  	v3 =	vmax.f32 v3, $1.000000000e+00;
	v4 =	vsub.s32 $0x5F3759DF, v42  }
0x13a: {  	v44 =	vshrl.u32 v3, $0x1;
	v3 =	vmul.f32 $5.000000000e-01, v3;
	v43 =	vmul.f32 v4, v2  }
0x13b: {  	v6 =	vsub.s32 $0x5F3759DF, v44  }
0x13c: {  	v45 =	vmul.f32 v6, v3;
	v5 =	vmul.f32 v4, v43  }
0x13d: {  	v47 =	vld [tilespmem:$0xA020]  }
0x13e: {  	v54 =	vld [tilespmem:$0xA030];
	v46 =	vmul.f32 v6, v45;
	v5 =	vsub.f32 $1.500000000e+00, v5;
	_ =	sdelay $0x1  }
0x13f: {  	v4 =	vmul.f32 v4, v5;
	v5 =	vsub.f32 $1.500000000e+00, v46;
	_ =	sdelay $0x1  }
0x140: {  	v7 =	vmax.f32 v47, $1.000000000e+00;
	v48 =	vmul.f32 v4, v2;
	v5 =	vmul.f32 v6, v5  }
0x141: {  	v10 =	vmax.f32 v54, $1.000000000e+00;
	v51 =	vshrl.u32 v7, $0x1;
	v7 =	vmul.f32 $5.000000000e-01, v7  }
0x142: {  	v53 =	vsub.s32 $0x5F3759DF, v51;
	v8 =	vmul.f32 v48, v4;
	v50 =	vmul.f32 v5, v3  }
0x143: {  	v59 =	vshrl.u32 v10, $0x1;
	v10 =	vmul.f32 $5.000000000e-01, v10;
	v9 =	vmul.f32 v53, v7  }
0x144: {  	v49 =	vsub.f32 $1.500000000e+00, v8;
	v52 =	vmul.f32 v50, v5;
	v8 =	vsub.s32 $0x5F3759DF, v59  }
0x145: {  	v18 =	vld [tilespmem:$0xA050];
	v9 =	vmul.f32 v53, v9;
	v62 =	vmul.f32 v8, v10  }
0x146: {  	v4 =	vmul.f32 v49, v4;
	v6 =	vsub.f32 $1.500000000e+00, v52  }
0x147: {  	v56 =	vsub.f32 $1.500000000e+00, v9;
	v12 =	vmul.f32 v8, v62  }
0x148: {  	v63 =	vld [tilespmem:$0xA040];
	v55 =	vmul.f32 v4, v2;
	v5 =	vmul.f32 v6, v5  }
0x149: {  	v6 =	vmul.f32 v53, v56;
	v15 =	vsub.f32 $1.500000000e+00, v12  }
0x14a: {  	v12 =	vmax.f32 v18, $1.000000000e+00;
	v11 =	vmul.f32 v55, v4;
	v58 =	vmul.f32 v5, v3  }
0x14b: {  	v61 =	vmul.f32 v6, v7;
	v24 =	vshrl.u32 v12, $0x1  }
0x14c: {  	v12 =	vmul.f32 $5.000000000e-01, v12;
	v57 =	vsub.f32 $1.500000000e+00, v11;
	v60 =	vmul.f32 v58, v5  }
0x14d: {  	v31 =	vld [tilespmem:$0xA070];
	v16 =	vmax.f32 v63, $1.000000000e+00;
	v8 =	vmul.f32 v8, v15;
	v11 =	vmul.f32 v61, v6  }
0x14e: {  	v26 =	vsub.s32 $0x5F3759DF, v24;
	v4 =	vmul.f32 v57, v4;
	v9 =	vsub.f32 $1.500000000e+00, v60  }
0x14f: {  	v28 =	vmul.f32 v26, v12;
	v20 =	vmul.f32 v8, v10;
	v14 =	vsub.f32 $1.500000000e+00, v11  }
0x150: {  	v17 =	vshrl.u32 v16, $0x1;
	v2 =	vmul.f32 v4, v2;
	v5 =	vmul.f32 v9, v5  }
0x151: {  	v11 =	vsub.s32 $0x5F3759DF, v17;
	v6 =	vmul.f32 v14, v6;
	v9 =	vmul.f32 $5.000000000e-01, v16  }
0x152: {  	v14 =	vmul.f32 v20, v8;
	v16 =	vmax.f32 v31, $1.000000000e+00;
	v2 =	vmul.f32 v2, v4  }
0x153: {  	v27 =	vld [tilespmem:$0xA060];
	v36 =	vshrl.u32 v16, $0x1;
	v3 =	vmul.f32 v5, v3;
	v19 =	vmul.f32 v6, v7  }
0x154: {  	v16 =	vmul.f32 $5.000000000e-01, v16;
	v21 =	vmul.f32 v11, v9;
	v2 =	vsub.f32 $1.500000000e+00, v2  }
0x155: {  	v23 =	vsub.f32 $1.500000000e+00, v14;
	v3 =	vmul.f32 v3, v5;
	v13 =	vmul.f32 v19, v6  }
0x156: {  	v17 =	vsub.s32 $0x5F3759DF, v36;
	v2 =	vmul.f32 v2, v4;
	v4 =	vmul.f32 v11, v21  }
0x157: {  	v38 =	vmul.f32 v17, v16;
	v25 =	vmul.f32 v23, v8;
	v3 =	vsub.f32 $1.500000000e+00, v3  }
0x158: {  	v22 =	vsub.f32 $1.500000000e+00, v13;
	v13 =	vmax.f32 v27, $1.000000000e+00;
	v4 =	vsub.f32 $1.500000000e+00, v4  }
0x159: {  	v29 =	vmul.f32 v25, v10;
	v32 =	vshrl.u32 v13, $0x1;
	v13 =	vmul.f32 $5.000000000e-01, v13  }
0x15a: {  	v4 =	vmul.f32 v11, v4;
	v11 =	vmul.f32 v26, v28  }
0x15b: {  	v3 =	vmul.f32 v3, v5;
	v14 =	vmul.f32 v29, v25  }
0x15c: {  	v33 =	vsub.s32 $0x5F3759DF, v32;
	v30 =	vmul.f32 v4, v9;
	v11 =	vsub.f32 $1.500000000e+00, v11  }
0x15d: {  	v5 =	vmul.f32 v22, v6;
	v34 =	vmul.f32 v33, v13;
	v14 =	vsub.f32 $1.500000000e+00, v14  }
0x15e: {  	v15 =	vmul.f32 v30, v4;
	v8 =	vmul.f32 v26, v11  }
0x15f: {  	v6 =	vmul.f32 v14, v25;
	v14 =	vmul.f32 v33, v34  }
0x160: {  	v41 =	vmul.f32 v17, v38;
	v15 =	vsub.f32 $1.500000000e+00, v15;
	v35 =	vmul.f32 v8, v12  }
0x161: {  	v40 =	vld [tilespmem:$0xA080];
	v7 =	vmul.f32 v5, v7;
	v14 =	vsub.f32 $1.500000000e+00, v14;
	v10 =	vmul.f32 v6, v10  }
0x162: {  	v15 =	vmul.f32 v15, v4;
	v4 =	vmul.f32 v35, v8  }
0x163: {  	v7 =	vmul.f32 v7, v5;
	v11 =	vmul.f32 v33, v14  }
0x164: {  	v44 =	vmul.f32 v10, v6;
	v14 =	vsub.f32 $1.500000000e+00, v41;
	v39 =	vsub.f32 $1.500000000e+00, v4  }
0x165: {  	v45 =	vmul.f32 v11, v13;
	v37 =	vmul.f32 v15, v9  }
0x166: {  	v47 =	vmax.f32 v40, $1.000000000e+00;
	v14 =	vmul.f32 v17, v14;
	v43 =	vmul.f32 v39, v8  }
0x167: {  	v7 =	vsub.f32 $1.500000000e+00, v7;
	v10 =	vmul.f32 v45, v11;
	v18 =	vmul.f32 v37, v15  }
0x168: {  	v17 =	vmul.f32 $5.000000000e-01, v47;
	v46 =	vmul.f32 v43, v12  }
0x169: {  	v4 =	vmul.f32 v7, v5;
	v10 =	vsub.f32 $1.500000000e+00, v10;
	v42 =	vsub.f32 $1.500000000e+00, v18  }
0x16a: {  	v51 =	vld [tilespmem:$0xA090];
	v48 =	vshrl.u32 v47, $0x1;
	v49 =	vmul.f32 v14, v16;
	v5 =	vmul.f32 v46, v43  }
0x16b: {  	v18 =	vsub.s32 $0x5F3759DF, v48;
	v10 =	vmul.f32 v10, v11;
	v15 =	vmul.f32 v42, v15  }
0x16c: {  	v52 =	vmul.f32 v49, v14;
	v50 =	vmul.f32 v18, v17;
	v5 =	vsub.f32 $1.500000000e+00, v5  }
0x16d: {  	v8 =	vsub.f32 $1.500000000e+00, v44;
	v54 =	vmul.f32 v10, v13;
	v9 =	vmul.f32 v15, v9  }
0x16e: {  	v27 =	vld [tilespmem:$0xA0A0];
	v55 =	vsub.f32 $1.500000000e+00, v52;
	v53 =	vmul.f32 v18, v50;
	v7 =	vmul.f32 v5, v43  }
0x16f: {  	v58 =	vmax.f32 v51, $1.000000000e+00;
	v5 =	vmul.f32 v8, v6;
	v9 =	vmul.f32 v9, v15  }
0x170: {  	v57 =	vsub.f32 $1.500000000e+00, v53;
	v6 =	vmul.f32 v54, v10;
	v8 =	vmul.f32 v55, v14  }
0x171: {  	v59 =	vshrl.u32 v58, $0x1;
	v14 =	vmul.f32 $5.000000000e-01, v58;
	v43 =	vld [tilespmem:$0xA0D0];
	v56 =	vmul.f32 v7, v12  }
0x172: {  	v12 =	vmul.f32 v18, v57;
	v6 =	vsub.f32 $1.500000000e+00, v6;
	v18 =	vsub.s32 $0x5F3759DF, v59  }
0x173: {  	v37 =	vmax.f32 v27, $1.000000000e+00;
	v60 =	vmul.f32 v8, v16;
	v62 =	vmul.f32 v18, v14  }
0x174: {  	v9 =	vsub.f32 $1.500000000e+00, v9;
	v61 =	vmul.f32 v12, v17;
	v10 =	vmul.f32 v6, v10  }
0x175: {  	v38 =	vshrl.u32 v37, $0x1;
	v63 =	vmul.f32 v60, v8;
	v11 =	vmul.f32 v56, v7  }
0x176: {  	v6 =	vmul.f32 v9, v15;
	v25 =	vmul.f32 v18, v62;
	v49 =	vmax.f32 v43, $1.000000000e+00  }
0x177: {  	v41 =	vld [tilespmem:$0xA0C0];
	v24 =	vmul.f32 v61, v12;
	v13 =	vmul.f32 v10, v13;
	v26 =	vsub.f32 $1.500000000e+00, v63  }
0x178: {  	v11 =	vsub.f32 $1.500000000e+00, v11;
	v23 =	vshrl.u32 v49, $0x1;
	v22 =	vmul.f32 $5.000000000e-01, v49  }
0x179: {  	v34 =	vld [tilespmem:$0xA0B0];
	v29 =	vsub.f32 $1.500000000e+00, v25;
	v23 =	vsub.s32 $0x5F3759DF, v23;
	v13 =	vmul.f32 v13, v10  }
0x17a: {  	v28 =	vsub.f32 $1.500000000e+00, v24;
	v30 =	vmul.f32 v26, v8;
	v7 =	vmul.f32 v11, v7  }
0x17b: {  	v20 =	vsub.s32 $0x5F3759DF, v38;
	v52 =	vmul.f32 v23, v22;
	v31 =	vmul.f32 v18, v29  }
0x17c: {  	v48 =	vmax.f32 v41, $1.000000000e+00;
	v18 =	vmul.f32 $5.000000000e-01, v37;
	v9 =	vmul.f32 v28, v12  }
0x17d: {  	v32 =	vsub.f32 $1.500000000e+00, v13;
	v33 =	vmul.f32 v30, v16;
	v36 =	vmul.f32 v31, v14  }
0x17e: {  	v13 =	vmax.f32 v34, $1.000000000e+00;
	v40 =	vmul.f32 v20, v18;
	v35 =	vmul.f32 v9, v17  }
0x17f: {  	v42 =	vshrl.u32 v13, $0x1;
	v13 =	vmul.f32 $5.000000000e-01, v13;
	v11 =	vmul.f32 v33, v30  }
0x180: {  	v44 =	vsub.s32 $0x5F3759DF, v42;
	v16 =	vmul.f32 v36, v31;
	v15 =	vmul.f32 v35, v9  }
0x181: {  	v46 =	vmul.f32 v44, v13;
	v39 =	vsub.f32 $1.500000000e+00, v11;
	v11 =	vmul.f32 v20, v40  }
0x182: {  	v53 =	vmul.f32 v23, v52;
	v16 =	vsub.f32 $1.500000000e+00, v16;
	v15 =	vsub.f32 $1.500000000e+00, v15  }
0x183: {  	v8 =	vmul.f32 v32, v10;
	v45 =	vsub.f32 $1.500000000e+00, v11;
	v11 =	vmul.f32 v44, v46  }
0x184: {  	v21 =	vshrl.u32 v48, $0x1;
	v12 =	vmul.f32 v16, v31;
	v15 =	vmul.f32 v15, v9  }
0x185: {  	v16 =	vsub.f32 $1.500000000e+00, v53;
	v9 =	vmul.f32 v39, v30;
	v10 =	vmul.f32 v20, v45  }
0x186: {  	v21 =	vsub.s32 $0x5F3759DF, v21;
	v20 =	vmul.f32 $5.000000000e-01, v48;
	v47 =	vmul.f32 v12, v14  }
0x187: {  	v11 =	vsub.f32 $1.500000000e+00, v11;
	v16 =	vmul.f32 v23, v16;
	v17 =	vmul.f32 v15, v17  }
0x188: {  	v50 =	vmul.f32 v10, v18;
	v51 =	vmul.f32 v21, v20  }
0x189: {  	v11 =	vmul.f32 v44, v11;
	v19 =	vmul.f32 v47, v12  }
0x18a: {  	v58 =	vmul.f32 v16, v22;
	v47 =	vld [tilespmem:$0xA130];
	v24 =	vmul.f32 v50, v10  }
0x18b: {  	v25 =	vmul.f32 v21, v51;
	v54 =	vmul.f32 v11, v13  }
0x18c: {  	v17 =	vmul.f32 v17, v15;
	v19 =	vsub.f32 $1.500000000e+00, v19;
	v24 =	vsub.f32 $1.500000000e+00, v24  }
0x18d: {  	v60 =	vmul.f32 v58, v16;
	v25 =	vsub.f32 $1.500000000e+00, v25;
	v55 =	vmul.f32 v54, v11  }
0x18e: {  	v12 =	vmul.f32 v19, v12;
	v24 =	vmul.f32 v24, v10  }
0x18f: {  	v32 =	vld [tilespmem:$0xA0F0];
	v21 =	vmul.f32 v21, v25;
	v10 =	vsub.f32 $1.500000000e+00, v55;
	v26 =	vmax.f32 v47, $1.000000000e+00  }
0x190: {  	v14 =	vmul.f32 v12, v14;
	v52 =	vshrl.u32 v26, $0x1;
	v26 =	vmul.f32 $5.000000000e-01, v26  }
0x191: {  	v56 =	vmul.f32 v24, v18;
	v57 =	vmul.f32 v21, v20  }
0x192: {  	v37 =	vld [tilespmem:$0xA100];
	v59 =	vmul.f32 v10, v11;
	v11 =	vsub.f32 $1.500000000e+00, v60;
	v14 =	vmul.f32 v14, v12  }
0x193: {  	v17 =	vsub.f32 $1.500000000e+00, v17;
	v25 =	vld [tilespmem:$0xA0E0];
	v19 =	vmul.f32 v56, v24;
	v23 =	vmul.f32 v57, v21  }
0x194: {  	v36 =	vmax.f32 v32, $1.000000000e+00;
	v63 =	vmul.f32 v59, v13;
	v16 =	vmul.f32 v11, v16  }
0x195: {  	v10 =	vmul.f32 v17, v15;
	v14 =	vsub.f32 $1.500000000e+00, v14;
	v61 =	vsub.f32 $1.500000000e+00, v19  }
0x196: {  	v39 =	vld [tilespmem:$0xA110];
	v62 =	vsub.f32 $1.500000000e+00, v23;
	v19 =	vmul.f32 v63, v59;
	v29 =	vmul.f32 v16, v22  }
0x197: {  	v44 =	vmax.f32 v37, $1.000000000e+00;
	v11 =	vmul.f32 v14, v12;
	v15 =	vmul.f32 v61, v24  }
0x198: {  	v17 =	vmul.f32 v62, v21;
	v28 =	vsub.f32 $1.500000000e+00, v19;
	v21 =	vmax.f32 v25, $1.000000000e+00  }
0x199: {  	v14 =	vmul.f32 v29, v16;
	v24 =	vshrl.u32 v36, $0x1;
	v31 =	vshrl.u32 v21, $0x1  }
0x19a: {  	v21 =	vmul.f32 $5.000000000e-01, v21;
	v38 =	vsub.s32 $0x5F3759DF, v24;
	v18 =	vmul.f32 v15, v18  }
0x19b: {  	v24 =	vmax.f32 v39, $1.000000000e+00;
	v27 =	vmul.f32 v17, v20;
	v12 =	vmul.f32 v28, v59  }
0x19c: {  	v45 =	vld [tilespmem:$0xA120];
	v14 =	vsub.f32 $1.500000000e+00, v14;
	v49 =	vshrl.u32 v24, $0x1;
	v24 =	vmul.f32 $5.000000000e-01, v24  }
0x19d: {  	v23 =	vsub.s32 $0x5F3759DF, v31;
	v18 =	vmul.f32 v18, v15;
	v30 =	vmul.f32 v27, v17  }
0x19e: {  	v50 =	vsub.s32 $0x5F3759DF, v49;
	v13 =	vmul.f32 v12, v13;
	v14 =	vmul.f32 v14, v16  }
0x19f: {  	v33 =	vmul.f32 v23, v21;
	v28 =	vmul.f32 v50, v24;
	v19 =	vsub.f32 $1.500000000e+00, v30  }
0x1a0: {  	v18 =	vsub.f32 $1.500000000e+00, v18;
	v13 =	vmul.f32 v13, v12;
	v35 =	vmul.f32 v14, v22  }
0x1a1: {  	v22 =	vmax.f32 v45, $1.000000000e+00;
	v28 =	vmul.f32 v50, v28;
	v30 =	vsub.s32 $0x5F3759DF, v52  }
0x1a2: {  	v51 =	vshrl.u32 v22, $0x1;
	v22 =	vmul.f32 $5.000000000e-01, v22;
	v55 =	vmul.f32 v30, v26  }
0x1a3: {  	v46 =	vshrl.u32 v44, $0x1;
	v17 =	vmul.f32 v19, v17;
	v19 =	vmul.f32 v23, v33  }
0x1a4: {  	v15 =	vmul.f32 v18, v15;
	v18 =	vmul.f32 v35, v14;
	v29 =	vsub.s32 $0x5F3759DF, v51  }
0x1a5: {  	v13 =	vsub.f32 $1.500000000e+00, v13;
	v53 =	vmul.f32 v29, v22;
	v57 =	vmul.f32 v30, v55  }
0x1a6: {  	v34 =	vmul.f32 v17, v20;
	v19 =	vsub.f32 $1.500000000e+00, v19;
	v20 =	vmul.f32 $5.000000000e-01, v36  }
0x1a7: {  	v12 =	vmul.f32 v13, v12;
	v40 =	vsub.f32 $1.500000000e+00, v18;
	v18 =	vmul.f32 $5.000000000e-01, v44  }
0x1a8: {  	v25 =	vsub.s32 $0x5F3759DF, v46;
	v31 =	vmul.f32 v29, v53;
	v16 =	vmul.f32 v34, v17  }
0x1a9: {  	v28 =	vsub.f32 $1.500000000e+00, v28;
	v19 =	vmul.f32 v23, v19;
	v41 =	vmul.f32 v38, v20  }
0x1aa: {  	v13 =	vmul.f32 v40, v14;
	v48 =	vmul.f32 v25, v18  }
0x1ab: {  	v23 =	vmul.f32 v50, v28;
	v43 =	vmul.f32 v38, v41  }
0x1ac: {  	v59 =	vsub.f32 $1.500000000e+00, v31;
	v16 =	vsub.f32 $1.500000000e+00, v16;
	v42 =	vmul.f32 v19, v21  }
0x1ad: {  	v27 =	vmul.f32 v25, v48;
	v62 =	vmul.f32 v23, v24;
	v14 =	vsub.f32 $1.500000000e+00, v43  }
0x1ae: {  	v16 =	vmul.f32 v16, v17;
	v17 =	vmul.f32 v42, v19  }
0x1af: {  	v28 =	vmul.f32 v29, v59;
	v14 =	vmul.f32 v38, v14  }
0x1b0: {  	v54 =	vsub.f32 $1.500000000e+00, v27;
	v37 =	vmul.f32 v62, v23;
	v17 =	vsub.f32 $1.500000000e+00, v17  }
0x1b1: {  	v38 =	vmul.f32 v28, v22;
	v56 =	vmul.f32 v14, v20  }
0x1b2: {  	v17 =	vmul.f32 v17, v19;
	v19 =	vmul.f32 v25, v54;
	v25 =	vsub.f32 $1.500000000e+00, v57  }
0x1b3: {  	v32 =	vmul.f32 v38, v28;
	v60 =	vmul.f32 v56, v14  }
0x1b4: {  	v61 =	vmul.f32 v19, v18;
	v25 =	vmul.f32 v30, v25  }
0x1b5: {  	v58 =	vmul.f32 v17, v21;
	v30 =	vsub.f32 $1.500000000e+00, v37;
	v41 =	vsub.f32 $1.500000000e+00, v32  }
0x1b6: {  	v63 =	vsub.f32 $1.500000000e+00, v60;
	v36 =	vmul.f32 v61, v19;
	v39 =	vmul.f32 v25, v26  }
0x1b7: {  	v23 =	vmul.f32 v30, v23;
	v27 =	vmul.f32 v58, v17  }
0x1b8: {  	v28 =	vmul.f32 v41, v28;
	v14 =	vmul.f32 v63, v14;
	v31 =	vsub.f32 $1.500000000e+00, v36  }
0x1b9: {  	v29 =	vmul.f32 v39, v25;
	v44 =	vmul.f32 v23, v24  }
0x1ba: {  	v45 =	vmul.f32 v28, v22;
	v47 =	vsub.f32 $1.500000000e+00, v27;
	v19 =	vmul.f32 v31, v19  }
0x1bb: {  	[tilespmem:$0xA010] =	vst v3;
	v40 =	vmul.f32 v14, v20;
	v29 =	vsub.f32 $1.500000000e+00, v29;
	v3 =	vmul.f32 v44, v23  }
0x1bc: {  	v30 =	vmul.f32 v45, v28;
	v43 =	vmul.f32 v19, v18  }
0x1bd: {  	[tilespmem:$0xA020] =	vst v4;
	v4 =	vmul.f32 v47, v17;
	v25 =	vmul.f32 v29, v25  }
0x1be: {  	[tilespmem:$0xA000] =	vst v2;
	v42 =	vmul.f32 v40, v14;
	v3 =	vsub.f32 $1.500000000e+00, v3;
	v2 =	vmul.f32 v43, v19  }
0x1bf: {  	[tilespmem:$0xA030] =	vst v5;
	v51 =	vsub.f32 $1.500000000e+00, v30;
	v53 =	vmul.f32 v4, v21;
	v46 =	vmul.f32 v25, v26  }
0x1c0: {  	[tilespmem:$0xA040] =	vst v6;
	v48 =	vsub.f32 $1.500000000e+00, v42;
	v3 =	vmul.f32 v3, v23;
	v2 =	vsub.f32 $1.500000000e+00, v2  }
0x1c1: {  	[tilespmem:$0xA050] =	vst v7;
	v52 =	vmul.f32 v51, v28;
	v49 =	vmul.f32 v46, v25  }
0x1c2: {  	[tilespmem:$0xA060] =	vst v8;
	v50 =	vmul.f32 v48, v14;
	v2 =	vmul.f32 v2, v19  }
0x1c3: {  	[tilespmem:$0xA070] =	vst v9;
	v8 =	vmul.f32 v53, v4;
	v56 =	vmul.f32 v3, v24;
	v5 =	vsub.f32 $1.500000000e+00, v49  }
0x1c4: {  	[tilespmem:$0xA080] =	vst v10;
	v54 =	vmul.f32 v50, v20;
	v55 =	vmul.f32 v2, v18  }
0x1c5: {  	[tilespmem:$0xA090] =	vst v11;
	v11 =	vmul.f32 v56, v3;
	v5 =	vmul.f32 v5, v25  }
0x1c6: {  	[tilespmem:$0xA0A0] =	vst v15;
	v8 =	vsub.f32 $1.500000000e+00, v8;
	v14 =	vmul.f32 v52, v22;
	v10 =	vmul.f32 v55, v2  }
0x1c7: {  	[tilespmem:$0xA0B0] =	vst v12;
	v9 =	vmul.f32 v54, v50;
	v60 =	vsub.f32 $1.500000000e+00, v11;
	v57 =	vmul.f32 v5, v26  }
0x1c8: {  	[tilespmem:$0xA0D0] =	vst v13;
	v4 =	vmul.f32 v8, v4;
	v59 =	vmul.f32 v14, v52;
	v58 =	vsub.f32 $1.500000000e+00, v10  }
0x1c9: {  	[tilespmem:$0xA0C0] =	vst v16;
	v9 =	vsub.f32 $1.500000000e+00, v9;
	v3 =	vmul.f32 v60, v3;
	v61 =	vmul.f32 v57, v5  }
0x1ca: {  	[tilespmem:$0xA0E0] =	vst v4;
	v62 =	vsub.f32 $1.500000000e+00, v59;
	v2 =	vmul.f32 v58, v2  }
0x1cb: {  	v6 =	vmul.f32 v9, v50;
	[tilespmem:$0xA110] =	vst v3;
	v63 =	vsub.f32 $1.500000000e+00, v61  }
0x1cc: {  	[tilespmem:$0xA100] =	vst v2;
	v2 =	vmul.f32 v62, v52  }
0x1cd: {  	s30 =	sadd.s32 $0x1, s30;
	[tilespmem:$0xA0F0] =	vst v6;
	v3 =	vmul.f32 v63, v5  }
0x1ce: {  	p0 =	sne.s32 s30, s13;
	[tilespmem:$0xA120] =	vst v2  }
.Ltmp1:
0x1cf: {  	[tilespmem:$0xA130] =	vst v3;
	(pc) =	sbr.rel @p0 .LBB2_1-.Ltmp1, $4  }
0x1d0: {  	[hbm4b:s12+s4] =	stream.linear.scatter [tilespmem:s29], [sflag:$0x5], $0x140, $0x38;
	[tilespmem:$0xA680] =	vst v63  }
0x1d1: {  	_ =	swait.ge [sflag:s16], $0x140  }
0x1d2: {  	[sflag:s16] =	ssyncset.done $0x0  }
0x1d3: {  	[sflag:s16] =	ssyncadd.s32 $0xFFFFFEC0  }
0x1d4: {  	_ =	sfence.sel $0x180000  }
0x1d5: {  	[bflag:$0x0] =	sbarrier.arrive $0xFFFF  }
0x1d6: {  	_ =	strace $0x90000047  }
0x1d7: {  	[bflag:$0x2] =	sbarrier.arrive $0xFFFF  }
0x1d8: {  	p0 =	sne.s32 s0, $0x0;
	s0 =	rddreg [dreg:$0x4]  }
0x1d9: {  	s0 =	sadd.s32 @!p0 $0x100000, s0  }
0x1da: {  	[sflag:s0] =	ssyncadd.tile.s32 @!p0 $0x1;
	_ =	shalt  }
.Lfunc_end2:
_tile_overlayer_lowered:
.L_overlay_start_2:
0x1db: {  	(tag) =	ssettag $0x2  }
0x1dc: {  	s0 =	rddreg [dreg:$0x0];
	s2 =	stileid.u32  }
0x1dd: {  	s1 =	rddreg [dreg:$0x1];
	p0 =	sne.s32 s2, $0x0  }
0x1de: {  	s3 =	rddreg [dreg:$0x2];
	[bflag:$0x3] =	sbarrier.arrive $0xFFFF;
	s2 =	simm.s32 @!p0 $0x1C05  }
0x1df: {  	[timem:s3], [sflag:s2] =	dma.local @!p0 [hbm:s0], s1  }
0x1e0: {  	s0 =	simm.s32 @!p0 $0x5  }
0x1e1: {  	_ =	swait.ge @!p0 [sflag:s0], s1  }
0x1e2: {  	s1 =	ssub.s32 @!p0 $0x0, s1;
	[sflag:s0] =	ssyncset.done @!p0 $0x0  }
0x1e3: {  	[sflag:s0] =	ssyncadd.s32 @!p0 s1  }
0x1e4: {  	[bflag:$0x3] =	sbarrier.arrive $0xFFFF  }
0x1e5: {  	_ =	shalt  }

</sc_bundles>
